<compile_context>
chip_gen: v7x
topology: tpu7x:2x2x1
jax: 0.10.2.dev20260603
libtpu: 0.0.44.dev20260713+nightly
codegen_flags: <defaults>
</compile_context>

<pallas_src>
import functools

import jax
import jax.numpy as jnp
from jax import lax
from jax.experimental import pallas as pl
from jax.experimental.pallas import tpu as pltpu
from jax.experimental.pallas import tpu_sc as plsc

N = 10000
E = 320000
D = 128
NC = 2
NS = 16
NW = NC * NS

NP = 10240
ROWS_A = NP // NW
CA = 80


def _emb_body(f0_hbm, f1_hbm, kemb_hbm, vemb_hbm, h_hbm,
              idx_v, rows_k, rows_v, sem):
    cid = lax.axis_index("c")
    sid = lax.axis_index("s")
    wid = sid * NC + cid
    base = wid * ROWS_A
    for c in range(ROWS_A // CA):
        off = base + c * CA
        pltpu.sync_copy(f0_hbm.at[pl.ds(off, CA)], idx_v)
        pltpu.async_copy(kemb_hbm.at[idx_v], rows_k, sem).wait()
        pltpu.sync_copy(f1_hbm.at[pl.ds(off, CA)], idx_v)
        pltpu.async_copy(vemb_hbm.at[idx_v], rows_v, sem).wait()

        def row_body(i, carry):
            for k in range(D // 16):
                s = pl.ds(k * 16, 16)
                rows_k[i, s] = jnp.maximum(rows_k[i, s] + rows_v[i, s], 0.0)
            return carry

        lax.fori_loop(0, CA, row_body, 0)
        pltpu.sync_copy(rows_k, h_hbm.at[pl.ds(off, CA)])


EW = E // NW
CB = 80
NA = 10240
RPT = NA // NS

ZR = 80


NCH = EW // CB


def _edge_body(src_hbm, dst_hbm, fs_hbm, attn_hbm,
               num_hbm,
               idx_s, idx_d, idx_den, rows_s, rows_d, attn_v,
               sem_i, sem_g, sem_d,
               num_s):
    cid = lax.axis_index("c")
    sid = lax.axis_index("s")
    wid = sid * NC + cid
    lanes = lax.iota(jnp.int32, 16)
    zeros16 = jnp.zeros((16,), jnp.float32)

    def iota_fill(base):
        for j in range(ZR // 16):
            idx_s[0, pl.ds(j * 16, 16)] = lanes + (base + j * 16)

    def zb_body(i, carry):
        for k in range(D // 16):
            rows_s[0, i, pl.ds(k * 16, 16)] = zeros16
        return carry

    lax.fori_loop(0, ZR, zb_body, 0)
    for i in range(RPT // ZR):
        iota_fill(sid * RPT + i * ZR)
        pltpu.sync_copy(rows_s.at[0], num_s.at[idx_s.at[0]])

    pltpu.sync_copy(attn_hbm, attn_v)
    plsc.subcore_barrier()

    def idx_start(c, slot):
        off = wid * EW + c * CB
        pltpu.make_async_copy(src_hbm.at[pl.ds(off, CB)], idx_s.at[slot],
                              sem_i.at[slot]).start()
        pltpu.make_async_copy(dst_hbm.at[pl.ds(off, CB)], idx_d.at[slot],
                              sem_i.at[slot]).start()

    def idx_wait(slot):
        pltpu.make_async_copy(src_hbm.at[pl.ds(0, CB)], idx_s.at[slot],
                              sem_i.at[slot]).wait()
        pltpu.make_async_copy(dst_hbm.at[pl.ds(0, CB)], idx_d.at[slot],
                              sem_i.at[slot]).wait()

    def gathers_start(b, slot):
        pltpu.make_async_copy(fs_hbm.at[idx_s.at[slot]], rows_s.at[b],
                              sem_g.at[b]).start()
        pltpu.make_async_copy(fs_hbm.at[idx_d.at[slot]], rows_d.at[b],
                              sem_g.at[b]).start()

    def gathers_wait(b, slot):
        pltpu.make_async_copy(fs_hbm.at[idx_s.at[slot]], rows_s.at[b],
                              sem_g.at[b]).wait()
        pltpu.make_async_copy(fs_hbm.at[idx_d.at[slot]], rows_d.at[b],
                              sem_g.at[b]).wait()

    idx_start(0, 0)
    idx_start(1, 1)

    @pl.when(0 < NCH)
    def _():
        idx_wait(0)
        gathers_start(0, 0)

    def chunk_body(c, carry):
        b = lax.rem(c, 2)
        slot = lax.rem(c, 3)

        @pl.when(c + 1 < NCH)
        def _():
            idx_wait(lax.rem(c + 1, 3))
            gathers_start(lax.rem(c + 1, 2), lax.rem(c + 1, 3))

        @pl.when(c + 2 < NCH)
        def _():
            idx_start(c + 2, lax.rem(c + 2, 3))

        gathers_wait(b, slot)

        def edge_body(e, carry2):
            acc = zeros16
            sv = []
            for k in range(D // 16):
                sl = pl.ds(k * 16, 16)
                u = rows_s[b, e, sl] + rows_d[b, e, sl]
                sv.append(rows_s[b, e, sl])
                lr = jnp.maximum(u, 0.0) + 0.2 * jnp.minimum(u, 0.0)
                acc = acc + lr * attn_v[sl]
            for sh in (1, 2, 4, 8):
                acc = acc + jnp.take(acc, (lanes + sh) & 15)
            exb = jnp.exp(acc)
            for k in range(D // 16):
                rows_s[b, e, pl.ds(k * 16, 16)] = exb * sv[k]
            g16 = lax.mul(lax.div(e, 16), 16)
            d16 = idx_d[slot, pl.ds(g16, 16)]
            pos = jnp.take(lax.rem(d16, D), lanes * 0 + lax.rem(e, 16))
            for k in range(D // 16):
                rows_d[b, e, pl.ds(k * 16, 16)] = jnp.where(
                    lanes + (k * 16) == pos, exb, zeros16)
            return carry2

        lax.fori_loop(0, CB, edge_body, 0)
        for g in range(CB // 16):
            d16 = idx_d[slot, pl.ds(g * 16, 16)]
            idx_den[b, pl.ds(g * 16, 16)] = N + lax.div(d16, D)
        pltpu.sync_copy(rows_s.at[b], num_s.at[idx_d.at[slot]], add=True)
        pltpu.sync_copy(rows_d.at[b], num_s.at[idx_den.at[b]], add=True)
        return carry

    lax.fori_loop(0, NCH, chunk_body, 0)
    plsc.subcore_barrier()

    for i in range(RPT // ZR):
        r = sid * RPT + i * ZR
        iota_fill(r)
        pltpu.make_async_copy(num_s.at[idx_s.at[0]], rows_s.at[0],
                              sem_d).start()
        pltpu.make_async_copy(num_s.at[idx_s.at[0]], rows_s.at[0],
                              sem_d).wait()
        pltpu.sync_copy(rows_s.at[0], num_hbm.at[cid, pl.ds(r, ZR)])


BM = 1024


def _m1_body(h_ref, w_ref, o_ref):
    o_ref[...] = jnp.dot(h_ref[...], w_ref[...],
                         preferred_element_type=jnp.float32)


BM2 = 1024


def _m2_body(num_ref, den_ref, wc_ref, o_ref):
    nb = num_ref[0] + num_ref[1]
    pid = pl.program_id(0)
    db = (den_ref[0, pl.ds(pid * BM2, BM2)]
          + den_ref[1, pl.ds(pid * BM2, BM2)])
    scaled = nb * (1.0 / (db + 1e-9))[:, None]
    o_ref[...] = jnp.dot(scaled, wc_ref[...],
                         preferred_element_type=jnp.float32)


def kernel(feats, edge_index, key_emb, val_emb, W, attn, Wc):
    feats = feats.astype(jnp.int32)
    edge_index = edge_index.astype(jnp.int32)
    f0 = jnp.concatenate([feats[:, 0], jnp.zeros((NP - N,), jnp.int32)])
    f1 = jnp.concatenate([feats[:, 1], jnp.zeros((NP - N,), jnp.int32)])
    src = edge_index[0]
    dst = edge_index[1]

    mesh = plsc.VectorSubcoreMesh(core_axis_name="c", subcore_axis_name="s",
                                  num_cores=NC, num_subcores=NS)

    h_pad = pl.kernel(
        _emb_body,
        out_type=jax.ShapeDtypeStruct((NP, D), jnp.float32),
        mesh=mesh,
        scratch_types=[
            pltpu.VMEM((CA,), jnp.int32),
            pltpu.VMEM((CA, D), jnp.float32),
            pltpu.VMEM((CA, D), jnp.float32),
            pltpu.SemaphoreType.DMA,
        ],
    )(f0, f1, key_emb, val_emb)

    fs_pad = pl.pallas_call(
        _m1_body,
        grid=(NP // BM,),
        in_specs=[
            pl.BlockSpec((BM, D), lambda i: (i, 0)),
            pl.BlockSpec((D, D), lambda i: (0, 0)),
        ],
        out_specs=pl.BlockSpec((BM, D), lambda i: (i, 0)),
        out_shape=jax.ShapeDtypeStruct((NP, D), jnp.float32),
    )(h_pad, W)

    num_hbm = pl.kernel(
        _edge_body,
        out_type=jax.ShapeDtypeStruct((NC, NA, D), jnp.float32),
        mesh=mesh,
        scratch_types=[
            pltpu.VMEM((3, CB), jnp.int32),
            pltpu.VMEM((3, CB), jnp.int32),
            pltpu.VMEM((2, CB), jnp.int32),
            pltpu.VMEM((2, CB, D), jnp.float32),
            pltpu.VMEM((2, CB, D), jnp.float32),
            pltpu.VMEM((D,), jnp.float32),
            pltpu.SemaphoreType.DMA((3,)),
            pltpu.SemaphoreType.DMA((2,)),
            pltpu.SemaphoreType.DMA,
            pltpu.VMEM_SHARED((NA, D), jnp.float32),
        ],
    )(src, dst, fs_pad, attn.reshape(D))
    den_hbm = num_hbm[:, N:N + 80, :].reshape(NC, 80 * D)

    out = pl.pallas_call(
        _m2_body,
        grid=(NA // BM2,),
        in_specs=[
            pl.BlockSpec((NC, BM2, D), lambda i: (0, i, 0)),
            pl.BlockSpec((NC, 80 * D), lambda i: (0, 0)),
            pl.BlockSpec((D, D), lambda i: (0, 0)),
        ],
        out_specs=pl.BlockSpec((BM2, D), lambda i: (i, 0)),
        out_shape=jax.ShapeDtypeStruct((NA, D), jnp.float32),
    )(num_hbm, den_hbm, Wc)

    return out[:N]

# --- scband reference (transcript-rebuilt; emitter-appended) ---
"""Pipeline reference for scband-gatmodel-30434138259920 (READ-ONLY COPY).

The authoritative reference and input builder live on the scoring server;
editing this copy changes nothing except your own understanding.
"""

import jax, jax.numpy as jnp
import numpy as np

N = 10000
E = 320000
D = 128
V = 100001  # input_dim + 1
OUT = 128
H = 1

def setup_inputs(seed: int = 0) -> dict:
    key = jax.random.key(seed)
    ks = jax.random.split(key, 8)
    feats = jax.random.randint(ks[0], (N, 2), 0, V)
    edge_index = jax.random.randint(ks[1], (2, E), 0, N)
    key_emb = jax.random.normal(ks[2], (V, D), dtype=jnp.float32) * 0.02
    val_emb = jax.random.normal(ks[3], (V, D), dtype=jnp.float32) * 0.02
    W = jax.random.normal(ks[4], (D, H * D), dtype=jnp.float32) * 0.02
    attn = jax.random.normal(ks[5], (H, D), dtype=jnp.float32) * 0.02
    Wc = jax.random.normal(ks[6], (D, OUT), dtype=jnp.float32) * 0.02
    return {"feats": feats, "edge_index": edge_index, "key_emb": key_emb,
            "val_emb": val_emb, "W": W, "attn": attn, "Wc": Wc}

def reference(feats, edge_index, key_emb, val_emb, W, attn, Wc):
    # embedding lookup + relu
    h = jax.nn.relu(jnp.take(key_emb, feats[:, 0], axis=0) + jnp.take(val_emb, feats[:, 1], axis=0))
    # GATv2Conv with share_weights=True, bias=False, num_heads=H
    fs = (h @ W).reshape(N, H, D)  # shared src/dst projection
    src = edge_index[0]
    dst = edge_index[1]
    e = jax.nn.leaky_relu(fs[src] + fs[dst], negative_slope=0.2)  # [E, H, D]
    logits = (e * attn[None, :, :]).sum(axis=-1)  # [E, H]
    # edge softmax over incoming edges per dst node
    m = jax.ops.segment_max(logits, dst, num_segments=N)
    m = jnp.where(jnp.isfinite(m), m, 0.0)
    ex = jnp.exp(logits - m[dst])
    denom = jax.ops.segment_sum(ex, dst, num_segments=N)
    alpha = ex / (denom[dst] + 1e-9)
    out = jax.ops.segment_sum(fs[src] * alpha[:, :, None], dst, num_segments=N)  # [N, H, D]
    out = out.mean(axis=1)  # mean over heads
    # dropout p=0 -> identity
    return out @ Wc

if __name__ == "__main__":
    import jax
    _d = setup_inputs()
    print(jax.jit(kernel)(*tuple(_d.values())))

</pallas_src>

<mosaic_0001>
#map = affine_map<(d0, d1) -> (0)>
#map1 = affine_map<(d0, d1) -> (0, 0)>
#map2 = affine_map<(d0, d1) -> (0, 0, 0)>
module attributes {stable_mosaic.version = 14 : i64} {
  func.func @_edge_body(%arg0: i32, %arg1: i32, %arg2: memref<320000xi32, #tpu.memory_space<hbm>>, %arg3: memref<320000xi32, #tpu.memory_space<hbm>>, %arg4: memref<10240x128xf32, #tpu.memory_space<hbm>>, %arg5: memref<128xf32, #tpu.memory_space<hbm>>, %arg6: memref<2x10240x128xf32, #tpu.memory_space<hbm>>, %arg7: memref<3x80xi32, #tpu.memory_space<vmem>>, %arg8: memref<3x80xi32, #tpu.memory_space<vmem>>, %arg9: memref<2x80xi32, #tpu.memory_space<vmem>>, %arg10: memref<2x80x128xf32, #tpu.memory_space<vmem>>, %arg11: memref<2x80x128xf32, #tpu.memory_space<vmem>>, %arg12: memref<128xf32, #tpu.memory_space<vmem>>, %arg13: memref<3x!tpu.dma_semaphore, #tpu.memory_space<semaphore_mem>>, %arg14: memref<2x!tpu.dma_semaphore, #tpu.memory_space<semaphore_mem>>, %arg15: memref<!tpu.dma_semaphore, #tpu.memory_space<semaphore_mem>>, %arg16: memref<10240x128xf32, #tpu.memory_space<vmem_shared>>) attributes {dimension_semantics = [#tpu.dimension_semantics<core_parallel>, #tpu.dimension_semantics<subcore_parallel>], iteration_bounds = array<i64: 2, 16>, scalar_prefetch = 0 : i64, scratch_operands = 10 : i64, tpu.core_type = #tpu.core_type<sc_vector_subcore>, window_params = [{transform_indices = #map}, {transform_indices = #map}, {transform_indices = #map1}, {transform_indices = #map}, {transform_indices = #map2}]} {
    %mul3A = arith.constant 2 : i32
    %mul3A_0 = arith.muli %arg1, %mul3A : i32
    %add3A = arith.addi %mul3A_0, %arg0 : i32
    %iota3A = tpu.iota {dimensions = array<i32: 0>} : vector<16xi32>
    %broadcast_in_dim3A = arith.constant 0.000000e+00 : f32
    %broadcast_in_dim3A_1 = vector.broadcast %broadcast_in_dim3A : f32 to vector<16xf32>
    %scan3A = arith.constant 0 : i32
    %scan3A_2 = arith.constant 0 : i32
    %scan3A_3 = arith.constant 80 : i32
    %scan3A_4 = arith.addi %scan3A_2, %scan3A_3 : i32
    %scan3A_5 = arith.constant 1 : i32
    scf.for %scan3A_1204 = %scan3A_2 to %scan3A_4 step %scan3A_5  : i32 {
      %swap3A_1205 = arith.constant 0 : i32
      %swap3A_1206 = arith.index_cast %swap3A_1205 : i32 to index
      %swap3A_1207 = arith.index_cast %scan3A_1204 : i32 to index
      %swap3A_1208 = arith.constant 0 : index
      %swap3A_1209 = tpu.vector_load %arg10[%swap3A_1206, %swap3A_1207, %swap3A_1208] {strides = array<i32>} : memref<2x80x128xf32, #tpu.memory_space<vmem>>, vector<1x1x16xf32>,
      %swap3A_1210 = vector.shape_cast %swap3A_1209 : vector<1x1x16xf32> to vector<16xf32>
      %swap3A_1211 = vector.shape_cast %broadcast_in_dim3A_1 : vector<16xf32> to vector<1x1x16xf32>
      tpu.vector_store %arg10[%swap3A_1206, %swap3A_1207, %swap3A_1208], %swap3A_1211 {strides = array<i32>} : memref<2x80x128xf32, #tpu.memory_space<vmem>>, vector<1x1x16xf32>,
      %swap3A_1212 = arith.constant 0 : i32
      %swap3A_1213 = arith.index_cast %swap3A_1212 : i32 to index
      %swap3A_1214 = arith.index_cast %scan3A_1204 : i32 to index
      %swap3A_1215 = arith.constant 16 : index
      %swap3A_1216 = tpu.vector_load %arg10[%swap3A_1213, %swap3A_1214, %swap3A_1215] {strides = array<i32>} : memref<2x80x128xf32, #tpu.memory_space<vmem>>, vector<1x1x16xf32>,
      %swap3A_1217 = vector.shape_cast %swap3A_1216 : vector<1x1x16xf32> to vector<16xf32>
      %swap3A_1218 = vector.shape_cast %broadcast_in_dim3A_1 : vector<16xf32> to vector<1x1x16xf32>
      tpu.vector_store %arg10[%swap3A_1213, %swap3A_1214, %swap3A_1215], %swap3A_1218 {strides = array<i32>} : memref<2x80x128xf32, #tpu.memory_space<vmem>>, vector<1x1x16xf32>,
      %swap3A_1219 = arith.constant 0 : i32
      %swap3A_1220 = arith.index_cast %swap3A_1219 : i32 to index
      %swap3A_1221 = arith.index_cast %scan3A_1204 : i32 to index
      %swap3A_1222 = arith.constant 32 : index
      %swap3A_1223 = tpu.vector_load %arg10[%swap3A_1220, %swap3A_1221, %swap3A_1222] {strides = array<i32>} : memref<2x80x128xf32, #tpu.memory_space<vmem>>, vector<1x1x16xf32>,
      %swap3A_1224 = vector.shape_cast %swap3A_1223 : vector<1x1x16xf32> to vector<16xf32>
      %swap3A_1225 = vector.shape_cast %broadcast_in_dim3A_1 : vector<16xf32> to vector<1x1x16xf32>
      tpu.vector_store %arg10[%swap3A_1220, %swap3A_1221, %swap3A_1222], %swap3A_1225 {strides = array<i32>} : memref<2x80x128xf32, #tpu.memory_space<vmem>>, vector<1x1x16xf32>,
      %swap3A_1226 = arith.constant 0 : i32
      %swap3A_1227 = arith.index_cast %swap3A_1226 : i32 to index
      %swap3A_1228 = arith.index_cast %scan3A_1204 : i32 to index
      %swap3A_1229 = arith.constant 48 : index
      %swap3A_1230 = tpu.vector_load %arg10[%swap3A_1227, %swap3A_1228, %swap3A_1229] {strides = array<i32>} : memref<2x80x128xf32, #tpu.memory_space<vmem>>, vector<1x1x16xf32>,
      %swap3A_1231 = vector.shape_cast %swap3A_1230 : vector<1x1x16xf32> to vector<16xf32>
      %swap3A_1232 = vector.shape_cast %broadcast_in_dim3A_1 : vector<16xf32> to vector<1x1x16xf32>
      tpu.vector_store %arg10[%swap3A_1227, %swap3A_1228, %swap3A_1229], %swap3A_1232 {strides = array<i32>} : memref<2x80x128xf32, #tpu.memory_space<vmem>>, vector<1x1x16xf32>,
      %swap3A_1233 = arith.constant 0 : i32
      %swap3A_1234 = arith.index_cast %swap3A_1233 : i32 to index
      %swap3A_1235 = arith.index_cast %scan3A_1204 : i32 to index
      %swap3A_1236 = arith.constant 64 : index
      %swap3A_1237 = tpu.vector_load %arg10[%swap3A_1234, %swap3A_1235, %swap3A_1236] {strides = array<i32>} : memref<2x80x128xf32, #tpu.memory_space<vmem>>, vector<1x1x16xf32>,
      %swap3A_1238 = vector.shape_cast %swap3A_1237 : vector<1x1x16xf32> to vector<16xf32>
      %swap3A_1239 = vector.shape_cast %broadcast_in_dim3A_1 : vector<16xf32> to vector<1x1x16xf32>
      tpu.vector_store %arg10[%swap3A_1234, %swap3A_1235, %swap3A_1236], %swap3A_1239 {strides = array<i32>} : memref<2x80x128xf32, #tpu.memory_space<vmem>>, vector<1x1x16xf32>,
      %swap3A_1240 = arith.constant 0 : i32
      %swap3A_1241 = arith.index_cast %swap3A_1240 : i32 to index
      %swap3A_1242 = arith.index_cast %scan3A_1204 : i32 to index
      %swap3A_1243 = arith.constant 80 : index
      %swap3A_1244 = tpu.vector_load %arg10[%swap3A_1241, %swap3A_1242, %swap3A_1243] {strides = array<i32>} : memref<2x80x128xf32, #tpu.memory_space<vmem>>, vector<1x1x16xf32>,
      %swap3A_1245 = vector.shape_cast %swap3A_1244 : vector<1x1x16xf32> to vector<16xf32>
      %swap3A_1246 = vector.shape_cast %broadcast_in_dim3A_1 : vector<16xf32> to vector<1x1x16xf32>
      tpu.vector_store %arg10[%swap3A_1241, %swap3A_1242, %swap3A_1243], %swap3A_1246 {strides = array<i32>} : memref<2x80x128xf32, #tpu.memory_space<vmem>>, vector<1x1x16xf32>,
      %swap3A_1247 = arith.constant 0 : i32
      %swap3A_1248 = arith.index_cast %swap3A_1247 : i32 to index
      %swap3A_1249 = arith.index_cast %scan3A_1204 : i32 to index
      %swap3A_1250 = arith.constant 96 : index
      %swap3A_1251 = tpu.vector_load %arg10[%swap3A_1248, %swap3A_1249, %swap3A_1250] {strides = array<i32>} : memref<2x80x128xf32, #tpu.memory_space<vmem>>, vector<1x1x16xf32>,
      %swap3A_1252 = vector.shape_cast %swap3A_1251 : vector<1x1x16xf32> to vector<16xf32>
      %swap3A_1253 = vector.shape_cast %broadcast_in_dim3A_1 : vector<16xf32> to vector<1x1x16xf32>
      tpu.vector_store %arg10[%swap3A_1248, %swap3A_1249, %swap3A_1250], %swap3A_1253 {strides = array<i32>} : memref<2x80x128xf32, #tpu.memory_space<vmem>>, vector<1x1x16xf32>,
      %swap3A_1254 = arith.constant 0 : i32
      %swap3A_1255 = arith.index_cast %swap3A_1254 : i32 to index
      %swap3A_1256 = arith.index_cast %scan3A_1204 : i32 to index
      %swap3A_1257 = arith.constant 112 : index
      %swap3A_1258 = tpu.vector_load %arg10[%swap3A_1255, %swap3A_1256, %swap3A_1257] {strides = array<i32>} : memref<2x80x128xf32, #tpu.memory_space<vmem>>, vector<1x1x16xf32>,
      %swap3A_1259 = vector.shape_cast %swap3A_1258 : vector<1x1x16xf32> to vector<16xf32>
      %swap3A_1260 = vector.shape_cast %broadcast_in_dim3A_1 : vector<16xf32> to vector<1x1x16xf32>
      tpu.vector_store %arg10[%swap3A_1255, %swap3A_1256, %swap3A_1257], %swap3A_1260 {strides = array<i32>} : memref<2x80x128xf32, #tpu.memory_space<vmem>>, vector<1x1x16xf32>,
    }
    %scan3A_6 = arith.constant 80 : i32
    %mul3A_7 = arith.constant 640 : i32
    %mul3A_8 = arith.muli %arg1, %mul3A_7 : i32
    %add3A_9 = arith.constant 0 : i32
    %add3A_10 = arith.addi %mul3A_8, %add3A_9 : i32
    %add3A_11 = arith.constant 0 : i32
    %add3A_12 = arith.addi %add3A_10, %add3A_11 : i32
    %add3A_13 = vector.broadcast %add3A_12 : i32 to vector<16xi32>
    %add3A_14 = arith.addi %iota3A, %add3A_13 : vector<16xi32>
    %swap3A = arith.constant 0 : i32
    %swap3A_15 = arith.index_cast %swap3A : i32 to index
    %swap3A_16 = arith.constant 0 : index
    %swap3A_17 = tpu.vector_load %arg7[%swap3A_15, %swap3A_16] {strides = array<i32>} : memref<3x80xi32, #tpu.memory_space<vmem>>, vector<1x16xi32>,
    %swap3A_18 = vector.shape_cast %swap3A_17 : vector<1x16xi32> to vector<16xi32>
    %swap3A_19 = vector.shape_cast %add3A_14 : vector<16xi32> to vector<1x16xi32>
    tpu.vector_store %arg7[%swap3A_15, %swap3A_16], %swap3A_19 {strides = array<i32>} : memref<3x80xi32, #tpu.memory_space<vmem>>, vector<1x16xi32>,
    %add3A_20 = arith.constant 16 : i32
    %add3A_21 = arith.addi %add3A_10, %add3A_20 : i32
    %add3A_22 = vector.broadcast %add3A_21 : i32 to vector<16xi32>
    %add3A_23 = arith.addi %iota3A, %add3A_22 : vector<16xi32>
    %swap3A_24 = arith.constant 0 : i32
    %swap3A_25 = arith.index_cast %swap3A_24 : i32 to index
    %swap3A_26 = arith.constant 16 : index
    %swap3A_27 = tpu.vector_load %arg7[%swap3A_25, %swap3A_26] {strides = array<i32>} : memref<3x80xi32, #tpu.memory_space<vmem>>, vector<1x16xi32>,
    %swap3A_28 = vector.shape_cast %swap3A_27 : vector<1x16xi32> to vector<16xi32>
    %swap3A_29 = vector.shape_cast %add3A_23 : vector<16xi32> to vector<1x16xi32>
    tpu.vector_store %arg7[%swap3A_25, %swap3A_26], %swap3A_29 {strides = array<i32>} : memref<3x80xi32, #tpu.memory_space<vmem>>, vector<1x16xi32>,
    %add3A_30 = arith.constant 32 : i32
    %add3A_31 = arith.addi %add3A_10, %add3A_30 : i32
    %add3A_32 = vector.broadcast %add3A_31 : i32 to vector<16xi32>
    %add3A_33 = arith.addi %iota3A, %add3A_32 : vector<16xi32>
    %swap3A_34 = arith.constant 0 : i32
    %swap3A_35 = arith.index_cast %swap3A_34 : i32 to index
    %swap3A_36 = arith.constant 32 : index
    %swap3A_37 = tpu.vector_load %arg7[%swap3A_35, %swap3A_36] {strides = array<i32>} : memref<3x80xi32, #tpu.memory_space<vmem>>, vector<1x16xi32>,
    %swap3A_38 = vector.shape_cast %swap3A_37 : vector<1x16xi32> to vector<16xi32>
    %swap3A_39 = vector.shape_cast %add3A_33 : vector<16xi32> to vector<1x16xi32>
    tpu.vector_store %arg7[%swap3A_35, %swap3A_36], %swap3A_39 {strides = array<i32>} : memref<3x80xi32, #tpu.memory_space<vmem>>, vector<1x16xi32>,
    %add3A_40 = arith.constant 48 : i32
    %add3A_41 = arith.addi %add3A_10, %add3A_40 : i32
    %add3A_42 = vector.broadcast %add3A_41 : i32 to vector<16xi32>
    %add3A_43 = arith.addi %iota3A, %add3A_42 : vector<16xi32>
    %swap3A_44 = arith.constant 0 : i32
    %swap3A_45 = arith.index_cast %swap3A_44 : i32 to index
    %swap3A_46 = arith.constant 48 : index
    %swap3A_47 = tpu.vector_load %arg7[%swap3A_45, %swap3A_46] {strides = array<i32>} : memref<3x80xi32, #tpu.memory_space<vmem>>, vector<1x16xi32>,
    %swap3A_48 = vector.shape_cast %swap3A_47 : vector<1x16xi32> to vector<16xi32>
    %swap3A_49 = vector.shape_cast %add3A_43 : vector<16xi32> to vector<1x16xi32>
    tpu.vector_store %arg7[%swap3A_45, %swap3A_46], %swap3A_49 {strides = array<i32>} : memref<3x80xi32, #tpu.memory_space<vmem>>, vector<1x16xi32>,
    %add3A_50 = arith.constant 64 : i32
    %add3A_51 = arith.addi %add3A_10, %add3A_50 : i32
    %add3A_52 = vector.broadcast %add3A_51 : i32 to vector<16xi32>
    %add3A_53 = arith.addi %iota3A, %add3A_52 : vector<16xi32>
    %swap3A_54 = arith.constant 0 : i32
    %swap3A_55 = arith.index_cast %swap3A_54 : i32 to index
    %swap3A_56 = arith.constant 64 : index
    %swap3A_57 = tpu.vector_load %arg7[%swap3A_55, %swap3A_56] {strides = array<i32>} : memref<3x80xi32, #tpu.memory_space<vmem>>, vector<1x16xi32>,
    %swap3A_58 = vector.shape_cast %swap3A_57 : vector<1x16xi32> to vector<16xi32>
    %swap3A_59 = vector.shape_cast %add3A_53 : vector<16xi32> to vector<1x16xi32>
    tpu.vector_store %arg7[%swap3A_55, %swap3A_56], %swap3A_59 {strides = array<i32>} : memref<3x80xi32, #tpu.memory_space<vmem>>, vector<1x16xi32>,
    %run_scoped3A = arith.constant 0 : i32
    %run_scoped3A_60 = arith.constant 0 : i32
    "tpu.region"() ({
      %run_scoped3A_1204 = tpu.sem_alloc : memref<!tpu.dma_semaphore, #tpu.memory_space<semaphore_mem>>
      %dma_start3A_1205 = arith.constant 0 : i32
      %dma_start3A_1206 = arith.constant 0 : i32
      %dma_start3A_1207 = tpu.memref_slice %arg10[%run_scoped3A, %dma_start3A_1205, %dma_start3A_1206] : memref<2x80x128xf32, #tpu.memory_space<vmem>> -> memref<1x80x128xf32, #tpu.memory_space<vmem>>
      %dma_start3A_1208 = tpu.memref_squeeze %dma_start3A_1207 : memref<1x80x128xf32, #tpu.memory_space<vmem>> -> memref<80x128xf32, #tpu.memory_space<vmem>>
      %dma_start3A_1209 = arith.constant 0 : i32
      %dma_start3A_1210 = tpu.memref_slice %arg7[%run_scoped3A_60, %dma_start3A_1209] : memref<3x80xi32, #tpu.memory_space<vmem>> -> memref<1x80xi32, #tpu.memory_space<vmem>>
      %dma_start3A_1211 = tpu.memref_squeeze %dma_start3A_1210 : memref<1x80xi32, #tpu.memory_space<vmem>> -> memref<80xi32, #tpu.memory_space<vmem>>
      %dma_start3A_1212 = arith.constant 0 : i32
      %dma_start3A_1213 = arith.constant 0 : i32
      %dma_start3A_1214 = tpu.memref_slice %arg16[%dma_start3A_1212, %dma_start3A_1213] : memref<10240x128xf32, #tpu.memory_space<vmem_shared>> -> memref<10240x128xf32, #tpu.memory_space<vmem_shared>>
      tpu.enqueue_indirect_dma source(%dma_start3A_1208 : memref<80x128xf32, #tpu.memory_space<vmem>>) target(%dma_start3A_1214 : memref<10240x128xf32, #tpu.memory_space<vmem_shared>>) offsets(%dma_start3A_1211 : memref<80xi32, #tpu.memory_space<vmem>>) semaphore(%run_scoped3A_1204 : memref<!tpu.dma_semaphore, #tpu.memory_space<semaphore_mem>>)
      %dma_wait3A_1215 = arith.constant 0 : i32
      %dma_wait3A_1216 = arith.constant 0 : i32
      %dma_wait3A_1217 = tpu.memref_slice %arg10[%run_scoped3A, %dma_wait3A_1215, %dma_wait3A_1216] : memref<2x80x128xf32, #tpu.memory_space<vmem>> -> memref<1x80x128xf32, #tpu.memory_space<vmem>>
      %dma_wait3A_1218 = tpu.memref_squeeze %dma_wait3A_1217 : memref<1x80x128xf32, #tpu.memory_space<vmem>> -> memref<80x128xf32, #tpu.memory_space<vmem>>
      %dma_wait3A_1219 = arith.constant 0 : i32
      %dma_wait3A_1220 = tpu.memref_slice %arg7[%run_scoped3A_60, %dma_wait3A_1219] : memref<3x80xi32, #tpu.memory_space<vmem>> -> memref<1x80xi32, #tpu.memory_space<vmem>>
      %dma_wait3A_1221 = tpu.memref_squeeze %dma_wait3A_1220 : memref<1x80xi32, #tpu.memory_space<vmem>> -> memref<80xi32, #tpu.memory_space<vmem>>
      %dma_wait3A_1222 = arith.constant 0 : i32
      %dma_wait3A_1223 = arith.constant 0 : i32
      %dma_wait3A_1224 = tpu.memref_slice %arg16[%dma_wait3A_1222, %dma_wait3A_1223] : memref<10240x128xf32, #tpu.memory_space<vmem_shared>> -> memref<10240x128xf32, #tpu.memory_space<vmem_shared>>
      tpu.wait_indirect_dma semaphore(%run_scoped3A_1204 : memref<!tpu.dma_semaphore, #tpu.memory_space<semaphore_mem>>) src(%dma_wait3A_1218 : memref<80x128xf32, #tpu.memory_space<vmem>>) dst(%dma_wait3A_1224 : memref<10240x128xf32, #tpu.memory_space<vmem_shared>>)
      tpu.yield
    }) : () -> ()
    %mul3A_61 = arith.constant 640 : i32
    %mul3A_62 = arith.muli %arg1, %mul3A_61 : i32
    %add3A_63 = arith.constant 80 : i32
    %add3A_64 = arith.addi %mul3A_62, %add3A_63 : i32
    %add3A_65 = arith.constant 0 : i32
    %add3A_66 = arith.addi %add3A_64, %add3A_65 : i32
    %add3A_67 = vector.broadcast %add3A_66 : i32 to vector<16xi32>
    %add3A_68 = arith.addi %iota3A, %add3A_67 : vector<16xi32>
    %swap3A_69 = arith.constant 0 : i32
    %swap3A_70 = arith.index_cast %swap3A_69 : i32 to index
    %swap3A_71 = arith.constant 0 : index
    %swap3A_72 = tpu.vector_load %arg7[%swap3A_70, %swap3A_71] {strides = array<i32>} : memref<3x80xi32, #tpu.memory_space<vmem>>, vector<1x16xi32>,
    %swap3A_73 = vector.shape_cast %swap3A_72 : vector<1x16xi32> to vector<16xi32>
    %swap3A_74 = vector.shape_cast %add3A_68 : vector<16xi32> to vector<1x16xi32>
    tpu.vector_store %arg7[%swap3A_70, %swap3A_71], %swap3A_74 {strides = array<i32>} : memref<3x80xi32, #tpu.memory_space<vmem>>, vector<1x16xi32>,
    %add3A_75 = arith.constant 16 : i32
    %add3A_76 = arith.addi %add3A_64, %add3A_75 : i32
    %add3A_77 = vector.broadcast %add3A_76 : i32 to vector<16xi32>
    %add3A_78 = arith.addi %iota3A, %add3A_77 : vector<16xi32>
    %swap3A_79 = arith.constant 0 : i32
    %swap3A_80 = arith.index_cast %swap3A_79 : i32 to index
    %swap3A_81 = arith.constant 16 : index
    %swap3A_82 = tpu.vector_load %arg7[%swap3A_80, %swap3A_81] {strides = array<i32>} : memref<3x80xi32, #tpu.memory_space<vmem>>, vector<1x16xi32>,
    %swap3A_83 = vector.shape_cast %swap3A_82 : vector<1x16xi32> to vector<16xi32>
    %swap3A_84 = vector.shape_cast %add3A_78 : vector<16xi32> to vector<1x16xi32>
    tpu.vector_store %arg7[%swap3A_80, %swap3A_81], %swap3A_84 {strides = array<i32>} : memref<3x80xi32, #tpu.memory_space<vmem>>, vector<1x16xi32>,
    %add3A_85 = arith.constant 32 : i32
    %add3A_86 = arith.addi %add3A_64, %add3A_85 : i32
    %add3A_87 = vector.broadcast %add3A_86 : i32 to vector<16xi32>
    %add3A_88 = arith.addi %iota3A, %add3A_87 : vector<16xi32>
    %swap3A_89 = arith.constant 0 : i32
    %swap3A_90 = arith.index_cast %swap3A_89 : i32 to index
    %swap3A_91 = arith.constant 32 : index
    %swap3A_92 = tpu.vector_load %arg7[%swap3A_90, %swap3A_91] {strides = array<i32>} : memref<3x80xi32, #tpu.memory_space<vmem>>, vector<1x16xi32>,
    %swap3A_93 = vector.shape_cast %swap3A_92 : vector<1x16xi32> to vector<16xi32>
    %swap3A_94 = vector.shape_cast %add3A_88 : vector<16xi32> to vector<1x16xi32>
    tpu.vector_store %arg7[%swap3A_90, %swap3A_91], %swap3A_94 {strides = array<i32>} : memref<3x80xi32, #tpu.memory_space<vmem>>, vector<1x16xi32>,
    %add3A_95 = arith.constant 48 : i32
    %add3A_96 = arith.addi %add3A_64, %add3A_95 : i32
    %add3A_97 = vector.broadcast %add3A_96 : i32 to vector<16xi32>
    %add3A_98 = arith.addi %iota3A, %add3A_97 : vector<16xi32>
    %swap3A_99 = arith.constant 0 : i32
    %swap3A_100 = arith.index_cast %swap3A_99 : i32 to index
    %swap3A_101 = arith.constant 48 : index
    %swap3A_102 = tpu.vector_load %arg7[%swap3A_100, %swap3A_101] {strides = array<i32>} : memref<3x80xi32, #tpu.memory_space<vmem>>, vector<1x16xi32>,
    %swap3A_103 = vector.shape_cast %swap3A_102 : vector<1x16xi32> to vector<16xi32>
    %swap3A_104 = vector.shape_cast %add3A_98 : vector<16xi32> to vector<1x16xi32>
    tpu.vector_store %arg7[%swap3A_100, %swap3A_101], %swap3A_104 {strides = array<i32>} : memref<3x80xi32, #tpu.memory_space<vmem>>, vector<1x16xi32>,
    %add3A_105 = arith.constant 64 : i32
    %add3A_106 = arith.addi %add3A_64, %add3A_105 : i32
    %add3A_107 = vector.broadcast %add3A_106 : i32 to vector<16xi32>
    %add3A_108 = arith.addi %iota3A, %add3A_107 : vector<16xi32>
    %swap3A_109 = arith.constant 0 : i32
    %swap3A_110 = arith.index_cast %swap3A_109 : i32 to index
    %swap3A_111 = arith.constant 64 : index
    %swap3A_112 = tpu.vector_load %arg7[%swap3A_110, %swap3A_111] {strides = array<i32>} : memref<3x80xi32, #tpu.memory_space<vmem>>, vector<1x16xi32>,
    %swap3A_113 = vector.shape_cast %swap3A_112 : vector<1x16xi32> to vector<16xi32>
    %swap3A_114 = vector.shape_cast %add3A_108 : vector<16xi32> to vector<1x16xi32>
    tpu.vector_store %arg7[%swap3A_110, %swap3A_111], %swap3A_114 {strides = array<i32>} : memref<3x80xi32, #tpu.memory_space<vmem>>, vector<1x16xi32>,
    %run_scoped3A_115 = arith.constant 0 : i32
    %run_scoped3A_116 = arith.constant 0 : i32
    "tpu.region"() ({
      %run_scoped3A_1204 = tpu.sem_alloc : memref<!tpu.dma_semaphore, #tpu.memory_space<semaphore_mem>>
      %dma_start3A_1205 = arith.constant 0 : i32
      %dma_start3A_1206 = arith.constant 0 : i32
      %dma_start3A_1207 = tpu.memref_slice %arg10[%run_scoped3A_115, %dma_start3A_1205, %dma_start3A_1206] : memref<2x80x128xf32, #tpu.memory_space<vmem>> -> memref<1x80x128xf32, #tpu.memory_space<vmem>>
      %dma_start3A_1208 = tpu.memref_squeeze %dma_start3A_1207 : memref<1x80x128xf32, #tpu.memory_space<vmem>> -> memref<80x128xf32, #tpu.memory_space<vmem>>
      %dma_start3A_1209 = arith.constant 0 : i32
      %dma_start3A_1210 = tpu.memref_slice %arg7[%run_scoped3A_116, %dma_start3A_1209] : memref<3x80xi32, #tpu.memory_space<vmem>> -> memref<1x80xi32, #tpu.memory_space<vmem>>
      %dma_start3A_1211 = tpu.memref_squeeze %dma_start3A_1210 : memref<1x80xi32, #tpu.memory_space<vmem>> -> memref<80xi32, #tpu.memory_space<vmem>>
      %dma_start3A_1212 = arith.constant 0 : i32
      %dma_start3A_1213 = arith.constant 0 : i32
      %dma_start3A_1214 = tpu.memref_slice %arg16[%dma_start3A_1212, %dma_start3A_1213] : memref<10240x128xf32, #tpu.memory_space<vmem_shared>> -> memref<10240x128xf32, #tpu.memory_space<vmem_shared>>
      tpu.enqueue_indirect_dma source(%dma_start3A_1208 : memref<80x128xf32, #tpu.memory_space<vmem>>) target(%dma_start3A_1214 : memref<10240x128xf32, #tpu.memory_space<vmem_shared>>) offsets(%dma_start3A_1211 : memref<80xi32, #tpu.memory_space<vmem>>) semaphore(%run_scoped3A_1204 : memref<!tpu.dma_semaphore, #tpu.memory_space<semaphore_mem>>)
      %dma_wait3A_1215 = arith.constant 0 : i32
      %dma_wait3A_1216 = arith.constant 0 : i32
      %dma_wait3A_1217 = tpu.memref_slice %arg10[%run_scoped3A_115, %dma_wait3A_1215, %dma_wait3A_1216] : memref<2x80x128xf32, #tpu.memory_space<vmem>> -> memref<1x80x128xf32, #tpu.memory_space<vmem>>
      %dma_wait3A_1218 = tpu.memref_squeeze %dma_wait3A_1217 : memref<1x80x128xf32, #tpu.memory_space<vmem>> -> memref<80x128xf32, #tpu.memory_space<vmem>>
      %dma_wait3A_1219 = arith.constant 0 : i32
      %dma_wait3A_1220 = tpu.memref_slice %arg7[%run_scoped3A_116, %dma_wait3A_1219] : memref<3x80xi32, #tpu.memory_space<vmem>> -> memref<1x80xi32, #tpu.memory_space<vmem>>
      %dma_wait3A_1221 = tpu.memref_squeeze %dma_wait3A_1220 : memref<1x80xi32, #tpu.memory_space<vmem>> -> memref<80xi32, #tpu.memory_space<vmem>>
      %dma_wait3A_1222 = arith.constant 0 : i32
      %dma_wait3A_1223 = arith.constant 0 : i32
      %dma_wait3A_1224 = tpu.memref_slice %arg16[%dma_wait3A_1222, %dma_wait3A_1223] : memref<10240x128xf32, #tpu.memory_space<vmem_shared>> -> memref<10240x128xf32, #tpu.memory_space<vmem_shared>>
      tpu.wait_indirect_dma semaphore(%run_scoped3A_1204 : memref<!tpu.dma_semaphore, #tpu.memory_space<semaphore_mem>>) src(%dma_wait3A_1218 : memref<80x128xf32, #tpu.memory_space<vmem>>) dst(%dma_wait3A_1224 : memref<10240x128xf32, #tpu.memory_space<vmem_shared>>)
      tpu.yield
    }) : () -> ()
    %mul3A_117 = arith.constant 640 : i32
    %mul3A_118 = arith.muli %arg1, %mul3A_117 : i32
    %add3A_119 = arith.constant 160 : i32
    %add3A_120 = arith.addi %mul3A_118, %add3A_119 : i32
    %add3A_121 = arith.constant 0 : i32
    %add3A_122 = arith.addi %add3A_120, %add3A_121 : i32
    %add3A_123 = vector.broadcast %add3A_122 : i32 to vector<16xi32>
    %add3A_124 = arith.addi %iota3A, %add3A_123 : vector<16xi32>
    %swap3A_125 = arith.constant 0 : i32
    %swap3A_126 = arith.index_cast %swap3A_125 : i32 to index
    %swap3A_127 = arith.constant 0 : index
    %swap3A_128 = tpu.vector_load %arg7[%swap3A_126, %swap3A_127] {strides = array<i32>} : memref<3x80xi32, #tpu.memory_space<vmem>>, vector<1x16xi32>,
    %swap3A_129 = vector.shape_cast %swap3A_128 : vector<1x16xi32> to vector<16xi32>
    %swap3A_130 = vector.shape_cast %add3A_124 : vector<16xi32> to vector<1x16xi32>
    tpu.vector_store %arg7[%swap3A_126, %swap3A_127], %swap3A_130 {strides = array<i32>} : memref<3x80xi32, #tpu.memory_space<vmem>>, vector<1x16xi32>,
    %add3A_131 = arith.constant 16 : i32
    %add3A_132 = arith.addi %add3A_120, %add3A_131 : i32
    %add3A_133 = vector.broadcast %add3A_132 : i32 to vector<16xi32>
    %add3A_134 = arith.addi %iota3A, %add3A_133 : vector<16xi32>
    %swap3A_135 = arith.constant 0 : i32
    %swap3A_136 = arith.index_cast %swap3A_135 : i32 to index
    %swap3A_137 = arith.constant 16 : index
    %swap3A_138 = tpu.vector_load %arg7[%swap3A_136, %swap3A_137] {strides = array<i32>} : memref<3x80xi32, #tpu.memory_space<vmem>>, vector<1x16xi32>,
    %swap3A_139 = vector.shape_cast %swap3A_138 : vector<1x16xi32> to vector<16xi32>
    %swap3A_140 = vector.shape_cast %add3A_134 : vector<16xi32> to vector<1x16xi32>
    tpu.vector_store %arg7[%swap3A_136, %swap3A_137], %swap3A_140 {strides = array<i32>} : memref<3x80xi32, #tpu.memory_space<vmem>>, vector<1x16xi32>,
    %add3A_141 = arith.constant 32 : i32
    %add3A_142 = arith.addi %add3A_120, %add3A_141 : i32
    %add3A_143 = vector.broadcast %add3A_142 : i32 to vector<16xi32>
    %add3A_144 = arith.addi %iota3A, %add3A_143 : vector<16xi32>
    %swap3A_145 = arith.constant 0 : i32
    %swap3A_146 = arith.index_cast %swap3A_145 : i32 to index
    %swap3A_147 = arith.constant 32 : index
    %swap3A_148 = tpu.vector_load %arg7[%swap3A_146, %swap3A_147] {strides = array<i32>} : memref<3x80xi32, #tpu.memory_space<vmem>>, vector<1x16xi32>,
    %swap3A_149 = vector.shape_cast %swap3A_148 : vector<1x16xi32> to vector<16xi32>
    %swap3A_150 = vector.shape_cast %add3A_144 : vector<16xi32> to vector<1x16xi32>
    tpu.vector_store %arg7[%swap3A_146, %swap3A_147], %swap3A_150 {strides = array<i32>} : memref<3x80xi32, #tpu.memory_space<vmem>>, vector<1x16xi32>,
    %add3A_151 = arith.constant 48 : i32
    %add3A_152 = arith.addi %add3A_120, %add3A_151 : i32
    %add3A_153 = vector.broadcast %add3A_152 : i32 to vector<16xi32>
    %add3A_154 = arith.addi %iota3A, %add3A_153 : vector<16xi32>
    %swap3A_155 = arith.constant 0 : i32
    %swap3A_156 = arith.index_cast %swap3A_155 : i32 to index
    %swap3A_157 = arith.constant 48 : index
    %swap3A_158 = tpu.vector_load %arg7[%swap3A_156, %swap3A_157] {strides = array<i32>} : memref<3x80xi32, #tpu.memory_space<vmem>>, vector<1x16xi32>,
    %swap3A_159 = vector.shape_cast %swap3A_158 : vector<1x16xi32> to vector<16xi32>
    %swap3A_160 = vector.shape_cast %add3A_154 : vector<16xi32> to vector<1x16xi32>
    tpu.vector_store %arg7[%swap3A_156, %swap3A_157], %swap3A_160 {strides = array<i32>} : memref<3x80xi32, #tpu.memory_space<vmem>>, vector<1x16xi32>,
    %add3A_161 = arith.constant 64 : i32
    %add3A_162 = arith.addi %add3A_120, %add3A_161 : i32
    %add3A_163 = vector.broadcast %add3A_162 : i32 to vector<16xi32>
    %add3A_164 = arith.addi %iota3A, %add3A_163 : vector<16xi32>
    %swap3A_165 = arith.constant 0 : i32
    %swap3A_166 = arith.index_cast %swap3A_165 : i32 to index
    %swap3A_167 = arith.constant 64 : index
    %swap3A_168 = tpu.vector_load %arg7[%swap3A_166, %swap3A_167] {strides = array<i32>} : memref<3x80xi32, #tpu.memory_space<vmem>>, vector<1x16xi32>,
    %swap3A_169 = vector.shape_cast %swap3A_168 : vector<1x16xi32> to vector<16xi32>
    %swap3A_170 = vector.shape_cast %add3A_164 : vector<16xi32> to vector<1x16xi32>
    tpu.vector_store %arg7[%swap3A_166, %swap3A_167], %swap3A_170 {strides = array<i32>} : memref<3x80xi32, #tpu.memory_space<vmem>>, vector<1x16xi32>,
    %run_scoped3A_171 = arith.constant 0 : i32
    %run_scoped3A_172 = arith.constant 0 : i32
    "tpu.region"() ({
      %run_scoped3A_1204 = tpu.sem_alloc : memref<!tpu.dma_semaphore, #tpu.memory_space<semaphore_mem>>
      %dma_start3A_1205 = arith.constant 0 : i32
      %dma_start3A_1206 = arith.constant 0 : i32
      %dma_start3A_1207 = tpu.memref_slice %arg10[%run_scoped3A_171, %dma_start3A_1205, %dma_start3A_1206] : memref<2x80x128xf32, #tpu.memory_space<vmem>> -> memref<1x80x128xf32, #tpu.memory_space<vmem>>
      %dma_start3A_1208 = tpu.memref_squeeze %dma_start3A_1207 : memref<1x80x128xf32, #tpu.memory_space<vmem>> -> memref<80x128xf32, #tpu.memory_space<vmem>>
      %dma_start3A_1209 = arith.constant 0 : i32
      %dma_start3A_1210 = tpu.memref_slice %arg7[%run_scoped3A_172, %dma_start3A_1209] : memref<3x80xi32, #tpu.memory_space<vmem>> -> memref<1x80xi32, #tpu.memory_space<vmem>>
      %dma_start3A_1211 = tpu.memref_squeeze %dma_start3A_1210 : memref<1x80xi32, #tpu.memory_space<vmem>> -> memref<80xi32, #tpu.memory_space<vmem>>
      %dma_start3A_1212 = arith.constant 0 : i32
      %dma_start3A_1213 = arith.constant 0 : i32
      %dma_start3A_1214 = tpu.memref_slice %arg16[%dma_start3A_1212, %dma_start3A_1213] : memref<10240x128xf32, #tpu.memory_space<vmem_shared>> -> memref<10240x128xf32, #tpu.memory_space<vmem_shared>>
      tpu.enqueue_indirect_dma source(%dma_start3A_1208 : memref<80x128xf32, #tpu.memory_space<vmem>>) target(%dma_start3A_1214 : memref<10240x128xf32, #tpu.memory_space<vmem_shared>>) offsets(%dma_start3A_1211 : memref<80xi32, #tpu.memory_space<vmem>>) semaphore(%run_scoped3A_1204 : memref<!tpu.dma_semaphore, #tpu.memory_space<semaphore_mem>>)
      %dma_wait3A_1215 = arith.constant 0 : i32
      %dma_wait3A_1216 = arith.constant 0 : i32
      %dma_wait3A_1217 = tpu.memref_slice %arg10[%run_scoped3A_171, %dma_wait3A_1215, %dma_wait3A_1216] : memref<2x80x128xf32, #tpu.memory_space<vmem>> -> memref<1x80x128xf32, #tpu.memory_space<vmem>>
      %dma_wait3A_1218 = tpu.memref_squeeze %dma_wait3A_1217 : memref<1x80x128xf32, #tpu.memory_space<vmem>> -> memref<80x128xf32, #tpu.memory_space<vmem>>
      %dma_wait3A_1219 = arith.constant 0 : i32
      %dma_wait3A_1220 = tpu.memref_slice %arg7[%run_scoped3A_172, %dma_wait3A_1219] : memref<3x80xi32, #tpu.memory_space<vmem>> -> memref<1x80xi32, #tpu.memory_space<vmem>>
      %dma_wait3A_1221 = tpu.memref_squeeze %dma_wait3A_1220 : memref<1x80xi32, #tpu.memory_space<vmem>> -> memref<80xi32, #tpu.memory_space<vmem>>
      %dma_wait3A_1222 = arith.constant 0 : i32
      %dma_wait3A_1223 = arith.constant 0 : i32
      %dma_wait3A_1224 = tpu.memref_slice %arg16[%dma_wait3A_1222, %dma_wait3A_1223] : memref<10240x128xf32, #tpu.memory_space<vmem_shared>> -> memref<10240x128xf32, #tpu.memory_space<vmem_shared>>
      tpu.wait_indirect_dma semaphore(%run_scoped3A_1204 : memref<!tpu.dma_semaphore, #tpu.memory_space<semaphore_mem>>) src(%dma_wait3A_1218 : memref<80x128xf32, #tpu.memory_space<vmem>>) dst(%dma_wait3A_1224 : memref<10240x128xf32, #tpu.memory_space<vmem_shared>>)
      tpu.yield
    }) : () -> ()
    %mul3A_173 = arith.constant 640 : i32
    %mul3A_174 = arith.muli %arg1, %mul3A_173 : i32
    %add3A_175 = arith.constant 240 : i32
    %add3A_176 = arith.addi %mul3A_174, %add3A_175 : i32
    %add3A_177 = arith.constant 0 : i32
    %add3A_178 = arith.addi %add3A_176, %add3A_177 : i32
    %add3A_179 = vector.broadcast %add3A_178 : i32 to vector<16xi32>
    %add3A_180 = arith.addi %iota3A, %add3A_179 : vector<16xi32>
    %swap3A_181 = arith.constant 0 : i32
    %swap3A_182 = arith.index_cast %swap3A_181 : i32 to index
    %swap3A_183 = arith.constant 0 : index
    %swap3A_184 = tpu.vector_load %arg7[%swap3A_182, %swap3A_183] {strides = array<i32>} : memref<3x80xi32, #tpu.memory_space<vmem>>, vector<1x16xi32>,
    %swap3A_185 = vector.shape_cast %swap3A_184 : vector<1x16xi32> to vector<16xi32>
    %swap3A_186 = vector.shape_cast %add3A_180 : vector<16xi32> to vector<1x16xi32>
    tpu.vector_store %arg7[%swap3A_182, %swap3A_183], %swap3A_186 {strides = array<i32>} : memref<3x80xi32, #tpu.memory_space<vmem>>, vector<1x16xi32>,
    %add3A_187 = arith.constant 16 : i32
    %add3A_188 = arith.addi %add3A_176, %add3A_187 : i32
    %add3A_189 = vector.broadcast %add3A_188 : i32 to vector<16xi32>
    %add3A_190 = arith.addi %iota3A, %add3A_189 : vector<16xi32>
    %swap3A_191 = arith.constant 0 : i32
    %swap3A_192 = arith.index_cast %swap3A_191 : i32 to index
    %swap3A_193 = arith.constant 16 : index
    %swap3A_194 = tpu.vector_load %arg7[%swap3A_192, %swap3A_193] {strides = array<i32>} : memref<3x80xi32, #tpu.memory_space<vmem>>, vector<1x16xi32>,
    %swap3A_195 = vector.shape_cast %swap3A_194 : vector<1x16xi32> to vector<16xi32>
    %swap3A_196 = vector.shape_cast %add3A_190 : vector<16xi32> to vector<1x16xi32>
    tpu.vector_store %arg7[%swap3A_192, %swap3A_193], %swap3A_196 {strides = array<i32>} : memref<3x80xi32, #tpu.memory_space<vmem>>, vector<1x16xi32>,
    %add3A_197 = arith.constant 32 : i32
    %add3A_198 = arith.addi %add3A_176, %add3A_197 : i32
    %add3A_199 = vector.broadcast %add3A_198 : i32 to vector<16xi32>
    %add3A_200 = arith.addi %iota3A, %add3A_199 : vector<16xi32>
    %swap3A_201 = arith.constant 0 : i32
    %swap3A_202 = arith.index_cast %swap3A_201 : i32 to index
    %swap3A_203 = arith.constant 32 : index
    %swap3A_204 = tpu.vector_load %arg7[%swap3A_202, %swap3A_203] {strides = array<i32>} : memref<3x80xi32, #tpu.memory_space<vmem>>, vector<1x16xi32>,
    %swap3A_205 = vector.shape_cast %swap3A_204 : vector<1x16xi32> to vector<16xi32>
    %swap3A_206 = vector.shape_cast %add3A_200 : vector<16xi32> to vector<1x16xi32>
    tpu.vector_store %arg7[%swap3A_202, %swap3A_203], %swap3A_206 {strides = array<i32>} : memref<3x80xi32, #tpu.memory_space<vmem>>, vector<1x16xi32>,
    %add3A_207 = arith.constant 48 : i32
    %add3A_208 = arith.addi %add3A_176, %add3A_207 : i32
    %add3A_209 = vector.broadcast %add3A_208 : i32 to vector<16xi32>
    %add3A_210 = arith.addi %iota3A, %add3A_209 : vector<16xi32>
    %swap3A_211 = arith.constant 0 : i32
    %swap3A_212 = arith.index_cast %swap3A_211 : i32 to index
    %swap3A_213 = arith.constant 48 : index
    %swap3A_214 = tpu.vector_load %arg7[%swap3A_212, %swap3A_213] {strides = array<i32>} : memref<3x80xi32, #tpu.memory_space<vmem>>, vector<1x16xi32>,
    %swap3A_215 = vector.shape_cast %swap3A_214 : vector<1x16xi32> to vector<16xi32>
    %swap3A_216 = vector.shape_cast %add3A_210 : vector<16xi32> to vector<1x16xi32>
    tpu.vector_store %arg7[%swap3A_212, %swap3A_213], %swap3A_216 {strides = array<i32>} : memref<3x80xi32, #tpu.memory_space<vmem>>, vector<1x16xi32>,
    %add3A_217 = arith.constant 64 : i32
    %add3A_218 = arith.addi %add3A_176, %add3A_217 : i32
    %add3A_219 = vector.broadcast %add3A_218 : i32 to vector<16xi32>
    %add3A_220 = arith.addi %iota3A, %add3A_219 : vector<16xi32>
    %swap3A_221 = arith.constant 0 : i32
    %swap3A_222 = arith.index_cast %swap3A_221 : i32 to index
    %swap3A_223 = arith.constant 64 : index
    %swap3A_224 = tpu.vector_load %arg7[%swap3A_222, %swap3A_223] {strides = array<i32>} : memref<3x80xi32, #tpu.memory_space<vmem>>, vector<1x16xi32>,
    %swap3A_225 = vector.shape_cast %swap3A_224 : vector<1x16xi32> to vector<16xi32>
    %swap3A_226 = vector.shape_cast %add3A_220 : vector<16xi32> to vector<1x16xi32>
    tpu.vector_store %arg7[%swap3A_222, %swap3A_223], %swap3A_226 {strides = array<i32>} : memref<3x80xi32, #tpu.memory_space<vmem>>, vector<1x16xi32>,
    %run_scoped3A_227 = arith.constant 0 : i32
    %run_scoped3A_228 = arith.constant 0 : i32
    "tpu.region"() ({
      %run_scoped3A_1204 = tpu.sem_alloc : memref<!tpu.dma_semaphore, #tpu.memory_space<semaphore_mem>>
      %dma_start3A_1205 = arith.constant 0 : i32
      %dma_start3A_1206 = arith.constant 0 : i32
      %dma_start3A_1207 = tpu.memref_slice %arg10[%run_scoped3A_227, %dma_start3A_1205, %dma_start3A_1206] : memref<2x80x128xf32, #tpu.memory_space<vmem>> -> memref<1x80x128xf32, #tpu.memory_space<vmem>>
      %dma_start3A_1208 = tpu.memref_squeeze %dma_start3A_1207 : memref<1x80x128xf32, #tpu.memory_space<vmem>> -> memref<80x128xf32, #tpu.memory_space<vmem>>
      %dma_start3A_1209 = arith.constant 0 : i32
      %dma_start3A_1210 = tpu.memref_slice %arg7[%run_scoped3A_228, %dma_start3A_1209] : memref<3x80xi32, #tpu.memory_space<vmem>> -> memref<1x80xi32, #tpu.memory_space<vmem>>
      %dma_start3A_1211 = tpu.memref_squeeze %dma_start3A_1210 : memref<1x80xi32, #tpu.memory_space<vmem>> -> memref<80xi32, #tpu.memory_space<vmem>>
      %dma_start3A_1212 = arith.constant 0 : i32
      %dma_start3A_1213 = arith.constant 0 : i32
      %dma_start3A_1214 = tpu.memref_slice %arg16[%dma_start3A_1212, %dma_start3A_1213] : memref<10240x128xf32, #tpu.memory_space<vmem_shared>> -> memref<10240x128xf32, #tpu.memory_space<vmem_shared>>
      tpu.enqueue_indirect_dma source(%dma_start3A_1208 : memref<80x128xf32, #tpu.memory_space<vmem>>) target(%dma_start3A_1214 : memref<10240x128xf32, #tpu.memory_space<vmem_shared>>) offsets(%dma_start3A_1211 : memref<80xi32, #tpu.memory_space<vmem>>) semaphore(%run_scoped3A_1204 : memref<!tpu.dma_semaphore, #tpu.memory_space<semaphore_mem>>)
      %dma_wait3A_1215 = arith.constant 0 : i32
      %dma_wait3A_1216 = arith.constant 0 : i32
      %dma_wait3A_1217 = tpu.memref_slice %arg10[%run_scoped3A_227, %dma_wait3A_1215, %dma_wait3A_1216] : memref<2x80x128xf32, #tpu.memory_space<vmem>> -> memref<1x80x128xf32, #tpu.memory_space<vmem>>
      %dma_wait3A_1218 = tpu.memref_squeeze %dma_wait3A_1217 : memref<1x80x128xf32, #tpu.memory_space<vmem>> -> memref<80x128xf32, #tpu.memory_space<vmem>>
      %dma_wait3A_1219 = arith.constant 0 : i32
      %dma_wait3A_1220 = tpu.memref_slice %arg7[%run_scoped3A_228, %dma_wait3A_1219] : memref<3x80xi32, #tpu.memory_space<vmem>> -> memref<1x80xi32, #tpu.memory_space<vmem>>
      %dma_wait3A_1221 = tpu.memref_squeeze %dma_wait3A_1220 : memref<1x80xi32, #tpu.memory_space<vmem>> -> memref<80xi32, #tpu.memory_space<vmem>>
      %dma_wait3A_1222 = arith.constant 0 : i32
      %dma_wait3A_1223 = arith.constant 0 : i32
      %dma_wait3A_1224 = tpu.memref_slice %arg16[%dma_wait3A_1222, %dma_wait3A_1223] : memref<10240x128xf32, #tpu.memory_space<vmem_shared>> -> memref<10240x128xf32, #tpu.memory_space<vmem_shared>>
      tpu.wait_indirect_dma semaphore(%run_scoped3A_1204 : memref<!tpu.dma_semaphore, #tpu.memory_space<semaphore_mem>>) src(%dma_wait3A_1218 : memref<80x128xf32, #tpu.memory_space<vmem>>) dst(%dma_wait3A_1224 : memref<10240x128xf32, #tpu.memory_space<vmem_shared>>)
      tpu.yield
    }) : () -> ()
    %mul3A_229 = arith.constant 640 : i32
    %mul3A_230 = arith.muli %arg1, %mul3A_229 : i32
    %add3A_231 = arith.constant 320 : i32
    %add3A_232 = arith.addi %mul3A_230, %add3A_231 : i32
    %add3A_233 = arith.constant 0 : i32
    %add3A_234 = arith.addi %add3A_232, %add3A_233 : i32
    %add3A_235 = vector.broadcast %add3A_234 : i32 to vector<16xi32>
    %add3A_236 = arith.addi %iota3A, %add3A_235 : vector<16xi32>
    %swap3A_237 = arith.constant 0 : i32
    %swap3A_238 = arith.index_cast %swap3A_237 : i32 to index
    %swap3A_239 = arith.constant 0 : index
    %swap3A_240 = tpu.vector_load %arg7[%swap3A_238, %swap3A_239] {strides = array<i32>} : memref<3x80xi32, #tpu.memory_space<vmem>>, vector<1x16xi32>,
    %swap3A_241 = vector.shape_cast %swap3A_240 : vector<1x16xi32> to vector<16xi32>
    %swap3A_242 = vector.shape_cast %add3A_236 : vector<16xi32> to vector<1x16xi32>
    tpu.vector_store %arg7[%swap3A_238, %swap3A_239], %swap3A_242 {strides = array<i32>} : memref<3x80xi32, #tpu.memory_space<vmem>>, vector<1x16xi32>,
    %add3A_243 = arith.constant 16 : i32
    %add3A_244 = arith.addi %add3A_232, %add3A_243 : i32
    %add3A_245 = vector.broadcast %add3A_244 : i32 to vector<16xi32>
    %add3A_246 = arith.addi %iota3A, %add3A_245 : vector<16xi32>
    %swap3A_247 = arith.constant 0 : i32
    %swap3A_248 = arith.index_cast %swap3A_247 : i32 to index
    %swap3A_249 = arith.constant 16 : index
    %swap3A_250 = tpu.vector_load %arg7[%swap3A_248, %swap3A_249] {strides = array<i32>} : memref<3x80xi32, #tpu.memory_space<vmem>>, vector<1x16xi32>,
    %swap3A_251 = vector.shape_cast %swap3A_250 : vector<1x16xi32> to vector<16xi32>
    %swap3A_252 = vector.shape_cast %add3A_246 : vector<16xi32> to vector<1x16xi32>
    tpu.vector_store %arg7[%swap3A_248, %swap3A_249], %swap3A_252 {strides = array<i32>} : memref<3x80xi32, #tpu.memory_space<vmem>>, vector<1x16xi32>,
    %add3A_253 = arith.constant 32 : i32
    %add3A_254 = arith.addi %add3A_232, %add3A_253 : i32
    %add3A_255 = vector.broadcast %add3A_254 : i32 to vector<16xi32>
    %add3A_256 = arith.addi %iota3A, %add3A_255 : vector<16xi32>
    %swap3A_257 = arith.constant 0 : i32
    %swap3A_258 = arith.index_cast %swap3A_257 : i32 to index
    %swap3A_259 = arith.constant 32 : index
    %swap3A_260 = tpu.vector_load %arg7[%swap3A_258, %swap3A_259] {strides = array<i32>} : memref<3x80xi32, #tpu.memory_space<vmem>>, vector<1x16xi32>,
    %swap3A_261 = vector.shape_cast %swap3A_260 : vector<1x16xi32> to vector<16xi32>
    %swap3A_262 = vector.shape_cast %add3A_256 : vector<16xi32> to vector<1x16xi32>
    tpu.vector_store %arg7[%swap3A_258, %swap3A_259], %swap3A_262 {strides = array<i32>} : memref<3x80xi32, #tpu.memory_space<vmem>>, vector<1x16xi32>,
    %add3A_263 = arith.constant 48 : i32
    %add3A_264 = arith.addi %add3A_232, %add3A_263 : i32
    %add3A_265 = vector.broadcast %add3A_264 : i32 to vector<16xi32>
    %add3A_266 = arith.addi %iota3A, %add3A_265 : vector<16xi32>
    %swap3A_267 = arith.constant 0 : i32
    %swap3A_268 = arith.index_cast %swap3A_267 : i32 to index
    %swap3A_269 = arith.constant 48 : index
    %swap3A_270 = tpu.vector_load %arg7[%swap3A_268, %swap3A_269] {strides = array<i32>} : memref<3x80xi32, #tpu.memory_space<vmem>>, vector<1x16xi32>,
    %swap3A_271 = vector.shape_cast %swap3A_270 : vector<1x16xi32> to vector<16xi32>
    %swap3A_272 = vector.shape_cast %add3A_266 : vector<16xi32> to vector<1x16xi32>
    tpu.vector_store %arg7[%swap3A_268, %swap3A_269], %swap3A_272 {strides = array<i32>} : memref<3x80xi32, #tpu.memory_space<vmem>>, vector<1x16xi32>,
    %add3A_273 = arith.constant 64 : i32
    %add3A_274 = arith.addi %add3A_232, %add3A_273 : i32
    %add3A_275 = vector.broadcast %add3A_274 : i32 to vector<16xi32>
    %add3A_276 = arith.addi %iota3A, %add3A_275 : vector<16xi32>
    %swap3A_277 = arith.constant 0 : i32
    %swap3A_278 = arith.index_cast %swap3A_277 : i32 to index
    %swap3A_279 = arith.constant 64 : index
    %swap3A_280 = tpu.vector_load %arg7[%swap3A_278, %swap3A_279] {strides = array<i32>} : memref<3x80xi32, #tpu.memory_space<vmem>>, vector<1x16xi32>,
    %swap3A_281 = vector.shape_cast %swap3A_280 : vector<1x16xi32> to vector<16xi32>
    %swap3A_282 = vector.shape_cast %add3A_276 : vector<16xi32> to vector<1x16xi32>
    tpu.vector_store %arg7[%swap3A_278, %swap3A_279], %swap3A_282 {strides = array<i32>} : memref<3x80xi32, #tpu.memory_space<vmem>>, vector<1x16xi32>,
    %run_scoped3A_283 = arith.constant 0 : i32
    %run_scoped3A_284 = arith.constant 0 : i32
    "tpu.region"() ({
      %run_scoped3A_1204 = tpu.sem_alloc : memref<!tpu.dma_semaphore, #tpu.memory_space<semaphore_mem>>
      %dma_start3A_1205 = arith.constant 0 : i32
      %dma_start3A_1206 = arith.constant 0 : i32
      %dma_start3A_1207 = tpu.memref_slice %arg10[%run_scoped3A_283, %dma_start3A_1205, %dma_start3A_1206] : memref<2x80x128xf32, #tpu.memory_space<vmem>> -> memref<1x80x128xf32, #tpu.memory_space<vmem>>
      %dma_start3A_1208 = tpu.memref_squeeze %dma_start3A_1207 : memref<1x80x128xf32, #tpu.memory_space<vmem>> -> memref<80x128xf32, #tpu.memory_space<vmem>>
      %dma_start3A_1209 = arith.constant 0 : i32
      %dma_start3A_1210 = tpu.memref_slice %arg7[%run_scoped3A_284, %dma_start3A_1209] : memref<3x80xi32, #tpu.memory_space<vmem>> -> memref<1x80xi32, #tpu.memory_space<vmem>>
      %dma_start3A_1211 = tpu.memref_squeeze %dma_start3A_1210 : memref<1x80xi32, #tpu.memory_space<vmem>> -> memref<80xi32, #tpu.memory_space<vmem>>
      %dma_start3A_1212 = arith.constant 0 : i32
      %dma_start3A_1213 = arith.constant 0 : i32
      %dma_start3A_1214 = tpu.memref_slice %arg16[%dma_start3A_1212, %dma_start3A_1213] : memref<10240x128xf32, #tpu.memory_space<vmem_shared>> -> memref<10240x128xf32, #tpu.memory_space<vmem_shared>>
      tpu.enqueue_indirect_dma source(%dma_start3A_1208 : memref<80x128xf32, #tpu.memory_space<vmem>>) target(%dma_start3A_1214 : memref<10240x128xf32, #tpu.memory_space<vmem_shared>>) offsets(%dma_start3A_1211 : memref<80xi32, #tpu.memory_space<vmem>>) semaphore(%run_scoped3A_1204 : memref<!tpu.dma_semaphore, #tpu.memory_space<semaphore_mem>>)
      %dma_wait3A_1215 = arith.constant 0 : i32
      %dma_wait3A_1216 = arith.constant 0 : i32
      %dma_wait3A_1217 = tpu.memref_slice %arg10[%run_scoped3A_283, %dma_wait3A_1215, %dma_wait3A_1216] : memref<2x80x128xf32, #tpu.memory_space<vmem>> -> memref<1x80x128xf32, #tpu.memory_space<vmem>>
      %dma_wait3A_1218 = tpu.memref_squeeze %dma_wait3A_1217 : memref<1x80x128xf32, #tpu.memory_space<vmem>> -> memref<80x128xf32, #tpu.memory_space<vmem>>
      %dma_wait3A_1219 = arith.constant 0 : i32
      %dma_wait3A_1220 = tpu.memref_slice %arg7[%run_scoped3A_284, %dma_wait3A_1219] : memref<3x80xi32, #tpu.memory_space<vmem>> -> memref<1x80xi32, #tpu.memory_space<vmem>>
      %dma_wait3A_1221 = tpu.memref_squeeze %dma_wait3A_1220 : memref<1x80xi32, #tpu.memory_space<vmem>> -> memref<80xi32, #tpu.memory_space<vmem>>
      %dma_wait3A_1222 = arith.constant 0 : i32
      %dma_wait3A_1223 = arith.constant 0 : i32
      %dma_wait3A_1224 = tpu.memref_slice %arg16[%dma_wait3A_1222, %dma_wait3A_1223] : memref<10240x128xf32, #tpu.memory_space<vmem_shared>> -> memref<10240x128xf32, #tpu.memory_space<vmem_shared>>
      tpu.wait_indirect_dma semaphore(%run_scoped3A_1204 : memref<!tpu.dma_semaphore, #tpu.memory_space<semaphore_mem>>) src(%dma_wait3A_1218 : memref<80x128xf32, #tpu.memory_space<vmem>>) dst(%dma_wait3A_1224 : memref<10240x128xf32, #tpu.memory_space<vmem_shared>>)
      tpu.yield
    }) : () -> ()
    %mul3A_285 = arith.constant 640 : i32
    %mul3A_286 = arith.muli %arg1, %mul3A_285 : i32
    %add3A_287 = arith.constant 400 : i32
    %add3A_288 = arith.addi %mul3A_286, %add3A_287 : i32
    %add3A_289 = arith.constant 0 : i32
    %add3A_290 = arith.addi %add3A_288, %add3A_289 : i32
    %add3A_291 = vector.broadcast %add3A_290 : i32 to vector<16xi32>
    %add3A_292 = arith.addi %iota3A, %add3A_291 : vector<16xi32>
    %swap3A_293 = arith.constant 0 : i32
    %swap3A_294 = arith.index_cast %swap3A_293 : i32 to index
    %swap3A_295 = arith.constant 0 : index
    %swap3A_296 = tpu.vector_load %arg7[%swap3A_294, %swap3A_295] {strides = array<i32>} : memref<3x80xi32, #tpu.memory_space<vmem>>, vector<1x16xi32>,
    %swap3A_297 = vector.shape_cast %swap3A_296 : vector<1x16xi32> to vector<16xi32>
    %swap3A_298 = vector.shape_cast %add3A_292 : vector<16xi32> to vector<1x16xi32>
    tpu.vector_store %arg7[%swap3A_294, %swap3A_295], %swap3A_298 {strides = array<i32>} : memref<3x80xi32, #tpu.memory_space<vmem>>, vector<1x16xi32>,
    %add3A_299 = arith.constant 16 : i32
    %add3A_300 = arith.addi %add3A_288, %add3A_299 : i32
    %add3A_301 = vector.broadcast %add3A_300 : i32 to vector<16xi32>
    %add3A_302 = arith.addi %iota3A, %add3A_301 : vector<16xi32>
    %swap3A_303 = arith.constant 0 : i32
    %swap3A_304 = arith.index_cast %swap3A_303 : i32 to index
    %swap3A_305 = arith.constant 16 : index
    %swap3A_306 = tpu.vector_load %arg7[%swap3A_304, %swap3A_305] {strides = array<i32>} : memref<3x80xi32, #tpu.memory_space<vmem>>, vector<1x16xi32>,
    %swap3A_307 = vector.shape_cast %swap3A_306 : vector<1x16xi32> to vector<16xi32>
    %swap3A_308 = vector.shape_cast %add3A_302 : vector<16xi32> to vector<1x16xi32>
    tpu.vector_store %arg7[%swap3A_304, %swap3A_305], %swap3A_308 {strides = array<i32>} : memref<3x80xi32, #tpu.memory_space<vmem>>, vector<1x16xi32>,
    %add3A_309 = arith.constant 32 : i32
    %add3A_310 = arith.addi %add3A_288, %add3A_309 : i32
    %add3A_311 = vector.broadcast %add3A_310 : i32 to vector<16xi32>
    %add3A_312 = arith.addi %iota3A, %add3A_311 : vector<16xi32>
    %swap3A_313 = arith.constant 0 : i32
    %swap3A_314 = arith.index_cast %swap3A_313 : i32 to index
    %swap3A_315 = arith.constant 32 : index
    %swap3A_316 = tpu.vector_load %arg7[%swap3A_314, %swap3A_315] {strides = array<i32>} : memref<3x80xi32, #tpu.memory_space<vmem>>, vector<1x16xi32>,
    %swap3A_317 = vector.shape_cast %swap3A_316 : vector<1x16xi32> to vector<16xi32>
    %swap3A_318 = vector.shape_cast %add3A_312 : vector<16xi32> to vector<1x16xi32>
    tpu.vector_store %arg7[%swap3A_314, %swap3A_315], %swap3A_318 {strides = array<i32>} : memref<3x80xi32, #tpu.memory_space<vmem>>, vector<1x16xi32>,
    %add3A_319 = arith.constant 48 : i32
    %add3A_320 = arith.addi %add3A_288, %add3A_319 : i32
    %add3A_321 = vector.broadcast %add3A_320 : i32 to vector<16xi32>
    %add3A_322 = arith.addi %iota3A, %add3A_321 : vector<16xi32>
    %swap3A_323 = arith.constant 0 : i32
    %swap3A_324 = arith.index_cast %swap3A_323 : i32 to index
    %swap3A_325 = arith.constant 48 : index
    %swap3A_326 = tpu.vector_load %arg7[%swap3A_324, %swap3A_325] {strides = array<i32>} : memref<3x80xi32, #tpu.memory_space<vmem>>, vector<1x16xi32>,
    %swap3A_327 = vector.shape_cast %swap3A_326 : vector<1x16xi32> to vector<16xi32>
    %swap3A_328 = vector.shape_cast %add3A_322 : vector<16xi32> to vector<1x16xi32>
    tpu.vector_store %arg7[%swap3A_324, %swap3A_325], %swap3A_328 {strides = array<i32>} : memref<3x80xi32, #tpu.memory_space<vmem>>, vector<1x16xi32>,
    %add3A_329 = arith.constant 64 : i32
    %add3A_330 = arith.addi %add3A_288, %add3A_329 : i32
    %add3A_331 = vector.broadcast %add3A_330 : i32 to vector<16xi32>
    %add3A_332 = arith.addi %iota3A, %add3A_331 : vector<16xi32>
    %swap3A_333 = arith.constant 0 : i32
    %swap3A_334 = arith.index_cast %swap3A_333 : i32 to index
    %swap3A_335 = arith.constant 64 : index
    %swap3A_336 = tpu.vector_load %arg7[%swap3A_334, %swap3A_335] {strides = array<i32>} : memref<3x80xi32, #tpu.memory_space<vmem>>, vector<1x16xi32>,
    %swap3A_337 = vector.shape_cast %swap3A_336 : vector<1x16xi32> to vector<16xi32>
    %swap3A_338 = vector.shape_cast %add3A_332 : vector<16xi32> to vector<1x16xi32>
    tpu.vector_store %arg7[%swap3A_334, %swap3A_335], %swap3A_338 {strides = array<i32>} : memref<3x80xi32, #tpu.memory_space<vmem>>, vector<1x16xi32>,
    %run_scoped3A_339 = arith.constant 0 : i32
    %run_scoped3A_340 = arith.constant 0 : i32
    "tpu.region"() ({
      %run_scoped3A_1204 = tpu.sem_alloc : memref<!tpu.dma_semaphore, #tpu.memory_space<semaphore_mem>>
      %dma_start3A_1205 = arith.constant 0 : i32
      %dma_start3A_1206 = arith.constant 0 : i32
      %dma_start3A_1207 = tpu.memref_slice %arg10[%run_scoped3A_339, %dma_start3A_1205, %dma_start3A_1206] : memref<2x80x128xf32, #tpu.memory_space<vmem>> -> memref<1x80x128xf32, #tpu.memory_space<vmem>>
      %dma_start3A_1208 = tpu.memref_squeeze %dma_start3A_1207 : memref<1x80x128xf32, #tpu.memory_space<vmem>> -> memref<80x128xf32, #tpu.memory_space<vmem>>
      %dma_start3A_1209 = arith.constant 0 : i32
      %dma_start3A_1210 = tpu.memref_slice %arg7[%run_scoped3A_340, %dma_start3A_1209] : memref<3x80xi32, #tpu.memory_space<vmem>> -> memref<1x80xi32, #tpu.memory_space<vmem>>
      %dma_start3A_1211 = tpu.memref_squeeze %dma_start3A_1210 : memref<1x80xi32, #tpu.memory_space<vmem>> -> memref<80xi32, #tpu.memory_space<vmem>>
      %dma_start3A_1212 = arith.constant 0 : i32
      %dma_start3A_1213 = arith.constant 0 : i32
      %dma_start3A_1214 = tpu.memref_slice %arg16[%dma_start3A_1212, %dma_start3A_1213] : memref<10240x128xf32, #tpu.memory_space<vmem_shared>> -> memref<10240x128xf32, #tpu.memory_space<vmem_shared>>
      tpu.enqueue_indirect_dma source(%dma_start3A_1208 : memref<80x128xf32, #tpu.memory_space<vmem>>) target(%dma_start3A_1214 : memref<10240x128xf32, #tpu.memory_space<vmem_shared>>) offsets(%dma_start3A_1211 : memref<80xi32, #tpu.memory_space<vmem>>) semaphore(%run_scoped3A_1204 : memref<!tpu.dma_semaphore, #tpu.memory_space<semaphore_mem>>)
      %dma_wait3A_1215 = arith.constant 0 : i32
      %dma_wait3A_1216 = arith.constant 0 : i32
      %dma_wait3A_1217 = tpu.memref_slice %arg10[%run_scoped3A_339, %dma_wait3A_1215, %dma_wait3A_1216] : memref<2x80x128xf32, #tpu.memory_space<vmem>> -> memref<1x80x128xf32, #tpu.memory_space<vmem>>
      %dma_wait3A_1218 = tpu.memref_squeeze %dma_wait3A_1217 : memref<1x80x128xf32, #tpu.memory_space<vmem>> -> memref<80x128xf32, #tpu.memory_space<vmem>>
      %dma_wait3A_1219 = arith.constant 0 : i32
      %dma_wait3A_1220 = tpu.memref_slice %arg7[%run_scoped3A_340, %dma_wait3A_1219] : memref<3x80xi32, #tpu.memory_space<vmem>> -> memref<1x80xi32, #tpu.memory_space<vmem>>
      %dma_wait3A_1221 = tpu.memref_squeeze %dma_wait3A_1220 : memref<1x80xi32, #tpu.memory_space<vmem>> -> memref<80xi32, #tpu.memory_space<vmem>>
      %dma_wait3A_1222 = arith.constant 0 : i32
      %dma_wait3A_1223 = arith.constant 0 : i32
      %dma_wait3A_1224 = tpu.memref_slice %arg16[%dma_wait3A_1222, %dma_wait3A_1223] : memref<10240x128xf32, #tpu.memory_space<vmem_shared>> -> memref<10240x128xf32, #tpu.memory_space<vmem_shared>>
      tpu.wait_indirect_dma semaphore(%run_scoped3A_1204 : memref<!tpu.dma_semaphore, #tpu.memory_space<semaphore_mem>>) src(%dma_wait3A_1218 : memref<80x128xf32, #tpu.memory_space<vmem>>) dst(%dma_wait3A_1224 : memref<10240x128xf32, #tpu.memory_space<vmem_shared>>)
      tpu.yield
    }) : () -> ()
    %mul3A_341 = arith.constant 640 : i32
    %mul3A_342 = arith.muli %arg1, %mul3A_341 : i32
    %add3A_343 = arith.constant 480 : i32
    %add3A_344 = arith.addi %mul3A_342, %add3A_343 : i32
    %add3A_345 = arith.constant 0 : i32
    %add3A_346 = arith.addi %add3A_344, %add3A_345 : i32
    %add3A_347 = vector.broadcast %add3A_346 : i32 to vector<16xi32>
    %add3A_348 = arith.addi %iota3A, %add3A_347 : vector<16xi32>
    %swap3A_349 = arith.constant 0 : i32
    %swap3A_350 = arith.index_cast %swap3A_349 : i32 to index
    %swap3A_351 = arith.constant 0 : index
    %swap3A_352 = tpu.vector_load %arg7[%swap3A_350, %swap3A_351] {strides = array<i32>} : memref<3x80xi32, #tpu.memory_space<vmem>>, vector<1x16xi32>,
    %swap3A_353 = vector.shape_cast %swap3A_352 : vector<1x16xi32> to vector<16xi32>
    %swap3A_354 = vector.shape_cast %add3A_348 : vector<16xi32> to vector<1x16xi32>
    tpu.vector_store %arg7[%swap3A_350, %swap3A_351], %swap3A_354 {strides = array<i32>} : memref<3x80xi32, #tpu.memory_space<vmem>>, vector<1x16xi32>,
    %add3A_355 = arith.constant 16 : i32
    %add3A_356 = arith.addi %add3A_344, %add3A_355 : i32
    %add3A_357 = vector.broadcast %add3A_356 : i32 to vector<16xi32>
    %add3A_358 = arith.addi %iota3A, %add3A_357 : vector<16xi32>
    %swap3A_359 = arith.constant 0 : i32
    %swap3A_360 = arith.index_cast %swap3A_359 : i32 to index
    %swap3A_361 = arith.constant 16 : index
    %swap3A_362 = tpu.vector_load %arg7[%swap3A_360, %swap3A_361] {strides = array<i32>} : memref<3x80xi32, #tpu.memory_space<vmem>>, vector<1x16xi32>,
    %swap3A_363 = vector.shape_cast %swap3A_362 : vector<1x16xi32> to vector<16xi32>
    %swap3A_364 = vector.shape_cast %add3A_358 : vector<16xi32> to vector<1x16xi32>
    tpu.vector_store %arg7[%swap3A_360, %swap3A_361], %swap3A_364 {strides = array<i32>} : memref<3x80xi32, #tpu.memory_space<vmem>>, vector<1x16xi32>,
    %add3A_365 = arith.constant 32 : i32
    %add3A_366 = arith.addi %add3A_344, %add3A_365 : i32
    %add3A_367 = vector.broadcast %add3A_366 : i32 to vector<16xi32>
    %add3A_368 = arith.addi %iota3A, %add3A_367 : vector<16xi32>
    %swap3A_369 = arith.constant 0 : i32
    %swap3A_370 = arith.index_cast %swap3A_369 : i32 to index
    %swap3A_371 = arith.constant 32 : index
    %swap3A_372 = tpu.vector_load %arg7[%swap3A_370, %swap3A_371] {strides = array<i32>} : memref<3x80xi32, #tpu.memory_space<vmem>>, vector<1x16xi32>,
    %swap3A_373 = vector.shape_cast %swap3A_372 : vector<1x16xi32> to vector<16xi32>
    %swap3A_374 = vector.shape_cast %add3A_368 : vector<16xi32> to vector<1x16xi32>
    tpu.vector_store %arg7[%swap3A_370, %swap3A_371], %swap3A_374 {strides = array<i32>} : memref<3x80xi32, #tpu.memory_space<vmem>>, vector<1x16xi32>,
    %add3A_375 = arith.constant 48 : i32
    %add3A_376 = arith.addi %add3A_344, %add3A_375 : i32
    %add3A_377 = vector.broadcast %add3A_376 : i32 to vector<16xi32>
    %add3A_378 = arith.addi %iota3A, %add3A_377 : vector<16xi32>
    %swap3A_379 = arith.constant 0 : i32
    %swap3A_380 = arith.index_cast %swap3A_379 : i32 to index
    %swap3A_381 = arith.constant 48 : index
    %swap3A_382 = tpu.vector_load %arg7[%swap3A_380, %swap3A_381] {strides = array<i32>} : memref<3x80xi32, #tpu.memory_space<vmem>>, vector<1x16xi32>,
    %swap3A_383 = vector.shape_cast %swap3A_382 : vector<1x16xi32> to vector<16xi32>
    %swap3A_384 = vector.shape_cast %add3A_378 : vector<16xi32> to vector<1x16xi32>
    tpu.vector_store %arg7[%swap3A_380, %swap3A_381], %swap3A_384 {strides = array<i32>} : memref<3x80xi32, #tpu.memory_space<vmem>>, vector<1x16xi32>,
    %add3A_385 = arith.constant 64 : i32
    %add3A_386 = arith.addi %add3A_344, %add3A_385 : i32
    %add3A_387 = vector.broadcast %add3A_386 : i32 to vector<16xi32>
    %add3A_388 = arith.addi %iota3A, %add3A_387 : vector<16xi32>
    %swap3A_389 = arith.constant 0 : i32
    %swap3A_390 = arith.index_cast %swap3A_389 : i32 to index
    %swap3A_391 = arith.constant 64 : index
    %swap3A_392 = tpu.vector_load %arg7[%swap3A_390, %swap3A_391] {strides = array<i32>} : memref<3x80xi32, #tpu.memory_space<vmem>>, vector<1x16xi32>,
    %swap3A_393 = vector.shape_cast %swap3A_392 : vector<1x16xi32> to vector<16xi32>
    %swap3A_394 = vector.shape_cast %add3A_388 : vector<16xi32> to vector<1x16xi32>
    tpu.vector_store %arg7[%swap3A_390, %swap3A_391], %swap3A_394 {strides = array<i32>} : memref<3x80xi32, #tpu.memory_space<vmem>>, vector<1x16xi32>,
    %run_scoped3A_395 = arith.constant 0 : i32
    %run_scoped3A_396 = arith.constant 0 : i32
    "tpu.region"() ({
      %run_scoped3A_1204 = tpu.sem_alloc : memref<!tpu.dma_semaphore, #tpu.memory_space<semaphore_mem>>
      %dma_start3A_1205 = arith.constant 0 : i32
      %dma_start3A_1206 = arith.constant 0 : i32
      %dma_start3A_1207 = tpu.memref_slice %arg10[%run_scoped3A_395, %dma_start3A_1205, %dma_start3A_1206] : memref<2x80x128xf32, #tpu.memory_space<vmem>> -> memref<1x80x128xf32, #tpu.memory_space<vmem>>
      %dma_start3A_1208 = tpu.memref_squeeze %dma_start3A_1207 : memref<1x80x128xf32, #tpu.memory_space<vmem>> -> memref<80x128xf32, #tpu.memory_space<vmem>>
      %dma_start3A_1209 = arith.constant 0 : i32
      %dma_start3A_1210 = tpu.memref_slice %arg7[%run_scoped3A_396, %dma_start3A_1209] : memref<3x80xi32, #tpu.memory_space<vmem>> -> memref<1x80xi32, #tpu.memory_space<vmem>>
      %dma_start3A_1211 = tpu.memref_squeeze %dma_start3A_1210 : memref<1x80xi32, #tpu.memory_space<vmem>> -> memref<80xi32, #tpu.memory_space<vmem>>
      %dma_start3A_1212 = arith.constant 0 : i32
      %dma_start3A_1213 = arith.constant 0 : i32
      %dma_start3A_1214 = tpu.memref_slice %arg16[%dma_start3A_1212, %dma_start3A_1213] : memref<10240x128xf32, #tpu.memory_space<vmem_shared>> -> memref<10240x128xf32, #tpu.memory_space<vmem_shared>>
      tpu.enqueue_indirect_dma source(%dma_start3A_1208 : memref<80x128xf32, #tpu.memory_space<vmem>>) target(%dma_start3A_1214 : memref<10240x128xf32, #tpu.memory_space<vmem_shared>>) offsets(%dma_start3A_1211 : memref<80xi32, #tpu.memory_space<vmem>>) semaphore(%run_scoped3A_1204 : memref<!tpu.dma_semaphore, #tpu.memory_space<semaphore_mem>>)
      %dma_wait3A_1215 = arith.constant 0 : i32
      %dma_wait3A_1216 = arith.constant 0 : i32
      %dma_wait3A_1217 = tpu.memref_slice %arg10[%run_scoped3A_395, %dma_wait3A_1215, %dma_wait3A_1216] : memref<2x80x128xf32, #tpu.memory_space<vmem>> -> memref<1x80x128xf32, #tpu.memory_space<vmem>>
      %dma_wait3A_1218 = tpu.memref_squeeze %dma_wait3A_1217 : memref<1x80x128xf32, #tpu.memory_space<vmem>> -> memref<80x128xf32, #tpu.memory_space<vmem>>
      %dma_wait3A_1219 = arith.constant 0 : i32
      %dma_wait3A_1220 = tpu.memref_slice %arg7[%run_scoped3A_396, %dma_wait3A_1219] : memref<3x80xi32, #tpu.memory_space<vmem>> -> memref<1x80xi32, #tpu.memory_space<vmem>>
      %dma_wait3A_1221 = tpu.memref_squeeze %dma_wait3A_1220 : memref<1x80xi32, #tpu.memory_space<vmem>> -> memref<80xi32, #tpu.memory_space<vmem>>
      %dma_wait3A_1222 = arith.constant 0 : i32
      %dma_wait3A_1223 = arith.constant 0 : i32
      %dma_wait3A_1224 = tpu.memref_slice %arg16[%dma_wait3A_1222, %dma_wait3A_1223] : memref<10240x128xf32, #tpu.memory_space<vmem_shared>> -> memref<10240x128xf32, #tpu.memory_space<vmem_shared>>
      tpu.wait_indirect_dma semaphore(%run_scoped3A_1204 : memref<!tpu.dma_semaphore, #tpu.memory_space<semaphore_mem>>) src(%dma_wait3A_1218 : memref<80x128xf32, #tpu.memory_space<vmem>>) dst(%dma_wait3A_1224 : memref<10240x128xf32, #tpu.memory_space<vmem_shared>>)
      tpu.yield
    }) : () -> ()
    %mul3A_397 = arith.constant 640 : i32
    %mul3A_398 = arith.muli %arg1, %mul3A_397 : i32
    %add3A_399 = arith.constant 560 : i32
    %add3A_400 = arith.addi %mul3A_398, %add3A_399 : i32
    %add3A_401 = arith.constant 0 : i32
    %add3A_402 = arith.addi %add3A_400, %add3A_401 : i32
    %add3A_403 = vector.broadcast %add3A_402 : i32 to vector<16xi32>
    %add3A_404 = arith.addi %iota3A, %add3A_403 : vector<16xi32>
    %swap3A_405 = arith.constant 0 : i32
    %swap3A_406 = arith.index_cast %swap3A_405 : i32 to index
    %swap3A_407 = arith.constant 0 : index
    %swap3A_408 = tpu.vector_load %arg7[%swap3A_406, %swap3A_407] {strides = array<i32>} : memref<3x80xi32, #tpu.memory_space<vmem>>, vector<1x16xi32>,
    %swap3A_409 = vector.shape_cast %swap3A_408 : vector<1x16xi32> to vector<16xi32>
    %swap3A_410 = vector.shape_cast %add3A_404 : vector<16xi32> to vector<1x16xi32>
    tpu.vector_store %arg7[%swap3A_406, %swap3A_407], %swap3A_410 {strides = array<i32>} : memref<3x80xi32, #tpu.memory_space<vmem>>, vector<1x16xi32>,
    %add3A_411 = arith.constant 16 : i32
    %add3A_412 = arith.addi %add3A_400, %add3A_411 : i32
    %add3A_413 = vector.broadcast %add3A_412 : i32 to vector<16xi32>
    %add3A_414 = arith.addi %iota3A, %add3A_413 : vector<16xi32>
    %swap3A_415 = arith.constant 0 : i32
    %swap3A_416 = arith.index_cast %swap3A_415 : i32 to index
    %swap3A_417 = arith.constant 16 : index
    %swap3A_418 = tpu.vector_load %arg7[%swap3A_416, %swap3A_417] {strides = array<i32>} : memref<3x80xi32, #tpu.memory_space<vmem>>, vector<1x16xi32>,
    %swap3A_419 = vector.shape_cast %swap3A_418 : vector<1x16xi32> to vector<16xi32>
    %swap3A_420 = vector.shape_cast %add3A_414 : vector<16xi32> to vector<1x16xi32>
    tpu.vector_store %arg7[%swap3A_416, %swap3A_417], %swap3A_420 {strides = array<i32>} : memref<3x80xi32, #tpu.memory_space<vmem>>, vector<1x16xi32>,
    %add3A_421 = arith.constant 32 : i32
    %add3A_422 = arith.addi %add3A_400, %add3A_421 : i32
    %add3A_423 = vector.broadcast %add3A_422 : i32 to vector<16xi32>
    %add3A_424 = arith.addi %iota3A, %add3A_423 : vector<16xi32>
    %swap3A_425 = arith.constant 0 : i32
    %swap3A_426 = arith.index_cast %swap3A_425 : i32 to index
    %swap3A_427 = arith.constant 32 : index
    %swap3A_428 = tpu.vector_load %arg7[%swap3A_426, %swap3A_427] {strides = array<i32>} : memref<3x80xi32, #tpu.memory_space<vmem>>, vector<1x16xi32>,
    %swap3A_429 = vector.shape_cast %swap3A_428 : vector<1x16xi32> to vector<16xi32>
    %swap3A_430 = vector.shape_cast %add3A_424 : vector<16xi32> to vector<1x16xi32>
    tpu.vector_store %arg7[%swap3A_426, %swap3A_427], %swap3A_430 {strides = array<i32>} : memref<3x80xi32, #tpu.memory_space<vmem>>, vector<1x16xi32>,
    %add3A_431 = arith.constant 48 : i32
    %add3A_432 = arith.addi %add3A_400, %add3A_431 : i32
    %add3A_433 = vector.broadcast %add3A_432 : i32 to vector<16xi32>
    %add3A_434 = arith.addi %iota3A, %add3A_433 : vector<16xi32>
    %swap3A_435 = arith.constant 0 : i32
    %swap3A_436 = arith.index_cast %swap3A_435 : i32 to index
    %swap3A_437 = arith.constant 48 : index
    %swap3A_438 = tpu.vector_load %arg7[%swap3A_436, %swap3A_437] {strides = array<i32>} : memref<3x80xi32, #tpu.memory_space<vmem>>, vector<1x16xi32>,
    %swap3A_439 = vector.shape_cast %swap3A_438 : vector<1x16xi32> to vector<16xi32>
    %swap3A_440 = vector.shape_cast %add3A_434 : vector<16xi32> to vector<1x16xi32>
    tpu.vector_store %arg7[%swap3A_436, %swap3A_437], %swap3A_440 {strides = array<i32>} : memref<3x80xi32, #tpu.memory_space<vmem>>, vector<1x16xi32>,
    %add3A_441 = arith.constant 64 : i32
    %add3A_442 = arith.addi %add3A_400, %add3A_441 : i32
    %add3A_443 = vector.broadcast %add3A_442 : i32 to vector<16xi32>
    %add3A_444 = arith.addi %iota3A, %add3A_443 : vector<16xi32>
    %swap3A_445 = arith.constant 0 : i32
    %swap3A_446 = arith.index_cast %swap3A_445 : i32 to index
    %swap3A_447 = arith.constant 64 : index
    %swap3A_448 = tpu.vector_load %arg7[%swap3A_446, %swap3A_447] {strides = array<i32>} : memref<3x80xi32, #tpu.memory_space<vmem>>, vector<1x16xi32>,
    %swap3A_449 = vector.shape_cast %swap3A_448 : vector<1x16xi32> to vector<16xi32>
    %swap3A_450 = vector.shape_cast %add3A_444 : vector<16xi32> to vector<1x16xi32>
    tpu.vector_store %arg7[%swap3A_446, %swap3A_447], %swap3A_450 {strides = array<i32>} : memref<3x80xi32, #tpu.memory_space<vmem>>, vector<1x16xi32>,
    %run_scoped3A_451 = arith.constant 0 : i32
    %run_scoped3A_452 = arith.constant 0 : i32
    "tpu.region"() ({
      %run_scoped3A_1204 = tpu.sem_alloc : memref<!tpu.dma_semaphore, #tpu.memory_space<semaphore_mem>>
      %dma_start3A_1205 = arith.constant 0 : i32
      %dma_start3A_1206 = arith.constant 0 : i32
      %dma_start3A_1207 = tpu.memref_slice %arg10[%run_scoped3A_451, %dma_start3A_1205, %dma_start3A_1206] : memref<2x80x128xf32, #tpu.memory_space<vmem>> -> memref<1x80x128xf32, #tpu.memory_space<vmem>>
      %dma_start3A_1208 = tpu.memref_squeeze %dma_start3A_1207 : memref<1x80x128xf32, #tpu.memory_space<vmem>> -> memref<80x128xf32, #tpu.memory_space<vmem>>
      %dma_start3A_1209 = arith.constant 0 : i32
      %dma_start3A_1210 = tpu.memref_slice %arg7[%run_scoped3A_452, %dma_start3A_1209] : memref<3x80xi32, #tpu.memory_space<vmem>> -> memref<1x80xi32, #tpu.memory_space<vmem>>
      %dma_start3A_1211 = tpu.memref_squeeze %dma_start3A_1210 : memref<1x80xi32, #tpu.memory_space<vmem>> -> memref<80xi32, #tpu.memory_space<vmem>>
      %dma_start3A_1212 = arith.constant 0 : i32
      %dma_start3A_1213 = arith.constant 0 : i32
      %dma_start3A_1214 = tpu.memref_slice %arg16[%dma_start3A_1212, %dma_start3A_1213] : memref<10240x128xf32, #tpu.memory_space<vmem_shared>> -> memref<10240x128xf32, #tpu.memory_space<vmem_shared>>
      tpu.enqueue_indirect_dma source(%dma_start3A_1208 : memref<80x128xf32, #tpu.memory_space<vmem>>) target(%dma_start3A_1214 : memref<10240x128xf32, #tpu.memory_space<vmem_shared>>) offsets(%dma_start3A_1211 : memref<80xi32, #tpu.memory_space<vmem>>) semaphore(%run_scoped3A_1204 : memref<!tpu.dma_semaphore, #tpu.memory_space<semaphore_mem>>)
      %dma_wait3A_1215 = arith.constant 0 : i32
      %dma_wait3A_1216 = arith.constant 0 : i32
      %dma_wait3A_1217 = tpu.memref_slice %arg10[%run_scoped3A_451, %dma_wait3A_1215, %dma_wait3A_1216] : memref<2x80x128xf32, #tpu.memory_space<vmem>> -> memref<1x80x128xf32, #tpu.memory_space<vmem>>
      %dma_wait3A_1218 = tpu.memref_squeeze %dma_wait3A_1217 : memref<1x80x128xf32, #tpu.memory_space<vmem>> -> memref<80x128xf32, #tpu.memory_space<vmem>>
      %dma_wait3A_1219 = arith.constant 0 : i32
      %dma_wait3A_1220 = tpu.memref_slice %arg7[%run_scoped3A_452, %dma_wait3A_1219] : memref<3x80xi32, #tpu.memory_space<vmem>> -> memref<1x80xi32, #tpu.memory_space<vmem>>
      %dma_wait3A_1221 = tpu.memref_squeeze %dma_wait3A_1220 : memref<1x80xi32, #tpu.memory_space<vmem>> -> memref<80xi32, #tpu.memory_space<vmem>>
      %dma_wait3A_1222 = arith.constant 0 : i32
      %dma_wait3A_1223 = arith.constant 0 : i32
      %dma_wait3A_1224 = tpu.memref_slice %arg16[%dma_wait3A_1222, %dma_wait3A_1223] : memref<10240x128xf32, #tpu.memory_space<vmem_shared>> -> memref<10240x128xf32, #tpu.memory_space<vmem_shared>>
      tpu.wait_indirect_dma semaphore(%run_scoped3A_1204 : memref<!tpu.dma_semaphore, #tpu.memory_space<semaphore_mem>>) src(%dma_wait3A_1218 : memref<80x128xf32, #tpu.memory_space<vmem>>) dst(%dma_wait3A_1224 : memref<10240x128xf32, #tpu.memory_space<vmem_shared>>)
      tpu.yield
    }) : () -> ()
    "tpu.region"() ({
      %run_scoped3A_1204 = tpu.sem_alloc : memref<!tpu.dma_semaphore, #tpu.memory_space<semaphore_mem>>
      tpu.enqueue_dma source(%arg5 : memref<128xf32, #tpu.memory_space<hbm>>) target(%arg12 : memref<128xf32, #tpu.memory_space<vmem>>) target_semaphore(%run_scoped3A_1204 : memref<!tpu.dma_semaphore, #tpu.memory_space<semaphore_mem>>)
      tpu.wait_dma2 semaphore(%run_scoped3A_1204 : memref<!tpu.dma_semaphore, #tpu.memory_space<semaphore_mem>>) src(%arg5 : memref<128xf32, #tpu.memory_space<hbm>>) dst(%arg12 : memref<128xf32, #tpu.memory_space<vmem>>)
      tpu.yield
    }) : () -> ()
    %barrier3A = arith.constant 0 : index
    tpu.barrier barrier_id(%barrier3A)
    %mul3A_453 = arith.constant 10000 : i32
    %mul3A_454 = arith.muli %add3A, %mul3A_453 : i32
    %add3A_455 = arith.constant 0 : i32
    %add3A_456 = arith.addi %mul3A_454, %add3A_455 : i32
    %dma_start3A = arith.constant 0 : i32
    %dma_start3A_457 = arith.constant 0 : i32
    %dma_start3A_458 = arith.constant 0 : i32
    %dma_start3A_459 = tpu.memref_slice %arg7[%dma_start3A, %dma_start3A_458] : memref<3x80xi32, #tpu.memory_space<vmem>> -> memref<1x80xi32, #tpu.memory_space<vmem>>
    %dma_start3A_460 = tpu.memref_squeeze %dma_start3A_459 : memref<1x80xi32, #tpu.memory_space<vmem>> -> memref<80xi32, #tpu.memory_space<vmem>>
    %dma_start3A_461 = tpu.memref_slice %arg2[%add3A_456] : memref<320000xi32, #tpu.memory_space<hbm>> -> memref<80xi32, #tpu.memory_space<hbm>>
    %dma_start3A_462 = tpu.memref_slice %arg13[%dma_start3A_457] : memref<3x!tpu.dma_semaphore, #tpu.memory_space<semaphore_mem>> -> memref<1x!tpu.dma_semaphore, #tpu.memory_space<semaphore_mem>>
    %dma_start3A_463 = tpu.memref_squeeze %dma_start3A_462 : memref<1x!tpu.dma_semaphore, #tpu.memory_space<semaphore_mem>> -> memref<!tpu.dma_semaphore, #tpu.memory_space<semaphore_mem>>
    %dma_start3A_464 = arith.constant 0 : i32
    %dma_start3A_465 = tpu.memref_slice %arg7[%dma_start3A, %dma_start3A_464] : memref<3x80xi32, #tpu.memory_space<vmem>> -> memref<1x80xi32, #tpu.memory_space<vmem>>
    %dma_start3A_466 = tpu.memref_squeeze %dma_start3A_465 : memref<1x80xi32, #tpu.memory_space<vmem>> -> memref<80xi32, #tpu.memory_space<vmem>>
    %dma_start3A_467 = tpu.memref_slice %arg2[%add3A_456] : memref<320000xi32, #tpu.memory_space<hbm>> -> memref<80xi32, #tpu.memory_space<hbm>>
    tpu.enqueue_dma source(%dma_start3A_467 : memref<80xi32, #tpu.memory_space<hbm>>) target(%dma_start3A_466 : memref<80xi32, #tpu.memory_space<vmem>>) target_semaphore(%dma_start3A_463 : memref<!tpu.dma_semaphore, #tpu.memory_space<semaphore_mem>>)
    %dma_start3A_468 = arith.constant 0 : i32
    %dma_start3A_469 = arith.constant 0 : i32
    %dma_start3A_470 = arith.constant 0 : i32
    %dma_start3A_471 = tpu.memref_slice %arg8[%dma_start3A_468, %dma_start3A_470] : memref<3x80xi32, #tpu.memory_space<vmem>> -> memref<1x80xi32, #tpu.memory_space<vmem>>
    %dma_start3A_472 = tpu.memref_squeeze %dma_start3A_471 : memref<1x80xi32, #tpu.memory_space<vmem>> -> memref<80xi32, #tpu.memory_space<vmem>>
    %dma_start3A_473 = tpu.memref_slice %arg3[%add3A_456] : memref<320000xi32, #tpu.memory_space<hbm>> -> memref<80xi32, #tpu.memory_space<hbm>>
    %dma_start3A_474 = tpu.memref_slice %arg13[%dma_start3A_469] : memref<3x!tpu.dma_semaphore, #tpu.memory_space<semaphore_mem>> -> memref<1x!tpu.dma_semaphore, #tpu.memory_space<semaphore_mem>>
    %dma_start3A_475 = tpu.memref_squeeze %dma_start3A_474 : memref<1x!tpu.dma_semaphore, #tpu.memory_space<semaphore_mem>> -> memref<!tpu.dma_semaphore, #tpu.memory_space<semaphore_mem>>
    %dma_start3A_476 = arith.constant 0 : i32
    %dma_start3A_477 = tpu.memref_slice %arg8[%dma_start3A_468, %dma_start3A_476] : memref<3x80xi32, #tpu.memory_space<vmem>> -> memref<1x80xi32, #tpu.memory_space<vmem>>
    %dma_start3A_478 = tpu.memref_squeeze %dma_start3A_477 : memref<1x80xi32, #tpu.memory_space<vmem>> -> memref<80xi32, #tpu.memory_space<vmem>>
    %dma_start3A_479 = tpu.memref_slice %arg3[%add3A_456] : memref<320000xi32, #tpu.memory_space<hbm>> -> memref<80xi32, #tpu.memory_space<hbm>>
    tpu.enqueue_dma source(%dma_start3A_479 : memref<80xi32, #tpu.memory_space<hbm>>) target(%dma_start3A_478 : memref<80xi32, #tpu.memory_space<vmem>>) target_semaphore(%dma_start3A_475 : memref<!tpu.dma_semaphore, #tpu.memory_space<semaphore_mem>>)
    %mul3A_480 = arith.constant 10000 : i32
    %mul3A_481 = arith.muli %add3A, %mul3A_480 : i32
    %add3A_482 = arith.constant 80 : i32
    %add3A_483 = arith.addi %mul3A_481, %add3A_482 : i32
    %dma_start3A_484 = arith.constant 1 : i32
    %dma_start3A_485 = arith.constant 1 : i32
    %dma_start3A_486 = arith.constant 0 : i32
    %dma_start3A_487 = tpu.memref_slice %arg7[%dma_start3A_484, %dma_start3A_486] : memref<3x80xi32, #tpu.memory_space<vmem>> -> memref<1x80xi32, #tpu.memory_space<vmem>>
    %dma_start3A_488 = tpu.memref_squeeze %dma_start3A_487 : memref<1x80xi32, #tpu.memory_space<vmem>> -> memref<80xi32, #tpu.memory_space<vmem>>
    %dma_start3A_489 = tpu.memref_slice %arg2[%add3A_483] : memref<320000xi32, #tpu.memory_space<hbm>> -> memref<80xi32, #tpu.memory_space<hbm>>
    %dma_start3A_490 = tpu.memref_slice %arg13[%dma_start3A_485] : memref<3x!tpu.dma_semaphore, #tpu.memory_space<semaphore_mem>> -> memref<1x!tpu.dma_semaphore, #tpu.memory_space<semaphore_mem>>
    %dma_start3A_491 = tpu.memref_squeeze %dma_start3A_490 : memref<1x!tpu.dma_semaphore, #tpu.memory_space<semaphore_mem>> -> memref<!tpu.dma_semaphore, #tpu.memory_space<semaphore_mem>>
    %dma_start3A_492 = arith.constant 0 : i32
    %dma_start3A_493 = tpu.memref_slice %arg7[%dma_start3A_484, %dma_start3A_492] : memref<3x80xi32, #tpu.memory_space<vmem>> -> memref<1x80xi32, #tpu.memory_space<vmem>>
    %dma_start3A_494 = tpu.memref_squeeze %dma_start3A_493 : memref<1x80xi32, #tpu.memory_space<vmem>> -> memref<80xi32, #tpu.memory_space<vmem>>
    %dma_start3A_495 = tpu.memref_slice %arg2[%add3A_483] : memref<320000xi32, #tpu.memory_space<hbm>> -> memref<80xi32, #tpu.memory_space<hbm>>
    tpu.enqueue_dma source(%dma_start3A_495 : memref<80xi32, #tpu.memory_space<hbm>>) target(%dma_start3A_494 : memref<80xi32, #tpu.memory_space<vmem>>) target_semaphore(%dma_start3A_491 : memref<!tpu.dma_semaphore, #tpu.memory_space<semaphore_mem>>)
    %dma_start3A_496 = arith.constant 1 : i32
    %dma_start3A_497 = arith.constant 1 : i32
    %dma_start3A_498 = arith.constant 0 : i32
    %dma_start3A_499 = tpu.memref_slice %arg8[%dma_start3A_496, %dma_start3A_498] : memref<3x80xi32, #tpu.memory_space<vmem>> -> memref<1x80xi32, #tpu.memory_space<vmem>>
    %dma_start3A_500 = tpu.memref_squeeze %dma_start3A_499 : memref<1x80xi32, #tpu.memory_space<vmem>> -> memref<80xi32, #tpu.memory_space<vmem>>
    %dma_start3A_501 = tpu.memref_slice %arg3[%add3A_483] : memref<320000xi32, #tpu.memory_space<hbm>> -> memref<80xi32, #tpu.memory_space<hbm>>
    %dma_start3A_502 = tpu.memref_slice %arg13[%dma_start3A_497] : memref<3x!tpu.dma_semaphore, #tpu.memory_space<semaphore_mem>> -> memref<1x!tpu.dma_semaphore, #tpu.memory_space<semaphore_mem>>
    %dma_start3A_503 = tpu.memref_squeeze %dma_start3A_502 : memref<1x!tpu.dma_semaphore, #tpu.memory_space<semaphore_mem>> -> memref<!tpu.dma_semaphore, #tpu.memory_space<semaphore_mem>>
    %dma_start3A_504 = arith.constant 0 : i32
    %dma_start3A_505 = tpu.memref_slice %arg8[%dma_start3A_496, %dma_start3A_504] : memref<3x80xi32, #tpu.memory_space<vmem>> -> memref<1x80xi32, #tpu.memory_space<vmem>>
    %dma_start3A_506 = tpu.memref_squeeze %dma_start3A_505 : memref<1x80xi32, #tpu.memory_space<vmem>> -> memref<80xi32, #tpu.memory_space<vmem>>
    %dma_start3A_507 = tpu.memref_slice %arg3[%add3A_483] : memref<320000xi32, #tpu.memory_space<hbm>> -> memref<80xi32, #tpu.memory_space<hbm>>
    tpu.enqueue_dma source(%dma_start3A_507 : memref<80xi32, #tpu.memory_space<hbm>>) target(%dma_start3A_506 : memref<80xi32, #tpu.memory_space<vmem>>) target_semaphore(%dma_start3A_503 : memref<!tpu.dma_semaphore, #tpu.memory_space<semaphore_mem>>)
    %dma_wait3A = arith.constant 0 : i32
    %dma_wait3A_508 = arith.constant 0 : i32
    %dma_wait3A_509 = arith.constant 0 : i32
    %dma_wait3A_510 = tpu.memref_slice %arg7[%dma_wait3A, %dma_wait3A_509] : memref<3x80xi32, #tpu.memory_space<vmem>> -> memref<1x80xi32, #tpu.memory_space<vmem>>
    %dma_wait3A_511 = tpu.memref_squeeze %dma_wait3A_510 : memref<1x80xi32, #tpu.memory_space<vmem>> -> memref<80xi32, #tpu.memory_space<vmem>>
    %dma_wait3A_512 = arith.constant 0 : i32
    %dma_wait3A_513 = tpu.memref_slice %arg2[%dma_wait3A_512] : memref<320000xi32, #tpu.memory_space<hbm>> -> memref<80xi32, #tpu.memory_space<hbm>>
    %dma_wait3A_514 = tpu.memref_slice %arg13[%dma_wait3A_508] : memref<3x!tpu.dma_semaphore, #tpu.memory_space<semaphore_mem>> -> memref<1x!tpu.dma_semaphore, #tpu.memory_space<semaphore_mem>>
    %dma_wait3A_515 = tpu.memref_squeeze %dma_wait3A_514 : memref<1x!tpu.dma_semaphore, #tpu.memory_space<semaphore_mem>> -> memref<!tpu.dma_semaphore, #tpu.memory_space<semaphore_mem>>
    %dma_wait3A_516 = arith.constant 0 : i32
    %dma_wait3A_517 = tpu.memref_slice %arg7[%dma_wait3A, %dma_wait3A_516] : memref<3x80xi32, #tpu.memory_space<vmem>> -> memref<1x80xi32, #tpu.memory_space<vmem>>
    %dma_wait3A_518 = tpu.memref_squeeze %dma_wait3A_517 : memref<1x80xi32, #tpu.memory_space<vmem>> -> memref<80xi32, #tpu.memory_space<vmem>>
    %dma_wait3A_519 = arith.constant 0 : i32
    %dma_wait3A_520 = tpu.memref_slice %arg2[%dma_wait3A_519] : memref<320000xi32, #tpu.memory_space<hbm>> -> memref<80xi32, #tpu.memory_space<hbm>>
    tpu.wait_dma2 semaphore(%dma_wait3A_515 : memref<!tpu.dma_semaphore, #tpu.memory_space<semaphore_mem>>) src(%dma_wait3A_520 : memref<80xi32, #tpu.memory_space<hbm>>) dst(%dma_wait3A_518 : memref<80xi32, #tpu.memory_space<vmem>>)
    %dma_wait3A_521 = arith.constant 0 : i32
    %dma_wait3A_522 = arith.constant 0 : i32
    %dma_wait3A_523 = arith.constant 0 : i32
    %dma_wait3A_524 = tpu.memref_slice %arg8[%dma_wait3A_521, %dma_wait3A_523] : memref<3x80xi32, #tpu.memory_space<vmem>> -> memref<1x80xi32, #tpu.memory_space<vmem>>
    %dma_wait3A_525 = tpu.memref_squeeze %dma_wait3A_524 : memref<1x80xi32, #tpu.memory_space<vmem>> -> memref<80xi32, #tpu.memory_space<vmem>>
    %dma_wait3A_526 = arith.constant 0 : i32
    %dma_wait3A_527 = tpu.memref_slice %arg3[%dma_wait3A_526] : memref<320000xi32, #tpu.memory_space<hbm>> -> memref<80xi32, #tpu.memory_space<hbm>>
    %dma_wait3A_528 = tpu.memref_slice %arg13[%dma_wait3A_522] : memref<3x!tpu.dma_semaphore, #tpu.memory_space<semaphore_mem>> -> memref<1x!tpu.dma_semaphore, #tpu.memory_space<semaphore_mem>>
    %dma_wait3A_529 = tpu.memref_squeeze %dma_wait3A_528 : memref<1x!tpu.dma_semaphore, #tpu.memory_space<semaphore_mem>> -> memref<!tpu.dma_semaphore, #tpu.memory_space<semaphore_mem>>
    %dma_wait3A_530 = arith.constant 0 : i32
    %dma_wait3A_531 = tpu.memref_slice %arg8[%dma_wait3A_521, %dma_wait3A_530] : memref<3x80xi32, #tpu.memory_space<vmem>> -> memref<1x80xi32, #tpu.memory_space<vmem>>
    %dma_wait3A_532 = tpu.memref_squeeze %dma_wait3A_531 : memref<1x80xi32, #tpu.memory_space<vmem>> -> memref<80xi32, #tpu.memory_space<vmem>>
    %dma_wait3A_533 = arith.constant 0 : i32
    %dma_wait3A_534 = tpu.memref_slice %arg3[%dma_wait3A_533] : memref<320000xi32, #tpu.memory_space<hbm>> -> memref<80xi32, #tpu.memory_space<hbm>>
    tpu.wait_dma2 semaphore(%dma_wait3A_529 : memref<!tpu.dma_semaphore, #tpu.memory_space<semaphore_mem>>) src(%dma_wait3A_534 : memref<80xi32, #tpu.memory_space<hbm>>) dst(%dma_wait3A_532 : memref<80xi32, #tpu.memory_space<vmem>>)
    %dma_start3A_535 = arith.constant 0 : i32
    %dma_start3A_536 = arith.constant 0 : i32
    %dma_start3A_537 = arith.constant 0 : i32
    %dma_start3A_538 = arith.constant 0 : i32
    %dma_start3A_539 = arith.constant 0 : i32
    %dma_start3A_540 = tpu.memref_slice %arg10[%dma_start3A_536, %dma_start3A_538, %dma_start3A_539] : memref<2x80x128xf32, #tpu.memory_space<vmem>> -> memref<1x80x128xf32, #tpu.memory_space<vmem>>
    %dma_start3A_541 = tpu.memref_squeeze %dma_start3A_540 : memref<1x80x128xf32, #tpu.memory_space<vmem>> -> memref<80x128xf32, #tpu.memory_space<vmem>>
    %dma_start3A_542 = arith.constant 0 : i32
    %dma_start3A_543 = tpu.memref_slice %arg7[%dma_start3A_535, %dma_start3A_542] : memref<3x80xi32, #tpu.memory_space<vmem>> -> memref<1x80xi32, #tpu.memory_space<vmem>>
    %dma_start3A_544 = tpu.memref_squeeze %dma_start3A_543 : memref<1x80xi32, #tpu.memory_space<vmem>> -> memref<80xi32, #tpu.memory_space<vmem>>
    %dma_start3A_545 = arith.constant 0 : i32
    %dma_start3A_546 = arith.constant 0 : i32
    %dma_start3A_547 = tpu.memref_slice %arg4[%dma_start3A_545, %dma_start3A_546] : memref<10240x128xf32, #tpu.memory_space<hbm>> -> memref<10240x128xf32, #tpu.memory_space<hbm>>
    %dma_start3A_548 = tpu.memref_slice %arg14[%dma_start3A_537] : memref<2x!tpu.dma_semaphore, #tpu.memory_space<semaphore_mem>> -> memref<1x!tpu.dma_semaphore, #tpu.memory_space<semaphore_mem>>
    %dma_start3A_549 = tpu.memref_squeeze %dma_start3A_548 : memref<1x!tpu.dma_semaphore, #tpu.memory_space<semaphore_mem>> -> memref<!tpu.dma_semaphore, #tpu.memory_space<semaphore_mem>>
    tpu.enqueue_indirect_dma source(%dma_start3A_547 : memref<10240x128xf32, #tpu.memory_space<hbm>>) target(%dma_start3A_541 : memref<80x128xf32, #tpu.memory_space<vmem>>) offsets(%dma_start3A_544 : memref<80xi32, #tpu.memory_space<vmem>>) semaphore(%dma_start3A_549 : memref<!tpu.dma_semaphore, #tpu.memory_space<semaphore_mem>>)
    %dma_start3A_550 = arith.constant 0 : i32
    %dma_start3A_551 = arith.constant 0 : i32
    %dma_start3A_552 = arith.constant 0 : i32
    %dma_start3A_553 = arith.constant 0 : i32
    %dma_start3A_554 = arith.constant 0 : i32
    %dma_start3A_555 = tpu.memref_slice %arg11[%dma_start3A_551, %dma_start3A_553, %dma_start3A_554] : memref<2x80x128xf32, #tpu.memory_space<vmem>> -> memref<1x80x128xf32, #tpu.memory_space<vmem>>
    %dma_start3A_556 = tpu.memref_squeeze %dma_start3A_555 : memref<1x80x128xf32, #tpu.memory_space<vmem>> -> memref<80x128xf32, #tpu.memory_space<vmem>>
    %dma_start3A_557 = arith.constant 0 : i32
    %dma_start3A_558 = tpu.memref_slice %arg8[%dma_start3A_550, %dma_start3A_557] : memref<3x80xi32, #tpu.memory_space<vmem>> -> memref<1x80xi32, #tpu.memory_space<vmem>>
    %dma_start3A_559 = tpu.memref_squeeze %dma_start3A_558 : memref<1x80xi32, #tpu.memory_space<vmem>> -> memref<80xi32, #tpu.memory_space<vmem>>
    %dma_start3A_560 = arith.constant 0 : i32
    %dma_start3A_561 = arith.constant 0 : i32
    %dma_start3A_562 = tpu.memref_slice %arg4[%dma_start3A_560, %dma_start3A_561] : memref<10240x128xf32, #tpu.memory_space<hbm>> -> memref<10240x128xf32, #tpu.memory_space<hbm>>
    %dma_start3A_563 = tpu.memref_slice %arg14[%dma_start3A_552] : memref<2x!tpu.dma_semaphore, #tpu.memory_space<semaphore_mem>> -> memref<1x!tpu.dma_semaphore, #tpu.memory_space<semaphore_mem>>
    %dma_start3A_564 = tpu.memref_squeeze %dma_start3A_563 : memref<1x!tpu.dma_semaphore, #tpu.memory_space<semaphore_mem>> -> memref<!tpu.dma_semaphore, #tpu.memory_space<semaphore_mem>>
    tpu.enqueue_indirect_dma source(%dma_start3A_562 : memref<10240x128xf32, #tpu.memory_space<hbm>>) target(%dma_start3A_556 : memref<80x128xf32, #tpu.memory_space<vmem>>) offsets(%dma_start3A_559 : memref<80xi32, #tpu.memory_space<vmem>>) semaphore(%dma_start3A_564 : memref<!tpu.dma_semaphore, #tpu.memory_space<semaphore_mem>>)
    %scan3A_565 = arith.constant 0 : i32
    %scan3A_566 = arith.constant 0 : i32
    %scan3A_567 = arith.constant 125 : i32
    %scan3A_568 = arith.addi %scan3A_566, %scan3A_567 : i32
    %scan3A_569 = arith.constant 1 : i32
    scf.for %scan3A_1204 = %scan3A_566 to %scan3A_568 step %scan3A_569  : i32 {
      %rem3A = arith.constant 2 : i32
      %rem3A_1205 = arith.remsi %scan3A_1204, %rem3A : i32
      %rem3A_1206 = arith.constant 3 : i32
      %rem3A_1207 = arith.remsi %scan3A_1204, %rem3A_1206 : i32
      %add3A_1208 = arith.constant 1 : i32
      %add3A_1209 = arith.addi %scan3A_1204, %add3A_1208 : i32
      %lt3A = arith.constant 125 : i32
      %lt3A_1210 = arith.cmpi slt, %add3A_1209, %lt3A : i32
      %convert_element_type3A = arith.extui %lt3A_1210 : i1 to i32
      %cond3A = arith.constant 0 : i32
      %cond3A_1211 = arith.cmpi ne, %convert_element_type3A, %cond3A : i32
      scf.if %cond3A_1211 {
        %add3A_1322 = arith.constant 1 : i32
        %add3A_1323 = arith.addi %scan3A_1204, %add3A_1322 : i32
        %rem3A_1324 = arith.constant 3 : i32
        %rem3A_1325 = arith.remsi %add3A_1323, %rem3A_1324 : i32
        %dma_wait3A_1326 = arith.constant 0 : i32
        %dma_wait3A_1327 = tpu.memref_slice %arg7[%rem3A_1325, %dma_wait3A_1326] : memref<3x80xi32, #tpu.memory_space<vmem>> -> memref<1x80xi32, #tpu.memory_space<vmem>>
        %dma_wait3A_1328 = tpu.memref_squeeze %dma_wait3A_1327 : memref<1x80xi32, #tpu.memory_space<vmem>> -> memref<80xi32, #tpu.memory_space<vmem>>
        %dma_wait3A_1329 = arith.constant 0 : i32
        %dma_wait3A_1330 = tpu.memref_slice %arg2[%dma_wait3A_1329] : memref<320000xi32, #tpu.memory_space<hbm>> -> memref<80xi32, #tpu.memory_space<hbm>>
        %dma_wait3A_1331 = tpu.memref_slice %arg13[%rem3A_1325] : memref<3x!tpu.dma_semaphore, #tpu.memory_space<semaphore_mem>> -> memref<1x!tpu.dma_semaphore, #tpu.memory_space<semaphore_mem>>
        %dma_wait3A_1332 = tpu.memref_squeeze %dma_wait3A_1331 : memref<1x!tpu.dma_semaphore, #tpu.memory_space<semaphore_mem>> -> memref<!tpu.dma_semaphore, #tpu.memory_space<semaphore_mem>>
        %dma_wait3A_1333 = arith.constant 0 : i32
        %dma_wait3A_1334 = tpu.memref_slice %arg7[%rem3A_1325, %dma_wait3A_1333] : memref<3x80xi32, #tpu.memory_space<vmem>> -> memref<1x80xi32, #tpu.memory_space<vmem>>
        %dma_wait3A_1335 = tpu.memref_squeeze %dma_wait3A_1334 : memref<1x80xi32, #tpu.memory_space<vmem>> -> memref<80xi32, #tpu.memory_space<vmem>>
        %dma_wait3A_1336 = arith.constant 0 : i32
        %dma_wait3A_1337 = tpu.memref_slice %arg2[%dma_wait3A_1336] : memref<320000xi32, #tpu.memory_space<hbm>> -> memref<80xi32, #tpu.memory_space<hbm>>
        tpu.wait_dma2 semaphore(%dma_wait3A_1332 : memref<!tpu.dma_semaphore, #tpu.memory_space<semaphore_mem>>) src(%dma_wait3A_1337 : memref<80xi32, #tpu.memory_space<hbm>>) dst(%dma_wait3A_1335 : memref<80xi32, #tpu.memory_space<vmem>>)
        %dma_wait3A_1338 = arith.constant 0 : i32
        %dma_wait3A_1339 = tpu.memref_slice %arg8[%rem3A_1325, %dma_wait3A_1338] : memref<3x80xi32, #tpu.memory_space<vmem>> -> memref<1x80xi32, #tpu.memory_space<vmem>>
        %dma_wait3A_1340 = tpu.memref_squeeze %dma_wait3A_1339 : memref<1x80xi32, #tpu.memory_space<vmem>> -> memref<80xi32, #tpu.memory_space<vmem>>
        %dma_wait3A_1341 = arith.constant 0 : i32
        %dma_wait3A_1342 = tpu.memref_slice %arg3[%dma_wait3A_1341] : memref<320000xi32, #tpu.memory_space<hbm>> -> memref<80xi32, #tpu.memory_space<hbm>>
        %dma_wait3A_1343 = tpu.memref_slice %arg13[%rem3A_1325] : memref<3x!tpu.dma_semaphore, #tpu.memory_space<semaphore_mem>> -> memref<1x!tpu.dma_semaphore, #tpu.memory_space<semaphore_mem>>
        %dma_wait3A_1344 = tpu.memref_squeeze %dma_wait3A_1343 : memref<1x!tpu.dma_semaphore, #tpu.memory_space<semaphore_mem>> -> memref<!tpu.dma_semaphore, #tpu.memory_space<semaphore_mem>>
        %dma_wait3A_1345 = arith.constant 0 : i32
        %dma_wait3A_1346 = tpu.memref_slice %arg8[%rem3A_1325, %dma_wait3A_1345] : memref<3x80xi32, #tpu.memory_space<vmem>> -> memref<1x80xi32, #tpu.memory_space<vmem>>
        %dma_wait3A_1347 = tpu.memref_squeeze %dma_wait3A_1346 : memref<1x80xi32, #tpu.memory_space<vmem>> -> memref<80xi32, #tpu.memory_space<vmem>>
        %dma_wait3A_1348 = arith.constant 0 : i32
        %dma_wait3A_1349 = tpu.memref_slice %arg3[%dma_wait3A_1348] : memref<320000xi32, #tpu.memory_space<hbm>> -> memref<80xi32, #tpu.memory_space<hbm>>
        tpu.wait_dma2 semaphore(%dma_wait3A_1344 : memref<!tpu.dma_semaphore, #tpu.memory_space<semaphore_mem>>) src(%dma_wait3A_1349 : memref<80xi32, #tpu.memory_space<hbm>>) dst(%dma_wait3A_1347 : memref<80xi32, #tpu.memory_space<vmem>>)
        %add3A_1350 = arith.constant 1 : i32
        %add3A_1351 = arith.addi %scan3A_1204, %add3A_1350 : i32
        %rem3A_1352 = arith.constant 2 : i32
        %rem3A_1353 = arith.remsi %add3A_1351, %rem3A_1352 : i32
        %add3A_1354 = arith.constant 1 : i32
        %add3A_1355 = arith.addi %scan3A_1204, %add3A_1354 : i32
        %rem3A_1356 = arith.constant 3 : i32
        %rem3A_1357 = arith.remsi %add3A_1355, %rem3A_1356 : i32
        %dma_start3A_1358 = arith.constant 0 : i32
        %dma_start3A_1359 = arith.constant 0 : i32
        %dma_start3A_1360 = tpu.memref_slice %arg10[%rem3A_1353, %dma_start3A_1358, %dma_start3A_1359] : memref<2x80x128xf32, #tpu.memory_space<vmem>> -> memref<1x80x128xf32, #tpu.memory_space<vmem>>
        %dma_start3A_1361 = tpu.memref_squeeze %dma_start3A_1360 : memref<1x80x128xf32, #tpu.memory_space<vmem>> -> memref<80x128xf32, #tpu.memory_space<vmem>>
        %dma_start3A_1362 = arith.constant 0 : i32
        %dma_start3A_1363 = tpu.memref_slice %arg7[%rem3A_1357, %dma_start3A_1362] : memref<3x80xi32, #tpu.memory_space<vmem>> -> memref<1x80xi32, #tpu.memory_space<vmem>>
        %dma_start3A_1364 = tpu.memref_squeeze %dma_start3A_1363 : memref<1x80xi32, #tpu.memory_space<vmem>> -> memref<80xi32, #tpu.memory_space<vmem>>
        %dma_start3A_1365 = arith.constant 0 : i32
        %dma_start3A_1366 = arith.constant 0 : i32
        %dma_start3A_1367 = tpu.memref_slice %arg4[%dma_start3A_1365, %dma_start3A_1366] : memref<10240x128xf32, #tpu.memory_space<hbm>> -> memref<10240x128xf32, #tpu.memory_space<hbm>>
        %dma_start3A_1368 = tpu.memref_slice %arg14[%rem3A_1353] : memref<2x!tpu.dma_semaphore, #tpu.memory_space<semaphore_mem>> -> memref<1x!tpu.dma_semaphore, #tpu.memory_space<semaphore_mem>>
        %dma_start3A_1369 = tpu.memref_squeeze %dma_start3A_1368 : memref<1x!tpu.dma_semaphore, #tpu.memory_space<semaphore_mem>> -> memref<!tpu.dma_semaphore, #tpu.memory_space<semaphore_mem>>
        tpu.enqueue_indirect_dma source(%dma_start3A_1367 : memref<10240x128xf32, #tpu.memory_space<hbm>>) target(%dma_start3A_1361 : memref<80x128xf32, #tpu.memory_space<vmem>>) offsets(%dma_start3A_1364 : memref<80xi32, #tpu.memory_space<vmem>>) semaphore(%dma_start3A_1369 : memref<!tpu.dma_semaphore, #tpu.memory_space<semaphore_mem>>)
        %dma_start3A_1370 = arith.constant 0 : i32
        %dma_start3A_1371 = arith.constant 0 : i32
        %dma_start3A_1372 = tpu.memref_slice %arg11[%rem3A_1353, %dma_start3A_1370, %dma_start3A_1371] : memref<2x80x128xf32, #tpu.memory_space<vmem>> -> memref<1x80x128xf32, #tpu.memory_space<vmem>>
        %dma_start3A_1373 = tpu.memref_squeeze %dma_start3A_1372 : memref<1x80x128xf32, #tpu.memory_space<vmem>> -> memref<80x128xf32, #tpu.memory_space<vmem>>
        %dma_start3A_1374 = arith.constant 0 : i32
        %dma_start3A_1375 = tpu.memref_slice %arg8[%rem3A_1357, %dma_start3A_1374] : memref<3x80xi32, #tpu.memory_space<vmem>> -> memref<1x80xi32, #tpu.memory_space<vmem>>
        %dma_start3A_1376 = tpu.memref_squeeze %dma_start3A_1375 : memref<1x80xi32, #tpu.memory_space<vmem>> -> memref<80xi32, #tpu.memory_space<vmem>>
        %dma_start3A_1377 = arith.constant 0 : i32
        %dma_start3A_1378 = arith.constant 0 : i32
        %dma_start3A_1379 = tpu.memref_slice %arg4[%dma_start3A_1377, %dma_start3A_1378] : memref<10240x128xf32, #tpu.memory_space<hbm>> -> memref<10240x128xf32, #tpu.memory_space<hbm>>
        %dma_start3A_1380 = tpu.memref_slice %arg14[%rem3A_1353] : memref<2x!tpu.dma_semaphore, #tpu.memory_space<semaphore_mem>> -> memref<1x!tpu.dma_semaphore, #tpu.memory_space<semaphore_mem>>
        %dma_start3A_1381 = tpu.memref_squeeze %dma_start3A_1380 : memref<1x!tpu.dma_semaphore, #tpu.memory_space<semaphore_mem>> -> memref<!tpu.dma_semaphore, #tpu.memory_space<semaphore_mem>>
        tpu.enqueue_indirect_dma source(%dma_start3A_1379 : memref<10240x128xf32, #tpu.memory_space<hbm>>) target(%dma_start3A_1373 : memref<80x128xf32, #tpu.memory_space<vmem>>) offsets(%dma_start3A_1376 : memref<80xi32, #tpu.memory_space<vmem>>) semaphore(%dma_start3A_1381 : memref<!tpu.dma_semaphore, #tpu.memory_space<semaphore_mem>>)
      } else {
      }
      %add3A_1212 = arith.constant 2 : i32
      %add3A_1213 = arith.addi %scan3A_1204, %add3A_1212 : i32
      %lt3A_1214 = arith.constant 125 : i32
      %lt3A_1215 = arith.cmpi slt, %add3A_1213, %lt3A_1214 : i32
      %convert_element_type3A_1216 = arith.extui %lt3A_1215 : i1 to i32
      %cond3A_1217 = arith.constant 0 : i32
      %cond3A_1218 = arith.cmpi ne, %convert_element_type3A_1216, %cond3A_1217 : i32
      scf.if %cond3A_1218 {
        %add3A_1322 = arith.constant 2 : i32
        %add3A_1323 = arith.addi %scan3A_1204, %add3A_1322 : i32
        %add3A_1324 = arith.constant 2 : i32
        %add3A_1325 = arith.addi %scan3A_1204, %add3A_1324 : i32
        %rem3A_1326 = arith.constant 3 : i32
        %rem3A_1327 = arith.remsi %add3A_1325, %rem3A_1326 : i32
        %mul3A_1328 = arith.constant 10000 : i32
        %mul3A_1329 = arith.muli %add3A, %mul3A_1328 : i32
        %mul3A_1330 = arith.constant 80 : i32
        %mul3A_1331 = arith.muli %add3A_1323, %mul3A_1330 : i32
        %add3A_1332 = arith.addi %mul3A_1329, %mul3A_1331 : i32
        %dma_start3A_1333 = arith.constant 0 : i32
        %dma_start3A_1334 = tpu.memref_slice %arg7[%rem3A_1327, %dma_start3A_1333] : memref<3x80xi32, #tpu.memory_space<vmem>> -> memref<1x80xi32, #tpu.memory_space<vmem>>
        %dma_start3A_1335 = tpu.memref_squeeze %dma_start3A_1334 : memref<1x80xi32, #tpu.memory_space<vmem>> -> memref<80xi32, #tpu.memory_space<vmem>>
        %dma_start3A_1336 = tpu.memref_slice %arg2[%add3A_1332] : memref<320000xi32, #tpu.memory_space<hbm>> -> memref<80xi32, #tpu.memory_space<hbm>>
        %dma_start3A_1337 = tpu.memref_slice %arg13[%rem3A_1327] : memref<3x!tpu.dma_semaphore, #tpu.memory_space<semaphore_mem>> -> memref<1x!tpu.dma_semaphore, #tpu.memory_space<semaphore_mem>>
        %dma_start3A_1338 = tpu.memref_squeeze %dma_start3A_1337 : memref<1x!tpu.dma_semaphore, #tpu.memory_space<semaphore_mem>> -> memref<!tpu.dma_semaphore, #tpu.memory_space<semaphore_mem>>
        %dma_start3A_1339 = arith.constant 0 : i32
        %dma_start3A_1340 = tpu.memref_slice %arg7[%rem3A_1327, %dma_start3A_1339] : memref<3x80xi32, #tpu.memory_space<vmem>> -> memref<1x80xi32, #tpu.memory_space<vmem>>
        %dma_start3A_1341 = tpu.memref_squeeze %dma_start3A_1340 : memref<1x80xi32, #tpu.memory_space<vmem>> -> memref<80xi32, #tpu.memory_space<vmem>>
        %dma_start3A_1342 = tpu.memref_slice %arg2[%add3A_1332] : memref<320000xi32, #tpu.memory_space<hbm>> -> memref<80xi32, #tpu.memory_space<hbm>>
        tpu.enqueue_dma source(%dma_start3A_1342 : memref<80xi32, #tpu.memory_space<hbm>>) target(%dma_start3A_1341 : memref<80xi32, #tpu.memory_space<vmem>>) target_semaphore(%dma_start3A_1338 : memref<!tpu.dma_semaphore, #tpu.memory_space<semaphore_mem>>)
        %dma_start3A_1343 = arith.constant 0 : i32
        %dma_start3A_1344 = tpu.memref_slice %arg8[%rem3A_1327, %dma_start3A_1343] : memref<3x80xi32, #tpu.memory_space<vmem>> -> memref<1x80xi32, #tpu.memory_space<vmem>>
        %dma_start3A_1345 = tpu.memref_squeeze %dma_start3A_1344 : memref<1x80xi32, #tpu.memory_space<vmem>> -> memref<80xi32, #tpu.memory_space<vmem>>
        %dma_start3A_1346 = tpu.memref_slice %arg3[%add3A_1332] : memref<320000xi32, #tpu.memory_space<hbm>> -> memref<80xi32, #tpu.memory_space<hbm>>
        %dma_start3A_1347 = tpu.memref_slice %arg13[%rem3A_1327] : memref<3x!tpu.dma_semaphore, #tpu.memory_space<semaphore_mem>> -> memref<1x!tpu.dma_semaphore, #tpu.memory_space<semaphore_mem>>
        %dma_start3A_1348 = tpu.memref_squeeze %dma_start3A_1347 : memref<1x!tpu.dma_semaphore, #tpu.memory_space<semaphore_mem>> -> memref<!tpu.dma_semaphore, #tpu.memory_space<semaphore_mem>>
        %dma_start3A_1349 = arith.constant 0 : i32
        %dma_start3A_1350 = tpu.memref_slice %arg8[%rem3A_1327, %dma_start3A_1349] : memref<3x80xi32, #tpu.memory_space<vmem>> -> memref<1x80xi32, #tpu.memory_space<vmem>>
        %dma_start3A_1351 = tpu.memref_squeeze %dma_start3A_1350 : memref<1x80xi32, #tpu.memory_space<vmem>> -> memref<80xi32, #tpu.memory_space<vmem>>
        %dma_start3A_1352 = tpu.memref_slice %arg3[%add3A_1332] : memref<320000xi32, #tpu.memory_space<hbm>> -> memref<80xi32, #tpu.memory_space<hbm>>
        tpu.enqueue_dma source(%dma_start3A_1352 : memref<80xi32, #tpu.memory_space<hbm>>) target(%dma_start3A_1351 : memref<80xi32, #tpu.memory_space<vmem>>) target_semaphore(%dma_start3A_1348 : memref<!tpu.dma_semaphore, #tpu.memory_space<semaphore_mem>>)
      } else {
      }
      %dma_wait3A_1219 = arith.constant 0 : i32
      %dma_wait3A_1220 = arith.constant 0 : i32
      %dma_wait3A_1221 = tpu.memref_slice %arg10[%rem3A_1205, %dma_wait3A_1219, %dma_wait3A_1220] : memref<2x80x128xf32, #tpu.memory_space<vmem>> -> memref<1x80x128xf32, #tpu.memory_space<vmem>>
      %dma_wait3A_1222 = tpu.memref_squeeze %dma_wait3A_1221 : memref<1x80x128xf32, #tpu.memory_space<vmem>> -> memref<80x128xf32, #tpu.memory_space<vmem>>
      %dma_wait3A_1223 = arith.constant 0 : i32
      %dma_wait3A_1224 = tpu.memref_slice %arg7[%rem3A_1207, %dma_wait3A_1223] : memref<3x80xi32, #tpu.memory_space<vmem>> -> memref<1x80xi32, #tpu.memory_space<vmem>>
      %dma_wait3A_1225 = tpu.memref_squeeze %dma_wait3A_1224 : memref<1x80xi32, #tpu.memory_space<vmem>> -> memref<80xi32, #tpu.memory_space<vmem>>
      %dma_wait3A_1226 = arith.constant 0 : i32
      %dma_wait3A_1227 = arith.constant 0 : i32
      %dma_wait3A_1228 = tpu.memref_slice %arg4[%dma_wait3A_1226, %dma_wait3A_1227] : memref<10240x128xf32, #tpu.memory_space<hbm>> -> memref<10240x128xf32, #tpu.memory_space<hbm>>
      %dma_wait3A_1229 = tpu.memref_slice %arg14[%rem3A_1205] : memref<2x!tpu.dma_semaphore, #tpu.memory_space<semaphore_mem>> -> memref<1x!tpu.dma_semaphore, #tpu.memory_space<semaphore_mem>>
      %dma_wait3A_1230 = tpu.memref_squeeze %dma_wait3A_1229 : memref<1x!tpu.dma_semaphore, #tpu.memory_space<semaphore_mem>> -> memref<!tpu.dma_semaphore, #tpu.memory_space<semaphore_mem>>
      tpu.wait_indirect_dma semaphore(%dma_wait3A_1230 : memref<!tpu.dma_semaphore, #tpu.memory_space<semaphore_mem>>) src(%dma_wait3A_1228 : memref<10240x128xf32, #tpu.memory_space<hbm>>) dst(%dma_wait3A_1222 : memref<80x128xf32, #tpu.memory_space<vmem>>)
      %dma_wait3A_1231 = arith.constant 0 : i32
      %dma_wait3A_1232 = arith.constant 0 : i32
      %dma_wait3A_1233 = tpu.memref_slice %arg11[%rem3A_1205, %dma_wait3A_1231, %dma_wait3A_1232] : memref<2x80x128xf32, #tpu.memory_space<vmem>> -> memref<1x80x128xf32, #tpu.memory_space<vmem>>
      %dma_wait3A_1234 = tpu.memref_squeeze %dma_wait3A_1233 : memref<1x80x128xf32, #tpu.memory_space<vmem>> -> memref<80x128xf32, #tpu.memory_space<vmem>>
      %dma_wait3A_1235 = arith.constant 0 : i32
      %dma_wait3A_1236 = tpu.memref_slice %arg8[%rem3A_1207, %dma_wait3A_1235] : memref<3x80xi32, #tpu.memory_space<vmem>> -> memref<1x80xi32, #tpu.memory_space<vmem>>
      %dma_wait3A_1237 = tpu.memref_squeeze %dma_wait3A_1236 : memref<1x80xi32, #tpu.memory_space<vmem>> -> memref<80xi32, #tpu.memory_space<vmem>>
      %dma_wait3A_1238 = arith.constant 0 : i32
      %dma_wait3A_1239 = arith.constant 0 : i32
      %dma_wait3A_1240 = tpu.memref_slice %arg4[%dma_wait3A_1238, %dma_wait3A_1239] : memref<10240x128xf32, #tpu.memory_space<hbm>> -> memref<10240x128xf32, #tpu.memory_space<hbm>>
      %dma_wait3A_1241 = tpu.memref_slice %arg14[%rem3A_1205] : memref<2x!tpu.dma_semaphore, #tpu.memory_space<semaphore_mem>> -> memref<1x!tpu.dma_semaphore, #tpu.memory_space<semaphore_mem>>
      %dma_wait3A_1242 = tpu.memref_squeeze %dma_wait3A_1241 : memref<1x!tpu.dma_semaphore, #tpu.memory_space<semaphore_mem>> -> memref<!tpu.dma_semaphore, #tpu.memory_space<semaphore_mem>>
      tpu.wait_indirect_dma semaphore(%dma_wait3A_1242 : memref<!tpu.dma_semaphore, #tpu.memory_space<semaphore_mem>>) src(%dma_wait3A_1240 : memref<10240x128xf32, #tpu.memory_space<hbm>>) dst(%dma_wait3A_1234 : memref<80x128xf32, #tpu.memory_space<vmem>>)
      %scan3A_1243 = arith.constant 0 : i32
      %scan3A_1244 = arith.constant 0 : i32
      %scan3A_1245 = arith.constant 80 : i32
      %scan3A_1246 = arith.addi %scan3A_1244, %scan3A_1245 : i32
      %scan3A_1247 = arith.constant 1 : i32
      scf.for %scan3A_1322 = %scan3A_1244 to %scan3A_1246 step %scan3A_1247  : i32 {
        %get3A_1323 = arith.index_cast %rem3A_1205 : i32 to index
        %get3A_1324 = arith.index_cast %scan3A_1322 : i32 to index
        %get3A_1325 = arith.constant 0 : index
        %get3A_1326 = tpu.vector_load %arg10[%get3A_1323, %get3A_1324, %get3A_1325] {strides = array<i32>} : memref<2x80x128xf32, #tpu.memory_space<vmem>>, vector<1x1x16xf32>,
        %get3A_1327 = vector.shape_cast %get3A_1326 : vector<1x1x16xf32> to vector<16xf32>
        %get3A_1328 = arith.index_cast %rem3A_1205 : i32 to index
        %get3A_1329 = arith.index_cast %scan3A_1322 : i32 to index
        %get3A_1330 = arith.constant 0 : index
        %get3A_1331 = tpu.vector_load %arg11[%get3A_1328, %get3A_1329, %get3A_1330] {strides = array<i32>} : memref<2x80x128xf32, #tpu.memory_space<vmem>>, vector<1x1x16xf32>,
        %get3A_1332 = vector.shape_cast %get3A_1331 : vector<1x1x16xf32> to vector<16xf32>
        %add3A_1333 = arith.addf %get3A_1327, %get3A_1332 : vector<16xf32>
        %get3A_1334 = arith.index_cast %rem3A_1205 : i32 to index
        %get3A_1335 = arith.index_cast %scan3A_1322 : i32 to index
        %get3A_1336 = arith.constant 0 : index
        %get3A_1337 = tpu.vector_load %arg10[%get3A_1334, %get3A_1335, %get3A_1336] {strides = array<i32>} : memref<2x80x128xf32, #tpu.memory_space<vmem>>, vector<1x1x16xf32>,
        %get3A_1338 = vector.shape_cast %get3A_1337 : vector<1x1x16xf32> to vector<16xf32>
        %max3A = arith.constant 0.000000e+00 : f32
        %max3A_1339 = vector.broadcast %max3A : f32 to vector<16xf32>
        %max3A_1340 = arith.maximumf %add3A_1333, %max3A_1339 : vector<16xf32>
        %min3A = arith.constant 0.000000e+00 : f32
        %min3A_1341 = vector.broadcast %min3A : f32 to vector<16xf32>
        %min3A_1342 = arith.minimumf %add3A_1333, %min3A_1341 : vector<16xf32>
        %mul3A_1343 = arith.constant 2.000000e-01 : f32
        %mul3A_1344 = vector.broadcast %mul3A_1343 : f32 to vector<16xf32>
        %mul3A_1345 = arith.mulf %mul3A_1344, %min3A_1342 : vector<16xf32>
        %add3A_1346 = arith.addf %max3A_1340, %mul3A_1345 : vector<16xf32>
        %get3A_1347 = arith.constant 0 : index
        %get3A_1348 = tpu.vector_load %arg12[%get3A_1347] {strides = array<i32>} : memref<128xf32, #tpu.memory_space<vmem>>, vector<16xf32>,
        %get3A_1349 = vector.shape_cast %get3A_1348 : vector<16xf32> to vector<16xf32>
        %mul3A_1350 = arith.mulf %add3A_1346, %get3A_1349 : vector<16xf32>
        %add3A_1351 = arith.addf %broadcast_in_dim3A_1, %mul3A_1350 : vector<16xf32>
        %get3A_1352 = arith.index_cast %rem3A_1205 : i32 to index
        %get3A_1353 = arith.index_cast %scan3A_1322 : i32 to index
        %get3A_1354 = arith.constant 16 : index
        %get3A_1355 = tpu.vector_load %arg10[%get3A_1352, %get3A_1353, %get3A_1354] {strides = array<i32>} : memref<2x80x128xf32, #tpu.memory_space<vmem>>, vector<1x1x16xf32>,
        %get3A_1356 = vector.shape_cast %get3A_1355 : vector<1x1x16xf32> to vector<16xf32>
        %get3A_1357 = arith.index_cast %rem3A_1205 : i32 to index
        %get3A_1358 = arith.index_cast %scan3A_1322 : i32 to index
        %get3A_1359 = arith.constant 16 : index
        %get3A_1360 = tpu.vector_load %arg11[%get3A_1357, %get3A_1358, %get3A_1359] {strides = array<i32>} : memref<2x80x128xf32, #tpu.memory_space<vmem>>, vector<1x1x16xf32>,
        %get3A_1361 = vector.shape_cast %get3A_1360 : vector<1x1x16xf32> to vector<16xf32>
        %add3A_1362 = arith.addf %get3A_1356, %get3A_1361 : vector<16xf32>
        %get3A_1363 = arith.index_cast %rem3A_1205 : i32 to index
        %get3A_1364 = arith.index_cast %scan3A_1322 : i32 to index
        %get3A_1365 = arith.constant 16 : index
        %get3A_1366 = tpu.vector_load %arg10[%get3A_1363, %get3A_1364, %get3A_1365] {strides = array<i32>} : memref<2x80x128xf32, #tpu.memory_space<vmem>>, vector<1x1x16xf32>,
        %get3A_1367 = vector.shape_cast %get3A_1366 : vector<1x1x16xf32> to vector<16xf32>
        %max3A_1368 = arith.constant 0.000000e+00 : f32
        %max3A_1369 = vector.broadcast %max3A_1368 : f32 to vector<16xf32>
        %max3A_1370 = arith.maximumf %add3A_1362, %max3A_1369 : vector<16xf32>
        %min3A_1371 = arith.constant 0.000000e+00 : f32
        %min3A_1372 = vector.broadcast %min3A_1371 : f32 to vector<16xf32>
        %min3A_1373 = arith.minimumf %add3A_1362, %min3A_1372 : vector<16xf32>
        %mul3A_1374 = arith.constant 2.000000e-01 : f32
        %mul3A_1375 = vector.broadcast %mul3A_1374 : f32 to vector<16xf32>
        %mul3A_1376 = arith.mulf %mul3A_1375, %min3A_1373 : vector<16xf32>
        %add3A_1377 = arith.addf %max3A_1370, %mul3A_1376 : vector<16xf32>
        %get3A_1378 = arith.constant 16 : index
        %get3A_1379 = tpu.vector_load %arg12[%get3A_1378] {strides = array<i32>} : memref<128xf32, #tpu.memory_space<vmem>>, vector<16xf32>,
        %get3A_1380 = vector.shape_cast %get3A_1379 : vector<16xf32> to vector<16xf32>
        %mul3A_1381 = arith.mulf %add3A_1377, %get3A_1380 : vector<16xf32>
        %add3A_1382 = arith.addf %add3A_1351, %mul3A_1381 : vector<16xf32>
        %get3A_1383 = arith.index_cast %rem3A_1205 : i32 to index
        %get3A_1384 = arith.index_cast %scan3A_1322 : i32 to index
        %get3A_1385 = arith.constant 32 : index
        %get3A_1386 = tpu.vector_load %arg10[%get3A_1383, %get3A_1384, %get3A_1385] {strides = array<i32>} : memref<2x80x128xf32, #tpu.memory_space<vmem>>, vector<1x1x16xf32>,
        %get3A_1387 = vector.shape_cast %get3A_1386 : vector<1x1x16xf32> to vector<16xf32>
        %get3A_1388 = arith.index_cast %rem3A_1205 : i32 to index
        %get3A_1389 = arith.index_cast %scan3A_1322 : i32 to index
        %get3A_1390 = arith.constant 32 : index
        %get3A_1391 = tpu.vector_load %arg11[%get3A_1388, %get3A_1389, %get3A_1390] {strides = array<i32>} : memref<2x80x128xf32, #tpu.memory_space<vmem>>, vector<1x1x16xf32>,
        %get3A_1392 = vector.shape_cast %get3A_1391 : vector<1x1x16xf32> to vector<16xf32>
        %add3A_1393 = arith.addf %get3A_1387, %get3A_1392 : vector<16xf32>
        %get3A_1394 = arith.index_cast %rem3A_1205 : i32 to index
        %get3A_1395 = arith.index_cast %scan3A_1322 : i32 to index
        %get3A_1396 = arith.constant 32 : index
        %get3A_1397 = tpu.vector_load %arg10[%get3A_1394, %get3A_1395, %get3A_1396] {strides = array<i32>} : memref<2x80x128xf32, #tpu.memory_space<vmem>>, vector<1x1x16xf32>,
        %get3A_1398 = vector.shape_cast %get3A_1397 : vector<1x1x16xf32> to vector<16xf32>
        %max3A_1399 = arith.constant 0.000000e+00 : f32
        %max3A_1400 = vector.broadcast %max3A_1399 : f32 to vector<16xf32>
        %max3A_1401 = arith.maximumf %add3A_1393, %max3A_1400 : vector<16xf32>
        %min3A_1402 = arith.constant 0.000000e+00 : f32
        %min3A_1403 = vector.broadcast %min3A_1402 : f32 to vector<16xf32>
        %min3A_1404 = arith.minimumf %add3A_1393, %min3A_1403 : vector<16xf32>
        %mul3A_1405 = arith.constant 2.000000e-01 : f32
        %mul3A_1406 = vector.broadcast %mul3A_1405 : f32 to vector<16xf32>
        %mul3A_1407 = arith.mulf %mul3A_1406, %min3A_1404 : vector<16xf32>
        %add3A_1408 = arith.addf %max3A_1401, %mul3A_1407 : vector<16xf32>
        %get3A_1409 = arith.constant 32 : index
        %get3A_1410 = tpu.vector_load %arg12[%get3A_1409] {strides = array<i32>} : memref<128xf32, #tpu.memory_space<vmem>>, vector<16xf32>,
        %get3A_1411 = vector.shape_cast %get3A_1410 : vector<16xf32> to vector<16xf32>
        %mul3A_1412 = arith.mulf %add3A_1408, %get3A_1411 : vector<16xf32>
        %add3A_1413 = arith.addf %add3A_1382, %mul3A_1412 : vector<16xf32>
        %get3A_1414 = arith.index_cast %rem3A_1205 : i32 to index
        %get3A_1415 = arith.index_cast %scan3A_1322 : i32 to index
        %get3A_1416 = arith.constant 48 : index
        %get3A_1417 = tpu.vector_load %arg10[%get3A_1414, %get3A_1415, %get3A_1416] {strides = array<i32>} : memref<2x80x128xf32, #tpu.memory_space<vmem>>, vector<1x1x16xf32>,
        %get3A_1418 = vector.shape_cast %get3A_1417 : vector<1x1x16xf32> to vector<16xf32>
        %get3A_1419 = arith.index_cast %rem3A_1205 : i32 to index
        %get3A_1420 = arith.index_cast %scan3A_1322 : i32 to index
        %get3A_1421 = arith.constant 48 : index
        %get3A_1422 = tpu.vector_load %arg11[%get3A_1419, %get3A_1420, %get3A_1421] {strides = array<i32>} : memref<2x80x128xf32, #tpu.memory_space<vmem>>, vector<1x1x16xf32>,
        %get3A_1423 = vector.shape_cast %get3A_1422 : vector<1x1x16xf32> to vector<16xf32>
        %add3A_1424 = arith.addf %get3A_1418, %get3A_1423 : vector<16xf32>
        %get3A_1425 = arith.index_cast %rem3A_1205 : i32 to index
        %get3A_1426 = arith.index_cast %scan3A_1322 : i32 to index
        %get3A_1427 = arith.constant 48 : index
        %get3A_1428 = tpu.vector_load %arg10[%get3A_1425, %get3A_1426, %get3A_1427] {strides = array<i32>} : memref<2x80x128xf32, #tpu.memory_space<vmem>>, vector<1x1x16xf32>,
        %get3A_1429 = vector.shape_cast %get3A_1428 : vector<1x1x16xf32> to vector<16xf32>
        %max3A_1430 = arith.constant 0.000000e+00 : f32
        %max3A_1431 = vector.broadcast %max3A_1430 : f32 to vector<16xf32>
        %max3A_1432 = arith.maximumf %add3A_1424, %max3A_1431 : vector<16xf32>
        %min3A_1433 = arith.constant 0.000000e+00 : f32
        %min3A_1434 = vector.broadcast %min3A_1433 : f32 to vector<16xf32>
        %min3A_1435 = arith.minimumf %add3A_1424, %min3A_1434 : vector<16xf32>
        %mul3A_1436 = arith.constant 2.000000e-01 : f32
        %mul3A_1437 = vector.broadcast %mul3A_1436 : f32 to vector<16xf32>
        %mul3A_1438 = arith.mulf %mul3A_1437, %min3A_1435 : vector<16xf32>
        %add3A_1439 = arith.addf %max3A_1432, %mul3A_1438 : vector<16xf32>
        %get3A_1440 = arith.constant 48 : index
        %get3A_1441 = tpu.vector_load %arg12[%get3A_1440] {strides = array<i32>} : memref<128xf32, #tpu.memory_space<vmem>>, vector<16xf32>,
        %get3A_1442 = vector.shape_cast %get3A_1441 : vector<16xf32> to vector<16xf32>
        %mul3A_1443 = arith.mulf %add3A_1439, %get3A_1442 : vector<16xf32>
        %add3A_1444 = arith.addf %add3A_1413, %mul3A_1443 : vector<16xf32>
        %get3A_1445 = arith.index_cast %rem3A_1205 : i32 to index
        %get3A_1446 = arith.index_cast %scan3A_1322 : i32 to index
        %get3A_1447 = arith.constant 64 : index
        %get3A_1448 = tpu.vector_load %arg10[%get3A_1445, %get3A_1446, %get3A_1447] {strides = array<i32>} : memref<2x80x128xf32, #tpu.memory_space<vmem>>, vector<1x1x16xf32>,
        %get3A_1449 = vector.shape_cast %get3A_1448 : vector<1x1x16xf32> to vector<16xf32>
        %get3A_1450 = arith.index_cast %rem3A_1205 : i32 to index
        %get3A_1451 = arith.index_cast %scan3A_1322 : i32 to index
        %get3A_1452 = arith.constant 64 : index
        %get3A_1453 = tpu.vector_load %arg11[%get3A_1450, %get3A_1451, %get3A_1452] {strides = array<i32>} : memref<2x80x128xf32, #tpu.memory_space<vmem>>, vector<1x1x16xf32>,
        %get3A_1454 = vector.shape_cast %get3A_1453 : vector<1x1x16xf32> to vector<16xf32>
        %add3A_1455 = arith.addf %get3A_1449, %get3A_1454 : vector<16xf32>
        %get3A_1456 = arith.index_cast %rem3A_1205 : i32 to index
        %get3A_1457 = arith.index_cast %scan3A_1322 : i32 to index
        %get3A_1458 = arith.constant 64 : index
        %get3A_1459 = tpu.vector_load %arg10[%get3A_1456, %get3A_1457, %get3A_1458] {strides = array<i32>} : memref<2x80x128xf32, #tpu.memory_space<vmem>>, vector<1x1x16xf32>,
        %get3A_1460 = vector.shape_cast %get3A_1459 : vector<1x1x16xf32> to vector<16xf32>
        %max3A_1461 = arith.constant 0.000000e+00 : f32
        %max3A_1462 = vector.broadcast %max3A_1461 : f32 to vector<16xf32>
        %max3A_1463 = arith.maximumf %add3A_1455, %max3A_1462 : vector<16xf32>
        %min3A_1464 = arith.constant 0.000000e+00 : f32
        %min3A_1465 = vector.broadcast %min3A_1464 : f32 to vector<16xf32>
        %min3A_1466 = arith.minimumf %add3A_1455, %min3A_1465 : vector<16xf32>
        %mul3A_1467 = arith.constant 2.000000e-01 : f32
        %mul3A_1468 = vector.broadcast %mul3A_1467 : f32 to vector<16xf32>
        %mul3A_1469 = arith.mulf %mul3A_1468, %min3A_1466 : vector<16xf32>
        %add3A_1470 = arith.addf %max3A_1463, %mul3A_1469 : vector<16xf32>
        %get3A_1471 = arith.constant 64 : index
        %get3A_1472 = tpu.vector_load %arg12[%get3A_1471] {strides = array<i32>} : memref<128xf32, #tpu.memory_space<vmem>>, vector<16xf32>,
        %get3A_1473 = vector.shape_cast %get3A_1472 : vector<16xf32> to vector<16xf32>
        %mul3A_1474 = arith.mulf %add3A_1470, %get3A_1473 : vector<16xf32>
        %add3A_1475 = arith.addf %add3A_1444, %mul3A_1474 : vector<16xf32>
        %get3A_1476 = arith.index_cast %rem3A_1205 : i32 to index
        %get3A_1477 = arith.index_cast %scan3A_1322 : i32 to index
        %get3A_1478 = arith.constant 80 : index
        %get3A_1479 = tpu.vector_load %arg10[%get3A_1476, %get3A_1477, %get3A_1478] {strides = array<i32>} : memref<2x80x128xf32, #tpu.memory_space<vmem>>, vector<1x1x16xf32>,
        %get3A_1480 = vector.shape_cast %get3A_1479 : vector<1x1x16xf32> to vector<16xf32>
        %get3A_1481 = arith.index_cast %rem3A_1205 : i32 to index
        %get3A_1482 = arith.index_cast %scan3A_1322 : i32 to index
        %get3A_1483 = arith.constant 80 : index
        %get3A_1484 = tpu.vector_load %arg11[%get3A_1481, %get3A_1482, %get3A_1483] {strides = array<i32>} : memref<2x80x128xf32, #tpu.memory_space<vmem>>, vector<1x1x16xf32>,
        %get3A_1485 = vector.shape_cast %get3A_1484 : vector<1x1x16xf32> to vector<16xf32>
        %add3A_1486 = arith.addf %get3A_1480, %get3A_1485 : vector<16xf32>
        %get3A_1487 = arith.index_cast %rem3A_1205 : i32 to index
        %get3A_1488 = arith.index_cast %scan3A_1322 : i32 to index
        %get3A_1489 = arith.constant 80 : index
        %get3A_1490 = tpu.vector_load %arg10[%get3A_1487, %get3A_1488, %get3A_1489] {strides = array<i32>} : memref<2x80x128xf32, #tpu.memory_space<vmem>>, vector<1x1x16xf32>,
        %get3A_1491 = vector.shape_cast %get3A_1490 : vector<1x1x16xf32> to vector<16xf32>
        %max3A_1492 = arith.constant 0.000000e+00 : f32
        %max3A_1493 = vector.broadcast %max3A_1492 : f32 to vector<16xf32>
        %max3A_1494 = arith.maximumf %add3A_1486, %max3A_1493 : vector<16xf32>
        %min3A_1495 = arith.constant 0.000000e+00 : f32
        %min3A_1496 = vector.broadcast %min3A_1495 : f32 to vector<16xf32>
        %min3A_1497 = arith.minimumf %add3A_1486, %min3A_1496 : vector<16xf32>
        %mul3A_1498 = arith.constant 2.000000e-01 : f32
        %mul3A_1499 = vector.broadcast %mul3A_1498 : f32 to vector<16xf32>
        %mul3A_1500 = arith.mulf %mul3A_1499, %min3A_1497 : vector<16xf32>
        %add3A_1501 = arith.addf %max3A_1494, %mul3A_1500 : vector<16xf32>
        %get3A_1502 = arith.constant 80 : index
        %get3A_1503 = tpu.vector_load %arg12[%get3A_1502] {strides = array<i32>} : memref<128xf32, #tpu.memory_space<vmem>>, vector<16xf32>,
        %get3A_1504 = vector.shape_cast %get3A_1503 : vector<16xf32> to vector<16xf32>
        %mul3A_1505 = arith.mulf %add3A_1501, %get3A_1504 : vector<16xf32>
        %add3A_1506 = arith.addf %add3A_1475, %mul3A_1505 : vector<16xf32>
        %get3A_1507 = arith.index_cast %rem3A_1205 : i32 to index
        %get3A_1508 = arith.index_cast %scan3A_1322 : i32 to index
        %get3A_1509 = arith.constant 96 : index
        %get3A_1510 = tpu.vector_load %arg10[%get3A_1507, %get3A_1508, %get3A_1509] {strides = array<i32>} : memref<2x80x128xf32, #tpu.memory_space<vmem>>, vector<1x1x16xf32>,
        %get3A_1511 = vector.shape_cast %get3A_1510 : vector<1x1x16xf32> to vector<16xf32>
        %get3A_1512 = arith.index_cast %rem3A_1205 : i32 to index
        %get3A_1513 = arith.index_cast %scan3A_1322 : i32 to index
        %get3A_1514 = arith.constant 96 : index
        %get3A_1515 = tpu.vector_load %arg11[%get3A_1512, %get3A_1513, %get3A_1514] {strides = array<i32>} : memref<2x80x128xf32, #tpu.memory_space<vmem>>, vector<1x1x16xf32>,
        %get3A_1516 = vector.shape_cast %get3A_1515 : vector<1x1x16xf32> to vector<16xf32>
        %add3A_1517 = arith.addf %get3A_1511, %get3A_1516 : vector<16xf32>
        %get3A_1518 = arith.index_cast %rem3A_1205 : i32 to index
        %get3A_1519 = arith.index_cast %scan3A_1322 : i32 to index
        %get3A_1520 = arith.constant 96 : index
        %get3A_1521 = tpu.vector_load %arg10[%get3A_1518, %get3A_1519, %get3A_1520] {strides = array<i32>} : memref<2x80x128xf32, #tpu.memory_space<vmem>>, vector<1x1x16xf32>,
        %get3A_1522 = vector.shape_cast %get3A_1521 : vector<1x1x16xf32> to vector<16xf32>
        %max3A_1523 = arith.constant 0.000000e+00 : f32
        %max3A_1524 = vector.broadcast %max3A_1523 : f32 to vector<16xf32>
        %max3A_1525 = arith.maximumf %add3A_1517, %max3A_1524 : vector<16xf32>
        %min3A_1526 = arith.constant 0.000000e+00 : f32
        %min3A_1527 = vector.broadcast %min3A_1526 : f32 to vector<16xf32>
        %min3A_1528 = arith.minimumf %add3A_1517, %min3A_1527 : vector<16xf32>
        %mul3A_1529 = arith.constant 2.000000e-01 : f32
        %mul3A_1530 = vector.broadcast %mul3A_1529 : f32 to vector<16xf32>
        %mul3A_1531 = arith.mulf %mul3A_1530, %min3A_1528 : vector<16xf32>
        %add3A_1532 = arith.addf %max3A_1525, %mul3A_1531 : vector<16xf32>
        %get3A_1533 = arith.constant 96 : index
        %get3A_1534 = tpu.vector_load %arg12[%get3A_1533] {strides = array<i32>} : memref<128xf32, #tpu.memory_space<vmem>>, vector<16xf32>,
        %get3A_1535 = vector.shape_cast %get3A_1534 : vector<16xf32> to vector<16xf32>
        %mul3A_1536 = arith.mulf %add3A_1532, %get3A_1535 : vector<16xf32>
        %add3A_1537 = arith.addf %add3A_1506, %mul3A_1536 : vector<16xf32>
        %get3A_1538 = arith.index_cast %rem3A_1205 : i32 to index
        %get3A_1539 = arith.index_cast %scan3A_1322 : i32 to index
        %get3A_1540 = arith.constant 112 : index
        %get3A_1541 = tpu.vector_load %arg10[%get3A_1538, %get3A_1539, %get3A_1540] {strides = array<i32>} : memref<2x80x128xf32, #tpu.memory_space<vmem>>, vector<1x1x16xf32>,
        %get3A_1542 = vector.shape_cast %get3A_1541 : vector<1x1x16xf32> to vector<16xf32>
        %get3A_1543 = arith.index_cast %rem3A_1205 : i32 to index
        %get3A_1544 = arith.index_cast %scan3A_1322 : i32 to index
        %get3A_1545 = arith.constant 112 : index
        %get3A_1546 = tpu.vector_load %arg11[%get3A_1543, %get3A_1544, %get3A_1545] {strides = array<i32>} : memref<2x80x128xf32, #tpu.memory_space<vmem>>, vector<1x1x16xf32>,
        %get3A_1547 = vector.shape_cast %get3A_1546 : vector<1x1x16xf32> to vector<16xf32>
        %add3A_1548 = arith.addf %get3A_1542, %get3A_1547 : vector<16xf32>
        %get3A_1549 = arith.index_cast %rem3A_1205 : i32 to index
        %get3A_1550 = arith.index_cast %scan3A_1322 : i32 to index
        %get3A_1551 = arith.constant 112 : index
        %get3A_1552 = tpu.vector_load %arg10[%get3A_1549, %get3A_1550, %get3A_1551] {strides = array<i32>} : memref<2x80x128xf32, #tpu.memory_space<vmem>>, vector<1x1x16xf32>,
        %get3A_1553 = vector.shape_cast %get3A_1552 : vector<1x1x16xf32> to vector<16xf32>
        %max3A_1554 = arith.constant 0.000000e+00 : f32
        %max3A_1555 = vector.broadcast %max3A_1554 : f32 to vector<16xf32>
        %max3A_1556 = arith.maximumf %add3A_1548, %max3A_1555 : vector<16xf32>
        %min3A_1557 = arith.constant 0.000000e+00 : f32
        %min3A_1558 = vector.broadcast %min3A_1557 : f32 to vector<16xf32>
        %min3A_1559 = arith.minimumf %add3A_1548, %min3A_1558 : vector<16xf32>
        %mul3A_1560 = arith.constant 2.000000e-01 : f32
        %mul3A_1561 = vector.broadcast %mul3A_1560 : f32 to vector<16xf32>
        %mul3A_1562 = arith.mulf %mul3A_1561, %min3A_1559 : vector<16xf32>
        %add3A_1563 = arith.addf %max3A_1556, %mul3A_1562 : vector<16xf32>
        %get3A_1564 = arith.constant 112 : index
        %get3A_1565 = tpu.vector_load %arg12[%get3A_1564] {strides = array<i32>} : memref<128xf32, #tpu.memory_space<vmem>>, vector<16xf32>,
        %get3A_1566 = vector.shape_cast %get3A_1565 : vector<16xf32> to vector<16xf32>
        %mul3A_1567 = arith.mulf %add3A_1563, %get3A_1566 : vector<16xf32>
        %add3A_1568 = arith.addf %add3A_1537, %mul3A_1567 : vector<16xf32>
        %add3A_1569 = arith.constant 1 : i32
        %add3A_1570 = vector.broadcast %add3A_1569 : i32 to vector<16xi32>
        %add3A_1571 = arith.addi %iota3A, %add3A_1570 : vector<16xi32>
        %and3A = arith.constant 15 : i32
        %and3A_1572 = vector.broadcast %and3A : i32 to vector<16xi32>
        %and3A_1573 = arith.andi %add3A_1571, %and3A_1572 : vector<16xi32>
        %lt3A_1574 = arith.constant 0 : i32
        %lt3A_1575 = vector.broadcast %lt3A_1574 : i32 to vector<16xi32>
        %lt3A_1576 = arith.cmpi slt, %and3A_1573, %lt3A_1575 : vector<16xi32>
        %add3A_1577 = arith.constant 16 : i32
        %add3A_1578 = vector.broadcast %add3A_1577 : i32 to vector<16xi32>
        %add3A_1579 = arith.addi %and3A_1573, %add3A_1578 : vector<16xi32>
        %select_n3A = arith.select %lt3A_1576, %add3A_1579, %and3A_1573 : vector<16xi1>, vector<16xi32>
        %broadcast_in_dim3A_1580 = vector.shape_cast %select_n3A : vector<16xi32> to vector<16x1xi32>
        %gather3A = vector.shape_cast %broadcast_in_dim3A_1580 : vector<16x1xi32> to vector<16xi32>
        %gather3A_1581 = tpu.dynamic_gather %add3A_1568[%gather3A] in [0] : vector<16xf32>, vector<16xi32> -> vector<16xf32>
        %add3A_1582 = arith.addf %add3A_1568, %gather3A_1581 : vector<16xf32>
        %add3A_1583 = arith.constant 2 : i32
        %add3A_1584 = vector.broadcast %add3A_1583 : i32 to vector<16xi32>
        %add3A_1585 = arith.addi %iota3A, %add3A_1584 : vector<16xi32>
        %and3A_1586 = arith.constant 15 : i32
        %and3A_1587 = vector.broadcast %and3A_1586 : i32 to vector<16xi32>
        %and3A_1588 = arith.andi %add3A_1585, %and3A_1587 : vector<16xi32>
        %lt3A_1589 = arith.constant 0 : i32
        %lt3A_1590 = vector.broadcast %lt3A_1589 : i32 to vector<16xi32>
        %lt3A_1591 = arith.cmpi slt, %and3A_1588, %lt3A_1590 : vector<16xi32>
        %add3A_1592 = arith.constant 16 : i32
        %add3A_1593 = vector.broadcast %add3A_1592 : i32 to vector<16xi32>
        %add3A_1594 = arith.addi %and3A_1588, %add3A_1593 : vector<16xi32>
        %select_n3A_1595 = arith.select %lt3A_1591, %add3A_1594, %and3A_1588 : vector<16xi1>, vector<16xi32>
        %broadcast_in_dim3A_1596 = vector.shape_cast %select_n3A_1595 : vector<16xi32> to vector<16x1xi32>
        %gather3A_1597 = vector.shape_cast %broadcast_in_dim3A_1596 : vector<16x1xi32> to vector<16xi32>
        %gather3A_1598 = tpu.dynamic_gather %add3A_1582[%gather3A_1597] in [0] : vector<16xf32>, vector<16xi32> -> vector<16xf32>
        %add3A_1599 = arith.addf %add3A_1582, %gather3A_1598 : vector<16xf32>
        %add3A_1600 = arith.constant 4 : i32
        %add3A_1601 = vector.broadcast %add3A_1600 : i32 to vector<16xi32>
        %add3A_1602 = arith.addi %iota3A, %add3A_1601 : vector<16xi32>
        %and3A_1603 = arith.constant 15 : i32
        %and3A_1604 = vector.broadcast %and3A_1603 : i32 to vector<16xi32>
        %and3A_1605 = arith.andi %add3A_1602, %and3A_1604 : vector<16xi32>
        %lt3A_1606 = arith.constant 0 : i32
        %lt3A_1607 = vector.broadcast %lt3A_1606 : i32 to vector<16xi32>
        %lt3A_1608 = arith.cmpi slt, %and3A_1605, %lt3A_1607 : vector<16xi32>
        %add3A_1609 = arith.constant 16 : i32
        %add3A_1610 = vector.broadcast %add3A_1609 : i32 to vector<16xi32>
        %add3A_1611 = arith.addi %and3A_1605, %add3A_1610 : vector<16xi32>
        %select_n3A_1612 = arith.select %lt3A_1608, %add3A_1611, %and3A_1605 : vector<16xi1>, vector<16xi32>
        %broadcast_in_dim3A_1613 = vector.shape_cast %select_n3A_1612 : vector<16xi32> to vector<16x1xi32>
        %gather3A_1614 = vector.shape_cast %broadcast_in_dim3A_1613 : vector<16x1xi32> to vector<16xi32>
        %gather3A_1615 = tpu.dynamic_gather %add3A_1599[%gather3A_1614] in [0] : vector<16xf32>, vector<16xi32> -> vector<16xf32>
        %add3A_1616 = arith.addf %add3A_1599, %gather3A_1615 : vector<16xf32>
        %add3A_1617 = arith.constant 8 : i32
        %add3A_1618 = vector.broadcast %add3A_1617 : i32 to vector<16xi32>
        %add3A_1619 = arith.addi %iota3A, %add3A_1618 : vector<16xi32>
        %and3A_1620 = arith.constant 15 : i32
        %and3A_1621 = vector.broadcast %and3A_1620 : i32 to vector<16xi32>
        %and3A_1622 = arith.andi %add3A_1619, %and3A_1621 : vector<16xi32>
        %lt3A_1623 = arith.constant 0 : i32
        %lt3A_1624 = vector.broadcast %lt3A_1623 : i32 to vector<16xi32>
        %lt3A_1625 = arith.cmpi slt, %and3A_1622, %lt3A_1624 : vector<16xi32>
        %add3A_1626 = arith.constant 16 : i32
        %add3A_1627 = vector.broadcast %add3A_1626 : i32 to vector<16xi32>
        %add3A_1628 = arith.addi %and3A_1622, %add3A_1627 : vector<16xi32>
        %select_n3A_1629 = arith.select %lt3A_1625, %add3A_1628, %and3A_1622 : vector<16xi1>, vector<16xi32>
        %broadcast_in_dim3A_1630 = vector.shape_cast %select_n3A_1629 : vector<16xi32> to vector<16x1xi32>
        %gather3A_1631 = vector.shape_cast %broadcast_in_dim3A_1630 : vector<16x1xi32> to vector<16xi32>
        %gather3A_1632 = tpu.dynamic_gather %add3A_1616[%gather3A_1631] in [0] : vector<16xf32>, vector<16xi32> -> vector<16xf32>
        %add3A_1633 = arith.addf %add3A_1616, %gather3A_1632 : vector<16xf32>
        %exp3A = math.exp %add3A_1633 : vector<16xf32>
        %mul3A_1634 = arith.mulf %exp3A, %get3A_1338 : vector<16xf32>
        %swap3A_1635 = arith.index_cast %rem3A_1205 : i32 to index
        %swap3A_1636 = arith.index_cast %scan3A_1322 : i32 to index
        %swap3A_1637 = arith.constant 0 : index
        %swap3A_1638 = tpu.vector_load %arg10[%swap3A_1635, %swap3A_1636, %swap3A_1637] {strides = array<i32>} : memref<2x80x128xf32, #tpu.memory_space<vmem>>, vector<1x1x16xf32>,
        %swap3A_1639 = vector.shape_cast %swap3A_1638 : vector<1x1x16xf32> to vector<16xf32>
        %swap3A_1640 = vector.shape_cast %mul3A_1634 : vector<16xf32> to vector<1x1x16xf32>
        tpu.vector_store %arg10[%swap3A_1635, %swap3A_1636, %swap3A_1637], %swap3A_1640 {strides = array<i32>} : memref<2x80x128xf32, #tpu.memory_space<vmem>>, vector<1x1x16xf32>,
        %mul3A_1641 = arith.mulf %exp3A, %get3A_1367 : vector<16xf32>
        %swap3A_1642 = arith.index_cast %rem3A_1205 : i32 to index
        %swap3A_1643 = arith.index_cast %scan3A_1322 : i32 to index
        %swap3A_1644 = arith.constant 16 : index
        %swap3A_1645 = tpu.vector_load %arg10[%swap3A_1642, %swap3A_1643, %swap3A_1644] {strides = array<i32>} : memref<2x80x128xf32, #tpu.memory_space<vmem>>, vector<1x1x16xf32>,
        %swap3A_1646 = vector.shape_cast %swap3A_1645 : vector<1x1x16xf32> to vector<16xf32>
        %swap3A_1647 = vector.shape_cast %mul3A_1641 : vector<16xf32> to vector<1x1x16xf32>
        tpu.vector_store %arg10[%swap3A_1642, %swap3A_1643, %swap3A_1644], %swap3A_1647 {strides = array<i32>} : memref<2x80x128xf32, #tpu.memory_space<vmem>>, vector<1x1x16xf32>,
        %mul3A_1648 = arith.mulf %exp3A, %get3A_1398 : vector<16xf32>
        %swap3A_1649 = arith.index_cast %rem3A_1205 : i32 to index
        %swap3A_1650 = arith.index_cast %scan3A_1322 : i32 to index
        %swap3A_1651 = arith.constant 32 : index
        %swap3A_1652 = tpu.vector_load %arg10[%swap3A_1649, %swap3A_1650, %swap3A_1651] {strides = array<i32>} : memref<2x80x128xf32, #tpu.memory_space<vmem>>, vector<1x1x16xf32>,
        %swap3A_1653 = vector.shape_cast %swap3A_1652 : vector<1x1x16xf32> to vector<16xf32>
        %swap3A_1654 = vector.shape_cast %mul3A_1648 : vector<16xf32> to vector<1x1x16xf32>
        tpu.vector_store %arg10[%swap3A_1649, %swap3A_1650, %swap3A_1651], %swap3A_1654 {strides = array<i32>} : memref<2x80x128xf32, #tpu.memory_space<vmem>>, vector<1x1x16xf32>,
        %mul3A_1655 = arith.mulf %exp3A, %get3A_1429 : vector<16xf32>
        %swap3A_1656 = arith.index_cast %rem3A_1205 : i32 to index
        %swap3A_1657 = arith.index_cast %scan3A_1322 : i32 to index
        %swap3A_1658 = arith.constant 48 : index
        %swap3A_1659 = tpu.vector_load %arg10[%swap3A_1656, %swap3A_1657, %swap3A_1658] {strides = array<i32>} : memref<2x80x128xf32, #tpu.memory_space<vmem>>, vector<1x1x16xf32>,
        %swap3A_1660 = vector.shape_cast %swap3A_1659 : vector<1x1x16xf32> to vector<16xf32>
        %swap3A_1661 = vector.shape_cast %mul3A_1655 : vector<16xf32> to vector<1x1x16xf32>
        tpu.vector_store %arg10[%swap3A_1656, %swap3A_1657, %swap3A_1658], %swap3A_1661 {strides = array<i32>} : memref<2x80x128xf32, #tpu.memory_space<vmem>>, vector<1x1x16xf32>,
        %mul3A_1662 = arith.mulf %exp3A, %get3A_1460 : vector<16xf32>
        %swap3A_1663 = arith.index_cast %rem3A_1205 : i32 to index
        %swap3A_1664 = arith.index_cast %scan3A_1322 : i32 to index
        %swap3A_1665 = arith.constant 64 : index
        %swap3A_1666 = tpu.vector_load %arg10[%swap3A_1663, %swap3A_1664, %swap3A_1665] {strides = array<i32>} : memref<2x80x128xf32, #tpu.memory_space<vmem>>, vector<1x1x16xf32>,
        %swap3A_1667 = vector.shape_cast %swap3A_1666 : vector<1x1x16xf32> to vector<16xf32>
        %swap3A_1668 = vector.shape_cast %mul3A_1662 : vector<16xf32> to vector<1x1x16xf32>
        tpu.vector_store %arg10[%swap3A_1663, %swap3A_1664, %swap3A_1665], %swap3A_1668 {strides = array<i32>} : memref<2x80x128xf32, #tpu.memory_space<vmem>>, vector<1x1x16xf32>,
        %mul3A_1669 = arith.mulf %exp3A, %get3A_1491 : vector<16xf32>
        %swap3A_1670 = arith.index_cast %rem3A_1205 : i32 to index
        %swap3A_1671 = arith.index_cast %scan3A_1322 : i32 to index
        %swap3A_1672 = arith.constant 80 : index
        %swap3A_1673 = tpu.vector_load %arg10[%swap3A_1670, %swap3A_1671, %swap3A_1672] {strides = array<i32>} : memref<2x80x128xf32, #tpu.memory_space<vmem>>, vector<1x1x16xf32>,
        %swap3A_1674 = vector.shape_cast %swap3A_1673 : vector<1x1x16xf32> to vector<16xf32>
        %swap3A_1675 = vector.shape_cast %mul3A_1669 : vector<16xf32> to vector<1x1x16xf32>
        tpu.vector_store %arg10[%swap3A_1670, %swap3A_1671, %swap3A_1672], %swap3A_1675 {strides = array<i32>} : memref<2x80x128xf32, #tpu.memory_space<vmem>>, vector<1x1x16xf32>,
        %mul3A_1676 = arith.mulf %exp3A, %get3A_1522 : vector<16xf32>
        %swap3A_1677 = arith.index_cast %rem3A_1205 : i32 to index
        %swap3A_1678 = arith.index_cast %scan3A_1322 : i32 to index
        %swap3A_1679 = arith.constant 96 : index
        %swap3A_1680 = tpu.vector_load %arg10[%swap3A_1677, %swap3A_1678, %swap3A_1679] {strides = array<i32>} : memref<2x80x128xf32, #tpu.memory_space<vmem>>, vector<1x1x16xf32>,
        %swap3A_1681 = vector.shape_cast %swap3A_1680 : vector<1x1x16xf32> to vector<16xf32>
        %swap3A_1682 = vector.shape_cast %mul3A_1676 : vector<16xf32> to vector<1x1x16xf32>
        tpu.vector_store %arg10[%swap3A_1677, %swap3A_1678, %swap3A_1679], %swap3A_1682 {strides = array<i32>} : memref<2x80x128xf32, #tpu.memory_space<vmem>>, vector<1x1x16xf32>,
        %mul3A_1683 = arith.mulf %exp3A, %get3A_1553 : vector<16xf32>
        %swap3A_1684 = arith.index_cast %rem3A_1205 : i32 to index
        %swap3A_1685 = arith.index_cast %scan3A_1322 : i32 to index
        %swap3A_1686 = arith.constant 112 : index
        %swap3A_1687 = tpu.vector_load %arg10[%swap3A_1684, %swap3A_1685, %swap3A_1686] {strides = array<i32>} : memref<2x80x128xf32, #tpu.memory_space<vmem>>, vector<1x1x16xf32>,
        %swap3A_1688 = vector.shape_cast %swap3A_1687 : vector<1x1x16xf32> to vector<16xf32>
        %swap3A_1689 = vector.shape_cast %mul3A_1683 : vector<16xf32> to vector<1x1x16xf32>
        tpu.vector_store %arg10[%swap3A_1684, %swap3A_1685, %swap3A_1686], %swap3A_1689 {strides = array<i32>} : memref<2x80x128xf32, #tpu.memory_space<vmem>>, vector<1x1x16xf32>,
        %div3A_1690 = arith.constant 16 : i32
        %div3A_1691 = arith.divsi %scan3A_1322, %div3A_1690 : i32
        %mul3A_1692 = arith.constant 16 : i32
        %mul3A_1693 = arith.muli %div3A_1691, %mul3A_1692 : i32
        %get3A_1694 = arith.index_cast %rem3A_1207 : i32 to index
        %get3A_1695 = arith.index_cast %mul3A_1693 : i32 to index
        %get3A_1696 = tpu.vector_load %arg8[%get3A_1694, %get3A_1695] {strides = array<i32>} : memref<3x80xi32, #tpu.memory_space<vmem>>, vector<1x16xi32>,
        %get3A_1697 = vector.shape_cast %get3A_1696 : vector<1x16xi32> to vector<16xi32>
        %rem3A_1698 = arith.constant 128 : i32
        %rem3A_1699 = vector.broadcast %rem3A_1698 : i32 to vector<16xi32>
        %rem3A_1700 = arith.remsi %get3A_1697, %rem3A_1699 : vector<16xi32>
        %mul3A_1701 = arith.constant 0 : i32
        %mul3A_1702 = vector.broadcast %mul3A_1701 : i32 to vector<16xi32>
        %mul3A_1703 = arith.muli %iota3A, %mul3A_1702 : vector<16xi32>
        %rem3A_1704 = arith.constant 16 : i32
        %rem3A_1705 = arith.remsi %scan3A_1322, %rem3A_1704 : i32
        %add3A_1706 = vector.broadcast %rem3A_1705 : i32 to vector<16xi32>
        %add3A_1707 = arith.addi %mul3A_1703, %add3A_1706 : vector<16xi32>
        %lt3A_1708 = arith.constant 0 : i32
        %lt3A_1709 = vector.broadcast %lt3A_1708 : i32 to vector<16xi32>
        %lt3A_1710 = arith.cmpi slt, %add3A_1707, %lt3A_1709 : vector<16xi32>
        %add3A_1711 = arith.constant 16 : i32
        %add3A_1712 = vector.broadcast %add3A_1711 : i32 to vector<16xi32>
        %add3A_1713 = arith.addi %add3A_1707, %add3A_1712 : vector<16xi32>
        %select_n3A_1714 = arith.select %lt3A_1710, %add3A_1713, %add3A_1707 : vector<16xi1>, vector<16xi32>
        %broadcast_in_dim3A_1715 = vector.shape_cast %select_n3A_1714 : vector<16xi32> to vector<16x1xi32>
        %gather3A_1716 = vector.shape_cast %broadcast_in_dim3A_1715 : vector<16x1xi32> to vector<16xi32>
        %gather3A_1717 = tpu.dynamic_gather %rem3A_1700[%gather3A_1716] in [0] : vector<16xi32>, vector<16xi32> -> vector<16xi32>
        %add3A_1718 = arith.constant 0 : i32
        %add3A_1719 = vector.broadcast %add3A_1718 : i32 to vector<16xi32>
        %add3A_1720 = arith.addi %iota3A, %add3A_1719 : vector<16xi32>
        %eq3A = arith.cmpi eq, %add3A_1720, %gather3A_1717 : vector<16xi32>
        %select_n3A_1721 = arith.select %eq3A, %exp3A, %broadcast_in_dim3A_1 : vector<16xi1>, vector<16xf32>
        %swap3A_1722 = arith.index_cast %rem3A_1205 : i32 to index
        %swap3A_1723 = arith.index_cast %scan3A_1322 : i32 to index
        %swap3A_1724 = arith.constant 0 : index
        %swap3A_1725 = tpu.vector_load %arg11[%swap3A_1722, %swap3A_1723, %swap3A_1724] {strides = array<i32>} : memref<2x80x128xf32, #tpu.memory_space<vmem>>, vector<1x1x16xf32>,
        %swap3A_1726 = vector.shape_cast %swap3A_1725 : vector<1x1x16xf32> to vector<16xf32>
        %swap3A_1727 = vector.shape_cast %select_n3A_1721 : vector<16xf32> to vector<1x1x16xf32>
        tpu.vector_store %arg11[%swap3A_1722, %swap3A_1723, %swap3A_1724], %swap3A_1727 {strides = array<i32>} : memref<2x80x128xf32, #tpu.memory_space<vmem>>, vector<1x1x16xf32>,
        %add3A_1728 = arith.constant 16 : i32
        %add3A_1729 = vector.broadcast %add3A_1728 : i32 to vector<16xi32>
        %add3A_1730 = arith.addi %iota3A, %add3A_1729 : vector<16xi32>
        %eq3A_1731 = arith.cmpi eq, %add3A_1730, %gather3A_1717 : vector<16xi32>
        %select_n3A_1732 = arith.select %eq3A_1731, %exp3A, %broadcast_in_dim3A_1 : vector<16xi1>, vector<16xf32>
        %swap3A_1733 = arith.index_cast %rem3A_1205 : i32 to index
        %swap3A_1734 = arith.index_cast %scan3A_1322 : i32 to index
        %swap3A_1735 = arith.constant 16 : index
        %swap3A_1736 = tpu.vector_load %arg11[%swap3A_1733, %swap3A_1734, %swap3A_1735] {strides = array<i32>} : memref<2x80x128xf32, #tpu.memory_space<vmem>>, vector<1x1x16xf32>,
        %swap3A_1737 = vector.shape_cast %swap3A_1736 : vector<1x1x16xf32> to vector<16xf32>
        %swap3A_1738 = vector.shape_cast %select_n3A_1732 : vector<16xf32> to vector<1x1x16xf32>
        tpu.vector_store %arg11[%swap3A_1733, %swap3A_1734, %swap3A_1735], %swap3A_1738 {strides = array<i32>} : memref<2x80x128xf32, #tpu.memory_space<vmem>>, vector<1x1x16xf32>,
        %add3A_1739 = arith.constant 32 : i32
        %add3A_1740 = vector.broadcast %add3A_1739 : i32 to vector<16xi32>
        %add3A_1741 = arith.addi %iota3A, %add3A_1740 : vector<16xi32>
        %eq3A_1742 = arith.cmpi eq, %add3A_1741, %gather3A_1717 : vector<16xi32>
        %select_n3A_1743 = arith.select %eq3A_1742, %exp3A, %broadcast_in_dim3A_1 : vector<16xi1>, vector<16xf32>
        %swap3A_1744 = arith.index_cast %rem3A_1205 : i32 to index
        %swap3A_1745 = arith.index_cast %scan3A_1322 : i32 to index
        %swap3A_1746 = arith.constant 32 : index
        %swap3A_1747 = tpu.vector_load %arg11[%swap3A_1744, %swap3A_1745, %swap3A_1746] {strides = array<i32>} : memref<2x80x128xf32, #tpu.memory_space<vmem>>, vector<1x1x16xf32>,
        %swap3A_1748 = vector.shape_cast %swap3A_1747 : vector<1x1x16xf32> to vector<16xf32>
        %swap3A_1749 = vector.shape_cast %select_n3A_1743 : vector<16xf32> to vector<1x1x16xf32>
        tpu.vector_store %arg11[%swap3A_1744, %swap3A_1745, %swap3A_1746], %swap3A_1749 {strides = array<i32>} : memref<2x80x128xf32, #tpu.memory_space<vmem>>, vector<1x1x16xf32>,
        %add3A_1750 = arith.constant 48 : i32
        %add3A_1751 = vector.broadcast %add3A_1750 : i32 to vector<16xi32>
        %add3A_1752 = arith.addi %iota3A, %add3A_1751 : vector<16xi32>
        %eq3A_1753 = arith.cmpi eq, %add3A_1752, %gather3A_1717 : vector<16xi32>
        %select_n3A_1754 = arith.select %eq3A_1753, %exp3A, %broadcast_in_dim3A_1 : vector<16xi1>, vector<16xf32>
        %swap3A_1755 = arith.index_cast %rem3A_1205 : i32 to index
        %swap3A_1756 = arith.index_cast %scan3A_1322 : i32 to index
        %swap3A_1757 = arith.constant 48 : index
        %swap3A_1758 = tpu.vector_load %arg11[%swap3A_1755, %swap3A_1756, %swap3A_1757] {strides = array<i32>} : memref<2x80x128xf32, #tpu.memory_space<vmem>>, vector<1x1x16xf32>,
        %swap3A_1759 = vector.shape_cast %swap3A_1758 : vector<1x1x16xf32> to vector<16xf32>
        %swap3A_1760 = vector.shape_cast %select_n3A_1754 : vector<16xf32> to vector<1x1x16xf32>
        tpu.vector_store %arg11[%swap3A_1755, %swap3A_1756, %swap3A_1757], %swap3A_1760 {strides = array<i32>} : memref<2x80x128xf32, #tpu.memory_space<vmem>>, vector<1x1x16xf32>,
        %add3A_1761 = arith.constant 64 : i32
        %add3A_1762 = vector.broadcast %add3A_1761 : i32 to vector<16xi32>
        %add3A_1763 = arith.addi %iota3A, %add3A_1762 : vector<16xi32>
        %eq3A_1764 = arith.cmpi eq, %add3A_1763, %gather3A_1717 : vector<16xi32>
        %select_n3A_1765 = arith.select %eq3A_1764, %exp3A, %broadcast_in_dim3A_1 : vector<16xi1>, vector<16xf32>
        %swap3A_1766 = arith.index_cast %rem3A_1205 : i32 to index
        %swap3A_1767 = arith.index_cast %scan3A_1322 : i32 to index
        %swap3A_1768 = arith.constant 64 : index
        %swap3A_1769 = tpu.vector_load %arg11[%swap3A_1766, %swap3A_1767, %swap3A_1768] {strides = array<i32>} : memref<2x80x128xf32, #tpu.memory_space<vmem>>, vector<1x1x16xf32>,
        %swap3A_1770 = vector.shape_cast %swap3A_1769 : vector<1x1x16xf32> to vector<16xf32>
        %swap3A_1771 = vector.shape_cast %select_n3A_1765 : vector<16xf32> to vector<1x1x16xf32>
        tpu.vector_store %arg11[%swap3A_1766, %swap3A_1767, %swap3A_1768], %swap3A_1771 {strides = array<i32>} : memref<2x80x128xf32, #tpu.memory_space<vmem>>, vector<1x1x16xf32>,
        %add3A_1772 = arith.constant 80 : i32
        %add3A_1773 = vector.broadcast %add3A_1772 : i32 to vector<16xi32>
        %add3A_1774 = arith.addi %iota3A, %add3A_1773 : vector<16xi32>
        %eq3A_1775 = arith.cmpi eq, %add3A_1774, %gather3A_1717 : vector<16xi32>
        %select_n3A_1776 = arith.select %eq3A_1775, %exp3A, %broadcast_in_dim3A_1 : vector<16xi1>, vector<16xf32>
        %swap3A_1777 = arith.index_cast %rem3A_1205 : i32 to index
        %swap3A_1778 = arith.index_cast %scan3A_1322 : i32 to index
        %swap3A_1779 = arith.constant 80 : index
        %swap3A_1780 = tpu.vector_load %arg11[%swap3A_1777, %swap3A_1778, %swap3A_1779] {strides = array<i32>} : memref<2x80x128xf32, #tpu.memory_space<vmem>>, vector<1x1x16xf32>,
        %swap3A_1781 = vector.shape_cast %swap3A_1780 : vector<1x1x16xf32> to vector<16xf32>
        %swap3A_1782 = vector.shape_cast %select_n3A_1776 : vector<16xf32> to vector<1x1x16xf32>
        tpu.vector_store %arg11[%swap3A_1777, %swap3A_1778, %swap3A_1779], %swap3A_1782 {strides = array<i32>} : memref<2x80x128xf32, #tpu.memory_space<vmem>>, vector<1x1x16xf32>,
        %add3A_1783 = arith.constant 96 : i32
        %add3A_1784 = vector.broadcast %add3A_1783 : i32 to vector<16xi32>
        %add3A_1785 = arith.addi %iota3A, %add3A_1784 : vector<16xi32>
        %eq3A_1786 = arith.cmpi eq, %add3A_1785, %gather3A_1717 : vector<16xi32>
        %select_n3A_1787 = arith.select %eq3A_1786, %exp3A, %broadcast_in_dim3A_1 : vector<16xi1>, vector<16xf32>
        %swap3A_1788 = arith.index_cast %rem3A_1205 : i32 to index
        %swap3A_1789 = arith.index_cast %scan3A_1322 : i32 to index
        %swap3A_1790 = arith.constant 96 : index
        %swap3A_1791 = tpu.vector_load %arg11[%swap3A_1788, %swap3A_1789, %swap3A_1790] {strides = array<i32>} : memref<2x80x128xf32, #tpu.memory_space<vmem>>, vector<1x1x16xf32>,
        %swap3A_1792 = vector.shape_cast %swap3A_1791 : vector<1x1x16xf32> to vector<16xf32>
        %swap3A_1793 = vector.shape_cast %select_n3A_1787 : vector<16xf32> to vector<1x1x16xf32>
        tpu.vector_store %arg11[%swap3A_1788, %swap3A_1789, %swap3A_1790], %swap3A_1793 {strides = array<i32>} : memref<2x80x128xf32, #tpu.memory_space<vmem>>, vector<1x1x16xf32>,
        %add3A_1794 = arith.constant 112 : i32
        %add3A_1795 = vector.broadcast %add3A_1794 : i32 to vector<16xi32>
        %add3A_1796 = arith.addi %iota3A, %add3A_1795 : vector<16xi32>
        %eq3A_1797 = arith.cmpi eq, %add3A_1796, %gather3A_1717 : vector<16xi32>
        %select_n3A_1798 = arith.select %eq3A_1797, %exp3A, %broadcast_in_dim3A_1 : vector<16xi1>, vector<16xf32>
        %swap3A_1799 = arith.index_cast %rem3A_1205 : i32 to index
        %swap3A_1800 = arith.index_cast %scan3A_1322 : i32 to index
        %swap3A_1801 = arith.constant 112 : index
        %swap3A_1802 = tpu.vector_load %arg11[%swap3A_1799, %swap3A_1800, %swap3A_1801] {strides = array<i32>} : memref<2x80x128xf32, #tpu.memory_space<vmem>>, vector<1x1x16xf32>,
        %swap3A_1803 = vector.shape_cast %swap3A_1802 : vector<1x1x16xf32> to vector<16xf32>
        %swap3A_1804 = vector.shape_cast %select_n3A_1798 : vector<16xf32> to vector<1x1x16xf32>
        tpu.vector_store %arg11[%swap3A_1799, %swap3A_1800, %swap3A_1801], %swap3A_1804 {strides = array<i32>} : memref<2x80x128xf32, #tpu.memory_space<vmem>>, vector<1x1x16xf32>,
      }
      %scan3A_1248 = arith.constant 80 : i32
      %get3A = arith.index_cast %rem3A_1207 : i32 to index
      %get3A_1249 = arith.constant 0 : index
      %get3A_1250 = tpu.vector_load %arg8[%get3A, %get3A_1249] {strides = array<i32>} : memref<3x80xi32, #tpu.memory_space<vmem>>, vector<1x16xi32>,
      %get3A_1251 = vector.shape_cast %get3A_1250 : vector<1x16xi32> to vector<16xi32>
      %div3A = arith.constant 128 : i32
      %div3A_1252 = vector.broadcast %div3A : i32 to vector<16xi32>
      %div3A_1253 = arith.divsi %get3A_1251, %div3A_1252 : vector<16xi32>
      %add3A_1254 = arith.constant 10000 : i32
      %add3A_1255 = vector.broadcast %add3A_1254 : i32 to vector<16xi32>
      %add3A_1256 = arith.addi %add3A_1255, %div3A_1253 : vector<16xi32>
      %swap3A_1257 = arith.index_cast %rem3A_1205 : i32 to index
      %swap3A_1258 = arith.constant 0 : index
      %swap3A_1259 = tpu.vector_load %arg9[%swap3A_1257, %swap3A_1258] {strides = array<i32>} : memref<2x80xi32, #tpu.memory_space<vmem>>, vector<1x16xi32>,
      %swap3A_1260 = vector.shape_cast %swap3A_1259 : vector<1x16xi32> to vector<16xi32>
      %swap3A_1261 = vector.shape_cast %add3A_1256 : vector<16xi32> to vector<1x16xi32>
      tpu.vector_store %arg9[%swap3A_1257, %swap3A_1258], %swap3A_1261 {strides = array<i32>} : memref<2x80xi32, #tpu.memory_space<vmem>>, vector<1x16xi32>,
      %get3A_1262 = arith.index_cast %rem3A_1207 : i32 to index
      %get3A_1263 = arith.constant 16 : index
      %get3A_1264 = tpu.vector_load %arg8[%get3A_1262, %get3A_1263] {strides = array<i32>} : memref<3x80xi32, #tpu.memory_space<vmem>>, vector<1x16xi32>,
      %get3A_1265 = vector.shape_cast %get3A_1264 : vector<1x16xi32> to vector<16xi32>
      %div3A_1266 = arith.constant 128 : i32
      %div3A_1267 = vector.broadcast %div3A_1266 : i32 to vector<16xi32>
      %div3A_1268 = arith.divsi %get3A_1265, %div3A_1267 : vector<16xi32>
      %add3A_1269 = arith.constant 10000 : i32
      %add3A_1270 = vector.broadcast %add3A_1269 : i32 to vector<16xi32>
      %add3A_1271 = arith.addi %add3A_1270, %div3A_1268 : vector<16xi32>
      %swap3A_1272 = arith.index_cast %rem3A_1205 : i32 to index
      %swap3A_1273 = arith.constant 16 : index
      %swap3A_1274 = tpu.vector_load %arg9[%swap3A_1272, %swap3A_1273] {strides = array<i32>} : memref<2x80xi32, #tpu.memory_space<vmem>>, vector<1x16xi32>,
      %swap3A_1275 = vector.shape_cast %swap3A_1274 : vector<1x16xi32> to vector<16xi32>
      %swap3A_1276 = vector.shape_cast %add3A_1271 : vector<16xi32> to vector<1x16xi32>
      tpu.vector_store %arg9[%swap3A_1272, %swap3A_1273], %swap3A_1276 {strides = array<i32>} : memref<2x80xi32, #tpu.memory_space<vmem>>, vector<1x16xi32>,
      %get3A_1277 = arith.index_cast %rem3A_1207 : i32 to index
      %get3A_1278 = arith.constant 32 : index
      %get3A_1279 = tpu.vector_load %arg8[%get3A_1277, %get3A_1278] {strides = array<i32>} : memref<3x80xi32, #tpu.memory_space<vmem>>, vector<1x16xi32>,
      %get3A_1280 = vector.shape_cast %get3A_1279 : vector<1x16xi32> to vector<16xi32>
      %div3A_1281 = arith.constant 128 : i32
      %div3A_1282 = vector.broadcast %div3A_1281 : i32 to vector<16xi32>
      %div3A_1283 = arith.divsi %get3A_1280, %div3A_1282 : vector<16xi32>
      %add3A_1284 = arith.constant 10000 : i32
      %add3A_1285 = vector.broadcast %add3A_1284 : i32 to vector<16xi32>
      %add3A_1286 = arith.addi %add3A_1285, %div3A_1283 : vector<16xi32>
      %swap3A_1287 = arith.index_cast %rem3A_1205 : i32 to index
      %swap3A_1288 = arith.constant 32 : index
      %swap3A_1289 = tpu.vector_load %arg9[%swap3A_1287, %swap3A_1288] {strides = array<i32>} : memref<2x80xi32, #tpu.memory_space<vmem>>, vector<1x16xi32>,
      %swap3A_1290 = vector.shape_cast %swap3A_1289 : vector<1x16xi32> to vector<16xi32>
      %swap3A_1291 = vector.shape_cast %add3A_1286 : vector<16xi32> to vector<1x16xi32>
      tpu.vector_store %arg9[%swap3A_1287, %swap3A_1288], %swap3A_1291 {strides = array<i32>} : memref<2x80xi32, #tpu.memory_space<vmem>>, vector<1x16xi32>,
      %get3A_1292 = arith.index_cast %rem3A_1207 : i32 to index
      %get3A_1293 = arith.constant 48 : index
      %get3A_1294 = tpu.vector_load %arg8[%get3A_1292, %get3A_1293] {strides = array<i32>} : memref<3x80xi32, #tpu.memory_space<vmem>>, vector<1x16xi32>,
      %get3A_1295 = vector.shape_cast %get3A_1294 : vector<1x16xi32> to vector<16xi32>
      %div3A_1296 = arith.constant 128 : i32
      %div3A_1297 = vector.broadcast %div3A_1296 : i32 to vector<16xi32>
      %div3A_1298 = arith.divsi %get3A_1295, %div3A_1297 : vector<16xi32>
      %add3A_1299 = arith.constant 10000 : i32
      %add3A_1300 = vector.broadcast %add3A_1299 : i32 to vector<16xi32>
      %add3A_1301 = arith.addi %add3A_1300, %div3A_1298 : vector<16xi32>
      %swap3A_1302 = arith.index_cast %rem3A_1205 : i32 to index
      %swap3A_1303 = arith.constant 48 : index
      %swap3A_1304 = tpu.vector_load %arg9[%swap3A_1302, %swap3A_1303] {strides = array<i32>} : memref<2x80xi32, #tpu.memory_space<vmem>>, vector<1x16xi32>,
      %swap3A_1305 = vector.shape_cast %swap3A_1304 : vector<1x16xi32> to vector<16xi32>
      %swap3A_1306 = vector.shape_cast %add3A_1301 : vector<16xi32> to vector<1x16xi32>
      tpu.vector_store %arg9[%swap3A_1302, %swap3A_1303], %swap3A_1306 {strides = array<i32>} : memref<2x80xi32, #tpu.memory_space<vmem>>, vector<1x16xi32>,
      %get3A_1307 = arith.index_cast %rem3A_1207 : i32 to index
      %get3A_1308 = arith.constant 64 : index
      %get3A_1309 = tpu.vector_load %arg8[%get3A_1307, %get3A_1308] {strides = array<i32>} : memref<3x80xi32, #tpu.memory_space<vmem>>, vector<1x16xi32>,
      %get3A_1310 = vector.shape_cast %get3A_1309 : vector<1x16xi32> to vector<16xi32>
      %div3A_1311 = arith.constant 128 : i32
      %div3A_1312 = vector.broadcast %div3A_1311 : i32 to vector<16xi32>
      %div3A_1313 = arith.divsi %get3A_1310, %div3A_1312 : vector<16xi32>
      %add3A_1314 = arith.constant 10000 : i32
      %add3A_1315 = vector.broadcast %add3A_1314 : i32 to vector<16xi32>
      %add3A_1316 = arith.addi %add3A_1315, %div3A_1313 : vector<16xi32>
      %swap3A_1317 = arith.index_cast %rem3A_1205 : i32 to index
      %swap3A_1318 = arith.constant 64 : index
      %swap3A_1319 = tpu.vector_load %arg9[%swap3A_1317, %swap3A_1318] {strides = array<i32>} : memref<2x80xi32, #tpu.memory_space<vmem>>, vector<1x16xi32>,
      %swap3A_1320 = vector.shape_cast %swap3A_1319 : vector<1x16xi32> to vector<16xi32>
      %swap3A_1321 = vector.shape_cast %add3A_1316 : vector<16xi32> to vector<1x16xi32>
      tpu.vector_store %arg9[%swap3A_1317, %swap3A_1318], %swap3A_1321 {strides = array<i32>} : memref<2x80xi32, #tpu.memory_space<vmem>>, vector<1x16xi32>,
      "tpu.region"() ({
        %run_scoped3A_1322 = tpu.sem_alloc : memref<!tpu.dma_semaphore, #tpu.memory_space<semaphore_mem>>
        %dma_start3A_1323 = arith.constant 0 : i32
        %dma_start3A_1324 = arith.constant 0 : i32
        %dma_start3A_1325 = tpu.memref_slice %arg10[%rem3A_1205, %dma_start3A_1323, %dma_start3A_1324] : memref<2x80x128xf32, #tpu.memory_space<vmem>> -> memref<1x80x128xf32, #tpu.memory_space<vmem>>
        %dma_start3A_1326 = tpu.memref_squeeze %dma_start3A_1325 : memref<1x80x128xf32, #tpu.memory_space<vmem>> -> memref<80x128xf32, #tpu.memory_space<vmem>>
        %dma_start3A_1327 = arith.constant 0 : i32
        %dma_start3A_1328 = tpu.memref_slice %arg8[%rem3A_1207, %dma_start3A_1327] : memref<3x80xi32, #tpu.memory_space<vmem>> -> memref<1x80xi32, #tpu.memory_space<vmem>>
        %dma_start3A_1329 = tpu.memref_squeeze %dma_start3A_1328 : memref<1x80xi32, #tpu.memory_space<vmem>> -> memref<80xi32, #tpu.memory_space<vmem>>
        %dma_start3A_1330 = arith.constant 0 : i32
        %dma_start3A_1331 = arith.constant 0 : i32
        %dma_start3A_1332 = tpu.memref_slice %arg16[%dma_start3A_1330, %dma_start3A_1331] : memref<10240x128xf32, #tpu.memory_space<vmem_shared>> -> memref<10240x128xf32, #tpu.memory_space<vmem_shared>>
        tpu.enqueue_indirect_dma source(%dma_start3A_1326 : memref<80x128xf32, #tpu.memory_space<vmem>>) target(%dma_start3A_1332 : memref<10240x128xf32, #tpu.memory_space<vmem_shared>>) offsets(%dma_start3A_1329 : memref<80xi32, #tpu.memory_space<vmem>>) semaphore(%run_scoped3A_1322 : memref<!tpu.dma_semaphore, #tpu.memory_space<semaphore_mem>>) {add = true}
        %dma_wait3A_1333 = arith.constant 0 : i32
        %dma_wait3A_1334 = arith.constant 0 : i32
        %dma_wait3A_1335 = tpu.memref_slice %arg10[%rem3A_1205, %dma_wait3A_1333, %dma_wait3A_1334] : memref<2x80x128xf32, #tpu.memory_space<vmem>> -> memref<1x80x128xf32, #tpu.memory_space<vmem>>
        %dma_wait3A_1336 = tpu.memref_squeeze %dma_wait3A_1335 : memref<1x80x128xf32, #tpu.memory_space<vmem>> -> memref<80x128xf32, #tpu.memory_space<vmem>>
        %dma_wait3A_1337 = arith.constant 0 : i32
        %dma_wait3A_1338 = tpu.memref_slice %arg8[%rem3A_1207, %dma_wait3A_1337] : memref<3x80xi32, #tpu.memory_space<vmem>> -> memref<1x80xi32, #tpu.memory_space<vmem>>
        %dma_wait3A_1339 = tpu.memref_squeeze %dma_wait3A_1338 : memref<1x80xi32, #tpu.memory_space<vmem>> -> memref<80xi32, #tpu.memory_space<vmem>>
        %dma_wait3A_1340 = arith.constant 0 : i32
        %dma_wait3A_1341 = arith.constant 0 : i32
        %dma_wait3A_1342 = tpu.memref_slice %arg16[%dma_wait3A_1340, %dma_wait3A_1341] : memref<10240x128xf32, #tpu.memory_space<vmem_shared>> -> memref<10240x128xf32, #tpu.memory_space<vmem_shared>>
        tpu.wait_indirect_dma semaphore(%run_scoped3A_1322 : memref<!tpu.dma_semaphore, #tpu.memory_space<semaphore_mem>>) src(%dma_wait3A_1336 : memref<80x128xf32, #tpu.memory_space<vmem>>) dst(%dma_wait3A_1342 : memref<10240x128xf32, #tpu.memory_space<vmem_shared>>)
        tpu.yield
      }) : () -> ()
      "tpu.region"() ({
        %run_scoped3A_1322 = tpu.sem_alloc : memref<!tpu.dma_semaphore, #tpu.memory_space<semaphore_mem>>
        %dma_start3A_1323 = arith.constant 0 : i32
        %dma_start3A_1324 = arith.constant 0 : i32
        %dma_start3A_1325 = tpu.memref_slice %arg11[%rem3A_1205, %dma_start3A_1323, %dma_start3A_1324] : memref<2x80x128xf32, #tpu.memory_space<vmem>> -> memref<1x80x128xf32, #tpu.memory_space<vmem>>
        %dma_start3A_1326 = tpu.memref_squeeze %dma_start3A_1325 : memref<1x80x128xf32, #tpu.memory_space<vmem>> -> memref<80x128xf32, #tpu.memory_space<vmem>>
        %dma_start3A_1327 = arith.constant 0 : i32
        %dma_start3A_1328 = tpu.memref_slice %arg9[%rem3A_1205, %dma_start3A_1327] : memref<2x80xi32, #tpu.memory_space<vmem>> -> memref<1x80xi32, #tpu.memory_space<vmem>>
        %dma_start3A_1329 = tpu.memref_squeeze %dma_start3A_1328 : memref<1x80xi32, #tpu.memory_space<vmem>> -> memref<80xi32, #tpu.memory_space<vmem>>
        %dma_start3A_1330 = arith.constant 0 : i32
        %dma_start3A_1331 = arith.constant 0 : i32
        %dma_start3A_1332 = tpu.memref_slice %arg16[%dma_start3A_1330, %dma_start3A_1331] : memref<10240x128xf32, #tpu.memory_space<vmem_shared>> -> memref<10240x128xf32, #tpu.memory_space<vmem_shared>>
        tpu.enqueue_indirect_dma source(%dma_start3A_1326 : memref<80x128xf32, #tpu.memory_space<vmem>>) target(%dma_start3A_1332 : memref<10240x128xf32, #tpu.memory_space<vmem_shared>>) offsets(%dma_start3A_1329 : memref<80xi32, #tpu.memory_space<vmem>>) semaphore(%run_scoped3A_1322 : memref<!tpu.dma_semaphore, #tpu.memory_space<semaphore_mem>>) {add = true}
        %dma_wait3A_1333 = arith.constant 0 : i32
        %dma_wait3A_1334 = arith.constant 0 : i32
        %dma_wait3A_1335 = tpu.memref_slice %arg11[%rem3A_1205, %dma_wait3A_1333, %dma_wait3A_1334] : memref<2x80x128xf32, #tpu.memory_space<vmem>> -> memref<1x80x128xf32, #tpu.memory_space<vmem>>
        %dma_wait3A_1336 = tpu.memref_squeeze %dma_wait3A_1335 : memref<1x80x128xf32, #tpu.memory_space<vmem>> -> memref<80x128xf32, #tpu.memory_space<vmem>>
        %dma_wait3A_1337 = arith.constant 0 : i32
        %dma_wait3A_1338 = tpu.memref_slice %arg9[%rem3A_1205, %dma_wait3A_1337] : memref<2x80xi32, #tpu.memory_space<vmem>> -> memref<1x80xi32, #tpu.memory_space<vmem>>
        %dma_wait3A_1339 = tpu.memref_squeeze %dma_wait3A_1338 : memref<1x80xi32, #tpu.memory_space<vmem>> -> memref<80xi32, #tpu.memory_space<vmem>>
        %dma_wait3A_1340 = arith.constant 0 : i32
        %dma_wait3A_1341 = arith.constant 0 : i32
        %dma_wait3A_1342 = tpu.memref_slice %arg16[%dma_wait3A_1340, %dma_wait3A_1341] : memref<10240x128xf32, #tpu.memory_space<vmem_shared>> -> memref<10240x128xf32, #tpu.memory_space<vmem_shared>>
        tpu.wait_indirect_dma semaphore(%run_scoped3A_1322 : memref<!tpu.dma_semaphore, #tpu.memory_space<semaphore_mem>>) src(%dma_wait3A_1336 : memref<80x128xf32, #tpu.memory_space<vmem>>) dst(%dma_wait3A_1342 : memref<10240x128xf32, #tpu.memory_space<vmem_shared>>)
        tpu.yield
      }) : () -> ()
    }
    %scan3A_570 = arith.constant 125 : i32
    %barrier3A_571 = arith.constant 0 : index
    tpu.barrier barrier_id(%barrier3A_571)
    %mul3A_572 = arith.constant 640 : i32
    %mul3A_573 = arith.muli %arg1, %mul3A_572 : i32
    %add3A_574 = arith.constant 0 : i32
    %add3A_575 = arith.addi %mul3A_573, %add3A_574 : i32
    %add3A_576 = arith.constant 0 : i32
    %add3A_577 = arith.addi %add3A_575, %add3A_576 : i32
    %add3A_578 = vector.broadcast %add3A_577 : i32 to vector<16xi32>
    %add3A_579 = arith.addi %iota3A, %add3A_578 : vector<16xi32>
    %swap3A_580 = arith.constant 0 : i32
    %swap3A_581 = arith.index_cast %swap3A_580 : i32 to index
    %swap3A_582 = arith.constant 0 : index
    %swap3A_583 = tpu.vector_load %arg7[%swap3A_581, %swap3A_582] {strides = array<i32>} : memref<3x80xi32, #tpu.memory_space<vmem>>, vector<1x16xi32>,
    %swap3A_584 = vector.shape_cast %swap3A_583 : vector<1x16xi32> to vector<16xi32>
    %swap3A_585 = vector.shape_cast %add3A_579 : vector<16xi32> to vector<1x16xi32>
    tpu.vector_store %arg7[%swap3A_581, %swap3A_582], %swap3A_585 {strides = array<i32>} : memref<3x80xi32, #tpu.memory_space<vmem>>, vector<1x16xi32>,
    %add3A_586 = arith.constant 16 : i32
    %add3A_587 = arith.addi %add3A_575, %add3A_586 : i32
    %add3A_588 = vector.broadcast %add3A_587 : i32 to vector<16xi32>
    %add3A_589 = arith.addi %iota3A, %add3A_588 : vector<16xi32>
    %swap3A_590 = arith.constant 0 : i32
    %swap3A_591 = arith.index_cast %swap3A_590 : i32 to index
    %swap3A_592 = arith.constant 16 : index
    %swap3A_593 = tpu.vector_load %arg7[%swap3A_591, %swap3A_592] {strides = array<i32>} : memref<3x80xi32, #tpu.memory_space<vmem>>, vector<1x16xi32>,
    %swap3A_594 = vector.shape_cast %swap3A_593 : vector<1x16xi32> to vector<16xi32>
    %swap3A_595 = vector.shape_cast %add3A_589 : vector<16xi32> to vector<1x16xi32>
    tpu.vector_store %arg7[%swap3A_591, %swap3A_592], %swap3A_595 {strides = array<i32>} : memref<3x80xi32, #tpu.memory_space<vmem>>, vector<1x16xi32>,
    %add3A_596 = arith.constant 32 : i32
    %add3A_597 = arith.addi %add3A_575, %add3A_596 : i32
    %add3A_598 = vector.broadcast %add3A_597 : i32 to vector<16xi32>
    %add3A_599 = arith.addi %iota3A, %add3A_598 : vector<16xi32>
    %swap3A_600 = arith.constant 0 : i32
    %swap3A_601 = arith.index_cast %swap3A_600 : i32 to index
    %swap3A_602 = arith.constant 32 : index
    %swap3A_603 = tpu.vector_load %arg7[%swap3A_601, %swap3A_602] {strides = array<i32>} : memref<3x80xi32, #tpu.memory_space<vmem>>, vector<1x16xi32>,
    %swap3A_604 = vector.shape_cast %swap3A_603 : vector<1x16xi32> to vector<16xi32>
    %swap3A_605 = vector.shape_cast %add3A_599 : vector<16xi32> to vector<1x16xi32>
    tpu.vector_store %arg7[%swap3A_601, %swap3A_602], %swap3A_605 {strides = array<i32>} : memref<3x80xi32, #tpu.memory_space<vmem>>, vector<1x16xi32>,
    %add3A_606 = arith.constant 48 : i32
    %add3A_607 = arith.addi %add3A_575, %add3A_606 : i32
    %add3A_608 = vector.broadcast %add3A_607 : i32 to vector<16xi32>
    %add3A_609 = arith.addi %iota3A, %add3A_608 : vector<16xi32>
    %swap3A_610 = arith.constant 0 : i32
    %swap3A_611 = arith.index_cast %swap3A_610 : i32 to index
    %swap3A_612 = arith.constant 48 : index
    %swap3A_613 = tpu.vector_load %arg7[%swap3A_611, %swap3A_612] {strides = array<i32>} : memref<3x80xi32, #tpu.memory_space<vmem>>, vector<1x16xi32>,
    %swap3A_614 = vector.shape_cast %swap3A_613 : vector<1x16xi32> to vector<16xi32>
    %swap3A_615 = vector.shape_cast %add3A_609 : vector<16xi32> to vector<1x16xi32>
    tpu.vector_store %arg7[%swap3A_611, %swap3A_612], %swap3A_615 {strides = array<i32>} : memref<3x80xi32, #tpu.memory_space<vmem>>, vector<1x16xi32>,
    %add3A_616 = arith.constant 64 : i32
    %add3A_617 = arith.addi %add3A_575, %add3A_616 : i32
    %add3A_618 = vector.broadcast %add3A_617 : i32 to vector<16xi32>
    %add3A_619 = arith.addi %iota3A, %add3A_618 : vector<16xi32>
    %swap3A_620 = arith.constant 0 : i32
    %swap3A_621 = arith.index_cast %swap3A_620 : i32 to index
    %swap3A_622 = arith.constant 64 : index
    %swap3A_623 = tpu.vector_load %arg7[%swap3A_621, %swap3A_622] {strides = array<i32>} : memref<3x80xi32, #tpu.memory_space<vmem>>, vector<1x16xi32>,
    %swap3A_624 = vector.shape_cast %swap3A_623 : vector<1x16xi32> to vector<16xi32>
    %swap3A_625 = vector.shape_cast %add3A_619 : vector<16xi32> to vector<1x16xi32>
    tpu.vector_store %arg7[%swap3A_621, %swap3A_622], %swap3A_625 {strides = array<i32>} : memref<3x80xi32, #tpu.memory_space<vmem>>, vector<1x16xi32>,
    %dma_start3A_626 = arith.constant 0 : i32
    %dma_start3A_627 = arith.constant 0 : i32
    %dma_start3A_628 = arith.constant 0 : i32
    %dma_start3A_629 = arith.constant 0 : i32
    %dma_start3A_630 = tpu.memref_slice %arg10[%dma_start3A_627, %dma_start3A_628, %dma_start3A_629] : memref<2x80x128xf32, #tpu.memory_space<vmem>> -> memref<1x80x128xf32, #tpu.memory_space<vmem>>
    %dma_start3A_631 = tpu.memref_squeeze %dma_start3A_630 : memref<1x80x128xf32, #tpu.memory_space<vmem>> -> memref<80x128xf32, #tpu.memory_space<vmem>>
    %dma_start3A_632 = arith.constant 0 : i32
    %dma_start3A_633 = tpu.memref_slice %arg7[%dma_start3A_626, %dma_start3A_632] : memref<3x80xi32, #tpu.memory_space<vmem>> -> memref<1x80xi32, #tpu.memory_space<vmem>>
    %dma_start3A_634 = tpu.memref_squeeze %dma_start3A_633 : memref<1x80xi32, #tpu.memory_space<vmem>> -> memref<80xi32, #tpu.memory_space<vmem>>
    %dma_start3A_635 = arith.constant 0 : i32
    %dma_start3A_636 = arith.constant 0 : i32
    %dma_start3A_637 = tpu.memref_slice %arg16[%dma_start3A_635, %dma_start3A_636] : memref<10240x128xf32, #tpu.memory_space<vmem_shared>> -> memref<10240x128xf32, #tpu.memory_space<vmem_shared>>
    tpu.enqueue_indirect_dma source(%dma_start3A_637 : memref<10240x128xf32, #tpu.memory_space<vmem_shared>>) target(%dma_start3A_631 : memref<80x128xf32, #tpu.memory_space<vmem>>) offsets(%dma_start3A_634 : memref<80xi32, #tpu.memory_space<vmem>>) semaphore(%arg15 : memref<!tpu.dma_semaphore, #tpu.memory_space<semaphore_mem>>)
    %dma_wait3A_638 = arith.constant 0 : i32
    %dma_wait3A_639 = arith.constant 0 : i32
    %dma_wait3A_640 = arith.constant 0 : i32
    %dma_wait3A_641 = arith.constant 0 : i32
    %dma_wait3A_642 = tpu.memref_slice %arg10[%dma_wait3A_639, %dma_wait3A_640, %dma_wait3A_641] : memref<2x80x128xf32, #tpu.memory_space<vmem>> -> memref<1x80x128xf32, #tpu.memory_space<vmem>>
    %dma_wait3A_643 = tpu.memref_squeeze %dma_wait3A_642 : memref<1x80x128xf32, #tpu.memory_space<vmem>> -> memref<80x128xf32, #tpu.memory_space<vmem>>
    %dma_wait3A_644 = arith.constant 0 : i32
    %dma_wait3A_645 = tpu.memref_slice %arg7[%dma_wait3A_638, %dma_wait3A_644] : memref<3x80xi32, #tpu.memory_space<vmem>> -> memref<1x80xi32, #tpu.memory_space<vmem>>
    %dma_wait3A_646 = tpu.memref_squeeze %dma_wait3A_645 : memref<1x80xi32, #tpu.memory_space<vmem>> -> memref<80xi32, #tpu.memory_space<vmem>>
    %dma_wait3A_647 = arith.constant 0 : i32
    %dma_wait3A_648 = arith.constant 0 : i32
    %dma_wait3A_649 = tpu.memref_slice %arg16[%dma_wait3A_647, %dma_wait3A_648] : memref<10240x128xf32, #tpu.memory_space<vmem_shared>> -> memref<10240x128xf32, #tpu.memory_space<vmem_shared>>
    tpu.wait_indirect_dma semaphore(%arg15 : memref<!tpu.dma_semaphore, #tpu.memory_space<semaphore_mem>>) src(%dma_wait3A_649 : memref<10240x128xf32, #tpu.memory_space<vmem_shared>>) dst(%dma_wait3A_643 : memref<80x128xf32, #tpu.memory_space<vmem>>)
    %run_scoped3A_650 = arith.constant 0 : i32
    "tpu.region"() ({
      %run_scoped3A_1204 = tpu.sem_alloc : memref<!tpu.dma_semaphore, #tpu.memory_space<semaphore_mem>>
      %dma_start3A_1205 = arith.constant 0 : i32
      %dma_start3A_1206 = arith.constant 0 : i32
      %dma_start3A_1207 = tpu.memref_slice %arg10[%run_scoped3A_650, %dma_start3A_1205, %dma_start3A_1206] : memref<2x80x128xf32, #tpu.memory_space<vmem>> -> memref<1x80x128xf32, #tpu.memory_space<vmem>>
      %dma_start3A_1208 = tpu.memref_squeeze %dma_start3A_1207 : memref<1x80x128xf32, #tpu.memory_space<vmem>> -> memref<80x128xf32, #tpu.memory_space<vmem>>
      %dma_start3A_1209 = arith.constant 0 : i32
      %dma_start3A_1210 = tpu.memref_slice %arg6[%arg0, %add3A_575, %dma_start3A_1209] : memref<2x10240x128xf32, #tpu.memory_space<hbm>> -> memref<1x80x128xf32, #tpu.memory_space<hbm>>
      %dma_start3A_1211 = tpu.memref_squeeze %dma_start3A_1210 : memref<1x80x128xf32, #tpu.memory_space<hbm>> -> memref<80x128xf32, #tpu.memory_space<hbm>>
      %dma_start3A_1212 = arith.constant 0 : i32
      %dma_start3A_1213 = tpu.memref_slice %arg6[%arg0, %add3A_575, %dma_start3A_1212] : memref<2x10240x128xf32, #tpu.memory_space<hbm>> -> memref<1x80x128xf32, #tpu.memory_space<hbm>>
      %dma_start3A_1214 = tpu.memref_squeeze %dma_start3A_1213 : memref<1x80x128xf32, #tpu.memory_space<hbm>> -> memref<80x128xf32, #tpu.memory_space<hbm>>
      %dma_start3A_1215 = arith.constant 0 : i32
      %dma_start3A_1216 = arith.constant 0 : i32
      %dma_start3A_1217 = tpu.memref_slice %arg10[%run_scoped3A_650, %dma_start3A_1215, %dma_start3A_1216] : memref<2x80x128xf32, #tpu.memory_space<vmem>> -> memref<1x80x128xf32, #tpu.memory_space<vmem>>
      %dma_start3A_1218 = tpu.memref_squeeze %dma_start3A_1217 : memref<1x80x128xf32, #tpu.memory_space<vmem>> -> memref<80x128xf32, #tpu.memory_space<vmem>>
      tpu.enqueue_dma source(%dma_start3A_1218 : memref<80x128xf32, #tpu.memory_space<vmem>>) target(%dma_start3A_1214 : memref<80x128xf32, #tpu.memory_space<hbm>>) target_semaphore(%run_scoped3A_1204 : memref<!tpu.dma_semaphore, #tpu.memory_space<semaphore_mem>>)
      %dma_wait3A_1219 = arith.constant 0 : i32
      %dma_wait3A_1220 = arith.constant 0 : i32
      %dma_wait3A_1221 = tpu.memref_slice %arg10[%run_scoped3A_650, %dma_wait3A_1219, %dma_wait3A_1220] : memref<2x80x128xf32, #tpu.memory_space<vmem>> -> memref<1x80x128xf32, #tpu.memory_space<vmem>>
      %dma_wait3A_1222 = tpu.memref_squeeze %dma_wait3A_1221 : memref<1x80x128xf32, #tpu.memory_space<vmem>> -> memref<80x128xf32, #tpu.memory_space<vmem>>
      %dma_wait3A_1223 = arith.constant 0 : i32
      %dma_wait3A_1224 = tpu.memref_slice %arg6[%arg0, %add3A_575, %dma_wait3A_1223] : memref<2x10240x128xf32, #tpu.memory_space<hbm>> -> memref<1x80x128xf32, #tpu.memory_space<hbm>>
      %dma_wait3A_1225 = tpu.memref_squeeze %dma_wait3A_1224 : memref<1x80x128xf32, #tpu.memory_space<hbm>> -> memref<80x128xf32, #tpu.memory_space<hbm>>
      %dma_wait3A_1226 = arith.constant 0 : i32
      %dma_wait3A_1227 = tpu.memref_slice %arg6[%arg0, %add3A_575, %dma_wait3A_1226] : memref<2x10240x128xf32, #tpu.memory_space<hbm>> -> memref<1x80x128xf32, #tpu.memory_space<hbm>>
      %dma_wait3A_1228 = tpu.memref_squeeze %dma_wait3A_1227 : memref<1x80x128xf32, #tpu.memory_space<hbm>> -> memref<80x128xf32, #tpu.memory_space<hbm>>
      %dma_wait3A_1229 = arith.constant 0 : i32
      %dma_wait3A_1230 = arith.constant 0 : i32
      %dma_wait3A_1231 = tpu.memref_slice %arg10[%run_scoped3A_650, %dma_wait3A_1229, %dma_wait3A_1230] : memref<2x80x128xf32, #tpu.memory_space<vmem>> -> memref<1x80x128xf32, #tpu.memory_space<vmem>>
      %dma_wait3A_1232 = tpu.memref_squeeze %dma_wait3A_1231 : memref<1x80x128xf32, #tpu.memory_space<vmem>> -> memref<80x128xf32, #tpu.memory_space<vmem>>
      tpu.wait_dma2 semaphore(%run_scoped3A_1204 : memref<!tpu.dma_semaphore, #tpu.memory_space<semaphore_mem>>) src(%dma_wait3A_1232 : memref<80x128xf32, #tpu.memory_space<vmem>>) dst(%dma_wait3A_1228 : memref<80x128xf32, #tpu.memory_space<hbm>>)
      tpu.yield
    }) : () -> ()
    %mul3A_651 = arith.constant 640 : i32
    %mul3A_652 = arith.muli %arg1, %mul3A_651 : i32
    %add3A_653 = arith.constant 80 : i32
    %add3A_654 = arith.addi %mul3A_652, %add3A_653 : i32
    %add3A_655 = arith.constant 0 : i32
    %add3A_656 = arith.addi %add3A_654, %add3A_655 : i32
    %add3A_657 = vector.broadcast %add3A_656 : i32 to vector<16xi32>
    %add3A_658 = arith.addi %iota3A, %add3A_657 : vector<16xi32>
    %swap3A_659 = arith.constant 0 : i32
    %swap3A_660 = arith.index_cast %swap3A_659 : i32 to index
    %swap3A_661 = arith.constant 0 : index
    %swap3A_662 = tpu.vector_load %arg7[%swap3A_660, %swap3A_661] {strides = array<i32>} : memref<3x80xi32, #tpu.memory_space<vmem>>, vector<1x16xi32>,
    %swap3A_663 = vector.shape_cast %swap3A_662 : vector<1x16xi32> to vector<16xi32>
    %swap3A_664 = vector.shape_cast %add3A_658 : vector<16xi32> to vector<1x16xi32>
    tpu.vector_store %arg7[%swap3A_660, %swap3A_661], %swap3A_664 {strides = array<i32>} : memref<3x80xi32, #tpu.memory_space<vmem>>, vector<1x16xi32>,
    %add3A_665 = arith.constant 16 : i32
    %add3A_666 = arith.addi %add3A_654, %add3A_665 : i32
    %add3A_667 = vector.broadcast %add3A_666 : i32 to vector<16xi32>
    %add3A_668 = arith.addi %iota3A, %add3A_667 : vector<16xi32>
    %swap3A_669 = arith.constant 0 : i32
    %swap3A_670 = arith.index_cast %swap3A_669 : i32 to index
    %swap3A_671 = arith.constant 16 : index
    %swap3A_672 = tpu.vector_load %arg7[%swap3A_670, %swap3A_671] {strides = array<i32>} : memref<3x80xi32, #tpu.memory_space<vmem>>, vector<1x16xi32>,
    %swap3A_673 = vector.shape_cast %swap3A_672 : vector<1x16xi32> to vector<16xi32>
    %swap3A_674 = vector.shape_cast %add3A_668 : vector<16xi32> to vector<1x16xi32>
    tpu.vector_store %arg7[%swap3A_670, %swap3A_671], %swap3A_674 {strides = array<i32>} : memref<3x80xi32, #tpu.memory_space<vmem>>, vector<1x16xi32>,
    %add3A_675 = arith.constant 32 : i32
    %add3A_676 = arith.addi %add3A_654, %add3A_675 : i32
    %add3A_677 = vector.broadcast %add3A_676 : i32 to vector<16xi32>
    %add3A_678 = arith.addi %iota3A, %add3A_677 : vector<16xi32>
    %swap3A_679 = arith.constant 0 : i32
    %swap3A_680 = arith.index_cast %swap3A_679 : i32 to index
    %swap3A_681 = arith.constant 32 : index
    %swap3A_682 = tpu.vector_load %arg7[%swap3A_680, %swap3A_681] {strides = array<i32>} : memref<3x80xi32, #tpu.memory_space<vmem>>, vector<1x16xi32>,
    %swap3A_683 = vector.shape_cast %swap3A_682 : vector<1x16xi32> to vector<16xi32>
    %swap3A_684 = vector.shape_cast %add3A_678 : vector<16xi32> to vector<1x16xi32>
    tpu.vector_store %arg7[%swap3A_680, %swap3A_681], %swap3A_684 {strides = array<i32>} : memref<3x80xi32, #tpu.memory_space<vmem>>, vector<1x16xi32>,
    %add3A_685 = arith.constant 48 : i32
    %add3A_686 = arith.addi %add3A_654, %add3A_685 : i32
    %add3A_687 = vector.broadcast %add3A_686 : i32 to vector<16xi32>
    %add3A_688 = arith.addi %iota3A, %add3A_687 : vector<16xi32>
    %swap3A_689 = arith.constant 0 : i32
    %swap3A_690 = arith.index_cast %swap3A_689 : i32 to index
    %swap3A_691 = arith.constant 48 : index
    %swap3A_692 = tpu.vector_load %arg7[%swap3A_690, %swap3A_691] {strides = array<i32>} : memref<3x80xi32, #tpu.memory_space<vmem>>, vector<1x16xi32>,
    %swap3A_693 = vector.shape_cast %swap3A_692 : vector<1x16xi32> to vector<16xi32>
    %swap3A_694 = vector.shape_cast %add3A_688 : vector<16xi32> to vector<1x16xi32>
    tpu.vector_store %arg7[%swap3A_690, %swap3A_691], %swap3A_694 {strides = array<i32>} : memref<3x80xi32, #tpu.memory_space<vmem>>, vector<1x16xi32>,
    %add3A_695 = arith.constant 64 : i32
    %add3A_696 = arith.addi %add3A_654, %add3A_695 : i32
    %add3A_697 = vector.broadcast %add3A_696 : i32 to vector<16xi32>
    %add3A_698 = arith.addi %iota3A, %add3A_697 : vector<16xi32>
    %swap3A_699 = arith.constant 0 : i32
    %swap3A_700 = arith.index_cast %swap3A_699 : i32 to index
    %swap3A_701 = arith.constant 64 : index
    %swap3A_702 = tpu.vector_load %arg7[%swap3A_700, %swap3A_701] {strides = array<i32>} : memref<3x80xi32, #tpu.memory_space<vmem>>, vector<1x16xi32>,
    %swap3A_703 = vector.shape_cast %swap3A_702 : vector<1x16xi32> to vector<16xi32>
    %swap3A_704 = vector.shape_cast %add3A_698 : vector<16xi32> to vector<1x16xi32>
    tpu.vector_store %arg7[%swap3A_700, %swap3A_701], %swap3A_704 {strides = array<i32>} : memref<3x80xi32, #tpu.memory_space<vmem>>, vector<1x16xi32>,
    %dma_start3A_705 = arith.constant 0 : i32
    %dma_start3A_706 = arith.constant 0 : i32
    %dma_start3A_707 = arith.constant 0 : i32
    %dma_start3A_708 = arith.constant 0 : i32
    %dma_start3A_709 = tpu.memref_slice %arg10[%dma_start3A_706, %dma_start3A_707, %dma_start3A_708] : memref<2x80x128xf32, #tpu.memory_space<vmem>> -> memref<1x80x128xf32, #tpu.memory_space<vmem>>
    %dma_start3A_710 = tpu.memref_squeeze %dma_start3A_709 : memref<1x80x128xf32, #tpu.memory_space<vmem>> -> memref<80x128xf32, #tpu.memory_space<vmem>>
    %dma_start3A_711 = arith.constant 0 : i32
    %dma_start3A_712 = tpu.memref_slice %arg7[%dma_start3A_705, %dma_start3A_711] : memref<3x80xi32, #tpu.memory_space<vmem>> -> memref<1x80xi32, #tpu.memory_space<vmem>>
    %dma_start3A_713 = tpu.memref_squeeze %dma_start3A_712 : memref<1x80xi32, #tpu.memory_space<vmem>> -> memref<80xi32, #tpu.memory_space<vmem>>
    %dma_start3A_714 = arith.constant 0 : i32
    %dma_start3A_715 = arith.constant 0 : i32
    %dma_start3A_716 = tpu.memref_slice %arg16[%dma_start3A_714, %dma_start3A_715] : memref<10240x128xf32, #tpu.memory_space<vmem_shared>> -> memref<10240x128xf32, #tpu.memory_space<vmem_shared>>
    tpu.enqueue_indirect_dma source(%dma_start3A_716 : memref<10240x128xf32, #tpu.memory_space<vmem_shared>>) target(%dma_start3A_710 : memref<80x128xf32, #tpu.memory_space<vmem>>) offsets(%dma_start3A_713 : memref<80xi32, #tpu.memory_space<vmem>>) semaphore(%arg15 : memref<!tpu.dma_semaphore, #tpu.memory_space<semaphore_mem>>)
    %dma_wait3A_717 = arith.constant 0 : i32
    %dma_wait3A_718 = arith.constant 0 : i32
    %dma_wait3A_719 = arith.constant 0 : i32
    %dma_wait3A_720 = arith.constant 0 : i32
    %dma_wait3A_721 = tpu.memref_slice %arg10[%dma_wait3A_718, %dma_wait3A_719, %dma_wait3A_720] : memref<2x80x128xf32, #tpu.memory_space<vmem>> -> memref<1x80x128xf32, #tpu.memory_space<vmem>>
    %dma_wait3A_722 = tpu.memref_squeeze %dma_wait3A_721 : memref<1x80x128xf32, #tpu.memory_space<vmem>> -> memref<80x128xf32, #tpu.memory_space<vmem>>
    %dma_wait3A_723 = arith.constant 0 : i32
    %dma_wait3A_724 = tpu.memref_slice %arg7[%dma_wait3A_717, %dma_wait3A_723] : memref<3x80xi32, #tpu.memory_space<vmem>> -> memref<1x80xi32, #tpu.memory_space<vmem>>
    %dma_wait3A_725 = tpu.memref_squeeze %dma_wait3A_724 : memref<1x80xi32, #tpu.memory_space<vmem>> -> memref<80xi32, #tpu.memory_space<vmem>>
    %dma_wait3A_726 = arith.constant 0 : i32
    %dma_wait3A_727 = arith.constant 0 : i32
    %dma_wait3A_728 = tpu.memref_slice %arg16[%dma_wait3A_726, %dma_wait3A_727] : memref<10240x128xf32, #tpu.memory_space<vmem_shared>> -> memref<10240x128xf32, #tpu.memory_space<vmem_shared>>
    tpu.wait_indirect_dma semaphore(%arg15 : memref<!tpu.dma_semaphore, #tpu.memory_space<semaphore_mem>>) src(%dma_wait3A_728 : memref<10240x128xf32, #tpu.memory_space<vmem_shared>>) dst(%dma_wait3A_722 : memref<80x128xf32, #tpu.memory_space<vmem>>)
    %run_scoped3A_729 = arith.constant 0 : i32
    "tpu.region"() ({
      %run_scoped3A_1204 = tpu.sem_alloc : memref<!tpu.dma_semaphore, #tpu.memory_space<semaphore_mem>>
      %dma_start3A_1205 = arith.constant 0 : i32
      %dma_start3A_1206 = arith.constant 0 : i32
      %dma_start3A_1207 = tpu.memref_slice %arg10[%run_scoped3A_729, %dma_start3A_1205, %dma_start3A_1206] : memref<2x80x128xf32, #tpu.memory_space<vmem>> -> memref<1x80x128xf32, #tpu.memory_space<vmem>>
      %dma_start3A_1208 = tpu.memref_squeeze %dma_start3A_1207 : memref<1x80x128xf32, #tpu.memory_space<vmem>> -> memref<80x128xf32, #tpu.memory_space<vmem>>
      %dma_start3A_1209 = arith.constant 0 : i32
      %dma_start3A_1210 = tpu.memref_slice %arg6[%arg0, %add3A_654, %dma_start3A_1209] : memref<2x10240x128xf32, #tpu.memory_space<hbm>> -> memref<1x80x128xf32, #tpu.memory_space<hbm>>
      %dma_start3A_1211 = tpu.memref_squeeze %dma_start3A_1210 : memref<1x80x128xf32, #tpu.memory_space<hbm>> -> memref<80x128xf32, #tpu.memory_space<hbm>>
      %dma_start3A_1212 = arith.constant 0 : i32
      %dma_start3A_1213 = tpu.memref_slice %arg6[%arg0, %add3A_654, %dma_start3A_1212] : memref<2x10240x128xf32, #tpu.memory_space<hbm>> -> memref<1x80x128xf32, #tpu.memory_space<hbm>>
      %dma_start3A_1214 = tpu.memref_squeeze %dma_start3A_1213 : memref<1x80x128xf32, #tpu.memory_space<hbm>> -> memref<80x128xf32, #tpu.memory_space<hbm>>
      %dma_start3A_1215 = arith.constant 0 : i32
      %dma_start3A_1216 = arith.constant 0 : i32
      %dma_start3A_1217 = tpu.memref_slice %arg10[%run_scoped3A_729, %dma_start3A_1215, %dma_start3A_1216] : memref<2x80x128xf32, #tpu.memory_space<vmem>> -> memref<1x80x128xf32, #tpu.memory_space<vmem>>
      %dma_start3A_1218 = tpu.memref_squeeze %dma_start3A_1217 : memref<1x80x128xf32, #tpu.memory_space<vmem>> -> memref<80x128xf32, #tpu.memory_space<vmem>>
      tpu.enqueue_dma source(%dma_start3A_1218 : memref<80x128xf32, #tpu.memory_space<vmem>>) target(%dma_start3A_1214 : memref<80x128xf32, #tpu.memory_space<hbm>>) target_semaphore(%run_scoped3A_1204 : memref<!tpu.dma_semaphore, #tpu.memory_space<semaphore_mem>>)
      %dma_wait3A_1219 = arith.constant 0 : i32
      %dma_wait3A_1220 = arith.constant 0 : i32
      %dma_wait3A_1221 = tpu.memref_slice %arg10[%run_scoped3A_729, %dma_wait3A_1219, %dma_wait3A_1220] : memref<2x80x128xf32, #tpu.memory_space<vmem>> -> memref<1x80x128xf32, #tpu.memory_space<vmem>>
      %dma_wait3A_1222 = tpu.memref_squeeze %dma_wait3A_1221 : memref<1x80x128xf32, #tpu.memory_space<vmem>> -> memref<80x128xf32, #tpu.memory_space<vmem>>
      %dma_wait3A_1223 = arith.constant 0 : i32
      %dma_wait3A_1224 = tpu.memref_slice %arg6[%arg0, %add3A_654, %dma_wait3A_1223] : memref<2x10240x128xf32, #tpu.memory_space<hbm>> -> memref<1x80x128xf32, #tpu.memory_space<hbm>>
      %dma_wait3A_1225 = tpu.memref_squeeze %dma_wait3A_1224 : memref<1x80x128xf32, #tpu.memory_space<hbm>> -> memref<80x128xf32, #tpu.memory_space<hbm>>
      %dma_wait3A_1226 = arith.constant 0 : i32
      %dma_wait3A_1227 = tpu.memref_slice %arg6[%arg0, %add3A_654, %dma_wait3A_1226] : memref<2x10240x128xf32, #tpu.memory_space<hbm>> -> memref<1x80x128xf32, #tpu.memory_space<hbm>>
      %dma_wait3A_1228 = tpu.memref_squeeze %dma_wait3A_1227 : memref<1x80x128xf32, #tpu.memory_space<hbm>> -> memref<80x128xf32, #tpu.memory_space<hbm>>
      %dma_wait3A_1229 = arith.constant 0 : i32
      %dma_wait3A_1230 = arith.constant 0 : i32
      %dma_wait3A_1231 = tpu.memref_slice %arg10[%run_scoped3A_729, %dma_wait3A_1229, %dma_wait3A_1230] : memref<2x80x128xf32, #tpu.memory_space<vmem>> -> memref<1x80x128xf32, #tpu.memory_space<vmem>>
      %dma_wait3A_1232 = tpu.memref_squeeze %dma_wait3A_1231 : memref<1x80x128xf32, #tpu.memory_space<vmem>> -> memref<80x128xf32, #tpu.memory_space<vmem>>
      tpu.wait_dma2 semaphore(%run_scoped3A_1204 : memref<!tpu.dma_semaphore, #tpu.memory_space<semaphore_mem>>) src(%dma_wait3A_1232 : memref<80x128xf32, #tpu.memory_space<vmem>>) dst(%dma_wait3A_1228 : memref<80x128xf32, #tpu.memory_space<hbm>>)
      tpu.yield
    }) : () -> ()
    %mul3A_730 = arith.constant 640 : i32
    %mul3A_731 = arith.muli %arg1, %mul3A_730 : i32
    %add3A_732 = arith.constant 160 : i32
    %add3A_733 = arith.addi %mul3A_731, %add3A_732 : i32
    %add3A_734 = arith.constant 0 : i32
    %add3A_735 = arith.addi %add3A_733, %add3A_734 : i32
    %add3A_736 = vector.broadcast %add3A_735 : i32 to vector<16xi32>
    %add3A_737 = arith.addi %iota3A, %add3A_736 : vector<16xi32>
    %swap3A_738 = arith.constant 0 : i32
    %swap3A_739 = arith.index_cast %swap3A_738 : i32 to index
    %swap3A_740 = arith.constant 0 : index
    %swap3A_741 = tpu.vector_load %arg7[%swap3A_739, %swap3A_740] {strides = array<i32>} : memref<3x80xi32, #tpu.memory_space<vmem>>, vector<1x16xi32>,
    %swap3A_742 = vector.shape_cast %swap3A_741 : vector<1x16xi32> to vector<16xi32>
    %swap3A_743 = vector.shape_cast %add3A_737 : vector<16xi32> to vector<1x16xi32>
    tpu.vector_store %arg7[%swap3A_739, %swap3A_740], %swap3A_743 {strides = array<i32>} : memref<3x80xi32, #tpu.memory_space<vmem>>, vector<1x16xi32>,
    %add3A_744 = arith.constant 16 : i32
    %add3A_745 = arith.addi %add3A_733, %add3A_744 : i32
    %add3A_746 = vector.broadcast %add3A_745 : i32 to vector<16xi32>
    %add3A_747 = arith.addi %iota3A, %add3A_746 : vector<16xi32>
    %swap3A_748 = arith.constant 0 : i32
    %swap3A_749 = arith.index_cast %swap3A_748 : i32 to index
    %swap3A_750 = arith.constant 16 : index
    %swap3A_751 = tpu.vector_load %arg7[%swap3A_749, %swap3A_750] {strides = array<i32>} : memref<3x80xi32, #tpu.memory_space<vmem>>, vector<1x16xi32>,
    %swap3A_752 = vector.shape_cast %swap3A_751 : vector<1x16xi32> to vector<16xi32>
    %swap3A_753 = vector.shape_cast %add3A_747 : vector<16xi32> to vector<1x16xi32>
    tpu.vector_store %arg7[%swap3A_749, %swap3A_750], %swap3A_753 {strides = array<i32>} : memref<3x80xi32, #tpu.memory_space<vmem>>, vector<1x16xi32>,
    %add3A_754 = arith.constant 32 : i32
    %add3A_755 = arith.addi %add3A_733, %add3A_754 : i32
    %add3A_756 = vector.broadcast %add3A_755 : i32 to vector<16xi32>
    %add3A_757 = arith.addi %iota3A, %add3A_756 : vector<16xi32>
    %swap3A_758 = arith.constant 0 : i32
    %swap3A_759 = arith.index_cast %swap3A_758 : i32 to index
    %swap3A_760 = arith.constant 32 : index
    %swap3A_761 = tpu.vector_load %arg7[%swap3A_759, %swap3A_760] {strides = array<i32>} : memref<3x80xi32, #tpu.memory_space<vmem>>, vector<1x16xi32>,
    %swap3A_762 = vector.shape_cast %swap3A_761 : vector<1x16xi32> to vector<16xi32>
    %swap3A_763 = vector.shape_cast %add3A_757 : vector<16xi32> to vector<1x16xi32>
    tpu.vector_store %arg7[%swap3A_759, %swap3A_760], %swap3A_763 {strides = array<i32>} : memref<3x80xi32, #tpu.memory_space<vmem>>, vector<1x16xi32>,
    %add3A_764 = arith.constant 48 : i32
    %add3A_765 = arith.addi %add3A_733, %add3A_764 : i32
    %add3A_766 = vector.broadcast %add3A_765 : i32 to vector<16xi32>
    %add3A_767 = arith.addi %iota3A, %add3A_766 : vector<16xi32>
    %swap3A_768 = arith.constant 0 : i32
    %swap3A_769 = arith.index_cast %swap3A_768 : i32 to index
    %swap3A_770 = arith.constant 48 : index
    %swap3A_771 = tpu.vector_load %arg7[%swap3A_769, %swap3A_770] {strides = array<i32>} : memref<3x80xi32, #tpu.memory_space<vmem>>, vector<1x16xi32>,
    %swap3A_772 = vector.shape_cast %swap3A_771 : vector<1x16xi32> to vector<16xi32>
    %swap3A_773 = vector.shape_cast %add3A_767 : vector<16xi32> to vector<1x16xi32>
    tpu.vector_store %arg7[%swap3A_769, %swap3A_770], %swap3A_773 {strides = array<i32>} : memref<3x80xi32, #tpu.memory_space<vmem>>, vector<1x16xi32>,
    %add3A_774 = arith.constant 64 : i32
    %add3A_775 = arith.addi %add3A_733, %add3A_774 : i32
    %add3A_776 = vector.broadcast %add3A_775 : i32 to vector<16xi32>
    %add3A_777 = arith.addi %iota3A, %add3A_776 : vector<16xi32>
    %swap3A_778 = arith.constant 0 : i32
    %swap3A_779 = arith.index_cast %swap3A_778 : i32 to index
    %swap3A_780 = arith.constant 64 : index
    %swap3A_781 = tpu.vector_load %arg7[%swap3A_779, %swap3A_780] {strides = array<i32>} : memref<3x80xi32, #tpu.memory_space<vmem>>, vector<1x16xi32>,
    %swap3A_782 = vector.shape_cast %swap3A_781 : vector<1x16xi32> to vector<16xi32>
    %swap3A_783 = vector.shape_cast %add3A_777 : vector<16xi32> to vector<1x16xi32>
    tpu.vector_store %arg7[%swap3A_779, %swap3A_780], %swap3A_783 {strides = array<i32>} : memref<3x80xi32, #tpu.memory_space<vmem>>, vector<1x16xi32>,
    %dma_start3A_784 = arith.constant 0 : i32
    %dma_start3A_785 = arith.constant 0 : i32
    %dma_start3A_786 = arith.constant 0 : i32
    %dma_start3A_787 = arith.constant 0 : i32
    %dma_start3A_788 = tpu.memref_slice %arg10[%dma_start3A_785, %dma_start3A_786, %dma_start3A_787] : memref<2x80x128xf32, #tpu.memory_space<vmem>> -> memref<1x80x128xf32, #tpu.memory_space<vmem>>
    %dma_start3A_789 = tpu.memref_squeeze %dma_start3A_788 : memref<1x80x128xf32, #tpu.memory_space<vmem>> -> memref<80x128xf32, #tpu.memory_space<vmem>>
    %dma_start3A_790 = arith.constant 0 : i32
    %dma_start3A_791 = tpu.memref_slice %arg7[%dma_start3A_784, %dma_start3A_790] : memref<3x80xi32, #tpu.memory_space<vmem>> -> memref<1x80xi32, #tpu.memory_space<vmem>>
    %dma_start3A_792 = tpu.memref_squeeze %dma_start3A_791 : memref<1x80xi32, #tpu.memory_space<vmem>> -> memref<80xi32, #tpu.memory_space<vmem>>
    %dma_start3A_793 = arith.constant 0 : i32
    %dma_start3A_794 = arith.constant 0 : i32
    %dma_start3A_795 = tpu.memref_slice %arg16[%dma_start3A_793, %dma_start3A_794] : memref<10240x128xf32, #tpu.memory_space<vmem_shared>> -> memref<10240x128xf32, #tpu.memory_space<vmem_shared>>
    tpu.enqueue_indirect_dma source(%dma_start3A_795 : memref<10240x128xf32, #tpu.memory_space<vmem_shared>>) target(%dma_start3A_789 : memref<80x128xf32, #tpu.memory_space<vmem>>) offsets(%dma_start3A_792 : memref<80xi32, #tpu.memory_space<vmem>>) semaphore(%arg15 : memref<!tpu.dma_semaphore, #tpu.memory_space<semaphore_mem>>)
    %dma_wait3A_796 = arith.constant 0 : i32
    %dma_wait3A_797 = arith.constant 0 : i32
    %dma_wait3A_798 = arith.constant 0 : i32
    %dma_wait3A_799 = arith.constant 0 : i32
    %dma_wait3A_800 = tpu.memref_slice %arg10[%dma_wait3A_797, %dma_wait3A_798, %dma_wait3A_799] : memref<2x80x128xf32, #tpu.memory_space<vmem>> -> memref<1x80x128xf32, #tpu.memory_space<vmem>>
    %dma_wait3A_801 = tpu.memref_squeeze %dma_wait3A_800 : memref<1x80x128xf32, #tpu.memory_space<vmem>> -> memref<80x128xf32, #tpu.memory_space<vmem>>
    %dma_wait3A_802 = arith.constant 0 : i32
    %dma_wait3A_803 = tpu.memref_slice %arg7[%dma_wait3A_796, %dma_wait3A_802] : memref<3x80xi32, #tpu.memory_space<vmem>> -> memref<1x80xi32, #tpu.memory_space<vmem>>
    %dma_wait3A_804 = tpu.memref_squeeze %dma_wait3A_803 : memref<1x80xi32, #tpu.memory_space<vmem>> -> memref<80xi32, #tpu.memory_space<vmem>>
    %dma_wait3A_805 = arith.constant 0 : i32
    %dma_wait3A_806 = arith.constant 0 : i32
    %dma_wait3A_807 = tpu.memref_slice %arg16[%dma_wait3A_805, %dma_wait3A_806] : memref<10240x128xf32, #tpu.memory_space<vmem_shared>> -> memref<10240x128xf32, #tpu.memory_space<vmem_shared>>
    tpu.wait_indirect_dma semaphore(%arg15 : memref<!tpu.dma_semaphore, #tpu.memory_space<semaphore_mem>>) src(%dma_wait3A_807 : memref<10240x128xf32, #tpu.memory_space<vmem_shared>>) dst(%dma_wait3A_801 : memref<80x128xf32, #tpu.memory_space<vmem>>)
    %run_scoped3A_808 = arith.constant 0 : i32
    "tpu.region"() ({
      %run_scoped3A_1204 = tpu.sem_alloc : memref<!tpu.dma_semaphore, #tpu.memory_space<semaphore_mem>>
      %dma_start3A_1205 = arith.constant 0 : i32
      %dma_start3A_1206 = arith.constant 0 : i32
      %dma_start3A_1207 = tpu.memref_slice %arg10[%run_scoped3A_808, %dma_start3A_1205, %dma_start3A_1206] : memref<2x80x128xf32, #tpu.memory_space<vmem>> -> memref<1x80x128xf32, #tpu.memory_space<vmem>>
      %dma_start3A_1208 = tpu.memref_squeeze %dma_start3A_1207 : memref<1x80x128xf32, #tpu.memory_space<vmem>> -> memref<80x128xf32, #tpu.memory_space<vmem>>
      %dma_start3A_1209 = arith.constant 0 : i32
      %dma_start3A_1210 = tpu.memref_slice %arg6[%arg0, %add3A_733, %dma_start3A_1209] : memref<2x10240x128xf32, #tpu.memory_space<hbm>> -> memref<1x80x128xf32, #tpu.memory_space<hbm>>
      %dma_start3A_1211 = tpu.memref_squeeze %dma_start3A_1210 : memref<1x80x128xf32, #tpu.memory_space<hbm>> -> memref<80x128xf32, #tpu.memory_space<hbm>>
      %dma_start3A_1212 = arith.constant 0 : i32
      %dma_start3A_1213 = tpu.memref_slice %arg6[%arg0, %add3A_733, %dma_start3A_1212] : memref<2x10240x128xf32, #tpu.memory_space<hbm>> -> memref<1x80x128xf32, #tpu.memory_space<hbm>>
      %dma_start3A_1214 = tpu.memref_squeeze %dma_start3A_1213 : memref<1x80x128xf32, #tpu.memory_space<hbm>> -> memref<80x128xf32, #tpu.memory_space<hbm>>
      %dma_start3A_1215 = arith.constant 0 : i32
      %dma_start3A_1216 = arith.constant 0 : i32
      %dma_start3A_1217 = tpu.memref_slice %arg10[%run_scoped3A_808, %dma_start3A_1215, %dma_start3A_1216] : memref<2x80x128xf32, #tpu.memory_space<vmem>> -> memref<1x80x128xf32, #tpu.memory_space<vmem>>
      %dma_start3A_1218 = tpu.memref_squeeze %dma_start3A_1217 : memref<1x80x128xf32, #tpu.memory_space<vmem>> -> memref<80x128xf32, #tpu.memory_space<vmem>>
      tpu.enqueue_dma source(%dma_start3A_1218 : memref<80x128xf32, #tpu.memory_space<vmem>>) target(%dma_start3A_1214 : memref<80x128xf32, #tpu.memory_space<hbm>>) target_semaphore(%run_scoped3A_1204 : memref<!tpu.dma_semaphore, #tpu.memory_space<semaphore_mem>>)
      %dma_wait3A_1219 = arith.constant 0 : i32
      %dma_wait3A_1220 = arith.constant 0 : i32
      %dma_wait3A_1221 = tpu.memref_slice %arg10[%run_scoped3A_808, %dma_wait3A_1219, %dma_wait3A_1220] : memref<2x80x128xf32, #tpu.memory_space<vmem>> -> memref<1x80x128xf32, #tpu.memory_space<vmem>>
      %dma_wait3A_1222 = tpu.memref_squeeze %dma_wait3A_1221 : memref<1x80x128xf32, #tpu.memory_space<vmem>> -> memref<80x128xf32, #tpu.memory_space<vmem>>
      %dma_wait3A_1223 = arith.constant 0 : i32
      %dma_wait3A_1224 = tpu.memref_slice %arg6[%arg0, %add3A_733, %dma_wait3A_1223] : memref<2x10240x128xf32, #tpu.memory_space<hbm>> -> memref<1x80x128xf32, #tpu.memory_space<hbm>>
      %dma_wait3A_1225 = tpu.memref_squeeze %dma_wait3A_1224 : memref<1x80x128xf32, #tpu.memory_space<hbm>> -> memref<80x128xf32, #tpu.memory_space<hbm>>
      %dma_wait3A_1226 = arith.constant 0 : i32
      %dma_wait3A_1227 = tpu.memref_slice %arg6[%arg0, %add3A_733, %dma_wait3A_1226] : memref<2x10240x128xf32, #tpu.memory_space<hbm>> -> memref<1x80x128xf32, #tpu.memory_space<hbm>>
      %dma_wait3A_1228 = tpu.memref_squeeze %dma_wait3A_1227 : memref<1x80x128xf32, #tpu.memory_space<hbm>> -> memref<80x128xf32, #tpu.memory_space<hbm>>
      %dma_wait3A_1229 = arith.constant 0 : i32
      %dma_wait3A_1230 = arith.constant 0 : i32
      %dma_wait3A_1231 = tpu.memref_slice %arg10[%run_scoped3A_808, %dma_wait3A_1229, %dma_wait3A_1230] : memref<2x80x128xf32, #tpu.memory_space<vmem>> -> memref<1x80x128xf32, #tpu.memory_space<vmem>>
      %dma_wait3A_1232 = tpu.memref_squeeze %dma_wait3A_1231 : memref<1x80x128xf32, #tpu.memory_space<vmem>> -> memref<80x128xf32, #tpu.memory_space<vmem>>
      tpu.wait_dma2 semaphore(%run_scoped3A_1204 : memref<!tpu.dma_semaphore, #tpu.memory_space<semaphore_mem>>) src(%dma_wait3A_1232 : memref<80x128xf32, #tpu.memory_space<vmem>>) dst(%dma_wait3A_1228 : memref<80x128xf32, #tpu.memory_space<hbm>>)
      tpu.yield
    }) : () -> ()
    %mul3A_809 = arith.constant 640 : i32
    %mul3A_810 = arith.muli %arg1, %mul3A_809 : i32
    %add3A_811 = arith.constant 240 : i32
    %add3A_812 = arith.addi %mul3A_810, %add3A_811 : i32
    %add3A_813 = arith.constant 0 : i32
    %add3A_814 = arith.addi %add3A_812, %add3A_813 : i32
    %add3A_815 = vector.broadcast %add3A_814 : i32 to vector<16xi32>
    %add3A_816 = arith.addi %iota3A, %add3A_815 : vector<16xi32>
    %swap3A_817 = arith.constant 0 : i32
    %swap3A_818 = arith.index_cast %swap3A_817 : i32 to index
    %swap3A_819 = arith.constant 0 : index
    %swap3A_820 = tpu.vector_load %arg7[%swap3A_818, %swap3A_819] {strides = array<i32>} : memref<3x80xi32, #tpu.memory_space<vmem>>, vector<1x16xi32>,
    %swap3A_821 = vector.shape_cast %swap3A_820 : vector<1x16xi32> to vector<16xi32>
    %swap3A_822 = vector.shape_cast %add3A_816 : vector<16xi32> to vector<1x16xi32>
    tpu.vector_store %arg7[%swap3A_818, %swap3A_819], %swap3A_822 {strides = array<i32>} : memref<3x80xi32, #tpu.memory_space<vmem>>, vector<1x16xi32>,
    %add3A_823 = arith.constant 16 : i32
    %add3A_824 = arith.addi %add3A_812, %add3A_823 : i32
    %add3A_825 = vector.broadcast %add3A_824 : i32 to vector<16xi32>
    %add3A_826 = arith.addi %iota3A, %add3A_825 : vector<16xi32>
    %swap3A_827 = arith.constant 0 : i32
    %swap3A_828 = arith.index_cast %swap3A_827 : i32 to index
    %swap3A_829 = arith.constant 16 : index
    %swap3A_830 = tpu.vector_load %arg7[%swap3A_828, %swap3A_829] {strides = array<i32>} : memref<3x80xi32, #tpu.memory_space<vmem>>, vector<1x16xi32>,
    %swap3A_831 = vector.shape_cast %swap3A_830 : vector<1x16xi32> to vector<16xi32>
    %swap3A_832 = vector.shape_cast %add3A_826 : vector<16xi32> to vector<1x16xi32>
    tpu.vector_store %arg7[%swap3A_828, %swap3A_829], %swap3A_832 {strides = array<i32>} : memref<3x80xi32, #tpu.memory_space<vmem>>, vector<1x16xi32>,
    %add3A_833 = arith.constant 32 : i32
    %add3A_834 = arith.addi %add3A_812, %add3A_833 : i32
    %add3A_835 = vector.broadcast %add3A_834 : i32 to vector<16xi32>
    %add3A_836 = arith.addi %iota3A, %add3A_835 : vector<16xi32>
    %swap3A_837 = arith.constant 0 : i32
    %swap3A_838 = arith.index_cast %swap3A_837 : i32 to index
    %swap3A_839 = arith.constant 32 : index
    %swap3A_840 = tpu.vector_load %arg7[%swap3A_838, %swap3A_839] {strides = array<i32>} : memref<3x80xi32, #tpu.memory_space<vmem>>, vector<1x16xi32>,
    %swap3A_841 = vector.shape_cast %swap3A_840 : vector<1x16xi32> to vector<16xi32>
    %swap3A_842 = vector.shape_cast %add3A_836 : vector<16xi32> to vector<1x16xi32>
    tpu.vector_store %arg7[%swap3A_838, %swap3A_839], %swap3A_842 {strides = array<i32>} : memref<3x80xi32, #tpu.memory_space<vmem>>, vector<1x16xi32>,
    %add3A_843 = arith.constant 48 : i32
    %add3A_844 = arith.addi %add3A_812, %add3A_843 : i32
    %add3A_845 = vector.broadcast %add3A_844 : i32 to vector<16xi32>
    %add3A_846 = arith.addi %iota3A, %add3A_845 : vector<16xi32>
    %swap3A_847 = arith.constant 0 : i32
    %swap3A_848 = arith.index_cast %swap3A_847 : i32 to index
    %swap3A_849 = arith.constant 48 : index
    %swap3A_850 = tpu.vector_load %arg7[%swap3A_848, %swap3A_849] {strides = array<i32>} : memref<3x80xi32, #tpu.memory_space<vmem>>, vector<1x16xi32>,
    %swap3A_851 = vector.shape_cast %swap3A_850 : vector<1x16xi32> to vector<16xi32>
    %swap3A_852 = vector.shape_cast %add3A_846 : vector<16xi32> to vector<1x16xi32>
    tpu.vector_store %arg7[%swap3A_848, %swap3A_849], %swap3A_852 {strides = array<i32>} : memref<3x80xi32, #tpu.memory_space<vmem>>, vector<1x16xi32>,
    %add3A_853 = arith.constant 64 : i32
    %add3A_854 = arith.addi %add3A_812, %add3A_853 : i32
    %add3A_855 = vector.broadcast %add3A_854 : i32 to vector<16xi32>
    %add3A_856 = arith.addi %iota3A, %add3A_855 : vector<16xi32>
    %swap3A_857 = arith.constant 0 : i32
    %swap3A_858 = arith.index_cast %swap3A_857 : i32 to index
    %swap3A_859 = arith.constant 64 : index
    %swap3A_860 = tpu.vector_load %arg7[%swap3A_858, %swap3A_859] {strides = array<i32>} : memref<3x80xi32, #tpu.memory_space<vmem>>, vector<1x16xi32>,
    %swap3A_861 = vector.shape_cast %swap3A_860 : vector<1x16xi32> to vector<16xi32>
    %swap3A_862 = vector.shape_cast %add3A_856 : vector<16xi32> to vector<1x16xi32>
    tpu.vector_store %arg7[%swap3A_858, %swap3A_859], %swap3A_862 {strides = array<i32>} : memref<3x80xi32, #tpu.memory_space<vmem>>, vector<1x16xi32>,
    %dma_start3A_863 = arith.constant 0 : i32
    %dma_start3A_864 = arith.constant 0 : i32
    %dma_start3A_865 = arith.constant 0 : i32
    %dma_start3A_866 = arith.constant 0 : i32
    %dma_start3A_867 = tpu.memref_slice %arg10[%dma_start3A_864, %dma_start3A_865, %dma_start3A_866] : memref<2x80x128xf32, #tpu.memory_space<vmem>> -> memref<1x80x128xf32, #tpu.memory_space<vmem>>
    %dma_start3A_868 = tpu.memref_squeeze %dma_start3A_867 : memref<1x80x128xf32, #tpu.memory_space<vmem>> -> memref<80x128xf32, #tpu.memory_space<vmem>>
    %dma_start3A_869 = arith.constant 0 : i32
    %dma_start3A_870 = tpu.memref_slice %arg7[%dma_start3A_863, %dma_start3A_869] : memref<3x80xi32, #tpu.memory_space<vmem>> -> memref<1x80xi32, #tpu.memory_space<vmem>>
    %dma_start3A_871 = tpu.memref_squeeze %dma_start3A_870 : memref<1x80xi32, #tpu.memory_space<vmem>> -> memref<80xi32, #tpu.memory_space<vmem>>
    %dma_start3A_872 = arith.constant 0 : i32
    %dma_start3A_873 = arith.constant 0 : i32
    %dma_start3A_874 = tpu.memref_slice %arg16[%dma_start3A_872, %dma_start3A_873] : memref<10240x128xf32, #tpu.memory_space<vmem_shared>> -> memref<10240x128xf32, #tpu.memory_space<vmem_shared>>
    tpu.enqueue_indirect_dma source(%dma_start3A_874 : memref<10240x128xf32, #tpu.memory_space<vmem_shared>>) target(%dma_start3A_868 : memref<80x128xf32, #tpu.memory_space<vmem>>) offsets(%dma_start3A_871 : memref<80xi32, #tpu.memory_space<vmem>>) semaphore(%arg15 : memref<!tpu.dma_semaphore, #tpu.memory_space<semaphore_mem>>)
    %dma_wait3A_875 = arith.constant 0 : i32
    %dma_wait3A_876 = arith.constant 0 : i32
    %dma_wait3A_877 = arith.constant 0 : i32
    %dma_wait3A_878 = arith.constant 0 : i32
    %dma_wait3A_879 = tpu.memref_slice %arg10[%dma_wait3A_876, %dma_wait3A_877, %dma_wait3A_878] : memref<2x80x128xf32, #tpu.memory_space<vmem>> -> memref<1x80x128xf32, #tpu.memory_space<vmem>>
    %dma_wait3A_880 = tpu.memref_squeeze %dma_wait3A_879 : memref<1x80x128xf32, #tpu.memory_space<vmem>> -> memref<80x128xf32, #tpu.memory_space<vmem>>
    %dma_wait3A_881 = arith.constant 0 : i32
    %dma_wait3A_882 = tpu.memref_slice %arg7[%dma_wait3A_875, %dma_wait3A_881] : memref<3x80xi32, #tpu.memory_space<vmem>> -> memref<1x80xi32, #tpu.memory_space<vmem>>
    %dma_wait3A_883 = tpu.memref_squeeze %dma_wait3A_882 : memref<1x80xi32, #tpu.memory_space<vmem>> -> memref<80xi32, #tpu.memory_space<vmem>>
    %dma_wait3A_884 = arith.constant 0 : i32
    %dma_wait3A_885 = arith.constant 0 : i32
    %dma_wait3A_886 = tpu.memref_slice %arg16[%dma_wait3A_884, %dma_wait3A_885] : memref<10240x128xf32, #tpu.memory_space<vmem_shared>> -> memref<10240x128xf32, #tpu.memory_space<vmem_shared>>
    tpu.wait_indirect_dma semaphore(%arg15 : memref<!tpu.dma_semaphore, #tpu.memory_space<semaphore_mem>>) src(%dma_wait3A_886 : memref<10240x128xf32, #tpu.memory_space<vmem_shared>>) dst(%dma_wait3A_880 : memref<80x128xf32, #tpu.memory_space<vmem>>)
    %run_scoped3A_887 = arith.constant 0 : i32
    "tpu.region"() ({
      %run_scoped3A_1204 = tpu.sem_alloc : memref<!tpu.dma_semaphore, #tpu.memory_space<semaphore_mem>>
      %dma_start3A_1205 = arith.constant 0 : i32
      %dma_start3A_1206 = arith.constant 0 : i32
      %dma_start3A_1207 = tpu.memref_slice %arg10[%run_scoped3A_887, %dma_start3A_1205, %dma_start3A_1206] : memref<2x80x128xf32, #tpu.memory_space<vmem>> -> memref<1x80x128xf32, #tpu.memory_space<vmem>>
      %dma_start3A_1208 = tpu.memref_squeeze %dma_start3A_1207 : memref<1x80x128xf32, #tpu.memory_space<vmem>> -> memref<80x128xf32, #tpu.memory_space<vmem>>
      %dma_start3A_1209 = arith.constant 0 : i32
      %dma_start3A_1210 = tpu.memref_slice %arg6[%arg0, %add3A_812, %dma_start3A_1209] : memref<2x10240x128xf32, #tpu.memory_space<hbm>> -> memref<1x80x128xf32, #tpu.memory_space<hbm>>
      %dma_start3A_1211 = tpu.memref_squeeze %dma_start3A_1210 : memref<1x80x128xf32, #tpu.memory_space<hbm>> -> memref<80x128xf32, #tpu.memory_space<hbm>>
      %dma_start3A_1212 = arith.constant 0 : i32
      %dma_start3A_1213 = tpu.memref_slice %arg6[%arg0, %add3A_812, %dma_start3A_1212] : memref<2x10240x128xf32, #tpu.memory_space<hbm>> -> memref<1x80x128xf32, #tpu.memory_space<hbm>>
      %dma_start3A_1214 = tpu.memref_squeeze %dma_start3A_1213 : memref<1x80x128xf32, #tpu.memory_space<hbm>> -> memref<80x128xf32, #tpu.memory_space<hbm>>
      %dma_start3A_1215 = arith.constant 0 : i32
      %dma_start3A_1216 = arith.constant 0 : i32
      %dma_start3A_1217 = tpu.memref_slice %arg10[%run_scoped3A_887, %dma_start3A_1215, %dma_start3A_1216] : memref<2x80x128xf32, #tpu.memory_space<vmem>> -> memref<1x80x128xf32, #tpu.memory_space<vmem>>
      %dma_start3A_1218 = tpu.memref_squeeze %dma_start3A_1217 : memref<1x80x128xf32, #tpu.memory_space<vmem>> -> memref<80x128xf32, #tpu.memory_space<vmem>>
      tpu.enqueue_dma source(%dma_start3A_1218 : memref<80x128xf32, #tpu.memory_space<vmem>>) target(%dma_start3A_1214 : memref<80x128xf32, #tpu.memory_space<hbm>>) target_semaphore(%run_scoped3A_1204 : memref<!tpu.dma_semaphore, #tpu.memory_space<semaphore_mem>>)
      %dma_wait3A_1219 = arith.constant 0 : i32
      %dma_wait3A_1220 = arith.constant 0 : i32
      %dma_wait3A_1221 = tpu.memref_slice %arg10[%run_scoped3A_887, %dma_wait3A_1219, %dma_wait3A_1220] : memref<2x80x128xf32, #tpu.memory_space<vmem>> -> memref<1x80x128xf32, #tpu.memory_space<vmem>>
      %dma_wait3A_1222 = tpu.memref_squeeze %dma_wait3A_1221 : memref<1x80x128xf32, #tpu.memory_space<vmem>> -> memref<80x128xf32, #tpu.memory_space<vmem>>
      %dma_wait3A_1223 = arith.constant 0 : i32
      %dma_wait3A_1224 = tpu.memref_slice %arg6[%arg0, %add3A_812, %dma_wait3A_1223] : memref<2x10240x128xf32, #tpu.memory_space<hbm>> -> memref<1x80x128xf32, #tpu.memory_space<hbm>>
      %dma_wait3A_1225 = tpu.memref_squeeze %dma_wait3A_1224 : memref<1x80x128xf32, #tpu.memory_space<hbm>> -> memref<80x128xf32, #tpu.memory_space<hbm>>
      %dma_wait3A_1226 = arith.constant 0 : i32
      %dma_wait3A_1227 = tpu.memref_slice %arg6[%arg0, %add3A_812, %dma_wait3A_1226] : memref<2x10240x128xf32, #tpu.memory_space<hbm>> -> memref<1x80x128xf32, #tpu.memory_space<hbm>>
      %dma_wait3A_1228 = tpu.memref_squeeze %dma_wait3A_1227 : memref<1x80x128xf32, #tpu.memory_space<hbm>> -> memref<80x128xf32, #tpu.memory_space<hbm>>
      %dma_wait3A_1229 = arith.constant 0 : i32
      %dma_wait3A_1230 = arith.constant 0 : i32
      %dma_wait3A_1231 = tpu.memref_slice %arg10[%run_scoped3A_887, %dma_wait3A_1229, %dma_wait3A_1230] : memref<2x80x128xf32, #tpu.memory_space<vmem>> -> memref<1x80x128xf32, #tpu.memory_space<vmem>>
      %dma_wait3A_1232 = tpu.memref_squeeze %dma_wait3A_1231 : memref<1x80x128xf32, #tpu.memory_space<vmem>> -> memref<80x128xf32, #tpu.memory_space<vmem>>
      tpu.wait_dma2 semaphore(%run_scoped3A_1204 : memref<!tpu.dma_semaphore, #tpu.memory_space<semaphore_mem>>) src(%dma_wait3A_1232 : memref<80x128xf32, #tpu.memory_space<vmem>>) dst(%dma_wait3A_1228 : memref<80x128xf32, #tpu.memory_space<hbm>>)
      tpu.yield
    }) : () -> ()
    %mul3A_888 = arith.constant 640 : i32
    %mul3A_889 = arith.muli %arg1, %mul3A_888 : i32
    %add3A_890 = arith.constant 320 : i32
    %add3A_891 = arith.addi %mul3A_889, %add3A_890 : i32
    %add3A_892 = arith.constant 0 : i32
    %add3A_893 = arith.addi %add3A_891, %add3A_892 : i32
    %add3A_894 = vector.broadcast %add3A_893 : i32 to vector<16xi32>
    %add3A_895 = arith.addi %iota3A, %add3A_894 : vector<16xi32>
    %swap3A_896 = arith.constant 0 : i32
    %swap3A_897 = arith.index_cast %swap3A_896 : i32 to index
    %swap3A_898 = arith.constant 0 : index
    %swap3A_899 = tpu.vector_load %arg7[%swap3A_897, %swap3A_898] {strides = array<i32>} : memref<3x80xi32, #tpu.memory_space<vmem>>, vector<1x16xi32>,
    %swap3A_900 = vector.shape_cast %swap3A_899 : vector<1x16xi32> to vector<16xi32>
    %swap3A_901 = vector.shape_cast %add3A_895 : vector<16xi32> to vector<1x16xi32>
    tpu.vector_store %arg7[%swap3A_897, %swap3A_898], %swap3A_901 {strides = array<i32>} : memref<3x80xi32, #tpu.memory_space<vmem>>, vector<1x16xi32>,
    %add3A_902 = arith.constant 16 : i32
    %add3A_903 = arith.addi %add3A_891, %add3A_902 : i32
    %add3A_904 = vector.broadcast %add3A_903 : i32 to vector<16xi32>
    %add3A_905 = arith.addi %iota3A, %add3A_904 : vector<16xi32>
    %swap3A_906 = arith.constant 0 : i32
    %swap3A_907 = arith.index_cast %swap3A_906 : i32 to index
    %swap3A_908 = arith.constant 16 : index
    %swap3A_909 = tpu.vector_load %arg7[%swap3A_907, %swap3A_908] {strides = array<i32>} : memref<3x80xi32, #tpu.memory_space<vmem>>, vector<1x16xi32>,
    %swap3A_910 = vector.shape_cast %swap3A_909 : vector<1x16xi32> to vector<16xi32>
    %swap3A_911 = vector.shape_cast %add3A_905 : vector<16xi32> to vector<1x16xi32>
    tpu.vector_store %arg7[%swap3A_907, %swap3A_908], %swap3A_911 {strides = array<i32>} : memref<3x80xi32, #tpu.memory_space<vmem>>, vector<1x16xi32>,
    %add3A_912 = arith.constant 32 : i32
    %add3A_913 = arith.addi %add3A_891, %add3A_912 : i32
    %add3A_914 = vector.broadcast %add3A_913 : i32 to vector<16xi32>
    %add3A_915 = arith.addi %iota3A, %add3A_914 : vector<16xi32>
    %swap3A_916 = arith.constant 0 : i32
    %swap3A_917 = arith.index_cast %swap3A_916 : i32 to index
    %swap3A_918 = arith.constant 32 : index
    %swap3A_919 = tpu.vector_load %arg7[%swap3A_917, %swap3A_918] {strides = array<i32>} : memref<3x80xi32, #tpu.memory_space<vmem>>, vector<1x16xi32>,
    %swap3A_920 = vector.shape_cast %swap3A_919 : vector<1x16xi32> to vector<16xi32>
    %swap3A_921 = vector.shape_cast %add3A_915 : vector<16xi32> to vector<1x16xi32>
    tpu.vector_store %arg7[%swap3A_917, %swap3A_918], %swap3A_921 {strides = array<i32>} : memref<3x80xi32, #tpu.memory_space<vmem>>, vector<1x16xi32>,
    %add3A_922 = arith.constant 48 : i32
    %add3A_923 = arith.addi %add3A_891, %add3A_922 : i32
    %add3A_924 = vector.broadcast %add3A_923 : i32 to vector<16xi32>
    %add3A_925 = arith.addi %iota3A, %add3A_924 : vector<16xi32>
    %swap3A_926 = arith.constant 0 : i32
    %swap3A_927 = arith.index_cast %swap3A_926 : i32 to index
    %swap3A_928 = arith.constant 48 : index
    %swap3A_929 = tpu.vector_load %arg7[%swap3A_927, %swap3A_928] {strides = array<i32>} : memref<3x80xi32, #tpu.memory_space<vmem>>, vector<1x16xi32>,
    %swap3A_930 = vector.shape_cast %swap3A_929 : vector<1x16xi32> to vector<16xi32>
    %swap3A_931 = vector.shape_cast %add3A_925 : vector<16xi32> to vector<1x16xi32>
    tpu.vector_store %arg7[%swap3A_927, %swap3A_928], %swap3A_931 {strides = array<i32>} : memref<3x80xi32, #tpu.memory_space<vmem>>, vector<1x16xi32>,
    %add3A_932 = arith.constant 64 : i32
    %add3A_933 = arith.addi %add3A_891, %add3A_932 : i32
    %add3A_934 = vector.broadcast %add3A_933 : i32 to vector<16xi32>
    %add3A_935 = arith.addi %iota3A, %add3A_934 : vector<16xi32>
    %swap3A_936 = arith.constant 0 : i32
    %swap3A_937 = arith.index_cast %swap3A_936 : i32 to index
    %swap3A_938 = arith.constant 64 : index
    %swap3A_939 = tpu.vector_load %arg7[%swap3A_937, %swap3A_938] {strides = array<i32>} : memref<3x80xi32, #tpu.memory_space<vmem>>, vector<1x16xi32>,
    %swap3A_940 = vector.shape_cast %swap3A_939 : vector<1x16xi32> to vector<16xi32>
    %swap3A_941 = vector.shape_cast %add3A_935 : vector<16xi32> to vector<1x16xi32>
    tpu.vector_store %arg7[%swap3A_937, %swap3A_938], %swap3A_941 {strides = array<i32>} : memref<3x80xi32, #tpu.memory_space<vmem>>, vector<1x16xi32>,
    %dma_start3A_942 = arith.constant 0 : i32
    %dma_start3A_943 = arith.constant 0 : i32
    %dma_start3A_944 = arith.constant 0 : i32
    %dma_start3A_945 = arith.constant 0 : i32
    %dma_start3A_946 = tpu.memref_slice %arg10[%dma_start3A_943, %dma_start3A_944, %dma_start3A_945] : memref<2x80x128xf32, #tpu.memory_space<vmem>> -> memref<1x80x128xf32, #tpu.memory_space<vmem>>
    %dma_start3A_947 = tpu.memref_squeeze %dma_start3A_946 : memref<1x80x128xf32, #tpu.memory_space<vmem>> -> memref<80x128xf32, #tpu.memory_space<vmem>>
    %dma_start3A_948 = arith.constant 0 : i32
    %dma_start3A_949 = tpu.memref_slice %arg7[%dma_start3A_942, %dma_start3A_948] : memref<3x80xi32, #tpu.memory_space<vmem>> -> memref<1x80xi32, #tpu.memory_space<vmem>>
    %dma_start3A_950 = tpu.memref_squeeze %dma_start3A_949 : memref<1x80xi32, #tpu.memory_space<vmem>> -> memref<80xi32, #tpu.memory_space<vmem>>
    %dma_start3A_951 = arith.constant 0 : i32
    %dma_start3A_952 = arith.constant 0 : i32
    %dma_start3A_953 = tpu.memref_slice %arg16[%dma_start3A_951, %dma_start3A_952] : memref<10240x128xf32, #tpu.memory_space<vmem_shared>> -> memref<10240x128xf32, #tpu.memory_space<vmem_shared>>
    tpu.enqueue_indirect_dma source(%dma_start3A_953 : memref<10240x128xf32, #tpu.memory_space<vmem_shared>>) target(%dma_start3A_947 : memref<80x128xf32, #tpu.memory_space<vmem>>) offsets(%dma_start3A_950 : memref<80xi32, #tpu.memory_space<vmem>>) semaphore(%arg15 : memref<!tpu.dma_semaphore, #tpu.memory_space<semaphore_mem>>)
    %dma_wait3A_954 = arith.constant 0 : i32
    %dma_wait3A_955 = arith.constant 0 : i32
    %dma_wait3A_956 = arith.constant 0 : i32
    %dma_wait3A_957 = arith.constant 0 : i32
    %dma_wait3A_958 = tpu.memref_slice %arg10[%dma_wait3A_955, %dma_wait3A_956, %dma_wait3A_957] : memref<2x80x128xf32, #tpu.memory_space<vmem>> -> memref<1x80x128xf32, #tpu.memory_space<vmem>>
    %dma_wait3A_959 = tpu.memref_squeeze %dma_wait3A_958 : memref<1x80x128xf32, #tpu.memory_space<vmem>> -> memref<80x128xf32, #tpu.memory_space<vmem>>
    %dma_wait3A_960 = arith.constant 0 : i32
    %dma_wait3A_961 = tpu.memref_slice %arg7[%dma_wait3A_954, %dma_wait3A_960] : memref<3x80xi32, #tpu.memory_space<vmem>> -> memref<1x80xi32, #tpu.memory_space<vmem>>
    %dma_wait3A_962 = tpu.memref_squeeze %dma_wait3A_961 : memref<1x80xi32, #tpu.memory_space<vmem>> -> memref<80xi32, #tpu.memory_space<vmem>>
    %dma_wait3A_963 = arith.constant 0 : i32
    %dma_wait3A_964 = arith.constant 0 : i32
    %dma_wait3A_965 = tpu.memref_slice %arg16[%dma_wait3A_963, %dma_wait3A_964] : memref<10240x128xf32, #tpu.memory_space<vmem_shared>> -> memref<10240x128xf32, #tpu.memory_space<vmem_shared>>
    tpu.wait_indirect_dma semaphore(%arg15 : memref<!tpu.dma_semaphore, #tpu.memory_space<semaphore_mem>>) src(%dma_wait3A_965 : memref<10240x128xf32, #tpu.memory_space<vmem_shared>>) dst(%dma_wait3A_959 : memref<80x128xf32, #tpu.memory_space<vmem>>)
    %run_scoped3A_966 = arith.constant 0 : i32
    "tpu.region"() ({
      %run_scoped3A_1204 = tpu.sem_alloc : memref<!tpu.dma_semaphore, #tpu.memory_space<semaphore_mem>>
      %dma_start3A_1205 = arith.constant 0 : i32
      %dma_start3A_1206 = arith.constant 0 : i32
      %dma_start3A_1207 = tpu.memref_slice %arg10[%run_scoped3A_966, %dma_start3A_1205, %dma_start3A_1206] : memref<2x80x128xf32, #tpu.memory_space<vmem>> -> memref<1x80x128xf32, #tpu.memory_space<vmem>>
      %dma_start3A_1208 = tpu.memref_squeeze %dma_start3A_1207 : memref<1x80x128xf32, #tpu.memory_space<vmem>> -> memref<80x128xf32, #tpu.memory_space<vmem>>
      %dma_start3A_1209 = arith.constant 0 : i32
      %dma_start3A_1210 = tpu.memref_slice %arg6[%arg0, %add3A_891, %dma_start3A_1209] : memref<2x10240x128xf32, #tpu.memory_space<hbm>> -> memref<1x80x128xf32, #tpu.memory_space<hbm>>
      %dma_start3A_1211 = tpu.memref_squeeze %dma_start3A_1210 : memref<1x80x128xf32, #tpu.memory_space<hbm>> -> memref<80x128xf32, #tpu.memory_space<hbm>>
      %dma_start3A_1212 = arith.constant 0 : i32
      %dma_start3A_1213 = tpu.memref_slice %arg6[%arg0, %add3A_891, %dma_start3A_1212] : memref<2x10240x128xf32, #tpu.memory_space<hbm>> -> memref<1x80x128xf32, #tpu.memory_space<hbm>>
      %dma_start3A_1214 = tpu.memref_squeeze %dma_start3A_1213 : memref<1x80x128xf32, #tpu.memory_space<hbm>> -> memref<80x128xf32, #tpu.memory_space<hbm>>
      %dma_start3A_1215 = arith.constant 0 : i32
      %dma_start3A_1216 = arith.constant 0 : i32
      %dma_start3A_1217 = tpu.memref_slice %arg10[%run_scoped3A_966, %dma_start3A_1215, %dma_start3A_1216] : memref<2x80x128xf32, #tpu.memory_space<vmem>> -> memref<1x80x128xf32, #tpu.memory_space<vmem>>
      %dma_start3A_1218 = tpu.memref_squeeze %dma_start3A_1217 : memref<1x80x128xf32, #tpu.memory_space<vmem>> -> memref<80x128xf32, #tpu.memory_space<vmem>>
      tpu.enqueue_dma source(%dma_start3A_1218 : memref<80x128xf32, #tpu.memory_space<vmem>>) target(%dma_start3A_1214 : memref<80x128xf32, #tpu.memory_space<hbm>>) target_semaphore(%run_scoped3A_1204 : memref<!tpu.dma_semaphore, #tpu.memory_space<semaphore_mem>>)
      %dma_wait3A_1219 = arith.constant 0 : i32
      %dma_wait3A_1220 = arith.constant 0 : i32
      %dma_wait3A_1221 = tpu.memref_slice %arg10[%run_scoped3A_966, %dma_wait3A_1219, %dma_wait3A_1220] : memref<2x80x128xf32, #tpu.memory_space<vmem>> -> memref<1x80x128xf32, #tpu.memory_space<vmem>>
      %dma_wait3A_1222 = tpu.memref_squeeze %dma_wait3A_1221 : memref<1x80x128xf32, #tpu.memory_space<vmem>> -> memref<80x128xf32, #tpu.memory_space<vmem>>
      %dma_wait3A_1223 = arith.constant 0 : i32
      %dma_wait3A_1224 = tpu.memref_slice %arg6[%arg0, %add3A_891, %dma_wait3A_1223] : memref<2x10240x128xf32, #tpu.memory_space<hbm>> -> memref<1x80x128xf32, #tpu.memory_space<hbm>>
      %dma_wait3A_1225 = tpu.memref_squeeze %dma_wait3A_1224 : memref<1x80x128xf32, #tpu.memory_space<hbm>> -> memref<80x128xf32, #tpu.memory_space<hbm>>
      %dma_wait3A_1226 = arith.constant 0 : i32
      %dma_wait3A_1227 = tpu.memref_slice %arg6[%arg0, %add3A_891, %dma_wait3A_1226] : memref<2x10240x128xf32, #tpu.memory_space<hbm>> -> memref<1x80x128xf32, #tpu.memory_space<hbm>>
      %dma_wait3A_1228 = tpu.memref_squeeze %dma_wait3A_1227 : memref<1x80x128xf32, #tpu.memory_space<hbm>> -> memref<80x128xf32, #tpu.memory_space<hbm>>
      %dma_wait3A_1229 = arith.constant 0 : i32
      %dma_wait3A_1230 = arith.constant 0 : i32
      %dma_wait3A_1231 = tpu.memref_slice %arg10[%run_scoped3A_966, %dma_wait3A_1229, %dma_wait3A_1230] : memref<2x80x128xf32, #tpu.memory_space<vmem>> -> memref<1x80x128xf32, #tpu.memory_space<vmem>>
      %dma_wait3A_1232 = tpu.memref_squeeze %dma_wait3A_1231 : memref<1x80x128xf32, #tpu.memory_space<vmem>> -> memref<80x128xf32, #tpu.memory_space<vmem>>
      tpu.wait_dma2 semaphore(%run_scoped3A_1204 : memref<!tpu.dma_semaphore, #tpu.memory_space<semaphore_mem>>) src(%dma_wait3A_1232 : memref<80x128xf32, #tpu.memory_space<vmem>>) dst(%dma_wait3A_1228 : memref<80x128xf32, #tpu.memory_space<hbm>>)
      tpu.yield
    }) : () -> ()
    %mul3A_967 = arith.constant 640 : i32
    %mul3A_968 = arith.muli %arg1, %mul3A_967 : i32
    %add3A_969 = arith.constant 400 : i32
    %add3A_970 = arith.addi %mul3A_968, %add3A_969 : i32
    %add3A_971 = arith.constant 0 : i32
    %add3A_972 = arith.addi %add3A_970, %add3A_971 : i32
    %add3A_973 = vector.broadcast %add3A_972 : i32 to vector<16xi32>
    %add3A_974 = arith.addi %iota3A, %add3A_973 : vector<16xi32>
    %swap3A_975 = arith.constant 0 : i32
    %swap3A_976 = arith.index_cast %swap3A_975 : i32 to index
    %swap3A_977 = arith.constant 0 : index
    %swap3A_978 = tpu.vector_load %arg7[%swap3A_976, %swap3A_977] {strides = array<i32>} : memref<3x80xi32, #tpu.memory_space<vmem>>, vector<1x16xi32>,
    %swap3A_979 = vector.shape_cast %swap3A_978 : vector<1x16xi32> to vector<16xi32>
    %swap3A_980 = vector.shape_cast %add3A_974 : vector<16xi32> to vector<1x16xi32>
    tpu.vector_store %arg7[%swap3A_976, %swap3A_977], %swap3A_980 {strides = array<i32>} : memref<3x80xi32, #tpu.memory_space<vmem>>, vector<1x16xi32>,
    %add3A_981 = arith.constant 16 : i32
    %add3A_982 = arith.addi %add3A_970, %add3A_981 : i32
    %add3A_983 = vector.broadcast %add3A_982 : i32 to vector<16xi32>
    %add3A_984 = arith.addi %iota3A, %add3A_983 : vector<16xi32>
    %swap3A_985 = arith.constant 0 : i32
    %swap3A_986 = arith.index_cast %swap3A_985 : i32 to index
    %swap3A_987 = arith.constant 16 : index
    %swap3A_988 = tpu.vector_load %arg7[%swap3A_986, %swap3A_987] {strides = array<i32>} : memref<3x80xi32, #tpu.memory_space<vmem>>, vector<1x16xi32>,
    %swap3A_989 = vector.shape_cast %swap3A_988 : vector<1x16xi32> to vector<16xi32>
    %swap3A_990 = vector.shape_cast %add3A_984 : vector<16xi32> to vector<1x16xi32>
    tpu.vector_store %arg7[%swap3A_986, %swap3A_987], %swap3A_990 {strides = array<i32>} : memref<3x80xi32, #tpu.memory_space<vmem>>, vector<1x16xi32>,
    %add3A_991 = arith.constant 32 : i32
    %add3A_992 = arith.addi %add3A_970, %add3A_991 : i32
    %add3A_993 = vector.broadcast %add3A_992 : i32 to vector<16xi32>
    %add3A_994 = arith.addi %iota3A, %add3A_993 : vector<16xi32>
    %swap3A_995 = arith.constant 0 : i32
    %swap3A_996 = arith.index_cast %swap3A_995 : i32 to index
    %swap3A_997 = arith.constant 32 : index
    %swap3A_998 = tpu.vector_load %arg7[%swap3A_996, %swap3A_997] {strides = array<i32>} : memref<3x80xi32, #tpu.memory_space<vmem>>, vector<1x16xi32>,
    %swap3A_999 = vector.shape_cast %swap3A_998 : vector<1x16xi32> to vector<16xi32>
    %swap3A_1000 = vector.shape_cast %add3A_994 : vector<16xi32> to vector<1x16xi32>
    tpu.vector_store %arg7[%swap3A_996, %swap3A_997], %swap3A_1000 {strides = array<i32>} : memref<3x80xi32, #tpu.memory_space<vmem>>, vector<1x16xi32>,
    %add3A_1001 = arith.constant 48 : i32
    %add3A_1002 = arith.addi %add3A_970, %add3A_1001 : i32
    %add3A_1003 = vector.broadcast %add3A_1002 : i32 to vector<16xi32>
    %add3A_1004 = arith.addi %iota3A, %add3A_1003 : vector<16xi32>
    %swap3A_1005 = arith.constant 0 : i32
    %swap3A_1006 = arith.index_cast %swap3A_1005 : i32 to index
    %swap3A_1007 = arith.constant 48 : index
    %swap3A_1008 = tpu.vector_load %arg7[%swap3A_1006, %swap3A_1007] {strides = array<i32>} : memref<3x80xi32, #tpu.memory_space<vmem>>, vector<1x16xi32>,
    %swap3A_1009 = vector.shape_cast %swap3A_1008 : vector<1x16xi32> to vector<16xi32>
    %swap3A_1010 = vector.shape_cast %add3A_1004 : vector<16xi32> to vector<1x16xi32>
    tpu.vector_store %arg7[%swap3A_1006, %swap3A_1007], %swap3A_1010 {strides = array<i32>} : memref<3x80xi32, #tpu.memory_space<vmem>>, vector<1x16xi32>,
    %add3A_1011 = arith.constant 64 : i32
    %add3A_1012 = arith.addi %add3A_970, %add3A_1011 : i32
    %add3A_1013 = vector.broadcast %add3A_1012 : i32 to vector<16xi32>
    %add3A_1014 = arith.addi %iota3A, %add3A_1013 : vector<16xi32>
    %swap3A_1015 = arith.constant 0 : i32
    %swap3A_1016 = arith.index_cast %swap3A_1015 : i32 to index
    %swap3A_1017 = arith.constant 64 : index
    %swap3A_1018 = tpu.vector_load %arg7[%swap3A_1016, %swap3A_1017] {strides = array<i32>} : memref<3x80xi32, #tpu.memory_space<vmem>>, vector<1x16xi32>,
    %swap3A_1019 = vector.shape_cast %swap3A_1018 : vector<1x16xi32> to vector<16xi32>
    %swap3A_1020 = vector.shape_cast %add3A_1014 : vector<16xi32> to vector<1x16xi32>
    tpu.vector_store %arg7[%swap3A_1016, %swap3A_1017], %swap3A_1020 {strides = array<i32>} : memref<3x80xi32, #tpu.memory_space<vmem>>, vector<1x16xi32>,
    %dma_start3A_1021 = arith.constant 0 : i32
    %dma_start3A_1022 = arith.constant 0 : i32
    %dma_start3A_1023 = arith.constant 0 : i32
    %dma_start3A_1024 = arith.constant 0 : i32
    %dma_start3A_1025 = tpu.memref_slice %arg10[%dma_start3A_1022, %dma_start3A_1023, %dma_start3A_1024] : memref<2x80x128xf32, #tpu.memory_space<vmem>> -> memref<1x80x128xf32, #tpu.memory_space<vmem>>
    %dma_start3A_1026 = tpu.memref_squeeze %dma_start3A_1025 : memref<1x80x128xf32, #tpu.memory_space<vmem>> -> memref<80x128xf32, #tpu.memory_space<vmem>>
    %dma_start3A_1027 = arith.constant 0 : i32
    %dma_start3A_1028 = tpu.memref_slice %arg7[%dma_start3A_1021, %dma_start3A_1027] : memref<3x80xi32, #tpu.memory_space<vmem>> -> memref<1x80xi32, #tpu.memory_space<vmem>>
    %dma_start3A_1029 = tpu.memref_squeeze %dma_start3A_1028 : memref<1x80xi32, #tpu.memory_space<vmem>> -> memref<80xi32, #tpu.memory_space<vmem>>
    %dma_start3A_1030 = arith.constant 0 : i32
    %dma_start3A_1031 = arith.constant 0 : i32
    %dma_start3A_1032 = tpu.memref_slice %arg16[%dma_start3A_1030, %dma_start3A_1031] : memref<10240x128xf32, #tpu.memory_space<vmem_shared>> -> memref<10240x128xf32, #tpu.memory_space<vmem_shared>>
    tpu.enqueue_indirect_dma source(%dma_start3A_1032 : memref<10240x128xf32, #tpu.memory_space<vmem_shared>>) target(%dma_start3A_1026 : memref<80x128xf32, #tpu.memory_space<vmem>>) offsets(%dma_start3A_1029 : memref<80xi32, #tpu.memory_space<vmem>>) semaphore(%arg15 : memref<!tpu.dma_semaphore, #tpu.memory_space<semaphore_mem>>)
    %dma_wait3A_1033 = arith.constant 0 : i32
    %dma_wait3A_1034 = arith.constant 0 : i32
    %dma_wait3A_1035 = arith.constant 0 : i32
    %dma_wait3A_1036 = arith.constant 0 : i32
    %dma_wait3A_1037 = tpu.memref_slice %arg10[%dma_wait3A_1034, %dma_wait3A_1035, %dma_wait3A_1036] : memref<2x80x128xf32, #tpu.memory_space<vmem>> -> memref<1x80x128xf32, #tpu.memory_space<vmem>>
    %dma_wait3A_1038 = tpu.memref_squeeze %dma_wait3A_1037 : memref<1x80x128xf32, #tpu.memory_space<vmem>> -> memref<80x128xf32, #tpu.memory_space<vmem>>
    %dma_wait3A_1039 = arith.constant 0 : i32
    %dma_wait3A_1040 = tpu.memref_slice %arg7[%dma_wait3A_1033, %dma_wait3A_1039] : memref<3x80xi32, #tpu.memory_space<vmem>> -> memref<1x80xi32, #tpu.memory_space<vmem>>
    %dma_wait3A_1041 = tpu.memref_squeeze %dma_wait3A_1040 : memref<1x80xi32, #tpu.memory_space<vmem>> -> memref<80xi32, #tpu.memory_space<vmem>>
    %dma_wait3A_1042 = arith.constant 0 : i32
    %dma_wait3A_1043 = arith.constant 0 : i32
    %dma_wait3A_1044 = tpu.memref_slice %arg16[%dma_wait3A_1042, %dma_wait3A_1043] : memref<10240x128xf32, #tpu.memory_space<vmem_shared>> -> memref<10240x128xf32, #tpu.memory_space<vmem_shared>>
    tpu.wait_indirect_dma semaphore(%arg15 : memref<!tpu.dma_semaphore, #tpu.memory_space<semaphore_mem>>) src(%dma_wait3A_1044 : memref<10240x128xf32, #tpu.memory_space<vmem_shared>>) dst(%dma_wait3A_1038 : memref<80x128xf32, #tpu.memory_space<vmem>>)
    %run_scoped3A_1045 = arith.constant 0 : i32
    "tpu.region"() ({
      %run_scoped3A_1204 = tpu.sem_alloc : memref<!tpu.dma_semaphore, #tpu.memory_space<semaphore_mem>>
      %dma_start3A_1205 = arith.constant 0 : i32
      %dma_start3A_1206 = arith.constant 0 : i32
      %dma_start3A_1207 = tpu.memref_slice %arg10[%run_scoped3A_1045, %dma_start3A_1205, %dma_start3A_1206] : memref<2x80x128xf32, #tpu.memory_space<vmem>> -> memref<1x80x128xf32, #tpu.memory_space<vmem>>
      %dma_start3A_1208 = tpu.memref_squeeze %dma_start3A_1207 : memref<1x80x128xf32, #tpu.memory_space<vmem>> -> memref<80x128xf32, #tpu.memory_space<vmem>>
      %dma_start3A_1209 = arith.constant 0 : i32
      %dma_start3A_1210 = tpu.memref_slice %arg6[%arg0, %add3A_970, %dma_start3A_1209] : memref<2x10240x128xf32, #tpu.memory_space<hbm>> -> memref<1x80x128xf32, #tpu.memory_space<hbm>>
      %dma_start3A_1211 = tpu.memref_squeeze %dma_start3A_1210 : memref<1x80x128xf32, #tpu.memory_space<hbm>> -> memref<80x128xf32, #tpu.memory_space<hbm>>
      %dma_start3A_1212 = arith.constant 0 : i32
      %dma_start3A_1213 = tpu.memref_slice %arg6[%arg0, %add3A_970, %dma_start3A_1212] : memref<2x10240x128xf32, #tpu.memory_space<hbm>> -> memref<1x80x128xf32, #tpu.memory_space<hbm>>
      %dma_start3A_1214 = tpu.memref_squeeze %dma_start3A_1213 : memref<1x80x128xf32, #tpu.memory_space<hbm>> -> memref<80x128xf32, #tpu.memory_space<hbm>>
      %dma_start3A_1215 = arith.constant 0 : i32
      %dma_start3A_1216 = arith.constant 0 : i32
      %dma_start3A_1217 = tpu.memref_slice %arg10[%run_scoped3A_1045, %dma_start3A_1215, %dma_start3A_1216] : memref<2x80x128xf32, #tpu.memory_space<vmem>> -> memref<1x80x128xf32, #tpu.memory_space<vmem>>
      %dma_start3A_1218 = tpu.memref_squeeze %dma_start3A_1217 : memref<1x80x128xf32, #tpu.memory_space<vmem>> -> memref<80x128xf32, #tpu.memory_space<vmem>>
      tpu.enqueue_dma source(%dma_start3A_1218 : memref<80x128xf32, #tpu.memory_space<vmem>>) target(%dma_start3A_1214 : memref<80x128xf32, #tpu.memory_space<hbm>>) target_semaphore(%run_scoped3A_1204 : memref<!tpu.dma_semaphore, #tpu.memory_space<semaphore_mem>>)
      %dma_wait3A_1219 = arith.constant 0 : i32
      %dma_wait3A_1220 = arith.constant 0 : i32
      %dma_wait3A_1221 = tpu.memref_slice %arg10[%run_scoped3A_1045, %dma_wait3A_1219, %dma_wait3A_1220] : memref<2x80x128xf32, #tpu.memory_space<vmem>> -> memref<1x80x128xf32, #tpu.memory_space<vmem>>
      %dma_wait3A_1222 = tpu.memref_squeeze %dma_wait3A_1221 : memref<1x80x128xf32, #tpu.memory_space<vmem>> -> memref<80x128xf32, #tpu.memory_space<vmem>>
      %dma_wait3A_1223 = arith.constant 0 : i32
      %dma_wait3A_1224 = tpu.memref_slice %arg6[%arg0, %add3A_970, %dma_wait3A_1223] : memref<2x10240x128xf32, #tpu.memory_space<hbm>> -> memref<1x80x128xf32, #tpu.memory_space<hbm>>
      %dma_wait3A_1225 = tpu.memref_squeeze %dma_wait3A_1224 : memref<1x80x128xf32, #tpu.memory_space<hbm>> -> memref<80x128xf32, #tpu.memory_space<hbm>>
      %dma_wait3A_1226 = arith.constant 0 : i32
      %dma_wait3A_1227 = tpu.memref_slice %arg6[%arg0, %add3A_970, %dma_wait3A_1226] : memref<2x10240x128xf32, #tpu.memory_space<hbm>> -> memref<1x80x128xf32, #tpu.memory_space<hbm>>
      %dma_wait3A_1228 = tpu.memref_squeeze %dma_wait3A_1227 : memref<1x80x128xf32, #tpu.memory_space<hbm>> -> memref<80x128xf32, #tpu.memory_space<hbm>>
      %dma_wait3A_1229 = arith.constant 0 : i32
      %dma_wait3A_1230 = arith.constant 0 : i32
      %dma_wait3A_1231 = tpu.memref_slice %arg10[%run_scoped3A_1045, %dma_wait3A_1229, %dma_wait3A_1230] : memref<2x80x128xf32, #tpu.memory_space<vmem>> -> memref<1x80x128xf32, #tpu.memory_space<vmem>>
      %dma_wait3A_1232 = tpu.memref_squeeze %dma_wait3A_1231 : memref<1x80x128xf32, #tpu.memory_space<vmem>> -> memref<80x128xf32, #tpu.memory_space<vmem>>
      tpu.wait_dma2 semaphore(%run_scoped3A_1204 : memref<!tpu.dma_semaphore, #tpu.memory_space<semaphore_mem>>) src(%dma_wait3A_1232 : memref<80x128xf32, #tpu.memory_space<vmem>>) dst(%dma_wait3A_1228 : memref<80x128xf32, #tpu.memory_space<hbm>>)
      tpu.yield
    }) : () -> ()
    %mul3A_1046 = arith.constant 640 : i32
    %mul3A_1047 = arith.muli %arg1, %mul3A_1046 : i32
    %add3A_1048 = arith.constant 480 : i32
    %add3A_1049 = arith.addi %mul3A_1047, %add3A_1048 : i32
    %add3A_1050 = arith.constant 0 : i32
    %add3A_1051 = arith.addi %add3A_1049, %add3A_1050 : i32
    %add3A_1052 = vector.broadcast %add3A_1051 : i32 to vector<16xi32>
    %add3A_1053 = arith.addi %iota3A, %add3A_1052 : vector<16xi32>
    %swap3A_1054 = arith.constant 0 : i32
    %swap3A_1055 = arith.index_cast %swap3A_1054 : i32 to index
    %swap3A_1056 = arith.constant 0 : index
    %swap3A_1057 = tpu.vector_load %arg7[%swap3A_1055, %swap3A_1056] {strides = array<i32>} : memref<3x80xi32, #tpu.memory_space<vmem>>, vector<1x16xi32>,
    %swap3A_1058 = vector.shape_cast %swap3A_1057 : vector<1x16xi32> to vector<16xi32>
    %swap3A_1059 = vector.shape_cast %add3A_1053 : vector<16xi32> to vector<1x16xi32>
    tpu.vector_store %arg7[%swap3A_1055, %swap3A_1056], %swap3A_1059 {strides = array<i32>} : memref<3x80xi32, #tpu.memory_space<vmem>>, vector<1x16xi32>,
    %add3A_1060 = arith.constant 16 : i32
    %add3A_1061 = arith.addi %add3A_1049, %add3A_1060 : i32
    %add3A_1062 = vector.broadcast %add3A_1061 : i32 to vector<16xi32>
    %add3A_1063 = arith.addi %iota3A, %add3A_1062 : vector<16xi32>
    %swap3A_1064 = arith.constant 0 : i32
    %swap3A_1065 = arith.index_cast %swap3A_1064 : i32 to index
    %swap3A_1066 = arith.constant 16 : index
    %swap3A_1067 = tpu.vector_load %arg7[%swap3A_1065, %swap3A_1066] {strides = array<i32>} : memref<3x80xi32, #tpu.memory_space<vmem>>, vector<1x16xi32>,
    %swap3A_1068 = vector.shape_cast %swap3A_1067 : vector<1x16xi32> to vector<16xi32>
    %swap3A_1069 = vector.shape_cast %add3A_1063 : vector<16xi32> to vector<1x16xi32>
    tpu.vector_store %arg7[%swap3A_1065, %swap3A_1066], %swap3A_1069 {strides = array<i32>} : memref<3x80xi32, #tpu.memory_space<vmem>>, vector<1x16xi32>,
    %add3A_1070 = arith.constant 32 : i32
    %add3A_1071 = arith.addi %add3A_1049, %add3A_1070 : i32
    %add3A_1072 = vector.broadcast %add3A_1071 : i32 to vector<16xi32>
    %add3A_1073 = arith.addi %iota3A, %add3A_1072 : vector<16xi32>
    %swap3A_1074 = arith.constant 0 : i32
    %swap3A_1075 = arith.index_cast %swap3A_1074 : i32 to index
    %swap3A_1076 = arith.constant 32 : index
    %swap3A_1077 = tpu.vector_load %arg7[%swap3A_1075, %swap3A_1076] {strides = array<i32>} : memref<3x80xi32, #tpu.memory_space<vmem>>, vector<1x16xi32>,
    %swap3A_1078 = vector.shape_cast %swap3A_1077 : vector<1x16xi32> to vector<16xi32>
    %swap3A_1079 = vector.shape_cast %add3A_1073 : vector<16xi32> to vector<1x16xi32>
    tpu.vector_store %arg7[%swap3A_1075, %swap3A_1076], %swap3A_1079 {strides = array<i32>} : memref<3x80xi32, #tpu.memory_space<vmem>>, vector<1x16xi32>,
    %add3A_1080 = arith.constant 48 : i32
    %add3A_1081 = arith.addi %add3A_1049, %add3A_1080 : i32
    %add3A_1082 = vector.broadcast %add3A_1081 : i32 to vector<16xi32>
    %add3A_1083 = arith.addi %iota3A, %add3A_1082 : vector<16xi32>
    %swap3A_1084 = arith.constant 0 : i32
    %swap3A_1085 = arith.index_cast %swap3A_1084 : i32 to index
    %swap3A_1086 = arith.constant 48 : index
    %swap3A_1087 = tpu.vector_load %arg7[%swap3A_1085, %swap3A_1086] {strides = array<i32>} : memref<3x80xi32, #tpu.memory_space<vmem>>, vector<1x16xi32>,
    %swap3A_1088 = vector.shape_cast %swap3A_1087 : vector<1x16xi32> to vector<16xi32>
    %swap3A_1089 = vector.shape_cast %add3A_1083 : vector<16xi32> to vector<1x16xi32>
    tpu.vector_store %arg7[%swap3A_1085, %swap3A_1086], %swap3A_1089 {strides = array<i32>} : memref<3x80xi32, #tpu.memory_space<vmem>>, vector<1x16xi32>,
    %add3A_1090 = arith.constant 64 : i32
    %add3A_1091 = arith.addi %add3A_1049, %add3A_1090 : i32
    %add3A_1092 = vector.broadcast %add3A_1091 : i32 to vector<16xi32>
    %add3A_1093 = arith.addi %iota3A, %add3A_1092 : vector<16xi32>
    %swap3A_1094 = arith.constant 0 : i32
    %swap3A_1095 = arith.index_cast %swap3A_1094 : i32 to index
    %swap3A_1096 = arith.constant 64 : index
    %swap3A_1097 = tpu.vector_load %arg7[%swap3A_1095, %swap3A_1096] {strides = array<i32>} : memref<3x80xi32, #tpu.memory_space<vmem>>, vector<1x16xi32>,
    %swap3A_1098 = vector.shape_cast %swap3A_1097 : vector<1x16xi32> to vector<16xi32>
    %swap3A_1099 = vector.shape_cast %add3A_1093 : vector<16xi32> to vector<1x16xi32>
    tpu.vector_store %arg7[%swap3A_1095, %swap3A_1096], %swap3A_1099 {strides = array<i32>} : memref<3x80xi32, #tpu.memory_space<vmem>>, vector<1x16xi32>,
    %dma_start3A_1100 = arith.constant 0 : i32
    %dma_start3A_1101 = arith.constant 0 : i32
    %dma_start3A_1102 = arith.constant 0 : i32
    %dma_start3A_1103 = arith.constant 0 : i32
    %dma_start3A_1104 = tpu.memref_slice %arg10[%dma_start3A_1101, %dma_start3A_1102, %dma_start3A_1103] : memref<2x80x128xf32, #tpu.memory_space<vmem>> -> memref<1x80x128xf32, #tpu.memory_space<vmem>>
    %dma_start3A_1105 = tpu.memref_squeeze %dma_start3A_1104 : memref<1x80x128xf32, #tpu.memory_space<vmem>> -> memref<80x128xf32, #tpu.memory_space<vmem>>
    %dma_start3A_1106 = arith.constant 0 : i32
    %dma_start3A_1107 = tpu.memref_slice %arg7[%dma_start3A_1100, %dma_start3A_1106] : memref<3x80xi32, #tpu.memory_space<vmem>> -> memref<1x80xi32, #tpu.memory_space<vmem>>
    %dma_start3A_1108 = tpu.memref_squeeze %dma_start3A_1107 : memref<1x80xi32, #tpu.memory_space<vmem>> -> memref<80xi32, #tpu.memory_space<vmem>>
    %dma_start3A_1109 = arith.constant 0 : i32
    %dma_start3A_1110 = arith.constant 0 : i32
    %dma_start3A_1111 = tpu.memref_slice %arg16[%dma_start3A_1109, %dma_start3A_1110] : memref<10240x128xf32, #tpu.memory_space<vmem_shared>> -> memref<10240x128xf32, #tpu.memory_space<vmem_shared>>
    tpu.enqueue_indirect_dma source(%dma_start3A_1111 : memref<10240x128xf32, #tpu.memory_space<vmem_shared>>) target(%dma_start3A_1105 : memref<80x128xf32, #tpu.memory_space<vmem>>) offsets(%dma_start3A_1108 : memref<80xi32, #tpu.memory_space<vmem>>) semaphore(%arg15 : memref<!tpu.dma_semaphore, #tpu.memory_space<semaphore_mem>>)
    %dma_wait3A_1112 = arith.constant 0 : i32
    %dma_wait3A_1113 = arith.constant 0 : i32
    %dma_wait3A_1114 = arith.constant 0 : i32
    %dma_wait3A_1115 = arith.constant 0 : i32
    %dma_wait3A_1116 = tpu.memref_slice %arg10[%dma_wait3A_1113, %dma_wait3A_1114, %dma_wait3A_1115] : memref<2x80x128xf32, #tpu.memory_space<vmem>> -> memref<1x80x128xf32, #tpu.memory_space<vmem>>
    %dma_wait3A_1117 = tpu.memref_squeeze %dma_wait3A_1116 : memref<1x80x128xf32, #tpu.memory_space<vmem>> -> memref<80x128xf32, #tpu.memory_space<vmem>>
    %dma_wait3A_1118 = arith.constant 0 : i32
    %dma_wait3A_1119 = tpu.memref_slice %arg7[%dma_wait3A_1112, %dma_wait3A_1118] : memref<3x80xi32, #tpu.memory_space<vmem>> -> memref<1x80xi32, #tpu.memory_space<vmem>>
    %dma_wait3A_1120 = tpu.memref_squeeze %dma_wait3A_1119 : memref<1x80xi32, #tpu.memory_space<vmem>> -> memref<80xi32, #tpu.memory_space<vmem>>
    %dma_wait3A_1121 = arith.constant 0 : i32
    %dma_wait3A_1122 = arith.constant 0 : i32
    %dma_wait3A_1123 = tpu.memref_slice %arg16[%dma_wait3A_1121, %dma_wait3A_1122] : memref<10240x128xf32, #tpu.memory_space<vmem_shared>> -> memref<10240x128xf32, #tpu.memory_space<vmem_shared>>
    tpu.wait_indirect_dma semaphore(%arg15 : memref<!tpu.dma_semaphore, #tpu.memory_space<semaphore_mem>>) src(%dma_wait3A_1123 : memref<10240x128xf32, #tpu.memory_space<vmem_shared>>) dst(%dma_wait3A_1117 : memref<80x128xf32, #tpu.memory_space<vmem>>)
    %run_scoped3A_1124 = arith.constant 0 : i32
    "tpu.region"() ({
      %run_scoped3A_1204 = tpu.sem_alloc : memref<!tpu.dma_semaphore, #tpu.memory_space<semaphore_mem>>
      %dma_start3A_1205 = arith.constant 0 : i32
      %dma_start3A_1206 = arith.constant 0 : i32
      %dma_start3A_1207 = tpu.memref_slice %arg10[%run_scoped3A_1124, %dma_start3A_1205, %dma_start3A_1206] : memref<2x80x128xf32, #tpu.memory_space<vmem>> -> memref<1x80x128xf32, #tpu.memory_space<vmem>>
      %dma_start3A_1208 = tpu.memref_squeeze %dma_start3A_1207 : memref<1x80x128xf32, #tpu.memory_space<vmem>> -> memref<80x128xf32, #tpu.memory_space<vmem>>
      %dma_start3A_1209 = arith.constant 0 : i32
      %dma_start3A_1210 = tpu.memref_slice %arg6[%arg0, %add3A_1049, %dma_start3A_1209] : memref<2x10240x128xf32, #tpu.memory_space<hbm>> -> memref<1x80x128xf32, #tpu.memory_space<hbm>>
      %dma_start3A_1211 = tpu.memref_squeeze %dma_start3A_1210 : memref<1x80x128xf32, #tpu.memory_space<hbm>> -> memref<80x128xf32, #tpu.memory_space<hbm>>
      %dma_start3A_1212 = arith.constant 0 : i32
      %dma_start3A_1213 = tpu.memref_slice %arg6[%arg0, %add3A_1049, %dma_start3A_1212] : memref<2x10240x128xf32, #tpu.memory_space<hbm>> -> memref<1x80x128xf32, #tpu.memory_space<hbm>>
      %dma_start3A_1214 = tpu.memref_squeeze %dma_start3A_1213 : memref<1x80x128xf32, #tpu.memory_space<hbm>> -> memref<80x128xf32, #tpu.memory_space<hbm>>
      %dma_start3A_1215 = arith.constant 0 : i32
      %dma_start3A_1216 = arith.constant 0 : i32
      %dma_start3A_1217 = tpu.memref_slice %arg10[%run_scoped3A_1124, %dma_start3A_1215, %dma_start3A_1216] : memref<2x80x128xf32, #tpu.memory_space<vmem>> -> memref<1x80x128xf32, #tpu.memory_space<vmem>>
      %dma_start3A_1218 = tpu.memref_squeeze %dma_start3A_1217 : memref<1x80x128xf32, #tpu.memory_space<vmem>> -> memref<80x128xf32, #tpu.memory_space<vmem>>
      tpu.enqueue_dma source(%dma_start3A_1218 : memref<80x128xf32, #tpu.memory_space<vmem>>) target(%dma_start3A_1214 : memref<80x128xf32, #tpu.memory_space<hbm>>) target_semaphore(%run_scoped3A_1204 : memref<!tpu.dma_semaphore, #tpu.memory_space<semaphore_mem>>)
      %dma_wait3A_1219 = arith.constant 0 : i32
      %dma_wait3A_1220 = arith.constant 0 : i32
      %dma_wait3A_1221 = tpu.memref_slice %arg10[%run_scoped3A_1124, %dma_wait3A_1219, %dma_wait3A_1220] : memref<2x80x128xf32, #tpu.memory_space<vmem>> -> memref<1x80x128xf32, #tpu.memory_space<vmem>>
      %dma_wait3A_1222 = tpu.memref_squeeze %dma_wait3A_1221 : memref<1x80x128xf32, #tpu.memory_space<vmem>> -> memref<80x128xf32, #tpu.memory_space<vmem>>
      %dma_wait3A_1223 = arith.constant 0 : i32
      %dma_wait3A_1224 = tpu.memref_slice %arg6[%arg0, %add3A_1049, %dma_wait3A_1223] : memref<2x10240x128xf32, #tpu.memory_space<hbm>> -> memref<1x80x128xf32, #tpu.memory_space<hbm>>
      %dma_wait3A_1225 = tpu.memref_squeeze %dma_wait3A_1224 : memref<1x80x128xf32, #tpu.memory_space<hbm>> -> memref<80x128xf32, #tpu.memory_space<hbm>>
      %dma_wait3A_1226 = arith.constant 0 : i32
      %dma_wait3A_1227 = tpu.memref_slice %arg6[%arg0, %add3A_1049, %dma_wait3A_1226] : memref<2x10240x128xf32, #tpu.memory_space<hbm>> -> memref<1x80x128xf32, #tpu.memory_space<hbm>>
      %dma_wait3A_1228 = tpu.memref_squeeze %dma_wait3A_1227 : memref<1x80x128xf32, #tpu.memory_space<hbm>> -> memref<80x128xf32, #tpu.memory_space<hbm>>
      %dma_wait3A_1229 = arith.constant 0 : i32
      %dma_wait3A_1230 = arith.constant 0 : i32
      %dma_wait3A_1231 = tpu.memref_slice %arg10[%run_scoped3A_1124, %dma_wait3A_1229, %dma_wait3A_1230] : memref<2x80x128xf32, #tpu.memory_space<vmem>> -> memref<1x80x128xf32, #tpu.memory_space<vmem>>
      %dma_wait3A_1232 = tpu.memref_squeeze %dma_wait3A_1231 : memref<1x80x128xf32, #tpu.memory_space<vmem>> -> memref<80x128xf32, #tpu.memory_space<vmem>>
      tpu.wait_dma2 semaphore(%run_scoped3A_1204 : memref<!tpu.dma_semaphore, #tpu.memory_space<semaphore_mem>>) src(%dma_wait3A_1232 : memref<80x128xf32, #tpu.memory_space<vmem>>) dst(%dma_wait3A_1228 : memref<80x128xf32, #tpu.memory_space<hbm>>)
      tpu.yield
    }) : () -> ()
    %mul3A_1125 = arith.constant 640 : i32
    %mul3A_1126 = arith.muli %arg1, %mul3A_1125 : i32
    %add3A_1127 = arith.constant 560 : i32
    %add3A_1128 = arith.addi %mul3A_1126, %add3A_1127 : i32
    %add3A_1129 = arith.constant 0 : i32
    %add3A_1130 = arith.addi %add3A_1128, %add3A_1129 : i32
    %add3A_1131 = vector.broadcast %add3A_1130 : i32 to vector<16xi32>
    %add3A_1132 = arith.addi %iota3A, %add3A_1131 : vector<16xi32>
    %swap3A_1133 = arith.constant 0 : i32
    %swap3A_1134 = arith.index_cast %swap3A_1133 : i32 to index
    %swap3A_1135 = arith.constant 0 : index
    %swap3A_1136 = tpu.vector_load %arg7[%swap3A_1134, %swap3A_1135] {strides = array<i32>} : memref<3x80xi32, #tpu.memory_space<vmem>>, vector<1x16xi32>,
    %swap3A_1137 = vector.shape_cast %swap3A_1136 : vector<1x16xi32> to vector<16xi32>
    %swap3A_1138 = vector.shape_cast %add3A_1132 : vector<16xi32> to vector<1x16xi32>
    tpu.vector_store %arg7[%swap3A_1134, %swap3A_1135], %swap3A_1138 {strides = array<i32>} : memref<3x80xi32, #tpu.memory_space<vmem>>, vector<1x16xi32>,
    %add3A_1139 = arith.constant 16 : i32
    %add3A_1140 = arith.addi %add3A_1128, %add3A_1139 : i32
    %add3A_1141 = vector.broadcast %add3A_1140 : i32 to vector<16xi32>
    %add3A_1142 = arith.addi %iota3A, %add3A_1141 : vector<16xi32>
    %swap3A_1143 = arith.constant 0 : i32
    %swap3A_1144 = arith.index_cast %swap3A_1143 : i32 to index
    %swap3A_1145 = arith.constant 16 : index
    %swap3A_1146 = tpu.vector_load %arg7[%swap3A_1144, %swap3A_1145] {strides = array<i32>} : memref<3x80xi32, #tpu.memory_space<vmem>>, vector<1x16xi32>,
    %swap3A_1147 = vector.shape_cast %swap3A_1146 : vector<1x16xi32> to vector<16xi32>
    %swap3A_1148 = vector.shape_cast %add3A_1142 : vector<16xi32> to vector<1x16xi32>
    tpu.vector_store %arg7[%swap3A_1144, %swap3A_1145], %swap3A_1148 {strides = array<i32>} : memref<3x80xi32, #tpu.memory_space<vmem>>, vector<1x16xi32>,
    %add3A_1149 = arith.constant 32 : i32
    %add3A_1150 = arith.addi %add3A_1128, %add3A_1149 : i32
    %add3A_1151 = vector.broadcast %add3A_1150 : i32 to vector<16xi32>
    %add3A_1152 = arith.addi %iota3A, %add3A_1151 : vector<16xi32>
    %swap3A_1153 = arith.constant 0 : i32
    %swap3A_1154 = arith.index_cast %swap3A_1153 : i32 to index
    %swap3A_1155 = arith.constant 32 : index
    %swap3A_1156 = tpu.vector_load %arg7[%swap3A_1154, %swap3A_1155] {strides = array<i32>} : memref<3x80xi32, #tpu.memory_space<vmem>>, vector<1x16xi32>,
    %swap3A_1157 = vector.shape_cast %swap3A_1156 : vector<1x16xi32> to vector<16xi32>
    %swap3A_1158 = vector.shape_cast %add3A_1152 : vector<16xi32> to vector<1x16xi32>
    tpu.vector_store %arg7[%swap3A_1154, %swap3A_1155], %swap3A_1158 {strides = array<i32>} : memref<3x80xi32, #tpu.memory_space<vmem>>, vector<1x16xi32>,
    %add3A_1159 = arith.constant 48 : i32
    %add3A_1160 = arith.addi %add3A_1128, %add3A_1159 : i32
    %add3A_1161 = vector.broadcast %add3A_1160 : i32 to vector<16xi32>
    %add3A_1162 = arith.addi %iota3A, %add3A_1161 : vector<16xi32>
    %swap3A_1163 = arith.constant 0 : i32
    %swap3A_1164 = arith.index_cast %swap3A_1163 : i32 to index
    %swap3A_1165 = arith.constant 48 : index
    %swap3A_1166 = tpu.vector_load %arg7[%swap3A_1164, %swap3A_1165] {strides = array<i32>} : memref<3x80xi32, #tpu.memory_space<vmem>>, vector<1x16xi32>,
    %swap3A_1167 = vector.shape_cast %swap3A_1166 : vector<1x16xi32> to vector<16xi32>
    %swap3A_1168 = vector.shape_cast %add3A_1162 : vector<16xi32> to vector<1x16xi32>
    tpu.vector_store %arg7[%swap3A_1164, %swap3A_1165], %swap3A_1168 {strides = array<i32>} : memref<3x80xi32, #tpu.memory_space<vmem>>, vector<1x16xi32>,
    %add3A_1169 = arith.constant 64 : i32
    %add3A_1170 = arith.addi %add3A_1128, %add3A_1169 : i32
    %add3A_1171 = vector.broadcast %add3A_1170 : i32 to vector<16xi32>
    %add3A_1172 = arith.addi %iota3A, %add3A_1171 : vector<16xi32>
    %swap3A_1173 = arith.constant 0 : i32
    %swap3A_1174 = arith.index_cast %swap3A_1173 : i32 to index
    %swap3A_1175 = arith.constant 64 : index
    %swap3A_1176 = tpu.vector_load %arg7[%swap3A_1174, %swap3A_1175] {strides = array<i32>} : memref<3x80xi32, #tpu.memory_space<vmem>>, vector<1x16xi32>,
    %swap3A_1177 = vector.shape_cast %swap3A_1176 : vector<1x16xi32> to vector<16xi32>
    %swap3A_1178 = vector.shape_cast %add3A_1172 : vector<16xi32> to vector<1x16xi32>
    tpu.vector_store %arg7[%swap3A_1174, %swap3A_1175], %swap3A_1178 {strides = array<i32>} : memref<3x80xi32, #tpu.memory_space<vmem>>, vector<1x16xi32>,
    %dma_start3A_1179 = arith.constant 0 : i32
    %dma_start3A_1180 = arith.constant 0 : i32
    %dma_start3A_1181 = arith.constant 0 : i32
    %dma_start3A_1182 = arith.constant 0 : i32
    %dma_start3A_1183 = tpu.memref_slice %arg10[%dma_start3A_1180, %dma_start3A_1181, %dma_start3A_1182] : memref<2x80x128xf32, #tpu.memory_space<vmem>> -> memref<1x80x128xf32, #tpu.memory_space<vmem>>
    %dma_start3A_1184 = tpu.memref_squeeze %dma_start3A_1183 : memref<1x80x128xf32, #tpu.memory_space<vmem>> -> memref<80x128xf32, #tpu.memory_space<vmem>>
    %dma_start3A_1185 = arith.constant 0 : i32
    %dma_start3A_1186 = tpu.memref_slice %arg7[%dma_start3A_1179, %dma_start3A_1185] : memref<3x80xi32, #tpu.memory_space<vmem>> -> memref<1x80xi32, #tpu.memory_space<vmem>>
    %dma_start3A_1187 = tpu.memref_squeeze %dma_start3A_1186 : memref<1x80xi32, #tpu.memory_space<vmem>> -> memref<80xi32, #tpu.memory_space<vmem>>
    %dma_start3A_1188 = arith.constant 0 : i32
    %dma_start3A_1189 = arith.constant 0 : i32
    %dma_start3A_1190 = tpu.memref_slice %arg16[%dma_start3A_1188, %dma_start3A_1189] : memref<10240x128xf32, #tpu.memory_space<vmem_shared>> -> memref<10240x128xf32, #tpu.memory_space<vmem_shared>>
    tpu.enqueue_indirect_dma source(%dma_start3A_1190 : memref<10240x128xf32, #tpu.memory_space<vmem_shared>>) target(%dma_start3A_1184 : memref<80x128xf32, #tpu.memory_space<vmem>>) offsets(%dma_start3A_1187 : memref<80xi32, #tpu.memory_space<vmem>>) semaphore(%arg15 : memref<!tpu.dma_semaphore, #tpu.memory_space<semaphore_mem>>)
    %dma_wait3A_1191 = arith.constant 0 : i32
    %dma_wait3A_1192 = arith.constant 0 : i32
    %dma_wait3A_1193 = arith.constant 0 : i32
    %dma_wait3A_1194 = arith.constant 0 : i32
    %dma_wait3A_1195 = tpu.memref_slice %arg10[%dma_wait3A_1192, %dma_wait3A_1193, %dma_wait3A_1194] : memref<2x80x128xf32, #tpu.memory_space<vmem>> -> memref<1x80x128xf32, #tpu.memory_space<vmem>>
    %dma_wait3A_1196 = tpu.memref_squeeze %dma_wait3A_1195 : memref<1x80x128xf32, #tpu.memory_space<vmem>> -> memref<80x128xf32, #tpu.memory_space<vmem>>
    %dma_wait3A_1197 = arith.constant 0 : i32
    %dma_wait3A_1198 = tpu.memref_slice %arg7[%dma_wait3A_1191, %dma_wait3A_1197] : memref<3x80xi32, #tpu.memory_space<vmem>> -> memref<1x80xi32, #tpu.memory_space<vmem>>
    %dma_wait3A_1199 = tpu.memref_squeeze %dma_wait3A_1198 : memref<1x80xi32, #tpu.memory_space<vmem>> -> memref<80xi32, #tpu.memory_space<vmem>>
    %dma_wait3A_1200 = arith.constant 0 : i32
    %dma_wait3A_1201 = arith.constant 0 : i32
    %dma_wait3A_1202 = tpu.memref_slice %arg16[%dma_wait3A_1200, %dma_wait3A_1201] : memref<10240x128xf32, #tpu.memory_space<vmem_shared>> -> memref<10240x128xf32, #tpu.memory_space<vmem_shared>>
    tpu.wait_indirect_dma semaphore(%arg15 : memref<!tpu.dma_semaphore, #tpu.memory_space<semaphore_mem>>) src(%dma_wait3A_1202 : memref<10240x128xf32, #tpu.memory_space<vmem_shared>>) dst(%dma_wait3A_1196 : memref<80x128xf32, #tpu.memory_space<vmem>>)
    %run_scoped3A_1203 = arith.constant 0 : i32
    "tpu.region"() ({
      %run_scoped3A_1204 = tpu.sem_alloc : memref<!tpu.dma_semaphore, #tpu.memory_space<semaphore_mem>>
      %dma_start3A_1205 = arith.constant 0 : i32
      %dma_start3A_1206 = arith.constant 0 : i32
      %dma_start3A_1207 = tpu.memref_slice %arg10[%run_scoped3A_1203, %dma_start3A_1205, %dma_start3A_1206] : memref<2x80x128xf32, #tpu.memory_space<vmem>> -> memref<1x80x128xf32, #tpu.memory_space<vmem>>
      %dma_start3A_1208 = tpu.memref_squeeze %dma_start3A_1207 : memref<1x80x128xf32, #tpu.memory_space<vmem>> -> memref<80x128xf32, #tpu.memory_space<vmem>>
      %dma_start3A_1209 = arith.constant 0 : i32
      %dma_start3A_1210 = tpu.memref_slice %arg6[%arg0, %add3A_1128, %dma_start3A_1209] : memref<2x10240x128xf32, #tpu.memory_space<hbm>> -> memref<1x80x128xf32, #tpu.memory_space<hbm>>
      %dma_start3A_1211 = tpu.memref_squeeze %dma_start3A_1210 : memref<1x80x128xf32, #tpu.memory_space<hbm>> -> memref<80x128xf32, #tpu.memory_space<hbm>>
      %dma_start3A_1212 = arith.constant 0 : i32
      %dma_start3A_1213 = tpu.memref_slice %arg6[%arg0, %add3A_1128, %dma_start3A_1212] : memref<2x10240x128xf32, #tpu.memory_space<hbm>> -> memref<1x80x128xf32, #tpu.memory_space<hbm>>
      %dma_start3A_1214 = tpu.memref_squeeze %dma_start3A_1213 : memref<1x80x128xf32, #tpu.memory_space<hbm>> -> memref<80x128xf32, #tpu.memory_space<hbm>>
      %dma_start3A_1215 = arith.constant 0 : i32
      %dma_start3A_1216 = arith.constant 0 : i32
      %dma_start3A_1217 = tpu.memref_slice %arg10[%run_scoped3A_1203, %dma_start3A_1215, %dma_start3A_1216] : memref<2x80x128xf32, #tpu.memory_space<vmem>> -> memref<1x80x128xf32, #tpu.memory_space<vmem>>
      %dma_start3A_1218 = tpu.memref_squeeze %dma_start3A_1217 : memref<1x80x128xf32, #tpu.memory_space<vmem>> -> memref<80x128xf32, #tpu.memory_space<vmem>>
      tpu.enqueue_dma source(%dma_start3A_1218 : memref<80x128xf32, #tpu.memory_space<vmem>>) target(%dma_start3A_1214 : memref<80x128xf32, #tpu.memory_space<hbm>>) target_semaphore(%run_scoped3A_1204 : memref<!tpu.dma_semaphore, #tpu.memory_space<semaphore_mem>>)
      %dma_wait3A_1219 = arith.constant 0 : i32
      %dma_wait3A_1220 = arith.constant 0 : i32
      %dma_wait3A_1221 = tpu.memref_slice %arg10[%run_scoped3A_1203, %dma_wait3A_1219, %dma_wait3A_1220] : memref<2x80x128xf32, #tpu.memory_space<vmem>> -> memref<1x80x128xf32, #tpu.memory_space<vmem>>
      %dma_wait3A_1222 = tpu.memref_squeeze %dma_wait3A_1221 : memref<1x80x128xf32, #tpu.memory_space<vmem>> -> memref<80x128xf32, #tpu.memory_space<vmem>>
      %dma_wait3A_1223 = arith.constant 0 : i32
      %dma_wait3A_1224 = tpu.memref_slice %arg6[%arg0, %add3A_1128, %dma_wait3A_1223] : memref<2x10240x128xf32, #tpu.memory_space<hbm>> -> memref<1x80x128xf32, #tpu.memory_space<hbm>>
      %dma_wait3A_1225 = tpu.memref_squeeze %dma_wait3A_1224 : memref<1x80x128xf32, #tpu.memory_space<hbm>> -> memref<80x128xf32, #tpu.memory_space<hbm>>
      %dma_wait3A_1226 = arith.constant 0 : i32
      %dma_wait3A_1227 = tpu.memref_slice %arg6[%arg0, %add3A_1128, %dma_wait3A_1226] : memref<2x10240x128xf32, #tpu.memory_space<hbm>> -> memref<1x80x128xf32, #tpu.memory_space<hbm>>
      %dma_wait3A_1228 = tpu.memref_squeeze %dma_wait3A_1227 : memref<1x80x128xf32, #tpu.memory_space<hbm>> -> memref<80x128xf32, #tpu.memory_space<hbm>>
      %dma_wait3A_1229 = arith.constant 0 : i32
      %dma_wait3A_1230 = arith.constant 0 : i32
      %dma_wait3A_1231 = tpu.memref_slice %arg10[%run_scoped3A_1203, %dma_wait3A_1229, %dma_wait3A_1230] : memref<2x80x128xf32, #tpu.memory_space<vmem>> -> memref<1x80x128xf32, #tpu.memory_space<vmem>>
      %dma_wait3A_1232 = tpu.memref_squeeze %dma_wait3A_1231 : memref<1x80x128xf32, #tpu.memory_space<vmem>> -> memref<80x128xf32, #tpu.memory_space<vmem>>
      tpu.wait_dma2 semaphore(%run_scoped3A_1204 : memref<!tpu.dma_semaphore, #tpu.memory_space<semaphore_mem>>) src(%dma_wait3A_1232 : memref<80x128xf32, #tpu.memory_space<vmem>>) dst(%dma_wait3A_1228 : memref<80x128xf32, #tpu.memory_space<hbm>>)
      tpu.yield
    }) : () -> ()
    return
  }
}

#map = affine_map<(d0, d1) -> (0)>
#map1 = affine_map<(d0, d1) -> (0, 0)>
module attributes {stable_mosaic.version = 14 : i64} {
  func.func @_emb_body(%arg0: i32, %arg1: i32, %arg2: memref<10240xi32, #tpu.memory_space<hbm>>, %arg3: memref<10240xi32, #tpu.memory_space<hbm>>, %arg4: memref<100001x128xf32, #tpu.memory_space<hbm>>, %arg5: memref<100001x128xf32, #tpu.memory_space<hbm>>, %arg6: memref<10240x128xf32, #tpu.memory_space<hbm>>, %arg7: memref<80xi32, #tpu.memory_space<vmem>>, %arg8: memref<80x128xf32, #tpu.memory_space<vmem>>, %arg9: memref<80x128xf32, #tpu.memory_space<vmem>>, %arg10: memref<!tpu.dma_semaphore, #tpu.memory_space<semaphore_mem>>) attributes {dimension_semantics = [#tpu.dimension_semantics<core_parallel>, #tpu.dimension_semantics<subcore_parallel>], iteration_bounds = array<i64: 2, 16>, scalar_prefetch = 0 : i64, scratch_operands = 4 : i64, tpu.core_type = #tpu.core_type<sc_vector_subcore>, window_params = [{transform_indices = #map}, {transform_indices = #map}, {transform_indices = #map1}, {transform_indices = #map1}, {transform_indices = #map1}]} {
    %mul3A = arith.constant 2 : i32
    %mul3A_0 = arith.muli %arg1, %mul3A : i32
    %add3A = arith.addi %mul3A_0, %arg0 : i32
    %mul3A_1 = arith.constant 320 : i32
    %mul3A_2 = arith.muli %add3A, %mul3A_1 : i32
    %add3A_3 = arith.constant 0 : i32
    %add3A_4 = arith.addi %mul3A_2, %add3A_3 : i32
    "tpu.region"() ({
      %run_scoped3A = tpu.sem_alloc : memref<!tpu.dma_semaphore, #tpu.memory_space<semaphore_mem>>
      %dma_start3A_80 = tpu.memref_slice %arg2[%add3A_4] : memref<10240xi32, #tpu.memory_space<hbm>> -> memref<80xi32, #tpu.memory_space<hbm>>
      %dma_start3A_81 = tpu.memref_slice %arg2[%add3A_4] : memref<10240xi32, #tpu.memory_space<hbm>> -> memref<80xi32, #tpu.memory_space<hbm>>
      tpu.enqueue_dma source(%dma_start3A_81 : memref<80xi32, #tpu.memory_space<hbm>>) target(%arg7 : memref<80xi32, #tpu.memory_space<vmem>>) target_semaphore(%run_scoped3A : memref<!tpu.dma_semaphore, #tpu.memory_space<semaphore_mem>>)
      %dma_wait3A_82 = tpu.memref_slice %arg2[%add3A_4] : memref<10240xi32, #tpu.memory_space<hbm>> -> memref<80xi32, #tpu.memory_space<hbm>>
      %dma_wait3A_83 = tpu.memref_slice %arg2[%add3A_4] : memref<10240xi32, #tpu.memory_space<hbm>> -> memref<80xi32, #tpu.memory_space<hbm>>
      tpu.wait_dma2 semaphore(%run_scoped3A : memref<!tpu.dma_semaphore, #tpu.memory_space<semaphore_mem>>) src(%dma_wait3A_83 : memref<80xi32, #tpu.memory_space<hbm>>) dst(%arg7 : memref<80xi32, #tpu.memory_space<vmem>>)
      tpu.yield
    }) : () -> ()
    %dma_start3A = arith.constant 0 : i32
    %dma_start3A_5 = arith.constant 0 : i32
    %dma_start3A_6 = tpu.memref_slice %arg4[%dma_start3A, %dma_start3A_5] : memref<100001x128xf32, #tpu.memory_space<hbm>> -> memref<100001x128xf32, #tpu.memory_space<hbm>>
    tpu.enqueue_indirect_dma source(%dma_start3A_6 : memref<100001x128xf32, #tpu.memory_space<hbm>>) target(%arg8 : memref<80x128xf32, #tpu.memory_space<vmem>>) offsets(%arg7 : memref<80xi32, #tpu.memory_space<vmem>>) semaphore(%arg10 : memref<!tpu.dma_semaphore, #tpu.memory_space<semaphore_mem>>)
    %dma_wait3A = arith.constant 0 : i32
    %dma_wait3A_7 = arith.constant 0 : i32
    %dma_wait3A_8 = tpu.memref_slice %arg4[%dma_wait3A, %dma_wait3A_7] : memref<100001x128xf32, #tpu.memory_space<hbm>> -> memref<100001x128xf32, #tpu.memory_space<hbm>>
    tpu.wait_indirect_dma semaphore(%arg10 : memref<!tpu.dma_semaphore, #tpu.memory_space<semaphore_mem>>) src(%dma_wait3A_8 : memref<100001x128xf32, #tpu.memory_space<hbm>>) dst(%arg8 : memref<80x128xf32, #tpu.memory_space<vmem>>)
    "tpu.region"() ({
      %run_scoped3A = tpu.sem_alloc : memref<!tpu.dma_semaphore, #tpu.memory_space<semaphore_mem>>
      %dma_start3A_80 = tpu.memref_slice %arg3[%add3A_4] : memref<10240xi32, #tpu.memory_space<hbm>> -> memref<80xi32, #tpu.memory_space<hbm>>
      %dma_start3A_81 = tpu.memref_slice %arg3[%add3A_4] : memref<10240xi32, #tpu.memory_space<hbm>> -> memref<80xi32, #tpu.memory_space<hbm>>
      tpu.enqueue_dma source(%dma_start3A_81 : memref<80xi32, #tpu.memory_space<hbm>>) target(%arg7 : memref<80xi32, #tpu.memory_space<vmem>>) target_semaphore(%run_scoped3A : memref<!tpu.dma_semaphore, #tpu.memory_space<semaphore_mem>>)
      %dma_wait3A_82 = tpu.memref_slice %arg3[%add3A_4] : memref<10240xi32, #tpu.memory_space<hbm>> -> memref<80xi32, #tpu.memory_space<hbm>>
      %dma_wait3A_83 = tpu.memref_slice %arg3[%add3A_4] : memref<10240xi32, #tpu.memory_space<hbm>> -> memref<80xi32, #tpu.memory_space<hbm>>
      tpu.wait_dma2 semaphore(%run_scoped3A : memref<!tpu.dma_semaphore, #tpu.memory_space<semaphore_mem>>) src(%dma_wait3A_83 : memref<80xi32, #tpu.memory_space<hbm>>) dst(%arg7 : memref<80xi32, #tpu.memory_space<vmem>>)
      tpu.yield
    }) : () -> ()
    %dma_start3A_9 = arith.constant 0 : i32
    %dma_start3A_10 = arith.constant 0 : i32
    %dma_start3A_11 = tpu.memref_slice %arg5[%dma_start3A_9, %dma_start3A_10] : memref<100001x128xf32, #tpu.memory_space<hbm>> -> memref<100001x128xf32, #tpu.memory_space<hbm>>
    tpu.enqueue_indirect_dma source(%dma_start3A_11 : memref<100001x128xf32, #tpu.memory_space<hbm>>) target(%arg9 : memref<80x128xf32, #tpu.memory_space<vmem>>) offsets(%arg7 : memref<80xi32, #tpu.memory_space<vmem>>) semaphore(%arg10 : memref<!tpu.dma_semaphore, #tpu.memory_space<semaphore_mem>>)
    %dma_wait3A_12 = arith.constant 0 : i32
    %dma_wait3A_13 = arith.constant 0 : i32
    %dma_wait3A_14 = tpu.memref_slice %arg5[%dma_wait3A_12, %dma_wait3A_13] : memref<100001x128xf32, #tpu.memory_space<hbm>> -> memref<100001x128xf32, #tpu.memory_space<hbm>>
    tpu.wait_indirect_dma semaphore(%arg10 : memref<!tpu.dma_semaphore, #tpu.memory_space<semaphore_mem>>) src(%dma_wait3A_14 : memref<100001x128xf32, #tpu.memory_space<hbm>>) dst(%arg9 : memref<80x128xf32, #tpu.memory_space<vmem>>)
    %scan3A = arith.constant 0 : i32
    %scan3A_15 = arith.constant 0 : i32
    %scan3A_16 = arith.constant 80 : i32
    %scan3A_17 = arith.addi %scan3A_15, %scan3A_16 : i32
    %scan3A_18 = arith.constant 1 : i32
    scf.for %scan3A_80 = %scan3A_15 to %scan3A_17 step %scan3A_18  : i32 {
      %get3A = arith.index_cast %scan3A_80 : i32 to index
      %get3A_81 = arith.constant 0 : index
      %get3A_82 = tpu.vector_load %arg8[%get3A, %get3A_81] {strides = array<i32>} : memref<80x128xf32, #tpu.memory_space<vmem>>, vector<1x16xf32>,
      %get3A_83 = vector.shape_cast %get3A_82 : vector<1x16xf32> to vector<16xf32>
      %get3A_84 = arith.index_cast %scan3A_80 : i32 to index
      %get3A_85 = arith.constant 0 : index
      %get3A_86 = tpu.vector_load %arg9[%get3A_84, %get3A_85] {strides = array<i32>} : memref<80x128xf32, #tpu.memory_space<vmem>>, vector<1x16xf32>,
      %get3A_87 = vector.shape_cast %get3A_86 : vector<1x16xf32> to vector<16xf32>
      %add3A_88 = arith.addf %get3A_83, %get3A_87 : vector<16xf32>
      %max3A = arith.constant 0.000000e+00 : f32
      %max3A_89 = vector.broadcast %max3A : f32 to vector<16xf32>
      %max3A_90 = arith.maximumf %add3A_88, %max3A_89 : vector<16xf32>
      %swap3A = arith.index_cast %scan3A_80 : i32 to index
      %swap3A_91 = arith.constant 0 : index
      %swap3A_92 = tpu.vector_load %arg8[%swap3A, %swap3A_91] {strides = array<i32>} : memref<80x128xf32, #tpu.memory_space<vmem>>, vector<1x16xf32>,
      %swap3A_93 = vector.shape_cast %swap3A_92 : vector<1x16xf32> to vector<16xf32>
      %swap3A_94 = vector.shape_cast %max3A_90 : vector<16xf32> to vector<1x16xf32>
      tpu.vector_store %arg8[%swap3A, %swap3A_91], %swap3A_94 {strides = array<i32>} : memref<80x128xf32, #tpu.memory_space<vmem>>, vector<1x16xf32>,
      %get3A_95 = arith.index_cast %scan3A_80 : i32 to index
      %get3A_96 = arith.constant 16 : index
      %get3A_97 = tpu.vector_load %arg8[%get3A_95, %get3A_96] {strides = array<i32>} : memref<80x128xf32, #tpu.memory_space<vmem>>, vector<1x16xf32>,
      %get3A_98 = vector.shape_cast %get3A_97 : vector<1x16xf32> to vector<16xf32>
      %get3A_99 = arith.index_cast %scan3A_80 : i32 to index
      %get3A_100 = arith.constant 16 : index
      %get3A_101 = tpu.vector_load %arg9[%get3A_99, %get3A_100] {strides = array<i32>} : memref<80x128xf32, #tpu.memory_space<vmem>>, vector<1x16xf32>,
      %get3A_102 = vector.shape_cast %get3A_101 : vector<1x16xf32> to vector<16xf32>
      %add3A_103 = arith.addf %get3A_98, %get3A_102 : vector<16xf32>
      %max3A_104 = arith.constant 0.000000e+00 : f32
      %max3A_105 = vector.broadcast %max3A_104 : f32 to vector<16xf32>
      %max3A_106 = arith.maximumf %add3A_103, %max3A_105 : vector<16xf32>
      %swap3A_107 = arith.index_cast %scan3A_80 : i32 to index
      %swap3A_108 = arith.constant 16 : index
      %swap3A_109 = tpu.vector_load %arg8[%swap3A_107, %swap3A_108] {strides = array<i32>} : memref<80x128xf32, #tpu.memory_space<vmem>>, vector<1x16xf32>,
      %swap3A_110 = vector.shape_cast %swap3A_109 : vector<1x16xf32> to vector<16xf32>
      %swap3A_111 = vector.shape_cast %max3A_106 : vector<16xf32> to vector<1x16xf32>
      tpu.vector_store %arg8[%swap3A_107, %swap3A_108], %swap3A_111 {strides = array<i32>} : memref<80x128xf32, #tpu.memory_space<vmem>>, vector<1x16xf32>,
      %get3A_112 = arith.index_cast %scan3A_80 : i32 to index
      %get3A_113 = arith.constant 32 : index
      %get3A_114 = tpu.vector_load %arg8[%get3A_112, %get3A_113] {strides = array<i32>} : memref<80x128xf32, #tpu.memory_space<vmem>>, vector<1x16xf32>,
      %get3A_115 = vector.shape_cast %get3A_114 : vector<1x16xf32> to vector<16xf32>
      %get3A_116 = arith.index_cast %scan3A_80 : i32 to index
      %get3A_117 = arith.constant 32 : index
      %get3A_118 = tpu.vector_load %arg9[%get3A_116, %get3A_117] {strides = array<i32>} : memref<80x128xf32, #tpu.memory_space<vmem>>, vector<1x16xf32>,
      %get3A_119 = vector.shape_cast %get3A_118 : vector<1x16xf32> to vector<16xf32>
      %add3A_120 = arith.addf %get3A_115, %get3A_119 : vector<16xf32>
      %max3A_121 = arith.constant 0.000000e+00 : f32
      %max3A_122 = vector.broadcast %max3A_121 : f32 to vector<16xf32>
      %max3A_123 = arith.maximumf %add3A_120, %max3A_122 : vector<16xf32>
      %swap3A_124 = arith.index_cast %scan3A_80 : i32 to index
      %swap3A_125 = arith.constant 32 : index
      %swap3A_126 = tpu.vector_load %arg8[%swap3A_124, %swap3A_125] {strides = array<i32>} : memref<80x128xf32, #tpu.memory_space<vmem>>, vector<1x16xf32>,
      %swap3A_127 = vector.shape_cast %swap3A_126 : vector<1x16xf32> to vector<16xf32>
      %swap3A_128 = vector.shape_cast %max3A_123 : vector<16xf32> to vector<1x16xf32>
      tpu.vector_store %arg8[%swap3A_124, %swap3A_125], %swap3A_128 {strides = array<i32>} : memref<80x128xf32, #tpu.memory_space<vmem>>, vector<1x16xf32>,
      %get3A_129 = arith.index_cast %scan3A_80 : i32 to index
      %get3A_130 = arith.constant 48 : index
      %get3A_131 = tpu.vector_load %arg8[%get3A_129, %get3A_130] {strides = array<i32>} : memref<80x128xf32, #tpu.memory_space<vmem>>, vector<1x16xf32>,
      %get3A_132 = vector.shape_cast %get3A_131 : vector<1x16xf32> to vector<16xf32>
      %get3A_133 = arith.index_cast %scan3A_80 : i32 to index
      %get3A_134 = arith.constant 48 : index
      %get3A_135 = tpu.vector_load %arg9[%get3A_133, %get3A_134] {strides = array<i32>} : memref<80x128xf32, #tpu.memory_space<vmem>>, vector<1x16xf32>,
      %get3A_136 = vector.shape_cast %get3A_135 : vector<1x16xf32> to vector<16xf32>
      %add3A_137 = arith.addf %get3A_132, %get3A_136 : vector<16xf32>
      %max3A_138 = arith.constant 0.000000e+00 : f32
      %max3A_139 = vector.broadcast %max3A_138 : f32 to vector<16xf32>
      %max3A_140 = arith.maximumf %add3A_137, %max3A_139 : vector<16xf32>
      %swap3A_141 = arith.index_cast %scan3A_80 : i32 to index
      %swap3A_142 = arith.constant 48 : index
      %swap3A_143 = tpu.vector_load %arg8[%swap3A_141, %swap3A_142] {strides = array<i32>} : memref<80x128xf32, #tpu.memory_space<vmem>>, vector<1x16xf32>,
      %swap3A_144 = vector.shape_cast %swap3A_143 : vector<1x16xf32> to vector<16xf32>
      %swap3A_145 = vector.shape_cast %max3A_140 : vector<16xf32> to vector<1x16xf32>
      tpu.vector_store %arg8[%swap3A_141, %swap3A_142], %swap3A_145 {strides = array<i32>} : memref<80x128xf32, #tpu.memory_space<vmem>>, vector<1x16xf32>,
      %get3A_146 = arith.index_cast %scan3A_80 : i32 to index
      %get3A_147 = arith.constant 64 : index
      %get3A_148 = tpu.vector_load %arg8[%get3A_146, %get3A_147] {strides = array<i32>} : memref<80x128xf32, #tpu.memory_space<vmem>>, vector<1x16xf32>,
      %get3A_149 = vector.shape_cast %get3A_148 : vector<1x16xf32> to vector<16xf32>
      %get3A_150 = arith.index_cast %scan3A_80 : i32 to index
      %get3A_151 = arith.constant 64 : index
      %get3A_152 = tpu.vector_load %arg9[%get3A_150, %get3A_151] {strides = array<i32>} : memref<80x128xf32, #tpu.memory_space<vmem>>, vector<1x16xf32>,
      %get3A_153 = vector.shape_cast %get3A_152 : vector<1x16xf32> to vector<16xf32>
      %add3A_154 = arith.addf %get3A_149, %get3A_153 : vector<16xf32>
      %max3A_155 = arith.constant 0.000000e+00 : f32
      %max3A_156 = vector.broadcast %max3A_155 : f32 to vector<16xf32>
      %max3A_157 = arith.maximumf %add3A_154, %max3A_156 : vector<16xf32>
      %swap3A_158 = arith.index_cast %scan3A_80 : i32 to index
      %swap3A_159 = arith.constant 64 : index
      %swap3A_160 = tpu.vector_load %arg8[%swap3A_158, %swap3A_159] {strides = array<i32>} : memref<80x128xf32, #tpu.memory_space<vmem>>, vector<1x16xf32>,
      %swap3A_161 = vector.shape_cast %swap3A_160 : vector<1x16xf32> to vector<16xf32>
      %swap3A_162 = vector.shape_cast %max3A_157 : vector<16xf32> to vector<1x16xf32>
      tpu.vector_store %arg8[%swap3A_158, %swap3A_159], %swap3A_162 {strides = array<i32>} : memref<80x128xf32, #tpu.memory_space<vmem>>, vector<1x16xf32>,
      %get3A_163 = arith.index_cast %scan3A_80 : i32 to index
      %get3A_164 = arith.constant 80 : index
      %get3A_165 = tpu.vector_load %arg8[%get3A_163, %get3A_164] {strides = array<i32>} : memref<80x128xf32, #tpu.memory_space<vmem>>, vector<1x16xf32>,
      %get3A_166 = vector.shape_cast %get3A_165 : vector<1x16xf32> to vector<16xf32>
      %get3A_167 = arith.index_cast %scan3A_80 : i32 to index
      %get3A_168 = arith.constant 80 : index
      %get3A_169 = tpu.vector_load %arg9[%get3A_167, %get3A_168] {strides = array<i32>} : memref<80x128xf32, #tpu.memory_space<vmem>>, vector<1x16xf32>,
      %get3A_170 = vector.shape_cast %get3A_169 : vector<1x16xf32> to vector<16xf32>
      %add3A_171 = arith.addf %get3A_166, %get3A_170 : vector<16xf32>
      %max3A_172 = arith.constant 0.000000e+00 : f32
      %max3A_173 = vector.broadcast %max3A_172 : f32 to vector<16xf32>
      %max3A_174 = arith.maximumf %add3A_171, %max3A_173 : vector<16xf32>
      %swap3A_175 = arith.index_cast %scan3A_80 : i32 to index
      %swap3A_176 = arith.constant 80 : index
      %swap3A_177 = tpu.vector_load %arg8[%swap3A_175, %swap3A_176] {strides = array<i32>} : memref<80x128xf32, #tpu.memory_space<vmem>>, vector<1x16xf32>,
      %swap3A_178 = vector.shape_cast %swap3A_177 : vector<1x16xf32> to vector<16xf32>
      %swap3A_179 = vector.shape_cast %max3A_174 : vector<16xf32> to vector<1x16xf32>
      tpu.vector_store %arg8[%swap3A_175, %swap3A_176], %swap3A_179 {strides = array<i32>} : memref<80x128xf32, #tpu.memory_space<vmem>>, vector<1x16xf32>,
      %get3A_180 = arith.index_cast %scan3A_80 : i32 to index
      %get3A_181 = arith.constant 96 : index
      %get3A_182 = tpu.vector_load %arg8[%get3A_180, %get3A_181] {strides = array<i32>} : memref<80x128xf32, #tpu.memory_space<vmem>>, vector<1x16xf32>,
      %get3A_183 = vector.shape_cast %get3A_182 : vector<1x16xf32> to vector<16xf32>
      %get3A_184 = arith.index_cast %scan3A_80 : i32 to index
      %get3A_185 = arith.constant 96 : index
      %get3A_186 = tpu.vector_load %arg9[%get3A_184, %get3A_185] {strides = array<i32>} : memref<80x128xf32, #tpu.memory_space<vmem>>, vector<1x16xf32>,
      %get3A_187 = vector.shape_cast %get3A_186 : vector<1x16xf32> to vector<16xf32>
      %add3A_188 = arith.addf %get3A_183, %get3A_187 : vector<16xf32>
      %max3A_189 = arith.constant 0.000000e+00 : f32
      %max3A_190 = vector.broadcast %max3A_189 : f32 to vector<16xf32>
      %max3A_191 = arith.maximumf %add3A_188, %max3A_190 : vector<16xf32>
      %swap3A_192 = arith.index_cast %scan3A_80 : i32 to index
      %swap3A_193 = arith.constant 96 : index
      %swap3A_194 = tpu.vector_load %arg8[%swap3A_192, %swap3A_193] {strides = array<i32>} : memref<80x128xf32, #tpu.memory_space<vmem>>, vector<1x16xf32>,
      %swap3A_195 = vector.shape_cast %swap3A_194 : vector<1x16xf32> to vector<16xf32>
      %swap3A_196 = vector.shape_cast %max3A_191 : vector<16xf32> to vector<1x16xf32>
      tpu.vector_store %arg8[%swap3A_192, %swap3A_193], %swap3A_196 {strides = array<i32>} : memref<80x128xf32, #tpu.memory_space<vmem>>, vector<1x16xf32>,
      %get3A_197 = arith.index_cast %scan3A_80 : i32 to index
      %get3A_198 = arith.constant 112 : index
      %get3A_199 = tpu.vector_load %arg8[%get3A_197, %get3A_198] {strides = array<i32>} : memref<80x128xf32, #tpu.memory_space<vmem>>, vector<1x16xf32>,
      %get3A_200 = vector.shape_cast %get3A_199 : vector<1x16xf32> to vector<16xf32>
      %get3A_201 = arith.index_cast %scan3A_80 : i32 to index
      %get3A_202 = arith.constant 112 : index
      %get3A_203 = tpu.vector_load %arg9[%get3A_201, %get3A_202] {strides = array<i32>} : memref<80x128xf32, #tpu.memory_space<vmem>>, vector<1x16xf32>,
      %get3A_204 = vector.shape_cast %get3A_203 : vector<1x16xf32> to vector<16xf32>
      %add3A_205 = arith.addf %get3A_200, %get3A_204 : vector<16xf32>
      %max3A_206 = arith.constant 0.000000e+00 : f32
      %max3A_207 = vector.broadcast %max3A_206 : f32 to vector<16xf32>
      %max3A_208 = arith.maximumf %add3A_205, %max3A_207 : vector<16xf32>
      %swap3A_209 = arith.index_cast %scan3A_80 : i32 to index
      %swap3A_210 = arith.constant 112 : index
      %swap3A_211 = tpu.vector_load %arg8[%swap3A_209, %swap3A_210] {strides = array<i32>} : memref<80x128xf32, #tpu.memory_space<vmem>>, vector<1x16xf32>,
      %swap3A_212 = vector.shape_cast %swap3A_211 : vector<1x16xf32> to vector<16xf32>
      %swap3A_213 = vector.shape_cast %max3A_208 : vector<16xf32> to vector<1x16xf32>
      tpu.vector_store %arg8[%swap3A_209, %swap3A_210], %swap3A_213 {strides = array<i32>} : memref<80x128xf32, #tpu.memory_space<vmem>>, vector<1x16xf32>,
    }
    %scan3A_19 = arith.constant 80 : i32
    "tpu.region"() ({
      %run_scoped3A = tpu.sem_alloc : memref<!tpu.dma_semaphore, #tpu.memory_space<semaphore_mem>>
      %dma_start3A_80 = arith.constant 0 : i32
      %dma_start3A_81 = tpu.memref_slice %arg6[%add3A_4, %dma_start3A_80] : memref<10240x128xf32, #tpu.memory_space<hbm>> -> memref<80x128xf32, #tpu.memory_space<hbm>>
      %dma_start3A_82 = arith.constant 0 : i32
      %dma_start3A_83 = tpu.memref_slice %arg6[%add3A_4, %dma_start3A_82] : memref<10240x128xf32, #tpu.memory_space<hbm>> -> memref<80x128xf32, #tpu.memory_space<hbm>>
      tpu.enqueue_dma source(%arg8 : memref<80x128xf32, #tpu.memory_space<vmem>>) target(%dma_start3A_83 : memref<80x128xf32, #tpu.memory_space<hbm>>) target_semaphore(%run_scoped3A : memref<!tpu.dma_semaphore, #tpu.memory_space<semaphore_mem>>)
      %dma_wait3A_84 = arith.constant 0 : i32
      %dma_wait3A_85 = tpu.memref_slice %arg6[%add3A_4, %dma_wait3A_84] : memref<10240x128xf32, #tpu.memory_space<hbm>> -> memref<80x128xf32, #tpu.memory_space<hbm>>
      %dma_wait3A_86 = arith.constant 0 : i32
      %dma_wait3A_87 = tpu.memref_slice %arg6[%add3A_4, %dma_wait3A_86] : memref<10240x128xf32, #tpu.memory_space<hbm>> -> memref<80x128xf32, #tpu.memory_space<hbm>>
      tpu.wait_dma2 semaphore(%run_scoped3A : memref<!tpu.dma_semaphore, #tpu.memory_space<semaphore_mem>>) src(%arg8 : memref<80x128xf32, #tpu.memory_space<vmem>>) dst(%dma_wait3A_87 : memref<80x128xf32, #tpu.memory_space<hbm>>)
      tpu.yield
    }) : () -> ()
    %add3A_20 = arith.constant 80 : i32
    %add3A_21 = arith.addi %mul3A_2, %add3A_20 : i32
    "tpu.region"() ({
      %run_scoped3A = tpu.sem_alloc : memref<!tpu.dma_semaphore, #tpu.memory_space<semaphore_mem>>
      %dma_start3A_80 = tpu.memref_slice %arg2[%add3A_21] : memref<10240xi32, #tpu.memory_space<hbm>> -> memref<80xi32, #tpu.memory_space<hbm>>
      %dma_start3A_81 = tpu.memref_slice %arg2[%add3A_21] : memref<10240xi32, #tpu.memory_space<hbm>> -> memref<80xi32, #tpu.memory_space<hbm>>
      tpu.enqueue_dma source(%dma_start3A_81 : memref<80xi32, #tpu.memory_space<hbm>>) target(%arg7 : memref<80xi32, #tpu.memory_space<vmem>>) target_semaphore(%run_scoped3A : memref<!tpu.dma_semaphore, #tpu.memory_space<semaphore_mem>>)
      %dma_wait3A_82 = tpu.memref_slice %arg2[%add3A_21] : memref<10240xi32, #tpu.memory_space<hbm>> -> memref<80xi32, #tpu.memory_space<hbm>>
      %dma_wait3A_83 = tpu.memref_slice %arg2[%add3A_21] : memref<10240xi32, #tpu.memory_space<hbm>> -> memref<80xi32, #tpu.memory_space<hbm>>
      tpu.wait_dma2 semaphore(%run_scoped3A : memref<!tpu.dma_semaphore, #tpu.memory_space<semaphore_mem>>) src(%dma_wait3A_83 : memref<80xi32, #tpu.memory_space<hbm>>) dst(%arg7 : memref<80xi32, #tpu.memory_space<vmem>>)
      tpu.yield
    }) : () -> ()
    %dma_start3A_22 = arith.constant 0 : i32
    %dma_start3A_23 = arith.constant 0 : i32
    %dma_start3A_24 = tpu.memref_slice %arg4[%dma_start3A_22, %dma_start3A_23] : memref<100001x128xf32, #tpu.memory_space<hbm>> -> memref<100001x128xf32, #tpu.memory_space<hbm>>
    tpu.enqueue_indirect_dma source(%dma_start3A_24 : memref<100001x128xf32, #tpu.memory_space<hbm>>) target(%arg8 : memref<80x128xf32, #tpu.memory_space<vmem>>) offsets(%arg7 : memref<80xi32, #tpu.memory_space<vmem>>) semaphore(%arg10 : memref<!tpu.dma_semaphore, #tpu.memory_space<semaphore_mem>>)
    %dma_wait3A_25 = arith.constant 0 : i32
    %dma_wait3A_26 = arith.constant 0 : i32
    %dma_wait3A_27 = tpu.memref_slice %arg4[%dma_wait3A_25, %dma_wait3A_26] : memref<100001x128xf32, #tpu.memory_space<hbm>> -> memref<100001x128xf32, #tpu.memory_space<hbm>>
    tpu.wait_indirect_dma semaphore(%arg10 : memref<!tpu.dma_semaphore, #tpu.memory_space<semaphore_mem>>) src(%dma_wait3A_27 : memref<100001x128xf32, #tpu.memory_space<hbm>>) dst(%arg8 : memref<80x128xf32, #tpu.memory_space<vmem>>)
    "tpu.region"() ({
      %run_scoped3A = tpu.sem_alloc : memref<!tpu.dma_semaphore, #tpu.memory_space<semaphore_mem>>
      %dma_start3A_80 = tpu.memref_slice %arg3[%add3A_21] : memref<10240xi32, #tpu.memory_space<hbm>> -> memref<80xi32, #tpu.memory_space<hbm>>
      %dma_start3A_81 = tpu.memref_slice %arg3[%add3A_21] : memref<10240xi32, #tpu.memory_space<hbm>> -> memref<80xi32, #tpu.memory_space<hbm>>
      tpu.enqueue_dma source(%dma_start3A_81 : memref<80xi32, #tpu.memory_space<hbm>>) target(%arg7 : memref<80xi32, #tpu.memory_space<vmem>>) target_semaphore(%run_scoped3A : memref<!tpu.dma_semaphore, #tpu.memory_space<semaphore_mem>>)
      %dma_wait3A_82 = tpu.memref_slice %arg3[%add3A_21] : memref<10240xi32, #tpu.memory_space<hbm>> -> memref<80xi32, #tpu.memory_space<hbm>>
      %dma_wait3A_83 = tpu.memref_slice %arg3[%add3A_21] : memref<10240xi32, #tpu.memory_space<hbm>> -> memref<80xi32, #tpu.memory_space<hbm>>
      tpu.wait_dma2 semaphore(%run_scoped3A : memref<!tpu.dma_semaphore, #tpu.memory_space<semaphore_mem>>) src(%dma_wait3A_83 : memref<80xi32, #tpu.memory_space<hbm>>) dst(%arg7 : memref<80xi32, #tpu.memory_space<vmem>>)
      tpu.yield
    }) : () -> ()
    %dma_start3A_28 = arith.constant 0 : i32
    %dma_start3A_29 = arith.constant 0 : i32
    %dma_start3A_30 = tpu.memref_slice %arg5[%dma_start3A_28, %dma_start3A_29] : memref<100001x128xf32, #tpu.memory_space<hbm>> -> memref<100001x128xf32, #tpu.memory_space<hbm>>
    tpu.enqueue_indirect_dma source(%dma_start3A_30 : memref<100001x128xf32, #tpu.memory_space<hbm>>) target(%arg9 : memref<80x128xf32, #tpu.memory_space<vmem>>) offsets(%arg7 : memref<80xi32, #tpu.memory_space<vmem>>) semaphore(%arg10 : memref<!tpu.dma_semaphore, #tpu.memory_space<semaphore_mem>>)
    %dma_wait3A_31 = arith.constant 0 : i32
    %dma_wait3A_32 = arith.constant 0 : i32
    %dma_wait3A_33 = tpu.memref_slice %arg5[%dma_wait3A_31, %dma_wait3A_32] : memref<100001x128xf32, #tpu.memory_space<hbm>> -> memref<100001x128xf32, #tpu.memory_space<hbm>>
    tpu.wait_indirect_dma semaphore(%arg10 : memref<!tpu.dma_semaphore, #tpu.memory_space<semaphore_mem>>) src(%dma_wait3A_33 : memref<100001x128xf32, #tpu.memory_space<hbm>>) dst(%arg9 : memref<80x128xf32, #tpu.memory_space<vmem>>)
    %scan3A_34 = arith.constant 0 : i32
    %scan3A_35 = arith.constant 0 : i32
    %scan3A_36 = arith.constant 80 : i32
    %scan3A_37 = arith.addi %scan3A_35, %scan3A_36 : i32
    %scan3A_38 = arith.constant 1 : i32
    scf.for %scan3A_80 = %scan3A_35 to %scan3A_37 step %scan3A_38  : i32 {
      %get3A = arith.index_cast %scan3A_80 : i32 to index
      %get3A_81 = arith.constant 0 : index
      %get3A_82 = tpu.vector_load %arg8[%get3A, %get3A_81] {strides = array<i32>} : memref<80x128xf32, #tpu.memory_space<vmem>>, vector<1x16xf32>,
      %get3A_83 = vector.shape_cast %get3A_82 : vector<1x16xf32> to vector<16xf32>
      %get3A_84 = arith.index_cast %scan3A_80 : i32 to index
      %get3A_85 = arith.constant 0 : index
      %get3A_86 = tpu.vector_load %arg9[%get3A_84, %get3A_85] {strides = array<i32>} : memref<80x128xf32, #tpu.memory_space<vmem>>, vector<1x16xf32>,
      %get3A_87 = vector.shape_cast %get3A_86 : vector<1x16xf32> to vector<16xf32>
      %add3A_88 = arith.addf %get3A_83, %get3A_87 : vector<16xf32>
      %max3A = arith.constant 0.000000e+00 : f32
      %max3A_89 = vector.broadcast %max3A : f32 to vector<16xf32>
      %max3A_90 = arith.maximumf %add3A_88, %max3A_89 : vector<16xf32>
      %swap3A = arith.index_cast %scan3A_80 : i32 to index
      %swap3A_91 = arith.constant 0 : index
      %swap3A_92 = tpu.vector_load %arg8[%swap3A, %swap3A_91] {strides = array<i32>} : memref<80x128xf32, #tpu.memory_space<vmem>>, vector<1x16xf32>,
      %swap3A_93 = vector.shape_cast %swap3A_92 : vector<1x16xf32> to vector<16xf32>
      %swap3A_94 = vector.shape_cast %max3A_90 : vector<16xf32> to vector<1x16xf32>
      tpu.vector_store %arg8[%swap3A, %swap3A_91], %swap3A_94 {strides = array<i32>} : memref<80x128xf32, #tpu.memory_space<vmem>>, vector<1x16xf32>,
      %get3A_95 = arith.index_cast %scan3A_80 : i32 to index
      %get3A_96 = arith.constant 16 : index
      %get3A_97 = tpu.vector_load %arg8[%get3A_95, %get3A_96] {strides = array<i32>} : memref<80x128xf32, #tpu.memory_space<vmem>>, vector<1x16xf32>,
      %get3A_98 = vector.shape_cast %get3A_97 : vector<1x16xf32> to vector<16xf32>
      %get3A_99 = arith.index_cast %scan3A_80 : i32 to index
      %get3A_100 = arith.constant 16 : index
      %get3A_101 = tpu.vector_load %arg9[%get3A_99, %get3A_100] {strides = array<i32>} : memref<80x128xf32, #tpu.memory_space<vmem>>, vector<1x16xf32>,
      %get3A_102 = vector.shape_cast %get3A_101 : vector<1x16xf32> to vector<16xf32>
      %add3A_103 = arith.addf %get3A_98, %get3A_102 : vector<16xf32>
      %max3A_104 = arith.constant 0.000000e+00 : f32
      %max3A_105 = vector.broadcast %max3A_104 : f32 to vector<16xf32>
      %max3A_106 = arith.maximumf %add3A_103, %max3A_105 : vector<16xf32>
      %swap3A_107 = arith.index_cast %scan3A_80 : i32 to index
      %swap3A_108 = arith.constant 16 : index
      %swap3A_109 = tpu.vector_load %arg8[%swap3A_107, %swap3A_108] {strides = array<i32>} : memref<80x128xf32, #tpu.memory_space<vmem>>, vector<1x16xf32>,
      %swap3A_110 = vector.shape_cast %swap3A_109 : vector<1x16xf32> to vector<16xf32>
      %swap3A_111 = vector.shape_cast %max3A_106 : vector<16xf32> to vector<1x16xf32>
      tpu.vector_store %arg8[%swap3A_107, %swap3A_108], %swap3A_111 {strides = array<i32>} : memref<80x128xf32, #tpu.memory_space<vmem>>, vector<1x16xf32>,
      %get3A_112 = arith.index_cast %scan3A_80 : i32 to index
      %get3A_113 = arith.constant 32 : index
      %get3A_114 = tpu.vector_load %arg8[%get3A_112, %get3A_113] {strides = array<i32>} : memref<80x128xf32, #tpu.memory_space<vmem>>, vector<1x16xf32>,
      %get3A_115 = vector.shape_cast %get3A_114 : vector<1x16xf32> to vector<16xf32>
      %get3A_116 = arith.index_cast %scan3A_80 : i32 to index
      %get3A_117 = arith.constant 32 : index
      %get3A_118 = tpu.vector_load %arg9[%get3A_116, %get3A_117] {strides = array<i32>} : memref<80x128xf32, #tpu.memory_space<vmem>>, vector<1x16xf32>,
      %get3A_119 = vector.shape_cast %get3A_118 : vector<1x16xf32> to vector<16xf32>
      %add3A_120 = arith.addf %get3A_115, %get3A_119 : vector<16xf32>
      %max3A_121 = arith.constant 0.000000e+00 : f32
      %max3A_122 = vector.broadcast %max3A_121 : f32 to vector<16xf32>
      %max3A_123 = arith.maximumf %add3A_120, %max3A_122 : vector<16xf32>
      %swap3A_124 = arith.index_cast %scan3A_80 : i32 to index
      %swap3A_125 = arith.constant 32 : index
      %swap3A_126 = tpu.vector_load %arg8[%swap3A_124, %swap3A_125] {strides = array<i32>} : memref<80x128xf32, #tpu.memory_space<vmem>>, vector<1x16xf32>,
      %swap3A_127 = vector.shape_cast %swap3A_126 : vector<1x16xf32> to vector<16xf32>
      %swap3A_128 = vector.shape_cast %max3A_123 : vector<16xf32> to vector<1x16xf32>
      tpu.vector_store %arg8[%swap3A_124, %swap3A_125], %swap3A_128 {strides = array<i32>} : memref<80x128xf32, #tpu.memory_space<vmem>>, vector<1x16xf32>,
      %get3A_129 = arith.index_cast %scan3A_80 : i32 to index
      %get3A_130 = arith.constant 48 : index
      %get3A_131 = tpu.vector_load %arg8[%get3A_129, %get3A_130] {strides = array<i32>} : memref<80x128xf32, #tpu.memory_space<vmem>>, vector<1x16xf32>,
      %get3A_132 = vector.shape_cast %get3A_131 : vector<1x16xf32> to vector<16xf32>
      %get3A_133 = arith.index_cast %scan3A_80 : i32 to index
      %get3A_134 = arith.constant 48 : index
      %get3A_135 = tpu.vector_load %arg9[%get3A_133, %get3A_134] {strides = array<i32>} : memref<80x128xf32, #tpu.memory_space<vmem>>, vector<1x16xf32>,
      %get3A_136 = vector.shape_cast %get3A_135 : vector<1x16xf32> to vector<16xf32>
      %add3A_137 = arith.addf %get3A_132, %get3A_136 : vector<16xf32>
      %max3A_138 = arith.constant 0.000000e+00 : f32
      %max3A_139 = vector.broadcast %max3A_138 : f32 to vector<16xf32>
      %max3A_140 = arith.maximumf %add3A_137, %max3A_139 : vector<16xf32>
      %swap3A_141 = arith.index_cast %scan3A_80 : i32 to index
      %swap3A_142 = arith.constant 48 : index
      %swap3A_143 = tpu.vector_load %arg8[%swap3A_141, %swap3A_142] {strides = array<i32>} : memref<80x128xf32, #tpu.memory_space<vmem>>, vector<1x16xf32>,
      %swap3A_144 = vector.shape_cast %swap3A_143 : vector<1x16xf32> to vector<16xf32>
      %swap3A_145 = vector.shape_cast %max3A_140 : vector<16xf32> to vector<1x16xf32>
      tpu.vector_store %arg8[%swap3A_141, %swap3A_142], %swap3A_145 {strides = array<i32>} : memref<80x128xf32, #tpu.memory_space<vmem>>, vector<1x16xf32>,
      %get3A_146 = arith.index_cast %scan3A_80 : i32 to index
      %get3A_147 = arith.constant 64 : index
      %get3A_148 = tpu.vector_load %arg8[%get3A_146, %get3A_147] {strides = array<i32>} : memref<80x128xf32, #tpu.memory_space<vmem>>, vector<1x16xf32>,
      %get3A_149 = vector.shape_cast %get3A_148 : vector<1x16xf32> to vector<16xf32>
      %get3A_150 = arith.index_cast %scan3A_80 : i32 to index
      %get3A_151 = arith.constant 64 : index
      %get3A_152 = tpu.vector_load %arg9[%get3A_150, %get3A_151] {strides = array<i32>} : memref<80x128xf32, #tpu.memory_space<vmem>>, vector<1x16xf32>,
      %get3A_153 = vector.shape_cast %get3A_152 : vector<1x16xf32> to vector<16xf32>
      %add3A_154 = arith.addf %get3A_149, %get3A_153 : vector<16xf32>
      %max3A_155 = arith.constant 0.000000e+00 : f32
      %max3A_156 = vector.broadcast %max3A_155 : f32 to vector<16xf32>
      %max3A_157 = arith.maximumf %add3A_154, %max3A_156 : vector<16xf32>
      %swap3A_158 = arith.index_cast %scan3A_80 : i32 to index
      %swap3A_159 = arith.constant 64 : index
      %swap3A_160 = tpu.vector_load %arg8[%swap3A_158, %swap3A_159] {strides = array<i32>} : memref<80x128xf32, #tpu.memory_space<vmem>>, vector<1x16xf32>,
      %swap3A_161 = vector.shape_cast %swap3A_160 : vector<1x16xf32> to vector<16xf32>
      %swap3A_162 = vector.shape_cast %max3A_157 : vector<16xf32> to vector<1x16xf32>
      tpu.vector_store %arg8[%swap3A_158, %swap3A_159], %swap3A_162 {strides = array<i32>} : memref<80x128xf32, #tpu.memory_space<vmem>>, vector<1x16xf32>,
      %get3A_163 = arith.index_cast %scan3A_80 : i32 to index
      %get3A_164 = arith.constant 80 : index
      %get3A_165 = tpu.vector_load %arg8[%get3A_163, %get3A_164] {strides = array<i32>} : memref<80x128xf32, #tpu.memory_space<vmem>>, vector<1x16xf32>,
      %get3A_166 = vector.shape_cast %get3A_165 : vector<1x16xf32> to vector<16xf32>
      %get3A_167 = arith.index_cast %scan3A_80 : i32 to index
      %get3A_168 = arith.constant 80 : index
      %get3A_169 = tpu.vector_load %arg9[%get3A_167, %get3A_168] {strides = array<i32>} : memref<80x128xf32, #tpu.memory_space<vmem>>, vector<1x16xf32>,
      %get3A_170 = vector.shape_cast %get3A_169 : vector<1x16xf32> to vector<16xf32>
      %add3A_171 = arith.addf %get3A_166, %get3A_170 : vector<16xf32>
      %max3A_172 = arith.constant 0.000000e+00 : f32
      %max3A_173 = vector.broadcast %max3A_172 : f32 to vector<16xf32>
      %max3A_174 = arith.maximumf %add3A_171, %max3A_173 : vector<16xf32>
      %swap3A_175 = arith.index_cast %scan3A_80 : i32 to index
      %swap3A_176 = arith.constant 80 : index
      %swap3A_177 = tpu.vector_load %arg8[%swap3A_175, %swap3A_176] {strides = array<i32>} : memref<80x128xf32, #tpu.memory_space<vmem>>, vector<1x16xf32>,
      %swap3A_178 = vector.shape_cast %swap3A_177 : vector<1x16xf32> to vector<16xf32>
      %swap3A_179 = vector.shape_cast %max3A_174 : vector<16xf32> to vector<1x16xf32>
      tpu.vector_store %arg8[%swap3A_175, %swap3A_176], %swap3A_179 {strides = array<i32>} : memref<80x128xf32, #tpu.memory_space<vmem>>, vector<1x16xf32>,
      %get3A_180 = arith.index_cast %scan3A_80 : i32 to index
      %get3A_181 = arith.constant 96 : index
      %get3A_182 = tpu.vector_load %arg8[%get3A_180, %get3A_181] {strides = array<i32>} : memref<80x128xf32, #tpu.memory_space<vmem>>, vector<1x16xf32>,
      %get3A_183 = vector.shape_cast %get3A_182 : vector<1x16xf32> to vector<16xf32>
      %get3A_184 = arith.index_cast %scan3A_80 : i32 to index
      %get3A_185 = arith.constant 96 : index
      %get3A_186 = tpu.vector_load %arg9[%get3A_184, %get3A_185] {strides = array<i32>} : memref<80x128xf32, #tpu.memory_space<vmem>>, vector<1x16xf32>,
      %get3A_187 = vector.shape_cast %get3A_186 : vector<1x16xf32> to vector<16xf32>
      %add3A_188 = arith.addf %get3A_183, %get3A_187 : vector<16xf32>
      %max3A_189 = arith.constant 0.000000e+00 : f32
      %max3A_190 = vector.broadcast %max3A_189 : f32 to vector<16xf32>
      %max3A_191 = arith.maximumf %add3A_188, %max3A_190 : vector<16xf32>
      %swap3A_192 = arith.index_cast %scan3A_80 : i32 to index
      %swap3A_193 = arith.constant 96 : index
      %swap3A_194 = tpu.vector_load %arg8[%swap3A_192, %swap3A_193] {strides = array<i32>} : memref<80x128xf32, #tpu.memory_space<vmem>>, vector<1x16xf32>,
      %swap3A_195 = vector.shape_cast %swap3A_194 : vector<1x16xf32> to vector<16xf32>
      %swap3A_196 = vector.shape_cast %max3A_191 : vector<16xf32> to vector<1x16xf32>
      tpu.vector_store %arg8[%swap3A_192, %swap3A_193], %swap3A_196 {strides = array<i32>} : memref<80x128xf32, #tpu.memory_space<vmem>>, vector<1x16xf32>,
      %get3A_197 = arith.index_cast %scan3A_80 : i32 to index
      %get3A_198 = arith.constant 112 : index
      %get3A_199 = tpu.vector_load %arg8[%get3A_197, %get3A_198] {strides = array<i32>} : memref<80x128xf32, #tpu.memory_space<vmem>>, vector<1x16xf32>,
      %get3A_200 = vector.shape_cast %get3A_199 : vector<1x16xf32> to vector<16xf32>
      %get3A_201 = arith.index_cast %scan3A_80 : i32 to index
      %get3A_202 = arith.constant 112 : index
      %get3A_203 = tpu.vector_load %arg9[%get3A_201, %get3A_202] {strides = array<i32>} : memref<80x128xf32, #tpu.memory_space<vmem>>, vector<1x16xf32>,
      %get3A_204 = vector.shape_cast %get3A_203 : vector<1x16xf32> to vector<16xf32>
      %add3A_205 = arith.addf %get3A_200, %get3A_204 : vector<16xf32>
      %max3A_206 = arith.constant 0.000000e+00 : f32
      %max3A_207 = vector.broadcast %max3A_206 : f32 to vector<16xf32>
      %max3A_208 = arith.maximumf %add3A_205, %max3A_207 : vector<16xf32>
      %swap3A_209 = arith.index_cast %scan3A_80 : i32 to index
      %swap3A_210 = arith.constant 112 : index
      %swap3A_211 = tpu.vector_load %arg8[%swap3A_209, %swap3A_210] {strides = array<i32>} : memref<80x128xf32, #tpu.memory_space<vmem>>, vector<1x16xf32>,
      %swap3A_212 = vector.shape_cast %swap3A_211 : vector<1x16xf32> to vector<16xf32>
      %swap3A_213 = vector.shape_cast %max3A_208 : vector<16xf32> to vector<1x16xf32>
      tpu.vector_store %arg8[%swap3A_209, %swap3A_210], %swap3A_213 {strides = array<i32>} : memref<80x128xf32, #tpu.memory_space<vmem>>, vector<1x16xf32>,
    }
    %scan3A_39 = arith.constant 80 : i32
    "tpu.region"() ({
      %run_scoped3A = tpu.sem_alloc : memref<!tpu.dma_semaphore, #tpu.memory_space<semaphore_mem>>
      %dma_start3A_80 = arith.constant 0 : i32
      %dma_start3A_81 = tpu.memref_slice %arg6[%add3A_21, %dma_start3A_80] : memref<10240x128xf32, #tpu.memory_space<hbm>> -> memref<80x128xf32, #tpu.memory_space<hbm>>
      %dma_start3A_82 = arith.constant 0 : i32
      %dma_start3A_83 = tpu.memref_slice %arg6[%add3A_21, %dma_start3A_82] : memref<10240x128xf32, #tpu.memory_space<hbm>> -> memref<80x128xf32, #tpu.memory_space<hbm>>
      tpu.enqueue_dma source(%arg8 : memref<80x128xf32, #tpu.memory_space<vmem>>) target(%dma_start3A_83 : memref<80x128xf32, #tpu.memory_space<hbm>>) target_semaphore(%run_scoped3A : memref<!tpu.dma_semaphore, #tpu.memory_space<semaphore_mem>>)
      %dma_wait3A_84 = arith.constant 0 : i32
      %dma_wait3A_85 = tpu.memref_slice %arg6[%add3A_21, %dma_wait3A_84] : memref<10240x128xf32, #tpu.memory_space<hbm>> -> memref<80x128xf32, #tpu.memory_space<hbm>>
      %dma_wait3A_86 = arith.constant 0 : i32
      %dma_wait3A_87 = tpu.memref_slice %arg6[%add3A_21, %dma_wait3A_86] : memref<10240x128xf32, #tpu.memory_space<hbm>> -> memref<80x128xf32, #tpu.memory_space<hbm>>
      tpu.wait_dma2 semaphore(%run_scoped3A : memref<!tpu.dma_semaphore, #tpu.memory_space<semaphore_mem>>) src(%arg8 : memref<80x128xf32, #tpu.memory_space<vmem>>) dst(%dma_wait3A_87 : memref<80x128xf32, #tpu.memory_space<hbm>>)
      tpu.yield
    }) : () -> ()
    %add3A_40 = arith.constant 160 : i32
    %add3A_41 = arith.addi %mul3A_2, %add3A_40 : i32
    "tpu.region"() ({
      %run_scoped3A = tpu.sem_alloc : memref<!tpu.dma_semaphore, #tpu.memory_space<semaphore_mem>>
      %dma_start3A_80 = tpu.memref_slice %arg2[%add3A_41] : memref<10240xi32, #tpu.memory_space<hbm>> -> memref<80xi32, #tpu.memory_space<hbm>>
      %dma_start3A_81 = tpu.memref_slice %arg2[%add3A_41] : memref<10240xi32, #tpu.memory_space<hbm>> -> memref<80xi32, #tpu.memory_space<hbm>>
      tpu.enqueue_dma source(%dma_start3A_81 : memref<80xi32, #tpu.memory_space<hbm>>) target(%arg7 : memref<80xi32, #tpu.memory_space<vmem>>) target_semaphore(%run_scoped3A : memref<!tpu.dma_semaphore, #tpu.memory_space<semaphore_mem>>)
      %dma_wait3A_82 = tpu.memref_slice %arg2[%add3A_41] : memref<10240xi32, #tpu.memory_space<hbm>> -> memref<80xi32, #tpu.memory_space<hbm>>
      %dma_wait3A_83 = tpu.memref_slice %arg2[%add3A_41] : memref<10240xi32, #tpu.memory_space<hbm>> -> memref<80xi32, #tpu.memory_space<hbm>>
      tpu.wait_dma2 semaphore(%run_scoped3A : memref<!tpu.dma_semaphore, #tpu.memory_space<semaphore_mem>>) src(%dma_wait3A_83 : memref<80xi32, #tpu.memory_space<hbm>>) dst(%arg7 : memref<80xi32, #tpu.memory_space<vmem>>)
      tpu.yield
    }) : () -> ()
    %dma_start3A_42 = arith.constant 0 : i32
    %dma_start3A_43 = arith.constant 0 : i32
    %dma_start3A_44 = tpu.memref_slice %arg4[%dma_start3A_42, %dma_start3A_43] : memref<100001x128xf32, #tpu.memory_space<hbm>> -> memref<100001x128xf32, #tpu.memory_space<hbm>>
    tpu.enqueue_indirect_dma source(%dma_start3A_44 : memref<100001x128xf32, #tpu.memory_space<hbm>>) target(%arg8 : memref<80x128xf32, #tpu.memory_space<vmem>>) offsets(%arg7 : memref<80xi32, #tpu.memory_space<vmem>>) semaphore(%arg10 : memref<!tpu.dma_semaphore, #tpu.memory_space<semaphore_mem>>)
    %dma_wait3A_45 = arith.constant 0 : i32
    %dma_wait3A_46 = arith.constant 0 : i32
    %dma_wait3A_47 = tpu.memref_slice %arg4[%dma_wait3A_45, %dma_wait3A_46] : memref<100001x128xf32, #tpu.memory_space<hbm>> -> memref<100001x128xf32, #tpu.memory_space<hbm>>
    tpu.wait_indirect_dma semaphore(%arg10 : memref<!tpu.dma_semaphore, #tpu.memory_space<semaphore_mem>>) src(%dma_wait3A_47 : memref<100001x128xf32, #tpu.memory_space<hbm>>) dst(%arg8 : memref<80x128xf32, #tpu.memory_space<vmem>>)
    "tpu.region"() ({
      %run_scoped3A = tpu.sem_alloc : memref<!tpu.dma_semaphore, #tpu.memory_space<semaphore_mem>>
      %dma_start3A_80 = tpu.memref_slice %arg3[%add3A_41] : memref<10240xi32, #tpu.memory_space<hbm>> -> memref<80xi32, #tpu.memory_space<hbm>>
      %dma_start3A_81 = tpu.memref_slice %arg3[%add3A_41] : memref<10240xi32, #tpu.memory_space<hbm>> -> memref<80xi32, #tpu.memory_space<hbm>>
      tpu.enqueue_dma source(%dma_start3A_81 : memref<80xi32, #tpu.memory_space<hbm>>) target(%arg7 : memref<80xi32, #tpu.memory_space<vmem>>) target_semaphore(%run_scoped3A : memref<!tpu.dma_semaphore, #tpu.memory_space<semaphore_mem>>)
      %dma_wait3A_82 = tpu.memref_slice %arg3[%add3A_41] : memref<10240xi32, #tpu.memory_space<hbm>> -> memref<80xi32, #tpu.memory_space<hbm>>
      %dma_wait3A_83 = tpu.memref_slice %arg3[%add3A_41] : memref<10240xi32, #tpu.memory_space<hbm>> -> memref<80xi32, #tpu.memory_space<hbm>>
      tpu.wait_dma2 semaphore(%run_scoped3A : memref<!tpu.dma_semaphore, #tpu.memory_space<semaphore_mem>>) src(%dma_wait3A_83 : memref<80xi32, #tpu.memory_space<hbm>>) dst(%arg7 : memref<80xi32, #tpu.memory_space<vmem>>)
      tpu.yield
    }) : () -> ()
    %dma_start3A_48 = arith.constant 0 : i32
    %dma_start3A_49 = arith.constant 0 : i32
    %dma_start3A_50 = tpu.memref_slice %arg5[%dma_start3A_48, %dma_start3A_49] : memref<100001x128xf32, #tpu.memory_space<hbm>> -> memref<100001x128xf32, #tpu.memory_space<hbm>>
    tpu.enqueue_indirect_dma source(%dma_start3A_50 : memref<100001x128xf32, #tpu.memory_space<hbm>>) target(%arg9 : memref<80x128xf32, #tpu.memory_space<vmem>>) offsets(%arg7 : memref<80xi32, #tpu.memory_space<vmem>>) semaphore(%arg10 : memref<!tpu.dma_semaphore, #tpu.memory_space<semaphore_mem>>)
    %dma_wait3A_51 = arith.constant 0 : i32
    %dma_wait3A_52 = arith.constant 0 : i32
    %dma_wait3A_53 = tpu.memref_slice %arg5[%dma_wait3A_51, %dma_wait3A_52] : memref<100001x128xf32, #tpu.memory_space<hbm>> -> memref<100001x128xf32, #tpu.memory_space<hbm>>
    tpu.wait_indirect_dma semaphore(%arg10 : memref<!tpu.dma_semaphore, #tpu.memory_space<semaphore_mem>>) src(%dma_wait3A_53 : memref<100001x128xf32, #tpu.memory_space<hbm>>) dst(%arg9 : memref<80x128xf32, #tpu.memory_space<vmem>>)
    %scan3A_54 = arith.constant 0 : i32
    %scan3A_55 = arith.constant 0 : i32
    %scan3A_56 = arith.constant 80 : i32
    %scan3A_57 = arith.addi %scan3A_55, %scan3A_56 : i32
    %scan3A_58 = arith.constant 1 : i32
    scf.for %scan3A_80 = %scan3A_55 to %scan3A_57 step %scan3A_58  : i32 {
      %get3A = arith.index_cast %scan3A_80 : i32 to index
      %get3A_81 = arith.constant 0 : index
      %get3A_82 = tpu.vector_load %arg8[%get3A, %get3A_81] {strides = array<i32>} : memref<80x128xf32, #tpu.memory_space<vmem>>, vector<1x16xf32>,
      %get3A_83 = vector.shape_cast %get3A_82 : vector<1x16xf32> to vector<16xf32>
      %get3A_84 = arith.index_cast %scan3A_80 : i32 to index
      %get3A_85 = arith.constant 0 : index
      %get3A_86 = tpu.vector_load %arg9[%get3A_84, %get3A_85] {strides = array<i32>} : memref<80x128xf32, #tpu.memory_space<vmem>>, vector<1x16xf32>,
      %get3A_87 = vector.shape_cast %get3A_86 : vector<1x16xf32> to vector<16xf32>
      %add3A_88 = arith.addf %get3A_83, %get3A_87 : vector<16xf32>
      %max3A = arith.constant 0.000000e+00 : f32
      %max3A_89 = vector.broadcast %max3A : f32 to vector<16xf32>
      %max3A_90 = arith.maximumf %add3A_88, %max3A_89 : vector<16xf32>
      %swap3A = arith.index_cast %scan3A_80 : i32 to index
      %swap3A_91 = arith.constant 0 : index
      %swap3A_92 = tpu.vector_load %arg8[%swap3A, %swap3A_91] {strides = array<i32>} : memref<80x128xf32, #tpu.memory_space<vmem>>, vector<1x16xf32>,
      %swap3A_93 = vector.shape_cast %swap3A_92 : vector<1x16xf32> to vector<16xf32>
      %swap3A_94 = vector.shape_cast %max3A_90 : vector<16xf32> to vector<1x16xf32>
      tpu.vector_store %arg8[%swap3A, %swap3A_91], %swap3A_94 {strides = array<i32>} : memref<80x128xf32, #tpu.memory_space<vmem>>, vector<1x16xf32>,
      %get3A_95 = arith.index_cast %scan3A_80 : i32 to index
      %get3A_96 = arith.constant 16 : index
      %get3A_97 = tpu.vector_load %arg8[%get3A_95, %get3A_96] {strides = array<i32>} : memref<80x128xf32, #tpu.memory_space<vmem>>, vector<1x16xf32>,
      %get3A_98 = vector.shape_cast %get3A_97 : vector<1x16xf32> to vector<16xf32>
      %get3A_99 = arith.index_cast %scan3A_80 : i32 to index
      %get3A_100 = arith.constant 16 : index
      %get3A_101 = tpu.vector_load %arg9[%get3A_99, %get3A_100] {strides = array<i32>} : memref<80x128xf32, #tpu.memory_space<vmem>>, vector<1x16xf32>,
      %get3A_102 = vector.shape_cast %get3A_101 : vector<1x16xf32> to vector<16xf32>
      %add3A_103 = arith.addf %get3A_98, %get3A_102 : vector<16xf32>
      %max3A_104 = arith.constant 0.000000e+00 : f32
      %max3A_105 = vector.broadcast %max3A_104 : f32 to vector<16xf32>
      %max3A_106 = arith.maximumf %add3A_103, %max3A_105 : vector<16xf32>
      %swap3A_107 = arith.index_cast %scan3A_80 : i32 to index
      %swap3A_108 = arith.constant 16 : index
      %swap3A_109 = tpu.vector_load %arg8[%swap3A_107, %swap3A_108] {strides = array<i32>} : memref<80x128xf32, #tpu.memory_space<vmem>>, vector<1x16xf32>,
      %swap3A_110 = vector.shape_cast %swap3A_109 : vector<1x16xf32> to vector<16xf32>
      %swap3A_111 = vector.shape_cast %max3A_106 : vector<16xf32> to vector<1x16xf32>
      tpu.vector_store %arg8[%swap3A_107, %swap3A_108], %swap3A_111 {strides = array<i32>} : memref<80x128xf32, #tpu.memory_space<vmem>>, vector<1x16xf32>,
      %get3A_112 = arith.index_cast %scan3A_80 : i32 to index
      %get3A_113 = arith.constant 32 : index
      %get3A_114 = tpu.vector_load %arg8[%get3A_112, %get3A_113] {strides = array<i32>} : memref<80x128xf32, #tpu.memory_space<vmem>>, vector<1x16xf32>,
      %get3A_115 = vector.shape_cast %get3A_114 : vector<1x16xf32> to vector<16xf32>
      %get3A_116 = arith.index_cast %scan3A_80 : i32 to index
      %get3A_117 = arith.constant 32 : index
      %get3A_118 = tpu.vector_load %arg9[%get3A_116, %get3A_117] {strides = array<i32>} : memref<80x128xf32, #tpu.memory_space<vmem>>, vector<1x16xf32>,
      %get3A_119 = vector.shape_cast %get3A_118 : vector<1x16xf32> to vector<16xf32>
      %add3A_120 = arith.addf %get3A_115, %get3A_119 : vector<16xf32>
      %max3A_121 = arith.constant 0.000000e+00 : f32
      %max3A_122 = vector.broadcast %max3A_121 : f32 to vector<16xf32>
      %max3A_123 = arith.maximumf %add3A_120, %max3A_122 : vector<16xf32>
      %swap3A_124 = arith.index_cast %scan3A_80 : i32 to index
      %swap3A_125 = arith.constant 32 : index
      %swap3A_126 = tpu.vector_load %arg8[%swap3A_124, %swap3A_125] {strides = array<i32>} : memref<80x128xf32, #tpu.memory_space<vmem>>, vector<1x16xf32>,
      %swap3A_127 = vector.shape_cast %swap3A_126 : vector<1x16xf32> to vector<16xf32>
      %swap3A_128 = vector.shape_cast %max3A_123 : vector<16xf32> to vector<1x16xf32>
      tpu.vector_store %arg8[%swap3A_124, %swap3A_125], %swap3A_128 {strides = array<i32>} : memref<80x128xf32, #tpu.memory_space<vmem>>, vector<1x16xf32>,
      %get3A_129 = arith.index_cast %scan3A_80 : i32 to index
      %get3A_130 = arith.constant 48 : index
      %get3A_131 = tpu.vector_load %arg8[%get3A_129, %get3A_130] {strides = array<i32>} : memref<80x128xf32, #tpu.memory_space<vmem>>, vector<1x16xf32>,
      %get3A_132 = vector.shape_cast %get3A_131 : vector<1x16xf32> to vector<16xf32>
      %get3A_133 = arith.index_cast %scan3A_80 : i32 to index
      %get3A_134 = arith.constant 48 : index
      %get3A_135 = tpu.vector_load %arg9[%get3A_133, %get3A_134] {strides = array<i32>} : memref<80x128xf32, #tpu.memory_space<vmem>>, vector<1x16xf32>,
      %get3A_136 = vector.shape_cast %get3A_135 : vector<1x16xf32> to vector<16xf32>
      %add3A_137 = arith.addf %get3A_132, %get3A_136 : vector<16xf32>
      %max3A_138 = arith.constant 0.000000e+00 : f32
      %max3A_139 = vector.broadcast %max3A_138 : f32 to vector<16xf32>
      %max3A_140 = arith.maximumf %add3A_137, %max3A_139 : vector<16xf32>
      %swap3A_141 = arith.index_cast %scan3A_80 : i32 to index
      %swap3A_142 = arith.constant 48 : index
      %swap3A_143 = tpu.vector_load %arg8[%swap3A_141, %swap3A_142] {strides = array<i32>} : memref<80x128xf32, #tpu.memory_space<vmem>>, vector<1x16xf32>,
      %swap3A_144 = vector.shape_cast %swap3A_143 : vector<1x16xf32> to vector<16xf32>
      %swap3A_145 = vector.shape_cast %max3A_140 : vector<16xf32> to vector<1x16xf32>
      tpu.vector_store %arg8[%swap3A_141, %swap3A_142], %swap3A_145 {strides = array<i32>} : memref<80x128xf32, #tpu.memory_space<vmem>>, vector<1x16xf32>,
      %get3A_146 = arith.index_cast %scan3A_80 : i32 to index
      %get3A_147 = arith.constant 64 : index
      %get3A_148 = tpu.vector_load %arg8[%get3A_146, %get3A_147] {strides = array<i32>} : memref<80x128xf32, #tpu.memory_space<vmem>>, vector<1x16xf32>,
      %get3A_149 = vector.shape_cast %get3A_148 : vector<1x16xf32> to vector<16xf32>
      %get3A_150 = arith.index_cast %scan3A_80 : i32 to index
      %get3A_151 = arith.constant 64 : index
      %get3A_152 = tpu.vector_load %arg9[%get3A_150, %get3A_151] {strides = array<i32>} : memref<80x128xf32, #tpu.memory_space<vmem>>, vector<1x16xf32>,
      %get3A_153 = vector.shape_cast %get3A_152 : vector<1x16xf32> to vector<16xf32>
      %add3A_154 = arith.addf %get3A_149, %get3A_153 : vector<16xf32>
      %max3A_155 = arith.constant 0.000000e+00 : f32
      %max3A_156 = vector.broadcast %max3A_155 : f32 to vector<16xf32>
      %max3A_157 = arith.maximumf %add3A_154, %max3A_156 : vector<16xf32>
      %swap3A_158 = arith.index_cast %scan3A_80 : i32 to index
      %swap3A_159 = arith.constant 64 : index
      %swap3A_160 = tpu.vector_load %arg8[%swap3A_158, %swap3A_159] {strides = array<i32>} : memref<80x128xf32, #tpu.memory_space<vmem>>, vector<1x16xf32>,
      %swap3A_161 = vector.shape_cast %swap3A_160 : vector<1x16xf32> to vector<16xf32>
      %swap3A_162 = vector.shape_cast %max3A_157 : vector<16xf32> to vector<1x16xf32>
      tpu.vector_store %arg8[%swap3A_158, %swap3A_159], %swap3A_162 {strides = array<i32>} : memref<80x128xf32, #tpu.memory_space<vmem>>, vector<1x16xf32>,
      %get3A_163 = arith.index_cast %scan3A_80 : i32 to index
      %get3A_164 = arith.constant 80 : index
      %get3A_165 = tpu.vector_load %arg8[%get3A_163, %get3A_164] {strides = array<i32>} : memref<80x128xf32, #tpu.memory_space<vmem>>, vector<1x16xf32>,
      %get3A_166 = vector.shape_cast %get3A_165 : vector<1x16xf32> to vector<16xf32>
      %get3A_167 = arith.index_cast %scan3A_80 : i32 to index
      %get3A_168 = arith.constant 80 : index
      %get3A_169 = tpu.vector_load %arg9[%get3A_167, %get3A_168] {strides = array<i32>} : memref<80x128xf32, #tpu.memory_space<vmem>>, vector<1x16xf32>,
      %get3A_170 = vector.shape_cast %get3A_169 : vector<1x16xf32> to vector<16xf32>
      %add3A_171 = arith.addf %get3A_166, %get3A_170 : vector<16xf32>
      %max3A_172 = arith.constant 0.000000e+00 : f32
      %max3A_173 = vector.broadcast %max3A_172 : f32 to vector<16xf32>
      %max3A_174 = arith.maximumf %add3A_171, %max3A_173 : vector<16xf32>
      %swap3A_175 = arith.index_cast %scan3A_80 : i32 to index
      %swap3A_176 = arith.constant 80 : index
      %swap3A_177 = tpu.vector_load %arg8[%swap3A_175, %swap3A_176] {strides = array<i32>} : memref<80x128xf32, #tpu.memory_space<vmem>>, vector<1x16xf32>,
      %swap3A_178 = vector.shape_cast %swap3A_177 : vector<1x16xf32> to vector<16xf32>
      %swap3A_179 = vector.shape_cast %max3A_174 : vector<16xf32> to vector<1x16xf32>
      tpu.vector_store %arg8[%swap3A_175, %swap3A_176], %swap3A_179 {strides = array<i32>} : memref<80x128xf32, #tpu.memory_space<vmem>>, vector<1x16xf32>,
      %get3A_180 = arith.index_cast %scan3A_80 : i32 to index
      %get3A_181 = arith.constant 96 : index
      %get3A_182 = tpu.vector_load %arg8[%get3A_180, %get3A_181] {strides = array<i32>} : memref<80x128xf32, #tpu.memory_space<vmem>>, vector<1x16xf32>,
      %get3A_183 = vector.shape_cast %get3A_182 : vector<1x16xf32> to vector<16xf32>
      %get3A_184 = arith.index_cast %scan3A_80 : i32 to index
      %get3A_185 = arith.constant 96 : index
      %get3A_186 = tpu.vector_load %arg9[%get3A_184, %get3A_185] {strides = array<i32>} : memref<80x128xf32, #tpu.memory_space<vmem>>, vector<1x16xf32>,
      %get3A_187 = vector.shape_cast %get3A_186 : vector<1x16xf32> to vector<16xf32>
      %add3A_188 = arith.addf %get3A_183, %get3A_187 : vector<16xf32>
      %max3A_189 = arith.constant 0.000000e+00 : f32
      %max3A_190 = vector.broadcast %max3A_189 : f32 to vector<16xf32>
      %max3A_191 = arith.maximumf %add3A_188, %max3A_190 : vector<16xf32>
      %swap3A_192 = arith.index_cast %scan3A_80 : i32 to index
      %swap3A_193 = arith.constant 96 : index
      %swap3A_194 = tpu.vector_load %arg8[%swap3A_192, %swap3A_193] {strides = array<i32>} : memref<80x128xf32, #tpu.memory_space<vmem>>, vector<1x16xf32>,
      %swap3A_195 = vector.shape_cast %swap3A_194 : vector<1x16xf32> to vector<16xf32>
      %swap3A_196 = vector.shape_cast %max3A_191 : vector<16xf32> to vector<1x16xf32>
      tpu.vector_store %arg8[%swap3A_192, %swap3A_193], %swap3A_196 {strides = array<i32>} : memref<80x128xf32, #tpu.memory_space<vmem>>, vector<1x16xf32>,
      %get3A_197 = arith.index_cast %scan3A_80 : i32 to index
      %get3A_198 = arith.constant 112 : index
      %get3A_199 = tpu.vector_load %arg8[%get3A_197, %get3A_198] {strides = array<i32>} : memref<80x128xf32, #tpu.memory_space<vmem>>, vector<1x16xf32>,
      %get3A_200 = vector.shape_cast %get3A_199 : vector<1x16xf32> to vector<16xf32>
      %get3A_201 = arith.index_cast %scan3A_80 : i32 to index
      %get3A_202 = arith.constant 112 : index
      %get3A_203 = tpu.vector_load %arg9[%get3A_201, %get3A_202] {strides = array<i32>} : memref<80x128xf32, #tpu.memory_space<vmem>>, vector<1x16xf32>,
      %get3A_204 = vector.shape_cast %get3A_203 : vector<1x16xf32> to vector<16xf32>
      %add3A_205 = arith.addf %get3A_200, %get3A_204 : vector<16xf32>
      %max3A_206 = arith.constant 0.000000e+00 : f32
      %max3A_207 = vector.broadcast %max3A_206 : f32 to vector<16xf32>
      %max3A_208 = arith.maximumf %add3A_205, %max3A_207 : vector<16xf32>
      %swap3A_209 = arith.index_cast %scan3A_80 : i32 to index
      %swap3A_210 = arith.constant 112 : index
      %swap3A_211 = tpu.vector_load %arg8[%swap3A_209, %swap3A_210] {strides = array<i32>} : memref<80x128xf32, #tpu.memory_space<vmem>>, vector<1x16xf32>,
      %swap3A_212 = vector.shape_cast %swap3A_211 : vector<1x16xf32> to vector<16xf32>
      %swap3A_213 = vector.shape_cast %max3A_208 : vector<16xf32> to vector<1x16xf32>
      tpu.vector_store %arg8[%swap3A_209, %swap3A_210], %swap3A_213 {strides = array<i32>} : memref<80x128xf32, #tpu.memory_space<vmem>>, vector<1x16xf32>,
    }
    %scan3A_59 = arith.constant 80 : i32
    "tpu.region"() ({
      %run_scoped3A = tpu.sem_alloc : memref<!tpu.dma_semaphore, #tpu.memory_space<semaphore_mem>>
      %dma_start3A_80 = arith.constant 0 : i32
      %dma_start3A_81 = tpu.memref_slice %arg6[%add3A_41, %dma_start3A_80] : memref<10240x128xf32, #tpu.memory_space<hbm>> -> memref<80x128xf32, #tpu.memory_space<hbm>>
      %dma_start3A_82 = arith.constant 0 : i32
      %dma_start3A_83 = tpu.memref_slice %arg6[%add3A_41, %dma_start3A_82] : memref<10240x128xf32, #tpu.memory_space<hbm>> -> memref<80x128xf32, #tpu.memory_space<hbm>>
      tpu.enqueue_dma source(%arg8 : memref<80x128xf32, #tpu.memory_space<vmem>>) target(%dma_start3A_83 : memref<80x128xf32, #tpu.memory_space<hbm>>) target_semaphore(%run_scoped3A : memref<!tpu.dma_semaphore, #tpu.memory_space<semaphore_mem>>)
      %dma_wait3A_84 = arith.constant 0 : i32
      %dma_wait3A_85 = tpu.memref_slice %arg6[%add3A_41, %dma_wait3A_84] : memref<10240x128xf32, #tpu.memory_space<hbm>> -> memref<80x128xf32, #tpu.memory_space<hbm>>
      %dma_wait3A_86 = arith.constant 0 : i32
      %dma_wait3A_87 = tpu.memref_slice %arg6[%add3A_41, %dma_wait3A_86] : memref<10240x128xf32, #tpu.memory_space<hbm>> -> memref<80x128xf32, #tpu.memory_space<hbm>>
      tpu.wait_dma2 semaphore(%run_scoped3A : memref<!tpu.dma_semaphore, #tpu.memory_space<semaphore_mem>>) src(%arg8 : memref<80x128xf32, #tpu.memory_space<vmem>>) dst(%dma_wait3A_87 : memref<80x128xf32, #tpu.memory_space<hbm>>)
      tpu.yield
    }) : () -> ()
    %add3A_60 = arith.constant 240 : i32
    %add3A_61 = arith.addi %mul3A_2, %add3A_60 : i32
    "tpu.region"() ({
      %run_scoped3A = tpu.sem_alloc : memref<!tpu.dma_semaphore, #tpu.memory_space<semaphore_mem>>
      %dma_start3A_80 = tpu.memref_slice %arg2[%add3A_61] : memref<10240xi32, #tpu.memory_space<hbm>> -> memref<80xi32, #tpu.memory_space<hbm>>
      %dma_start3A_81 = tpu.memref_slice %arg2[%add3A_61] : memref<10240xi32, #tpu.memory_space<hbm>> -> memref<80xi32, #tpu.memory_space<hbm>>
      tpu.enqueue_dma source(%dma_start3A_81 : memref<80xi32, #tpu.memory_space<hbm>>) target(%arg7 : memref<80xi32, #tpu.memory_space<vmem>>) target_semaphore(%run_scoped3A : memref<!tpu.dma_semaphore, #tpu.memory_space<semaphore_mem>>)
      %dma_wait3A_82 = tpu.memref_slice %arg2[%add3A_61] : memref<10240xi32, #tpu.memory_space<hbm>> -> memref<80xi32, #tpu.memory_space<hbm>>
      %dma_wait3A_83 = tpu.memref_slice %arg2[%add3A_61] : memref<10240xi32, #tpu.memory_space<hbm>> -> memref<80xi32, #tpu.memory_space<hbm>>
      tpu.wait_dma2 semaphore(%run_scoped3A : memref<!tpu.dma_semaphore, #tpu.memory_space<semaphore_mem>>) src(%dma_wait3A_83 : memref<80xi32, #tpu.memory_space<hbm>>) dst(%arg7 : memref<80xi32, #tpu.memory_space<vmem>>)
      tpu.yield
    }) : () -> ()
    %dma_start3A_62 = arith.constant 0 : i32
    %dma_start3A_63 = arith.constant 0 : i32
    %dma_start3A_64 = tpu.memref_slice %arg4[%dma_start3A_62, %dma_start3A_63] : memref<100001x128xf32, #tpu.memory_space<hbm>> -> memref<100001x128xf32, #tpu.memory_space<hbm>>
    tpu.enqueue_indirect_dma source(%dma_start3A_64 : memref<100001x128xf32, #tpu.memory_space<hbm>>) target(%arg8 : memref<80x128xf32, #tpu.memory_space<vmem>>) offsets(%arg7 : memref<80xi32, #tpu.memory_space<vmem>>) semaphore(%arg10 : memref<!tpu.dma_semaphore, #tpu.memory_space<semaphore_mem>>)
    %dma_wait3A_65 = arith.constant 0 : i32
    %dma_wait3A_66 = arith.constant 0 : i32
    %dma_wait3A_67 = tpu.memref_slice %arg4[%dma_wait3A_65, %dma_wait3A_66] : memref<100001x128xf32, #tpu.memory_space<hbm>> -> memref<100001x128xf32, #tpu.memory_space<hbm>>
    tpu.wait_indirect_dma semaphore(%arg10 : memref<!tpu.dma_semaphore, #tpu.memory_space<semaphore_mem>>) src(%dma_wait3A_67 : memref<100001x128xf32, #tpu.memory_space<hbm>>) dst(%arg8 : memref<80x128xf32, #tpu.memory_space<vmem>>)
    "tpu.region"() ({
      %run_scoped3A = tpu.sem_alloc : memref<!tpu.dma_semaphore, #tpu.memory_space<semaphore_mem>>
      %dma_start3A_80 = tpu.memref_slice %arg3[%add3A_61] : memref<10240xi32, #tpu.memory_space<hbm>> -> memref<80xi32, #tpu.memory_space<hbm>>
      %dma_start3A_81 = tpu.memref_slice %arg3[%add3A_61] : memref<10240xi32, #tpu.memory_space<hbm>> -> memref<80xi32, #tpu.memory_space<hbm>>
      tpu.enqueue_dma source(%dma_start3A_81 : memref<80xi32, #tpu.memory_space<hbm>>) target(%arg7 : memref<80xi32, #tpu.memory_space<vmem>>) target_semaphore(%run_scoped3A : memref<!tpu.dma_semaphore, #tpu.memory_space<semaphore_mem>>)
      %dma_wait3A_82 = tpu.memref_slice %arg3[%add3A_61] : memref<10240xi32, #tpu.memory_space<hbm>> -> memref<80xi32, #tpu.memory_space<hbm>>
      %dma_wait3A_83 = tpu.memref_slice %arg3[%add3A_61] : memref<10240xi32, #tpu.memory_space<hbm>> -> memref<80xi32, #tpu.memory_space<hbm>>
      tpu.wait_dma2 semaphore(%run_scoped3A : memref<!tpu.dma_semaphore, #tpu.memory_space<semaphore_mem>>) src(%dma_wait3A_83 : memref<80xi32, #tpu.memory_space<hbm>>) dst(%arg7 : memref<80xi32, #tpu.memory_space<vmem>>)
      tpu.yield
    }) : () -> ()
    %dma_start3A_68 = arith.constant 0 : i32
    %dma_start3A_69 = arith.constant 0 : i32
    %dma_start3A_70 = tpu.memref_slice %arg5[%dma_start3A_68, %dma_start3A_69] : memref<100001x128xf32, #tpu.memory_space<hbm>> -> memref<100001x128xf32, #tpu.memory_space<hbm>>
    tpu.enqueue_indirect_dma source(%dma_start3A_70 : memref<100001x128xf32, #tpu.memory_space<hbm>>) target(%arg9 : memref<80x128xf32, #tpu.memory_space<vmem>>) offsets(%arg7 : memref<80xi32, #tpu.memory_space<vmem>>) semaphore(%arg10 : memref<!tpu.dma_semaphore, #tpu.memory_space<semaphore_mem>>)
    %dma_wait3A_71 = arith.constant 0 : i32
    %dma_wait3A_72 = arith.constant 0 : i32
    %dma_wait3A_73 = tpu.memref_slice %arg5[%dma_wait3A_71, %dma_wait3A_72] : memref<100001x128xf32, #tpu.memory_space<hbm>> -> memref<100001x128xf32, #tpu.memory_space<hbm>>
    tpu.wait_indirect_dma semaphore(%arg10 : memref<!tpu.dma_semaphore, #tpu.memory_space<semaphore_mem>>) src(%dma_wait3A_73 : memref<100001x128xf32, #tpu.memory_space<hbm>>) dst(%arg9 : memref<80x128xf32, #tpu.memory_space<vmem>>)
    %scan3A_74 = arith.constant 0 : i32
    %scan3A_75 = arith.constant 0 : i32
    %scan3A_76 = arith.constant 80 : i32
    %scan3A_77 = arith.addi %scan3A_75, %scan3A_76 : i32
    %scan3A_78 = arith.constant 1 : i32
    scf.for %scan3A_80 = %scan3A_75 to %scan3A_77 step %scan3A_78  : i32 {
      %get3A = arith.index_cast %scan3A_80 : i32 to index
      %get3A_81 = arith.constant 0 : index
      %get3A_82 = tpu.vector_load %arg8[%get3A, %get3A_81] {strides = array<i32>} : memref<80x128xf32, #tpu.memory_space<vmem>>, vector<1x16xf32>,
      %get3A_83 = vector.shape_cast %get3A_82 : vector<1x16xf32> to vector<16xf32>
      %get3A_84 = arith.index_cast %scan3A_80 : i32 to index
      %get3A_85 = arith.constant 0 : index
      %get3A_86 = tpu.vector_load %arg9[%get3A_84, %get3A_85] {strides = array<i32>} : memref<80x128xf32, #tpu.memory_space<vmem>>, vector<1x16xf32>,
      %get3A_87 = vector.shape_cast %get3A_86 : vector<1x16xf32> to vector<16xf32>
      %add3A_88 = arith.addf %get3A_83, %get3A_87 : vector<16xf32>
      %max3A = arith.constant 0.000000e+00 : f32
      %max3A_89 = vector.broadcast %max3A : f32 to vector<16xf32>
      %max3A_90 = arith.maximumf %add3A_88, %max3A_89 : vector<16xf32>
      %swap3A = arith.index_cast %scan3A_80 : i32 to index
      %swap3A_91 = arith.constant 0 : index
      %swap3A_92 = tpu.vector_load %arg8[%swap3A, %swap3A_91] {strides = array<i32>} : memref<80x128xf32, #tpu.memory_space<vmem>>, vector<1x16xf32>,
      %swap3A_93 = vector.shape_cast %swap3A_92 : vector<1x16xf32> to vector<16xf32>
      %swap3A_94 = vector.shape_cast %max3A_90 : vector<16xf32> to vector<1x16xf32>
      tpu.vector_store %arg8[%swap3A, %swap3A_91], %swap3A_94 {strides = array<i32>} : memref<80x128xf32, #tpu.memory_space<vmem>>, vector<1x16xf32>,
      %get3A_95 = arith.index_cast %scan3A_80 : i32 to index
      %get3A_96 = arith.constant 16 : index
      %get3A_97 = tpu.vector_load %arg8[%get3A_95, %get3A_96] {strides = array<i32>} : memref<80x128xf32, #tpu.memory_space<vmem>>, vector<1x16xf32>,
      %get3A_98 = vector.shape_cast %get3A_97 : vector<1x16xf32> to vector<16xf32>
      %get3A_99 = arith.index_cast %scan3A_80 : i32 to index
      %get3A_100 = arith.constant 16 : index
      %get3A_101 = tpu.vector_load %arg9[%get3A_99, %get3A_100] {strides = array<i32>} : memref<80x128xf32, #tpu.memory_space<vmem>>, vector<1x16xf32>,
      %get3A_102 = vector.shape_cast %get3A_101 : vector<1x16xf32> to vector<16xf32>
      %add3A_103 = arith.addf %get3A_98, %get3A_102 : vector<16xf32>
      %max3A_104 = arith.constant 0.000000e+00 : f32
      %max3A_105 = vector.broadcast %max3A_104 : f32 to vector<16xf32>
      %max3A_106 = arith.maximumf %add3A_103, %max3A_105 : vector<16xf32>
      %swap3A_107 = arith.index_cast %scan3A_80 : i32 to index
      %swap3A_108 = arith.constant 16 : index
      %swap3A_109 = tpu.vector_load %arg8[%swap3A_107, %swap3A_108] {strides = array<i32>} : memref<80x128xf32, #tpu.memory_space<vmem>>, vector<1x16xf32>,
      %swap3A_110 = vector.shape_cast %swap3A_109 : vector<1x16xf32> to vector<16xf32>
      %swap3A_111 = vector.shape_cast %max3A_106 : vector<16xf32> to vector<1x16xf32>
      tpu.vector_store %arg8[%swap3A_107, %swap3A_108], %swap3A_111 {strides = array<i32>} : memref<80x128xf32, #tpu.memory_space<vmem>>, vector<1x16xf32>,
      %get3A_112 = arith.index_cast %scan3A_80 : i32 to index
      %get3A_113 = arith.constant 32 : index
      %get3A_114 = tpu.vector_load %arg8[%get3A_112, %get3A_113] {strides = array<i32>} : memref<80x128xf32, #tpu.memory_space<vmem>>, vector<1x16xf32>,
      %get3A_115 = vector.shape_cast %get3A_114 : vector<1x16xf32> to vector<16xf32>
      %get3A_116 = arith.index_cast %scan3A_80 : i32 to index
      %get3A_117 = arith.constant 32 : index
      %get3A_118 = tpu.vector_load %arg9[%get3A_116, %get3A_117] {strides = array<i32>} : memref<80x128xf32, #tpu.memory_space<vmem>>, vector<1x16xf32>,
      %get3A_119 = vector.shape_cast %get3A_118 : vector<1x16xf32> to vector<16xf32>
      %add3A_120 = arith.addf %get3A_115, %get3A_119 : vector<16xf32>
      %max3A_121 = arith.constant 0.000000e+00 : f32
      %max3A_122 = vector.broadcast %max3A_121 : f32 to vector<16xf32>
      %max3A_123 = arith.maximumf %add3A_120, %max3A_122 : vector<16xf32>
      %swap3A_124 = arith.index_cast %scan3A_80 : i32 to index
      %swap3A_125 = arith.constant 32 : index
      %swap3A_126 = tpu.vector_load %arg8[%swap3A_124, %swap3A_125] {strides = array<i32>} : memref<80x128xf32, #tpu.memory_space<vmem>>, vector<1x16xf32>,
      %swap3A_127 = vector.shape_cast %swap3A_126 : vector<1x16xf32> to vector<16xf32>
      %swap3A_128 = vector.shape_cast %max3A_123 : vector<16xf32> to vector<1x16xf32>
      tpu.vector_store %arg8[%swap3A_124, %swap3A_125], %swap3A_128 {strides = array<i32>} : memref<80x128xf32, #tpu.memory_space<vmem>>, vector<1x16xf32>,
      %get3A_129 = arith.index_cast %scan3A_80 : i32 to index
      %get3A_130 = arith.constant 48 : index
      %get3A_131 = tpu.vector_load %arg8[%get3A_129, %get3A_130] {strides = array<i32>} : memref<80x128xf32, #tpu.memory_space<vmem>>, vector<1x16xf32>,
      %get3A_132 = vector.shape_cast %get3A_131 : vector<1x16xf32> to vector<16xf32>
      %get3A_133 = arith.index_cast %scan3A_80 : i32 to index
      %get3A_134 = arith.constant 48 : index
      %get3A_135 = tpu.vector_load %arg9[%get3A_133, %get3A_134] {strides = array<i32>} : memref<80x128xf32, #tpu.memory_space<vmem>>, vector<1x16xf32>,
      %get3A_136 = vector.shape_cast %get3A_135 : vector<1x16xf32> to vector<16xf32>
      %add3A_137 = arith.addf %get3A_132, %get3A_136 : vector<16xf32>
      %max3A_138 = arith.constant 0.000000e+00 : f32
      %max3A_139 = vector.broadcast %max3A_138 : f32 to vector<16xf32>
      %max3A_140 = arith.maximumf %add3A_137, %max3A_139 : vector<16xf32>
      %swap3A_141 = arith.index_cast %scan3A_80 : i32 to index
      %swap3A_142 = arith.constant 48 : index
      %swap3A_143 = tpu.vector_load %arg8[%swap3A_141, %swap3A_142] {strides = array<i32>} : memref<80x128xf32, #tpu.memory_space<vmem>>, vector<1x16xf32>,
      %swap3A_144 = vector.shape_cast %swap3A_143 : vector<1x16xf32> to vector<16xf32>
      %swap3A_145 = vector.shape_cast %max3A_140 : vector<16xf32> to vector<1x16xf32>
      tpu.vector_store %arg8[%swap3A_141, %swap3A_142], %swap3A_145 {strides = array<i32>} : memref<80x128xf32, #tpu.memory_space<vmem>>, vector<1x16xf32>,
      %get3A_146 = arith.index_cast %scan3A_80 : i32 to index
      %get3A_147 = arith.constant 64 : index
      %get3A_148 = tpu.vector_load %arg8[%get3A_146, %get3A_147] {strides = array<i32>} : memref<80x128xf32, #tpu.memory_space<vmem>>, vector<1x16xf32>,
      %get3A_149 = vector.shape_cast %get3A_148 : vector<1x16xf32> to vector<16xf32>
      %get3A_150 = arith.index_cast %scan3A_80 : i32 to index
      %get3A_151 = arith.constant 64 : index
      %get3A_152 = tpu.vector_load %arg9[%get3A_150, %get3A_151] {strides = array<i32>} : memref<80x128xf32, #tpu.memory_space<vmem>>, vector<1x16xf32>,
      %get3A_153 = vector.shape_cast %get3A_152 : vector<1x16xf32> to vector<16xf32>
      %add3A_154 = arith.addf %get3A_149, %get3A_153 : vector<16xf32>
      %max3A_155 = arith.constant 0.000000e+00 : f32
      %max3A_156 = vector.broadcast %max3A_155 : f32 to vector<16xf32>
      %max3A_157 = arith.maximumf %add3A_154, %max3A_156 : vector<16xf32>
      %swap3A_158 = arith.index_cast %scan3A_80 : i32 to index
      %swap3A_159 = arith.constant 64 : index
      %swap3A_160 = tpu.vector_load %arg8[%swap3A_158, %swap3A_159] {strides = array<i32>} : memref<80x128xf32, #tpu.memory_space<vmem>>, vector<1x16xf32>,
      %swap3A_161 = vector.shape_cast %swap3A_160 : vector<1x16xf32> to vector<16xf32>
      %swap3A_162 = vector.shape_cast %max3A_157 : vector<16xf32> to vector<1x16xf32>
      tpu.vector_store %arg8[%swap3A_158, %swap3A_159], %swap3A_162 {strides = array<i32>} : memref<80x128xf32, #tpu.memory_space<vmem>>, vector<1x16xf32>,
      %get3A_163 = arith.index_cast %scan3A_80 : i32 to index
      %get3A_164 = arith.constant 80 : index
      %get3A_165 = tpu.vector_load %arg8[%get3A_163, %get3A_164] {strides = array<i32>} : memref<80x128xf32, #tpu.memory_space<vmem>>, vector<1x16xf32>,
      %get3A_166 = vector.shape_cast %get3A_165 : vector<1x16xf32> to vector<16xf32>
      %get3A_167 = arith.index_cast %scan3A_80 : i32 to index
      %get3A_168 = arith.constant 80 : index
      %get3A_169 = tpu.vector_load %arg9[%get3A_167, %get3A_168] {strides = array<i32>} : memref<80x128xf32, #tpu.memory_space<vmem>>, vector<1x16xf32>,
      %get3A_170 = vector.shape_cast %get3A_169 : vector<1x16xf32> to vector<16xf32>
      %add3A_171 = arith.addf %get3A_166, %get3A_170 : vector<16xf32>
      %max3A_172 = arith.constant 0.000000e+00 : f32
      %max3A_173 = vector.broadcast %max3A_172 : f32 to vector<16xf32>
      %max3A_174 = arith.maximumf %add3A_171, %max3A_173 : vector<16xf32>
      %swap3A_175 = arith.index_cast %scan3A_80 : i32 to index
      %swap3A_176 = arith.constant 80 : index
      %swap3A_177 = tpu.vector_load %arg8[%swap3A_175, %swap3A_176] {strides = array<i32>} : memref<80x128xf32, #tpu.memory_space<vmem>>, vector<1x16xf32>,
      %swap3A_178 = vector.shape_cast %swap3A_177 : vector<1x16xf32> to vector<16xf32>
      %swap3A_179 = vector.shape_cast %max3A_174 : vector<16xf32> to vector<1x16xf32>
      tpu.vector_store %arg8[%swap3A_175, %swap3A_176], %swap3A_179 {strides = array<i32>} : memref<80x128xf32, #tpu.memory_space<vmem>>, vector<1x16xf32>,
      %get3A_180 = arith.index_cast %scan3A_80 : i32 to index
      %get3A_181 = arith.constant 96 : index
      %get3A_182 = tpu.vector_load %arg8[%get3A_180, %get3A_181] {strides = array<i32>} : memref<80x128xf32, #tpu.memory_space<vmem>>, vector<1x16xf32>,
      %get3A_183 = vector.shape_cast %get3A_182 : vector<1x16xf32> to vector<16xf32>
      %get3A_184 = arith.index_cast %scan3A_80 : i32 to index
      %get3A_185 = arith.constant 96 : index
      %get3A_186 = tpu.vector_load %arg9[%get3A_184, %get3A_185] {strides = array<i32>} : memref<80x128xf32, #tpu.memory_space<vmem>>, vector<1x16xf32>,
      %get3A_187 = vector.shape_cast %get3A_186 : vector<1x16xf32> to vector<16xf32>
      %add3A_188 = arith.addf %get3A_183, %get3A_187 : vector<16xf32>
      %max3A_189 = arith.constant 0.000000e+00 : f32
      %max3A_190 = vector.broadcast %max3A_189 : f32 to vector<16xf32>
      %max3A_191 = arith.maximumf %add3A_188, %max3A_190 : vector<16xf32>
      %swap3A_192 = arith.index_cast %scan3A_80 : i32 to index
      %swap3A_193 = arith.constant 96 : index
      %swap3A_194 = tpu.vector_load %arg8[%swap3A_192, %swap3A_193] {strides = array<i32>} : memref<80x128xf32, #tpu.memory_space<vmem>>, vector<1x16xf32>,
      %swap3A_195 = vector.shape_cast %swap3A_194 : vector<1x16xf32> to vector<16xf32>
      %swap3A_196 = vector.shape_cast %max3A_191 : vector<16xf32> to vector<1x16xf32>
      tpu.vector_store %arg8[%swap3A_192, %swap3A_193], %swap3A_196 {strides = array<i32>} : memref<80x128xf32, #tpu.memory_space<vmem>>, vector<1x16xf32>,
      %get3A_197 = arith.index_cast %scan3A_80 : i32 to index
      %get3A_198 = arith.constant 112 : index
      %get3A_199 = tpu.vector_load %arg8[%get3A_197, %get3A_198] {strides = array<i32>} : memref<80x128xf32, #tpu.memory_space<vmem>>, vector<1x16xf32>,
      %get3A_200 = vector.shape_cast %get3A_199 : vector<1x16xf32> to vector<16xf32>
      %get3A_201 = arith.index_cast %scan3A_80 : i32 to index
      %get3A_202 = arith.constant 112 : index
      %get3A_203 = tpu.vector_load %arg9[%get3A_201, %get3A_202] {strides = array<i32>} : memref<80x128xf32, #tpu.memory_space<vmem>>, vector<1x16xf32>,
      %get3A_204 = vector.shape_cast %get3A_203 : vector<1x16xf32> to vector<16xf32>
      %add3A_205 = arith.addf %get3A_200, %get3A_204 : vector<16xf32>
      %max3A_206 = arith.constant 0.000000e+00 : f32
      %max3A_207 = vector.broadcast %max3A_206 : f32 to vector<16xf32>
      %max3A_208 = arith.maximumf %add3A_205, %max3A_207 : vector<16xf32>
      %swap3A_209 = arith.index_cast %scan3A_80 : i32 to index
      %swap3A_210 = arith.constant 112 : index
      %swap3A_211 = tpu.vector_load %arg8[%swap3A_209, %swap3A_210] {strides = array<i32>} : memref<80x128xf32, #tpu.memory_space<vmem>>, vector<1x16xf32>,
      %swap3A_212 = vector.shape_cast %swap3A_211 : vector<1x16xf32> to vector<16xf32>
      %swap3A_213 = vector.shape_cast %max3A_208 : vector<16xf32> to vector<1x16xf32>
      tpu.vector_store %arg8[%swap3A_209, %swap3A_210], %swap3A_213 {strides = array<i32>} : memref<80x128xf32, #tpu.memory_space<vmem>>, vector<1x16xf32>,
    }
    %scan3A_79 = arith.constant 80 : i32
    "tpu.region"() ({
      %run_scoped3A = tpu.sem_alloc : memref<!tpu.dma_semaphore, #tpu.memory_space<semaphore_mem>>
      %dma_start3A_80 = arith.constant 0 : i32
      %dma_start3A_81 = tpu.memref_slice %arg6[%add3A_61, %dma_start3A_80] : memref<10240x128xf32, #tpu.memory_space<hbm>> -> memref<80x128xf32, #tpu.memory_space<hbm>>
      %dma_start3A_82 = arith.constant 0 : i32
      %dma_start3A_83 = tpu.memref_slice %arg6[%add3A_61, %dma_start3A_82] : memref<10240x128xf32, #tpu.memory_space<hbm>> -> memref<80x128xf32, #tpu.memory_space<hbm>>
      tpu.enqueue_dma source(%arg8 : memref<80x128xf32, #tpu.memory_space<vmem>>) target(%dma_start3A_83 : memref<80x128xf32, #tpu.memory_space<hbm>>) target_semaphore(%run_scoped3A : memref<!tpu.dma_semaphore, #tpu.memory_space<semaphore_mem>>)
      %dma_wait3A_84 = arith.constant 0 : i32
      %dma_wait3A_85 = tpu.memref_slice %arg6[%add3A_61, %dma_wait3A_84] : memref<10240x128xf32, #tpu.memory_space<hbm>> -> memref<80x128xf32, #tpu.memory_space<hbm>>
      %dma_wait3A_86 = arith.constant 0 : i32
      %dma_wait3A_87 = tpu.memref_slice %arg6[%add3A_61, %dma_wait3A_86] : memref<10240x128xf32, #tpu.memory_space<hbm>> -> memref<80x128xf32, #tpu.memory_space<hbm>>
      tpu.wait_dma2 semaphore(%run_scoped3A : memref<!tpu.dma_semaphore, #tpu.memory_space<semaphore_mem>>) src(%arg8 : memref<80x128xf32, #tpu.memory_space<vmem>>) dst(%dma_wait3A_87 : memref<80x128xf32, #tpu.memory_space<hbm>>)
      tpu.yield
    }) : () -> ()
    return
  }
}

module attributes {stable_mosaic.version = 14 : i64} {
  func.func @_m1_body(%arg0: i32, %arg1: memref<1024x128xf32, #tpu.memory_space<vmem>>, %arg2: memref<128x128xf32, #tpu.memory_space<vmem>>, %arg3: memref<1024x128xf32, #tpu.memory_space<vmem>>) attributes {dimension_semantics = [#tpu.dimension_semantics<arbitrary>], iteration_bounds = array<i64: 10>, scalar_prefetch = 0 : i64, scratch_operands = 0 : i64, tpu.core_type = #tpu.core_type<tc>, window_params = [{transform_indices = @transform_0, window_bounds = array<i64: 1024, 128>}, {pipeline_mode = #tpu.pipeline_mode<synchronous>, transform_indices = @transform_1, window_bounds = array<i64: 128, 128>}, {transform_indices = @transform_2, window_bounds = array<i64: 1024, 128>}]} {
    %get3A = arith.constant 0 : index
    %get3A_0 = arith.constant 0 : index
    %get3A_1 = vector.load %arg1[%get3A, %get3A_0] : memref<1024x128xf32, #tpu.memory_space<vmem>>, vector<1024x128xf32>
    %get3A_2 = arith.constant 0 : index
    %get3A_3 = arith.constant 0 : index
    %get3A_4 = vector.load %arg2[%get3A_2, %get3A_3] : memref<128x128xf32, #tpu.memory_space<vmem>>, vector<128x128xf32>
    %dot_general3A = arith.constant dense<0.000000e+00> : vector<1024x128xf32>
    %dot_general3A_5 = tpu.matmul %get3A_1, %get3A_4, %dot_general3A {dimension_numbers = #tpu.dot_dimension_numbers<[1], [0], [0], [1], [0, 0, 1, 1], [], []>, transpose_lhs_hint = false} : vector<1024x128xf32>, vector<128x128xf32>, vector<1024x128xf32> -> vector<1024x128xf32>
    %swap3A = arith.constant 0 : index
    %swap3A_6 = arith.constant 0 : index
    %swap3A_7 = vector.load %arg3[%swap3A, %swap3A_6] : memref<1024x128xf32, #tpu.memory_space<vmem>>, vector<1024x128xf32>
    tpu.vector_store %arg3[%swap3A, %swap3A_6], %dot_general3A_5 {strides = array<i32>} : memref<1024x128xf32, #tpu.memory_space<vmem>>, vector<1024x128xf32>,
    return
  }
  func.func @transform_0(%arg0: i32) -> (i32, i32) {
    %c0_i32 = arith.constant 0 : i32
    %c0_i32_0 = arith.constant 0 : i32
    return %arg0, %c0_i32 : i32, i32
  }
  func.func @transform_1(%arg0: i32) -> (i32, i32) {
    %c0_i32 = arith.constant 0 : i32
    %c0_i32_0 = arith.constant 0 : i32
    %c0_i32_1 = arith.constant 0 : i32
    return %c0_i32, %c0_i32_0 : i32, i32
  }
  func.func @transform_2(%arg0: i32) -> (i32, i32) {
    %c0_i32 = arith.constant 0 : i32
    %c0_i32_0 = arith.constant 0 : i32
    return %arg0, %c0_i32 : i32, i32
  }
}

module attributes {stable_mosaic.version = 14 : i64} {
  func.func @_m2_body(%arg0: i32, %arg1: memref<2x1024x128xf32, #tpu.memory_space<vmem>>, %arg2: memref<2x10240xf32, #tpu.memory_space<vmem>>, %arg3: memref<128x128xf32, #tpu.memory_space<vmem>>, %arg4: memref<1024x128xf32, #tpu.memory_space<vmem>>) attributes {dimension_semantics = [#tpu.dimension_semantics<arbitrary>], iteration_bounds = array<i64: 10>, scalar_prefetch = 0 : i64, scratch_operands = 0 : i64, tpu.core_type = #tpu.core_type<tc>, window_params = [{transform_indices = @transform_0, window_bounds = array<i64: 2, 1024, 128>}, {pipeline_mode = #tpu.pipeline_mode<synchronous>, transform_indices = @transform_1, window_bounds = array<i64: 2, 10240>}, {pipeline_mode = #tpu.pipeline_mode<synchronous>, transform_indices = @transform_2, window_bounds = array<i64: 128, 128>}, {transform_indices = @transform_3, window_bounds = array<i64: 1024, 128>}]} {
    %get3A = arith.constant 0 : index
    %get3A_0 = arith.constant 0 : index
    %get3A_1 = arith.constant 0 : index
    %get3A_2 = vector.load %arg1[%get3A, %get3A_0, %get3A_1] : memref<2x1024x128xf32, #tpu.memory_space<vmem>>, vector<1x1024x128xf32>
    %get3A_3 = vector.shape_cast %get3A_2 : vector<1x1024x128xf32> to vector<1024x128xf32>
    %get3A_4 = arith.constant 1 : index
    %get3A_5 = arith.constant 0 : index
    %get3A_6 = arith.constant 0 : index
    %get3A_7 = vector.load %arg1[%get3A_4, %get3A_5, %get3A_6] : memref<2x1024x128xf32, #tpu.memory_space<vmem>>, vector<1x1024x128xf32>
    %get3A_8 = vector.shape_cast %get3A_7 : vector<1x1024x128xf32> to vector<1024x128xf32>
    %add3A = arith.addf %get3A_3, %get3A_8 : vector<1024x128xf32>
    %mul3A = arith.constant 1024 : i32
    %mul3A_9 = arith.muli %arg0, %mul3A : i32
    %get3A_10 = arith.constant 0 : index
    %get3A_11 = arith.index_cast %mul3A_9 : i32 to index
    %get3A_12 = vector.load %arg2[%get3A_10, %get3A_11] : memref<2x10240xf32, #tpu.memory_space<vmem>>, vector<1x1024xf32>
    %get3A_13 = vector.shape_cast %get3A_12 : vector<1x1024xf32> to vector<1024xf32>
    %mul3A_14 = arith.constant 1024 : i32
    %mul3A_15 = arith.muli %arg0, %mul3A_14 : i32
    %get3A_16 = arith.constant 1 : index
    %get3A_17 = arith.index_cast %mul3A_15 : i32 to index
    %get3A_18 = vector.load %arg2[%get3A_16, %get3A_17] : memref<2x10240xf32, #tpu.memory_space<vmem>>, vector<1x1024xf32>
    %get3A_19 = vector.shape_cast %get3A_18 : vector<1x1024xf32> to vector<1024xf32>
    %add3A_20 = arith.addf %get3A_13, %get3A_19 : vector<1024xf32>
    %add3A_21 = arith.constant 9.99999971E-10 : f32
    %add3A_22 = vector.broadcast %add3A_21 : f32 to vector<1024xf32>
    %add3A_23 = arith.addf %add3A_20, %add3A_22 : vector<1024xf32>
    %div3A = arith.constant 1.000000e+00 : f32
    %div3A_24 = vector.broadcast %div3A : f32 to vector<1024xf32>
    %div3A_25 = arith.divf %div3A_24, %add3A_23 : vector<1024xf32>
    %broadcast_in_dim3A = vector.shape_cast %div3A_25 : vector<1024xf32> to vector<1024x1xf32>
    %mul3A_26 = vector.broadcast %broadcast_in_dim3A : vector<1024x1xf32> to vector<1024x128xf32>
    %mul3A_27 = arith.mulf %add3A, %mul3A_26 : vector<1024x128xf32>
    %get3A_28 = arith.constant 0 : index
    %get3A_29 = arith.constant 0 : index
    %get3A_30 = vector.load %arg3[%get3A_28, %get3A_29] : memref<128x128xf32, #tpu.memory_space<vmem>>, vector<128x128xf32>
    %dot_general3A = arith.constant dense<0.000000e+00> : vector<1024x128xf32>
    %dot_general3A_31 = tpu.matmul %mul3A_27, %get3A_30, %dot_general3A {dimension_numbers = #tpu.dot_dimension_numbers<[1], [0], [0], [1], [0, 0, 1, 1], [], []>, transpose_lhs_hint = false} : vector<1024x128xf32>, vector<128x128xf32>, vector<1024x128xf32> -> vector<1024x128xf32>
    %swap3A = arith.constant 0 : index
    %swap3A_32 = arith.constant 0 : index
    %swap3A_33 = vector.load %arg4[%swap3A, %swap3A_32] : memref<1024x128xf32, #tpu.memory_space<vmem>>, vector<1024x128xf32>
    tpu.vector_store %arg4[%swap3A, %swap3A_32], %dot_general3A_31 {strides = array<i32>} : memref<1024x128xf32, #tpu.memory_space<vmem>>, vector<1024x128xf32>,
    return
  }
  func.func @transform_0(%arg0: i32) -> (i32, i32, i32) {
    %c0_i32 = arith.constant 0 : i32
    %c0_i32_0 = arith.constant 0 : i32
    %c0_i32_1 = arith.constant 0 : i32
    return %c0_i32, %arg0, %c0_i32_0 : i32, i32, i32
  }
  func.func @transform_1(%arg0: i32) -> (i32, i32) {
    %c0_i32 = arith.constant 0 : i32
    %c0_i32_0 = arith.constant 0 : i32
    %c0_i32_1 = arith.constant 0 : i32
    return %c0_i32, %c0_i32_0 : i32, i32
  }
  func.func @transform_2(%arg0: i32) -> (i32, i32) {
    %c0_i32 = arith.constant 0 : i32
    %c0_i32_0 = arith.constant 0 : i32
    %c0_i32_1 = arith.constant 0 : i32
    return %c0_i32, %c0_i32_0 : i32, i32
  }
  func.func @transform_3(%arg0: i32) -> (i32, i32) {
    %c0_i32 = arith.constant 0 : i32
    %c0_i32_0 = arith.constant 0 : i32
    return %arg0, %c0_i32 : i32, i32
  }
}

</mosaic_0001>

<sc_bundles>
// kernel: kernel.6.cloned.1.call-start
scs
__scs_entry_jumppad:
0x0: {  	(pc) =	sbr.rel $0x88, $3  }
0x1: {  	(tag) =	ssettag $0x0;
	lr =	simm.s32 $0x1  }
0x2: {  	[smem:$0x3F9A] =	sst lr;
	_ =	strace $0xD0000000  }
0x3: {  	_ = 	snop  }
0x4: {  	_ = 	snop  }
0x5: {  	_ = 	snop  }
0x6: {  	_ = 	snop  }
0x7: {  	_ = 	snop  }
__scs_overlays_trampoline_lowered:
0x8: {  	[smem:$0x3FA9] =	sst s0  }
0x9: {  	[smem:$0x3FAA] =	sst s1  }
0xa: {  	[smem:$0x3FAB] =	sst s2  }
0xb: {  	[smem:$0x3FAC] =	sst s3  }
0xc: {  	[smem:$0x3FAD] =	sst s4  }
0xd: {  	[smem:$0x3FAE] =	sst s5  }
0xe: {  	[smem:$0x3FAF] =	sst s6  }
0xf: {  	[smem:$0x3FB0] =	sst s7  }
0x10: {  	[smem:$0x3FB1] =	sst s8  }
0x11: {  	[smem:$0x3FB2] =	sst s9;
	s0 =	simm.s32 @!p0 $0x0  }
0x12: {  	s1 =	sld [smem:$0x3F98];
	s0 =	simm.s32 @p0 $0x1  }
0x13: {  	[smem:$0x3FB3] =	sst s0;
	s0 =	simm.s32 @!p1 $0x0  }
0x14: {  	s2 =	sld [smem:$0x3F97];
	s0 =	simm.s32 @p1 $0x1  }
0x15: {  	[smem:$0x3FB4] =	sst s0;
	s0 =	simm.s32 @!p2 $0x0  }
0x16: {  	s3 =	sld [smem:$0x3FDB];
	s0 =	simm.s32 @p2 $0x1  }
0x17: {  	s4 =	simm.s32 $0x1BF5;
	[smem:$0x3FB6] =	sst s0  }
0x18: {  	s0 =	sld [smem:$0x3F99];
	_ =	swait.ge [sflag:s4], $0x0  }
0x19: {  	s7 =	sld [smem:$0x3F9A]  }
0x1a: {  	s8 =	sadd.s32 $0xFFFFE003, lr  }
0x1b: {  	s9 =	sadd.s32 $0xFFFFFEF7, lr;
	s5 =	simm.s32 $0xFFFFFFFF;
	p2 =	slt.u32 s8, $0xFFFFF086  }
0x1c: {  	p1 =	slt.u32 s9, $0xF7A;
	s5 =	simm.s32 @!p2 $0x0  }
0x1d: {  	s5 =	simm.s32 @p1 $0x1;
	p0 =	seq.s32 s7, s2  }
0x1e: {  	s7 =	smul.u32 @!p0 $0xF7A, s2;
	p2 =	seq.s32 @!p0 s5, $0x0  }
0x1f: {  	s9 =	smul.u32 $0xF7A, s1;
	s8 =	simm.s32 @!p0 $0x1BF5;
	p2 =	por !p2, p0  }
0x20: {  	[sflag:s8] =	ssyncset.s32 @!p0 $0xFFFFF086;
	s6 =	sadd.s32 @!p0 s3, s7;
	s7 =	simm.s32 @!p0 $0x108  }
0x21: {  	s3 =	sadd.s32 s3, s9;
	s6 =	sadd.s32 @!p0 $0x88, s6;
	s7 =	simm.s32 @p2 $0x1082  }
0x22: {  	[simem:s7], [sflag:s8] =	dma.local @!p0 [hbm:s6], $0xF7A  }
0x23: {  	s9 =	sor.u32 $0xD0000000, s2;
	s6 =	simm.s32 $0x108;
	_ =	swait.ge @!p0 [sflag:s8], $0x0  }
0x24: {  	s3 =	sadd.s32 $0x88, s3;
	s6 =	simm.s32 @!p1 $0x1082;
	[sflag:s4] =	ssyncset.s32 $0xFFFFF086  }
0x25: {  	[simem:s6], [sflag:s4] =	dma.local [hbm:s3], $0xF7A  }
0x26: {  	[smem:$0x3F9A] =	sst s1;
	(tag) =	ssettag s2;
	_ =	strace s9  }
0x27: {  	s1 =	sld [smem:$0x3FAA]  }
0x28: {  	s2 =	sld [smem:$0x3FAB]  }
0x29: {  	s4 =	sld [smem:$0x3FAD]  }
0x2a: {  	p0 =	seq.s32 s5, $0x0;
	s5 =	sld [smem:$0x3FAE]  }
0x2b: {  	s6 =	sld [smem:$0x3FAF]  }
0x2c: {  	s7 =	sld [smem:$0x3FB0]  }
0x2d: {  	s3 =	simm.s32 $0x108;
	s8 =	sld [smem:$0x3FB1]  }
0x2e: {  	s3 =	simm.s32 @!p0 $0x1082;
	s9 =	sld [smem:$0x3FB2]  }
0x2f: {  	lr =	sadd.s32 s0, s3;
	s0 =	sld [smem:$0x3FA9]  }
0x30: {  	s3 =	sld [smem:$0x3FAC]  }
0x31: {  	[smem:$0x3FB5] =	sst s10  }
0x32: {  	s10 =	sld [smem:$0x3FB3];
	_ =	sdelay $0x3  }
0x33: {  	p0 =	seq.s32 s10, $0x1;
	s10 =	sld [smem:$0x3FB5];
	_ =	sdelay $0x3  }
0x34: {  	[smem:$0x3FB5] =	sst s10  }
0x35: {  	s10 =	sld [smem:$0x3FB4];
	_ =	sdelay $0x3  }
0x36: {  	p1 =	seq.s32 s10, $0x1;
	s10 =	sld [smem:$0x3FB5];
	_ =	sdelay $0x3  }
0x37: {  	[smem:$0x3FB5] =	sst s10  }
0x38: {  	s10 =	sld [smem:$0x3FB6]  }
0x39: {  	_ = 	snop;
	(pc) =	sbr.ind lr, $3  }
0x3a: {  	_ = 	snop  }
0x3b: {  	_ = 	snop  }
0x3c: {  	p2 =	seq.s32 s10, $0x1;
	s10 =	sld [smem:$0x3FB5]  }
0x3d: {  	_ =	shalt  }
0x3e: {  	_ =	shalt  }
0x3f: {  	_ =	shalt  }
0x40: {  	_ =	shalt  }
0x41: {  	_ =	shalt  }
0x42: {  	_ =	shalt  }
0x43: {  	_ =	shalt  }
0x44: {  	_ =	shalt  }
0x45: {  	_ =	shalt  }
0x46: {  	_ =	shalt  }
0x47: {  	_ =	shalt  }
0x48: {  	_ =	shalt  }
0x49: {  	_ =	shalt  }
0x4a: {  	_ =	shalt  }
0x4b: {  	_ =	shalt  }
0x4c: {  	_ =	shalt  }
0x4d: {  	_ =	shalt  }
0x4e: {  	_ =	shalt  }
0x4f: {  	_ =	shalt  }
0x50: {  	_ =	shalt  }
0x51: {  	_ =	shalt  }
0x52: {  	_ =	shalt  }
0x53: {  	_ =	shalt  }
0x54: {  	_ =	shalt  }
0x55: {  	_ =	shalt  }
0x56: {  	_ =	shalt  }
0x57: {  	_ =	shalt  }
0x58: {  	_ =	shalt  }
0x59: {  	_ =	shalt  }
0x5a: {  	_ =	shalt  }
0x5b: {  	_ =	shalt  }
0x5c: {  	_ =	shalt  }
0x5d: {  	_ =	shalt  }
0x5e: {  	_ =	shalt  }
0x5f: {  	_ =	shalt  }
0x60: {  	_ =	shalt  }
0x61: {  	_ =	shalt  }
0x62: {  	_ =	shalt  }
0x63: {  	_ =	shalt  }
0x64: {  	_ =	shalt  }
0x65: {  	_ =	shalt  }
0x66: {  	_ =	shalt  }
0x67: {  	_ =	shalt  }
0x68: {  	_ =	shalt  }
0x69: {  	_ =	shalt  }
0x6a: {  	_ =	shalt  }
0x6b: {  	_ =	shalt  }
0x6c: {  	_ =	shalt  }
0x6d: {  	_ =	shalt  }
0x6e: {  	_ =	shalt  }
0x6f: {  	_ =	shalt  }
0x70: {  	_ =	shalt  }
0x71: {  	_ =	shalt  }
0x72: {  	_ =	shalt  }
0x73: {  	_ =	shalt  }
0x74: {  	_ =	shalt  }
0x75: {  	_ =	shalt  }
0x76: {  	_ =	shalt  }
0x77: {  	_ =	shalt  }
0x78: {  	_ =	shalt  }
0x79: {  	_ =	shalt  }
0x7a: {  	_ =	shalt  }
0x7b: {  	_ =	shalt  }
0x7c: {  	_ =	shalt  }
0x7d: {  	_ =	shalt  }
0x7e: {  	_ =	shalt  }
0x7f: {  	_ =	shalt  }
0x80: {  	_ =	shalt  }
0x81: {  	_ =	shalt  }
0x82: {  	_ =	shalt  }
0x83: {  	_ =	shalt  }
0x84: {  	_ =	shalt  }
0x85: {  	_ =	shalt  }
0x86: {  	_ =	shalt  }
0x87: {  	_ =	shalt  }
.Lfunc_end0:
.L_simem_size_0:
called_computation_lowered:
.L_overlay_start_0:
0x88: {  	s2 =	sld [smem:$0x3FD9]  }
0x89: {  	s3 =	sld [smem:$0x3FFE];
	_ =	sdelay $0x1  }
0x8a: {  	s1 =	srdreg.scid  }
0x8b: {  	s0 =	sand.u32 $0x1, s1  }
0x8c: {  	s17 =	sshll.u32 s0, $0xA;
	s2 =	sadd.s32 s3, s2  }
0x8d: {  	s2 =	sadd.s32 s2, s17  }
0x8e: {  	[smem:$0x3FC1] =	sst s2  }
0x8f: {  	_ = 	snop  }
0x90: {  	s2 =	sld [smem:$0x3FC7]  }
0x91: {  	s18 =	sld [smem:$0x3FC6];
	(tm) =	ssettm $0x1  }
0x92: {  	s4 =	sld [smem:$0x3FFB];
	_ =	sdelay $0x3  }
0x93: {  	_ =	strace s4  }
0x94: {  	s4 =	sld [smem:$0x3FFC];
	_ =	sdelay $0x3  }
0x95: {  	_ =	strace s4  }
0x96: {  	s4 =	sld [smem:$0x3FFD];
	_ =	sdelay $0x3  }
0x97: {  	_ =	strace s4  }
0x98: {  	_ =	strace $0x8FFFFFFF  }
0x99: {  	s19 =	sld [smem:$0x3FDB];
	_ =	sdelay $0x1  }
0x9a: {  	s5 =	simm.s32 $_scs_section_size  }
0x9b: {  	s6 =	simm.s32 $_size__tile_overlayer_lowered;
	s7 =	simm.s32 $_tile_overlayer_lowered  }
0x9c: {  	s22 =	simm.s32 $0x1BFF;
	s21 =	sshll.u32 s7, $0x1;
	s4 =	sadd.s32 s5, s19  }
0x9d: {  	s8 =	simm.s32 $0x0;
	s20 =	sshll.u32 s6, $0x1;
	s6 =	sadd.s32 s21, s4  }
0x9e: {  	[timem:s8], [sflag:s22] =	dma.local [hbm:s6], s20  }
0x9f: {  	_ =	swait.ge [sflag:s22], s20  }
0xa0: {  	s5 =	ssub.s32 $0x0, s20;
	[sflag:s22] =	ssyncset.done $0x0  }
0xa1: {  	[sflag:s22] =	ssyncadd.s32 s5;
	_ =	sdelay $0x1  }
0xa2: {  	s23 =	simm.s32 $0x1B8B  }
0xa3: {  	_ =	swait.ge [sflag:s23], $0x1  }
0xa4: {  	[sflag:s23] =	ssyncset.done $0x0  }
0xa5: {  	s25 =	simm.s32 $0x1B8E;
	s24 =	sld [smem:$0x3FFE];
	[sflag:s23] =	ssyncadd.s32 $0xFFFFFFFF  }
0xa6: {  	s26 =	simm.s32 $execute0_lowered;
	[smem:$0x3FD2] =	sst s25  }
0xa7: {  	s6 =	sshll.u32 s26, $0x1;
	_ =	strace $0x80000046;
	[dreg:$0x1] =	wrdreg $0xFFFFFFFF  }
0xa8: {  	s28 =	simm.s32 $_size_execute0_lowered;
	s4 =	sadd.s32 s4, s6;
	[dreg:$0x0] =	wrdreg $0x0  }
0xa9: {  	s6 =	sshll.u32 s28, $0x1;
	[dreg:$0x2] =	wrdreg s4  }
0xaa: {  	[dreg:$0x3] =	wrdreg s6  }
0xab: {  	[dreg:$0x4] =	wrdreg $0xC0  }
0xac: {  	_ =	task [dreg:s8], $0x5FFFF  }
0xad: {  	[dreg:$0x1] =	wrdreg $0xFFFFFFFF  }
0xae: {  	[dreg:$0x0] =	wrdreg $0x60  }
0xaf: {  	[dreg:$0x2] =	wrdreg s24  }
0xb0: {  	[dreg:$0x3] =	wrdreg s2  }
0xb1: {  	[dreg:$0x4] =	wrdreg s18  }
0xb2: {  	[dreg:$0x5] =	wrdreg $0x9  }
0xb3: {  	_ =	task.clear_ibuf [dreg:s8], $0x6FFFF;
	_ =	strace $0x90000046  }
0xb4: {  	s29 =	simm.s32 $0x9;
	_ =	strace $0x80000048  }
0xb5: {  	_ =	swait.ge [sflag:s29], $0x1  }
0xb6: {  	[sflag:s29] =	ssyncadd.s32 $0xFFFFFFFF  }
0xb7: {  	_ =	strace $0x90000048  }
0xb8: {  	_ =	sfence  }
0xb9: {  	s30 =	sld [smem:$0x0];
	_ =	sdelay $0x2  }
0xba: {  	s31 =	sshll.u32 s1, $0xD;
	s1 =	sshrl.u32 s1, $0x2  }
0xbb: {  	s3 =	sand.u32 $0x4000, s31;
	s1 =	sadd.s32 s1, s30  }
0xbc: {  	s0 =	sor.u32 s3, s0;
	s1 =	sshll.u32 s1, $0x11  }
0xbd: {  	s0 =	sor.u32 s1, s0  }
0xbe: {  	s0 =	sadd.s32 $0x8F2B, s0  }
0xbf: {  	[sflag:s0] =	ssyncadd.remote.s32 $0x1  }
0xc0: {  	_ =	sfence.sel $0xFFFF  }
0xc1: {  	[dreg:$0x0] =	wrdreg $0xFFFFFFFF;
	(pc) =	sbr.abs _section_cstart, $3  }
0xc2: {  	[dreg:$0x1] =	wrdreg $0xFFFFFFFF  }
0xc3: {  	_ =	task.clear_ibuf [dreg:s8], $0x2FFFF;
	_ =	strace $0x9FFFFFFF  }
0xc4: {  	(tm) =	ssettm $0x7FFFFFFF  }
0xc5: {  	_ =	shalt  }
tec
execute0_lowered:
.L_overlay_start_1:
0x0: {  	(tag) =	ssettag $0x1  }
0x1: {  	s5 =	rddreg [dreg:$0x0]  }
0x2: {  	s1 =	rddreg [dreg:$0x1]  }
0x3: {  	s3 =	rddreg [dreg:$0x2]  }
0x4: {  	s0 =	rddreg [dreg:$0x3]  }
0x5: {  	s4 =	simm.s32 $0x0;
	s6 =	srdreg.scid;
	s2 =	stileid.u32  }
0x6: {  	s20 =	simm.s32 $0x80;
	s21 =	simm.s32 $0x1;
	s22 =	simm.s32 $0x2880  }
0x7: {  	s23 =	simm.s32 $0x0;
	s6 =	sand.u32 $0x1, s6;
	s7 =	sshll.u32 s2, $0x1  }
0x8: {  	[smem:$0x7FF] =	sst s4;
	s8 =	ssub.s32 $0x2, s6;
	s6 =	sor.u32 s6, s7  }
0x9: {  	s14 =	sadd.s32 $0x800, s5;
	s15 =	sadd.s32 $0x200, s5;
	s12 =	smul.u32 $0x140, s6  }
0xa: {  	s16 =	sadd.s32 $0xE00, s5;
	s28 =	sshrl.u32 s8, $0x1;
	s30 =	smul.u32 $0x1400, s6  }
0xb: {  	_ =	strace $0x80000047;
	s17 =	ssub.s32 s8, s28;
	s29 =	sshrl.u32 s12, $0x3  }
0xc: {  	s10 =	sadd.s32 $0x50, s12;
	s7 =	sadd.s32 s16, s30;
	s13 =	sadd.s32 $0xA0, s12  }
0xd: {  	s19 =	sadd.s32 $0xF0, s12;
	s17 =	smax.u32 s17, $0x1;
	s5 =	sadd.s32 s14, s29  }
0xe: {  	s6 =	sadd.s32 s15, s29;
	s9 =	sshrl.u32 s10, $0x3;
	s10 =	sshll.u32 s10, $0x4  }
0xf: {  	s18 =	sshrl.u32 s13, $0x3;
	s13 =	sshll.u32 s13, $0x4;
	s31 =	sshrl.u32 s19, $0x3  }
0x10: {  	s19 =	sshll.u32 s19, $0x4;
	s8 =	sadd.s32 s14, s9;
	s9 =	sadd.s32 s15, s9  }
0x11: {  	s10 =	sadd.s32 s16, s10;
	s11 =	sadd.s32 s14, s18;
	s12 =	sadd.s32 s15, s18  }
0x12: {  	s13 =	sadd.s32 s16, s13;
	s14 =	sadd.s32 s14, s31;
	s15 =	sadd.s32 s15, s31  }
0x13: {  	s16 =	sadd.s32 s16, s19;
	s18 =	simm.s32 $0x2;
	s19 =	simm.s32 $0x50  }
.LBB2_1:
0x14: {  	[tilespmem:s4], [sflag:$0x2] =	stream.linear.gather [hbm4b:s5+s4], $0x50, $0x38;
	[tilespmem:$0x5080] =	vst v63  }
0x15: {  	_ =	swait.ge [sflag:s18], $0x50  }
0x16: {  	[sflag:s18] =	ssyncset.done $0x0  }
0x17: {  	[sflag:s18] =	ssyncadd.s32 $0xFFFFFFB0  }
0x18: {  	[tilespmem:s20], [sflag:$0x1] =	stream.indirect.gather [hbm4b:s1+s19], $0x80, s4, s19, $0xb8;
	[tilespmem:$0x5080] =	vst v63  }
0x19: {  	_ =	swait.ge [sflag:s21], $0x2800  }
0x1a: {  	[sflag:s21] =	ssyncset.done $0x0  }
0x1b: {  	[sflag:s21] =	ssyncadd.s32 $0xFFFFD800  }
0x1c: {  	[tilespmem:s4], [sflag:$0x2] =	stream.linear.gather [hbm4b:s6+s4], $0x50, $0x38;
	[tilespmem:$0x5080] =	vst v63  }
0x1d: {  	_ =	swait.ge [sflag:s18], $0x50  }
0x1e: {  	[sflag:s18] =	ssyncset.done $0x0  }
0x1f: {  	[sflag:s18] =	ssyncadd.s32 $0xFFFFFFB0  }
0x20: {  	[tilespmem:s22], [sflag:$0x1] =	stream.indirect.gather [hbm4b:s3+s19], $0x80, s4, s19, $0xb8;
	[tilespmem:$0x5080] =	vst v63  }
0x21: {  	_ =	swait.ge [sflag:s21], $0x2800  }
0x22: {  	[sflag:s21] =	ssyncset.done $0x0  }
0x23: {  	s24 =	simm.s32 $0x0;
	[sflag:s21] =	ssyncadd.s32 $0xFFFFD800  }
0x24: {  	v6 =	vld [tilespmem:s24+$0x2880]  }
0x25: {  	v11 =	vld [tilespmem:s24+$0x2890]  }
0x26: {  	v5 =	vld [tilespmem:s24+$0x28A0]  }
0x27: {  	v4 =	vld [tilespmem:s24+$0x28B0]  }
0x28: {  	v3 =	vld [tilespmem:s24+$0x28C0]  }
0x29: {  	v2 =	vld [tilespmem:s24+$0x28D0]  }
0x2a: {  	v1 =	vld [tilespmem:s24+$0x28E0]  }
0x2b: {  	v0 =	vld [tilespmem:s24+$0x28F0]  }
0x2c: {  	v12 =	vld [tilespmem:s24+$0x80]  }
0x2d: {  	v13 =	vld [tilespmem:s24+$0x90]  }
0x2e: {  	v10 =	vld [tilespmem:s24+$0xA0]  }
0x2f: {  	v9 =	vld [tilespmem:s24+$0xB0]  }
0x30: {  	v8 =	vld [tilespmem:s24+$0xC0]  }
0x31: {  	v7 =	vld [tilespmem:s24+$0xD0];
	v12 =	vadd.f32 v6, v12  }
0x32: {  	s25 =	simm.s32 $0x200;
	v11 =	vadd.f32 v11, v13;
	v6 =	vld [tilespmem:s24+$0xE0]  }
.LBB2_2:
0x33: {  	s26 =	sshra.s32 s25, $0x2;
	p0 =	sne.s32 s25, $0x9E00;
	v12 =	vmax.f32 v12, $0.0e+00;
	v5 =	vadd.f32 v5, v10;
	v10 =	vld [tilespmem:s24+$0xF0]  }
0x34: {  	v13 =	vld [tilespmem:s26+$0x2880];
	[tilespmem:s24+$0x80] =	vst v12;
	v11 =	vmax.f32 v11, $0.0e+00;
	v4 =	vadd.f32 v4, v9  }
0x35: {  	v14 =	vld [tilespmem:s26+$0x2890];
	[tilespmem:s24+$0x90] =	vst v11;
	v9 =	vmax.f32 v5, $0.0e+00;
	v3 =	vadd.f32 v3, v8  }
0x36: {  	v5 =	vld [tilespmem:s26+$0x28A0];
	[tilespmem:s24+$0xA0] =	vst v9;
	v8 =	vmax.f32 v4, $0.0e+00;
	v2 =	vadd.f32 v2, v7  }
0x37: {  	v4 =	vld [tilespmem:s26+$0x28B0];
	[tilespmem:s24+$0xB0] =	vst v8;
	v7 =	vmax.f32 v3, $0.0e+00;
	v1 =	vadd.f32 v1, v6  }
0x38: {  	v3 =	vld [tilespmem:s26+$0x28C0];
	[tilespmem:s24+$0xC0] =	vst v7;
	v6 =	vmax.f32 v2, $0.0e+00;
	v0 =	vadd.f32 v0, v10  }
0x39: {  	v2 =	vld [tilespmem:s26+$0x28D0];
	[tilespmem:s24+$0xD0] =	vst v6;
	v6 =	vmax.f32 v1, $0.0e+00  }
0x3a: {  	v1 =	vld [tilespmem:s26+$0x28E0];
	[tilespmem:s24+$0xE0] =	vst v6;
	v6 =	vmax.f32 v0, $0.0e+00  }
0x3b: {  	v0 =	vld [tilespmem:s26+$0x28F0];
	[tilespmem:s24+$0xF0] =	vst v6;
	s24 =	smov.u32 s26  }
0x3c: {  	v6 =	vld [tilespmem:s24+$0x80]  }
0x3d: {  	v11 =	vld [tilespmem:s24+$0x90]  }
.Ltmp0:
0x3e: {  	v10 =	vld [tilespmem:s24+$0xA0];
	(pc) =	sbr.rel @p0 .LBB2_2-.Ltmp0, $4  }
0x3f: {  	v9 =	vld [tilespmem:s24+$0xB0]  }
0x40: {  	v8 =	vld [tilespmem:s24+$0xC0]  }
0x41: {  	v12 =	vadd.f32 v13, v6;
	v7 =	vld [tilespmem:s24+$0xD0]  }
0x42: {  	s25 =	sadd.s32 $0x200, s25;
	v11 =	vadd.f32 v14, v11;
	v6 =	vld [tilespmem:s24+$0xE0]  }
0x43: {  	v12 =	vmax.f32 v12, $0.0e+00;
	v5 =	vadd.f32 v5, v10;
	v10 =	vld [tilespmem:s24+$0xF0]  }
0x44: {  	[tilespmem:s24+$0x80] =	vst v12;
	v11 =	vmax.f32 v11, $0.0e+00;
	v4 =	vadd.f32 v4, v9  }
0x45: {  	[tilespmem:s24+$0x90] =	vst v11;
	v5 =	vmax.f32 v5, $0.0e+00;
	v3 =	vadd.f32 v3, v8  }
0x46: {  	[tilespmem:s24+$0xA0] =	vst v5;
	v4 =	vmax.f32 v4, $0.0e+00;
	v2 =	vadd.f32 v2, v7  }
0x47: {  	[tilespmem:s24+$0xB0] =	vst v4;
	v3 =	vmax.f32 v3, $0.0e+00;
	v1 =	vadd.f32 v1, v6  }
0x48: {  	[tilespmem:s24+$0xC0] =	vst v3;
	v2 =	vmax.f32 v2, $0.0e+00;
	v0 =	vadd.f32 v0, v10  }
0x49: {  	[tilespmem:s24+$0xD0] =	vst v2;
	v1 =	vmax.f32 v1, $0.0e+00  }
0x4a: {  	[tilespmem:s24+$0xE0] =	vst v1;
	v0 =	vmax.f32 v0, $0.0e+00  }
0x4b: {  	s31 =	simm.s32 $0x0;
	[tilespmem:s24+$0xF0] =	vst v0  }
0x4c: {  	[hbm4b:s7+s31] =	stream.linear.scatter [tilespmem:s20], [sflag:$0x2], $0x2800, $0x38;
	[tilespmem:$0x5080] =	vst v63  }
0x4d: {  	_ =	swait.ge [sflag:s18], $0x2800  }
0x4e: {  	[sflag:s18] =	ssyncset.done $0x0  }
0x4f: {  	[sflag:s18] =	ssyncadd.s32 $0xFFFFD800  }
0x50: {  	[tilespmem:s31], [sflag:$0x2] =	stream.linear.gather [hbm4b:s8+s31], $0x50, $0x38;
	[tilespmem:$0x5080] =	vst v63  }
0x51: {  	_ =	swait.ge [sflag:s18], $0x50  }
0x52: {  	[sflag:s18] =	ssyncset.done $0x0  }
0x53: {  	[sflag:s18] =	ssyncadd.s32 $0xFFFFFFB0  }
0x54: {  	[tilespmem:s20], [sflag:$0x1] =	stream.indirect.gather [hbm4b:s1+s19], $0x80, s31, s19, $0xb8;
	[tilespmem:$0x5080] =	vst v63  }
0x55: {  	_ =	swait.ge [sflag:s21], $0x2800  }
0x56: {  	[sflag:s21] =	ssyncset.done $0x0  }
0x57: {  	[sflag:s21] =	ssyncadd.s32 $0xFFFFD800  }
0x58: {  	[tilespmem:s31], [sflag:$0x2] =	stream.linear.gather [hbm4b:s9+s31], $0x50, $0x38;
	[tilespmem:$0x5080] =	vst v63  }
0x59: {  	_ =	swait.ge [sflag:s18], $0x50  }
0x5a: {  	[sflag:s18] =	ssyncset.done $0x0  }
0x5b: {  	[sflag:s18] =	ssyncadd.s32 $0xFFFFFFB0  }
0x5c: {  	[tilespmem:s22], [sflag:$0x1] =	stream.indirect.gather [hbm4b:s3+s19], $0x80, s31, s19, $0xb8;
	[tilespmem:$0x5080] =	vst v63  }
0x5d: {  	_ =	swait.ge [sflag:s21], $0x2800  }
0x5e: {  	[sflag:s21] =	ssyncset.done $0x0  }
0x5f: {  	s24 =	simm.s32 $0x0;
	[sflag:s21] =	ssyncadd.s32 $0xFFFFD800  }
0x60: {  	v6 =	vld [tilespmem:s24+$0x2880]  }
0x61: {  	v11 =	vld [tilespmem:s24+$0x2890]  }
0x62: {  	v5 =	vld [tilespmem:s24+$0x28A0]  }
0x63: {  	v4 =	vld [tilespmem:s24+$0x28B0]  }
0x64: {  	v3 =	vld [tilespmem:s24+$0x28C0]  }
0x65: {  	v2 =	vld [tilespmem:s24+$0x28D0]  }
0x66: {  	v1 =	vld [tilespmem:s24+$0x28E0]  }
0x67: {  	v0 =	vld [tilespmem:s24+$0x28F0]  }
0x68: {  	v12 =	vld [tilespmem:s24+$0x80]  }
0x69: {  	v13 =	vld [tilespmem:s24+$0x90]  }
0x6a: {  	v10 =	vld [tilespmem:s24+$0xA0]  }
0x6b: {  	v9 =	vld [tilespmem:s24+$0xB0]  }
0x6c: {  	v8 =	vld [tilespmem:s24+$0xC0]  }
0x6d: {  	v7 =	vld [tilespmem:s24+$0xD0];
	v12 =	vadd.f32 v6, v12  }
0x6e: {  	s25 =	simm.s32 $0x200;
	v11 =	vadd.f32 v11, v13;
	v6 =	vld [tilespmem:s24+$0xE0]  }
.LBB2_4:
0x6f: {  	s26 =	sshra.s32 s25, $0x2;
	p0 =	sne.s32 s25, $0x9E00;
	v12 =	vmax.f32 v12, $0.0e+00;
	v5 =	vadd.f32 v5, v10;
	v10 =	vld [tilespmem:s24+$0xF0]  }
0x70: {  	v13 =	vld [tilespmem:s26+$0x2880];
	[tilespmem:s24+$0x80] =	vst v12;
	v11 =	vmax.f32 v11, $0.0e+00;
	v4 =	vadd.f32 v4, v9  }
0x71: {  	v14 =	vld [tilespmem:s26+$0x2890];
	[tilespmem:s24+$0x90] =	vst v11;
	v9 =	vmax.f32 v5, $0.0e+00;
	v3 =	vadd.f32 v3, v8  }
0x72: {  	v5 =	vld [tilespmem:s26+$0x28A0];
	[tilespmem:s24+$0xA0] =	vst v9;
	v8 =	vmax.f32 v4, $0.0e+00;
	v2 =	vadd.f32 v2, v7  }
0x73: {  	v4 =	vld [tilespmem:s26+$0x28B0];
	[tilespmem:s24+$0xB0] =	vst v8;
	v7 =	vmax.f32 v3, $0.0e+00;
	v1 =	vadd.f32 v1, v6  }
0x74: {  	v3 =	vld [tilespmem:s26+$0x28C0];
	[tilespmem:s24+$0xC0] =	vst v7;
	v6 =	vmax.f32 v2, $0.0e+00;
	v0 =	vadd.f32 v0, v10  }
0x75: {  	v2 =	vld [tilespmem:s26+$0x28D0];
	[tilespmem:s24+$0xD0] =	vst v6;
	v6 =	vmax.f32 v1, $0.0e+00  }
0x76: {  	v1 =	vld [tilespmem:s26+$0x28E0];
	[tilespmem:s24+$0xE0] =	vst v6;
	v6 =	vmax.f32 v0, $0.0e+00  }
0x77: {  	v0 =	vld [tilespmem:s26+$0x28F0];
	[tilespmem:s24+$0xF0] =	vst v6;
	s24 =	smov.u32 s26  }
0x78: {  	v6 =	vld [tilespmem:s24+$0x80]  }
0x79: {  	v11 =	vld [tilespmem:s24+$0x90]  }
.Ltmp1:
0x7a: {  	v10 =	vld [tilespmem:s24+$0xA0];
	(pc) =	sbr.rel @p0 .LBB2_4-.Ltmp1, $4  }
0x7b: {  	v9 =	vld [tilespmem:s24+$0xB0]  }
0x7c: {  	v8 =	vld [tilespmem:s24+$0xC0]  }
0x7d: {  	v12 =	vadd.f32 v13, v6;
	v7 =	vld [tilespmem:s24+$0xD0]  }
0x7e: {  	s25 =	sadd.s32 $0x200, s25;
	v11 =	vadd.f32 v14, v11;
	v6 =	vld [tilespmem:s24+$0xE0]  }
0x7f: {  	v12 =	vmax.f32 v12, $0.0e+00;
	v5 =	vadd.f32 v5, v10;
	v10 =	vld [tilespmem:s24+$0xF0]  }
0x80: {  	[tilespmem:s24+$0x80] =	vst v12;
	v11 =	vmax.f32 v11, $0.0e+00;
	v4 =	vadd.f32 v4, v9  }
0x81: {  	[tilespmem:s24+$0x90] =	vst v11;
	v5 =	vmax.f32 v5, $0.0e+00;
	v3 =	vadd.f32 v3, v8  }
0x82: {  	[tilespmem:s24+$0xA0] =	vst v5;
	v4 =	vmax.f32 v4, $0.0e+00;
	v2 =	vadd.f32 v2, v7  }
0x83: {  	[tilespmem:s24+$0xB0] =	vst v4;
	v3 =	vmax.f32 v3, $0.0e+00;
	v1 =	vadd.f32 v1, v6  }
0x84: {  	[tilespmem:s24+$0xC0] =	vst v3;
	v2 =	vmax.f32 v2, $0.0e+00;
	v0 =	vadd.f32 v0, v10  }
0x85: {  	[tilespmem:s24+$0xD0] =	vst v2;
	v1 =	vmax.f32 v1, $0.0e+00  }
0x86: {  	[tilespmem:s24+$0xE0] =	vst v1;
	v0 =	vmax.f32 v0, $0.0e+00  }
0x87: {  	s31 =	simm.s32 $0x0;
	[tilespmem:s24+$0xF0] =	vst v0  }
0x88: {  	[hbm4b:s10+s31] =	stream.linear.scatter [tilespmem:s20], [sflag:$0x2], $0x2800, $0x38;
	[tilespmem:$0x5080] =	vst v63  }
0x89: {  	_ =	swait.ge [sflag:s18], $0x2800  }
0x8a: {  	[sflag:s18] =	ssyncset.done $0x0  }
0x8b: {  	[sflag:s18] =	ssyncadd.s32 $0xFFFFD800  }
0x8c: {  	[tilespmem:s31], [sflag:$0x2] =	stream.linear.gather [hbm4b:s11+s31], $0x50, $0x38;
	[tilespmem:$0x5080] =	vst v63  }
0x8d: {  	_ =	swait.ge [sflag:s18], $0x50  }
0x8e: {  	[sflag:s18] =	ssyncset.done $0x0  }
0x8f: {  	[sflag:s18] =	ssyncadd.s32 $0xFFFFFFB0  }
0x90: {  	[tilespmem:s20], [sflag:$0x1] =	stream.indirect.gather [hbm4b:s1+s19], $0x80, s31, s19, $0xb8;
	[tilespmem:$0x5080] =	vst v63  }
0x91: {  	_ =	swait.ge [sflag:s21], $0x2800  }
0x92: {  	[sflag:s21] =	ssyncset.done $0x0  }
0x93: {  	[sflag:s21] =	ssyncadd.s32 $0xFFFFD800  }
0x94: {  	[tilespmem:s31], [sflag:$0x2] =	stream.linear.gather [hbm4b:s12+s31], $0x50, $0x38;
	[tilespmem:$0x5080] =	vst v63  }
0x95: {  	_ =	swait.ge [sflag:s18], $0x50  }
0x96: {  	[sflag:s18] =	ssyncset.done $0x0  }
0x97: {  	[sflag:s18] =	ssyncadd.s32 $0xFFFFFFB0  }
0x98: {  	[tilespmem:s22], [sflag:$0x1] =	stream.indirect.gather [hbm4b:s3+s19], $0x80, s31, s19, $0xb8;
	[tilespmem:$0x5080] =	vst v63  }
0x99: {  	_ =	swait.ge [sflag:s21], $0x2800  }
0x9a: {  	[sflag:s21] =	ssyncset.done $0x0  }
0x9b: {  	s24 =	simm.s32 $0x0;
	[sflag:s21] =	ssyncadd.s32 $0xFFFFD800  }
0x9c: {  	v6 =	vld [tilespmem:s24+$0x2880]  }
0x9d: {  	v11 =	vld [tilespmem:s24+$0x2890]  }
0x9e: {  	v5 =	vld [tilespmem:s24+$0x28A0]  }
0x9f: {  	v4 =	vld [tilespmem:s24+$0x28B0]  }
0xa0: {  	v3 =	vld [tilespmem:s24+$0x28C0]  }
0xa1: {  	v2 =	vld [tilespmem:s24+$0x28D0]  }
0xa2: {  	v1 =	vld [tilespmem:s24+$0x28E0]  }
0xa3: {  	v0 =	vld [tilespmem:s24+$0x28F0]  }
0xa4: {  	v12 =	vld [tilespmem:s24+$0x80]  }
0xa5: {  	v13 =	vld [tilespmem:s24+$0x90]  }
0xa6: {  	v10 =	vld [tilespmem:s24+$0xA0]  }
0xa7: {  	v9 =	vld [tilespmem:s24+$0xB0]  }
0xa8: {  	v8 =	vld [tilespmem:s24+$0xC0]  }
0xa9: {  	v7 =	vld [tilespmem:s24+$0xD0];
	v12 =	vadd.f32 v6, v12  }
0xaa: {  	s25 =	simm.s32 $0x200;
	v11 =	vadd.f32 v11, v13;
	v6 =	vld [tilespmem:s24+$0xE0]  }
.LBB2_6:
0xab: {  	s26 =	sshra.s32 s25, $0x2;
	p0 =	sne.s32 s25, $0x9E00;
	v12 =	vmax.f32 v12, $0.0e+00;
	v5 =	vadd.f32 v5, v10;
	v10 =	vld [tilespmem:s24+$0xF0]  }
0xac: {  	v13 =	vld [tilespmem:s26+$0x2880];
	[tilespmem:s24+$0x80] =	vst v12;
	v11 =	vmax.f32 v11, $0.0e+00;
	v4 =	vadd.f32 v4, v9  }
0xad: {  	v14 =	vld [tilespmem:s26+$0x2890];
	[tilespmem:s24+$0x90] =	vst v11;
	v9 =	vmax.f32 v5, $0.0e+00;
	v3 =	vadd.f32 v3, v8  }
0xae: {  	v5 =	vld [tilespmem:s26+$0x28A0];
	[tilespmem:s24+$0xA0] =	vst v9;
	v8 =	vmax.f32 v4, $0.0e+00;
	v2 =	vadd.f32 v2, v7  }
0xaf: {  	v4 =	vld [tilespmem:s26+$0x28B0];
	[tilespmem:s24+$0xB0] =	vst v8;
	v7 =	vmax.f32 v3, $0.0e+00;
	v1 =	vadd.f32 v1, v6  }
0xb0: {  	v3 =	vld [tilespmem:s26+$0x28C0];
	[tilespmem:s24+$0xC0] =	vst v7;
	v6 =	vmax.f32 v2, $0.0e+00;
	v0 =	vadd.f32 v0, v10  }
0xb1: {  	v2 =	vld [tilespmem:s26+$0x28D0];
	[tilespmem:s24+$0xD0] =	vst v6;
	v6 =	vmax.f32 v1, $0.0e+00  }
0xb2: {  	v1 =	vld [tilespmem:s26+$0x28E0];
	[tilespmem:s24+$0xE0] =	vst v6;
	v6 =	vmax.f32 v0, $0.0e+00  }
0xb3: {  	v0 =	vld [tilespmem:s26+$0x28F0];
	[tilespmem:s24+$0xF0] =	vst v6;
	s24 =	smov.u32 s26  }
0xb4: {  	v6 =	vld [tilespmem:s24+$0x80]  }
0xb5: {  	v11 =	vld [tilespmem:s24+$0x90]  }
.Ltmp2:
0xb6: {  	v10 =	vld [tilespmem:s24+$0xA0];
	(pc) =	sbr.rel @p0 .LBB2_6-.Ltmp2, $4  }
0xb7: {  	v9 =	vld [tilespmem:s24+$0xB0]  }
0xb8: {  	v8 =	vld [tilespmem:s24+$0xC0]  }
0xb9: {  	v12 =	vadd.f32 v13, v6;
	v7 =	vld [tilespmem:s24+$0xD0]  }
0xba: {  	s25 =	sadd.s32 $0x200, s25;
	v11 =	vadd.f32 v14, v11;
	v6 =	vld [tilespmem:s24+$0xE0]  }
0xbb: {  	v12 =	vmax.f32 v12, $0.0e+00;
	v5 =	vadd.f32 v5, v10;
	v10 =	vld [tilespmem:s24+$0xF0]  }
0xbc: {  	[tilespmem:s24+$0x80] =	vst v12;
	v11 =	vmax.f32 v11, $0.0e+00;
	v4 =	vadd.f32 v4, v9  }
0xbd: {  	[tilespmem:s24+$0x90] =	vst v11;
	v5 =	vmax.f32 v5, $0.0e+00;
	v3 =	vadd.f32 v3, v8  }
0xbe: {  	[tilespmem:s24+$0xA0] =	vst v5;
	v4 =	vmax.f32 v4, $0.0e+00;
	v2 =	vadd.f32 v2, v7  }
0xbf: {  	[tilespmem:s24+$0xB0] =	vst v4;
	v3 =	vmax.f32 v3, $0.0e+00;
	v1 =	vadd.f32 v1, v6  }
0xc0: {  	[tilespmem:s24+$0xC0] =	vst v3;
	v2 =	vmax.f32 v2, $0.0e+00;
	v0 =	vadd.f32 v0, v10  }
0xc1: {  	[tilespmem:s24+$0xD0] =	vst v2;
	v1 =	vmax.f32 v1, $0.0e+00  }
0xc2: {  	[tilespmem:s24+$0xE0] =	vst v1;
	v0 =	vmax.f32 v0, $0.0e+00  }
0xc3: {  	s31 =	simm.s32 $0x0;
	[tilespmem:s24+$0xF0] =	vst v0  }
0xc4: {  	[hbm4b:s13+s31] =	stream.linear.scatter [tilespmem:s20], [sflag:$0x2], $0x2800, $0x38;
	[tilespmem:$0x5080] =	vst v63  }
0xc5: {  	_ =	swait.ge [sflag:s18], $0x2800  }
0xc6: {  	[sflag:s18] =	ssyncset.done $0x0  }
0xc7: {  	[sflag:s18] =	ssyncadd.s32 $0xFFFFD800  }
0xc8: {  	[tilespmem:s31], [sflag:$0x2] =	stream.linear.gather [hbm4b:s14+s31], $0x50, $0x38;
	[tilespmem:$0x5080] =	vst v63  }
0xc9: {  	_ =	swait.ge [sflag:s18], $0x50  }
0xca: {  	[sflag:s18] =	ssyncset.done $0x0  }
0xcb: {  	[sflag:s18] =	ssyncadd.s32 $0xFFFFFFB0  }
0xcc: {  	[tilespmem:s20], [sflag:$0x1] =	stream.indirect.gather [hbm4b:s1+s19], $0x80, s31, s19, $0xb8;
	[tilespmem:$0x5080] =	vst v63  }
0xcd: {  	_ =	swait.ge [sflag:s21], $0x2800  }
0xce: {  	[sflag:s21] =	ssyncset.done $0x0  }
0xcf: {  	[sflag:s21] =	ssyncadd.s32 $0xFFFFD800  }
0xd0: {  	[tilespmem:s31], [sflag:$0x2] =	stream.linear.gather [hbm4b:s15+s31], $0x50, $0x38;
	[tilespmem:$0x5080] =	vst v63  }
0xd1: {  	_ =	swait.ge [sflag:s18], $0x50  }
0xd2: {  	[sflag:s18] =	ssyncset.done $0x0  }
0xd3: {  	[sflag:s18] =	ssyncadd.s32 $0xFFFFFFB0  }
0xd4: {  	[tilespmem:s22], [sflag:$0x1] =	stream.indirect.gather [hbm4b:s3+s19], $0x80, s31, s19, $0xb8;
	[tilespmem:$0x5080] =	vst v63  }
0xd5: {  	_ =	swait.ge [sflag:s21], $0x2800  }
0xd6: {  	[sflag:s21] =	ssyncset.done $0x0  }
0xd7: {  	s24 =	simm.s32 $0x0;
	[sflag:s21] =	ssyncadd.s32 $0xFFFFD800  }
0xd8: {  	v6 =	vld [tilespmem:s24+$0x2880]  }
0xd9: {  	v11 =	vld [tilespmem:s24+$0x2890]  }
0xda: {  	v5 =	vld [tilespmem:s24+$0x28A0]  }
0xdb: {  	v4 =	vld [tilespmem:s24+$0x28B0]  }
0xdc: {  	v3 =	vld [tilespmem:s24+$0x28C0]  }
0xdd: {  	v2 =	vld [tilespmem:s24+$0x28D0]  }
0xde: {  	v1 =	vld [tilespmem:s24+$0x28E0]  }
0xdf: {  	v0 =	vld [tilespmem:s24+$0x28F0]  }
0xe0: {  	v12 =	vld [tilespmem:s24+$0x80]  }
0xe1: {  	v13 =	vld [tilespmem:s24+$0x90]  }
0xe2: {  	v10 =	vld [tilespmem:s24+$0xA0]  }
0xe3: {  	v9 =	vld [tilespmem:s24+$0xB0]  }
0xe4: {  	v8 =	vld [tilespmem:s24+$0xC0]  }
0xe5: {  	v7 =	vld [tilespmem:s24+$0xD0];
	v12 =	vadd.f32 v6, v12  }
0xe6: {  	s25 =	simm.s32 $0x200;
	v11 =	vadd.f32 v11, v13;
	v6 =	vld [tilespmem:s24+$0xE0]  }
.LBB2_8:
0xe7: {  	s26 =	sshra.s32 s25, $0x2;
	p0 =	sne.s32 s25, $0x9E00;
	v12 =	vmax.f32 v12, $0.0e+00;
	v5 =	vadd.f32 v5, v10;
	v10 =	vld [tilespmem:s24+$0xF0]  }
0xe8: {  	v13 =	vld [tilespmem:s26+$0x2880];
	[tilespmem:s24+$0x80] =	vst v12;
	v11 =	vmax.f32 v11, $0.0e+00;
	v4 =	vadd.f32 v4, v9  }
0xe9: {  	v14 =	vld [tilespmem:s26+$0x2890];
	[tilespmem:s24+$0x90] =	vst v11;
	v9 =	vmax.f32 v5, $0.0e+00;
	v3 =	vadd.f32 v3, v8  }
0xea: {  	v5 =	vld [tilespmem:s26+$0x28A0];
	[tilespmem:s24+$0xA0] =	vst v9;
	v8 =	vmax.f32 v4, $0.0e+00;
	v2 =	vadd.f32 v2, v7  }
0xeb: {  	v4 =	vld [tilespmem:s26+$0x28B0];
	[tilespmem:s24+$0xB0] =	vst v8;
	v7 =	vmax.f32 v3, $0.0e+00;
	v1 =	vadd.f32 v1, v6  }
0xec: {  	v3 =	vld [tilespmem:s26+$0x28C0];
	[tilespmem:s24+$0xC0] =	vst v7;
	v6 =	vmax.f32 v2, $0.0e+00;
	v0 =	vadd.f32 v0, v10  }
0xed: {  	v2 =	vld [tilespmem:s26+$0x28D0];
	[tilespmem:s24+$0xD0] =	vst v6;
	v6 =	vmax.f32 v1, $0.0e+00  }
0xee: {  	v1 =	vld [tilespmem:s26+$0x28E0];
	[tilespmem:s24+$0xE0] =	vst v6;
	v6 =	vmax.f32 v0, $0.0e+00  }
0xef: {  	v0 =	vld [tilespmem:s26+$0x28F0];
	[tilespmem:s24+$0xF0] =	vst v6;
	s24 =	smov.u32 s26  }
0xf0: {  	v6 =	vld [tilespmem:s24+$0x80]  }
0xf1: {  	v11 =	vld [tilespmem:s24+$0x90]  }
.Ltmp3:
0xf2: {  	v10 =	vld [tilespmem:s24+$0xA0];
	(pc) =	sbr.rel @p0 .LBB2_8-.Ltmp3, $4  }
0xf3: {  	v9 =	vld [tilespmem:s24+$0xB0]  }
0xf4: {  	v8 =	vld [tilespmem:s24+$0xC0]  }
0xf5: {  	v12 =	vadd.f32 v13, v6;
	v7 =	vld [tilespmem:s24+$0xD0]  }
0xf6: {  	s25 =	sadd.s32 $0x200, s25;
	v11 =	vadd.f32 v14, v11;
	v6 =	vld [tilespmem:s24+$0xE0]  }
0xf7: {  	v12 =	vmax.f32 v12, $0.0e+00;
	v5 =	vadd.f32 v5, v10;
	v63 =	vld [tilespmem:s24+$0xF0]  }
0xf8: {  	[tilespmem:s24+$0x80] =	vst v12;
	v11 =	vmax.f32 v11, $0.0e+00;
	v4 =	vadd.f32 v4, v9  }
0xf9: {  	[tilespmem:s24+$0x90] =	vst v11;
	v5 =	vmax.f32 v5, $0.0e+00;
	v3 =	vadd.f32 v3, v8  }
0xfa: {  	[tilespmem:s24+$0xA0] =	vst v5;
	v4 =	vmax.f32 v4, $0.0e+00;
	v2 =	vadd.f32 v2, v7  }
0xfb: {  	[tilespmem:s24+$0xB0] =	vst v4;
	v3 =	vmax.f32 v3, $0.0e+00;
	v1 =	vadd.f32 v1, v6  }
0xfc: {  	[tilespmem:s24+$0xC0] =	vst v3;
	v2 =	vmax.f32 v2, $0.0e+00;
	v0 =	vadd.f32 v0, v63  }
0xfd: {  	s23 =	sadd.s32 $0x1, s23;
	[tilespmem:s24+$0xD0] =	vst v2;
	v1 =	vmax.f32 v1, $0.0e+00  }
0xfe: {  	p0 =	sne.s32 s23, s17;
	[tilespmem:s24+$0xE0] =	vst v1;
	v0 =	vmax.f32 v0, $0.0e+00  }
.Ltmp4:
0xff: {  	[tilespmem:s24+$0xF0] =	vst v0;
	(pc) =	sbr.rel @p0 .LBB2_1-.Ltmp4, $4  }
0x100: {  	[hbm4b:s16+s4] =	stream.linear.scatter [tilespmem:s20], [sflag:$0x2], $0x2800, $0x38;
	[tilespmem:$0x5080] =	vst v63  }
0x101: {  	_ =	swait.ge [sflag:s18], $0x2800  }
0x102: {  	[sflag:s18] =	ssyncset.done $0x0  }
0x103: {  	[sflag:s18] =	ssyncadd.s32 $0xFFFFD800  }
0x104: {  	_ =	sfence.sel $0x180000  }
0x105: {  	[bflag:$0x0] =	sbarrier.arrive $0xFFFF  }
0x106: {  	p0 =	sne.s32 s2, $0x0;
	_ =	strace $0x90000047  }
0x107: {  	s0 =	sadd.s32 @!p0 $0x100000, s0;
	[bflag:$0x2] =	sbarrier.arrive $0xFFFF  }
0x108: {  	[sflag:s0] =	ssyncadd.tile.s32 @!p0 $0x1;
	_ =	shalt  }
.Lfunc_end2:
_tile_overlayer_lowered:
.L_overlay_start_2:
0x109: {  	(tag) =	ssettag $0x2  }
0x10a: {  	s0 =	rddreg [dreg:$0x0];
	s2 =	stileid.u32  }
0x10b: {  	s1 =	rddreg [dreg:$0x1];
	p0 =	sne.s32 s2, $0x0  }
0x10c: {  	s3 =	rddreg [dreg:$0x2];
	[bflag:$0x3] =	sbarrier.arrive $0xFFFF;
	s2 =	simm.s32 @!p0 $0x1C02  }
0x10d: {  	[timem:s3], [sflag:s2] =	dma.local @!p0 [hbm:s0], s1  }
0x10e: {  	s0 =	simm.s32 @!p0 $0x2  }
0x10f: {  	_ =	swait.ge @!p0 [sflag:s0], s1  }
0x110: {  	s1 =	ssub.s32 @!p0 $0x0, s1;
	[sflag:s0] =	ssyncset.done @!p0 $0x0  }
0x111: {  	[sflag:s0] =	ssyncadd.s32 @!p0 s1  }
0x112: {  	[bflag:$0x3] =	sbarrier.arrive $0xFFFF  }
0x113: {  	_ =	shalt  }

// kernel: kernel.9.cloned.1.call-start
scs
__scs_entry_jumppad:
0x0: {  	(pc) =	sbr.rel $0x88, $3  }
0x1: {  	(tag) =	ssettag $0x0;
	lr =	simm.s32 $0x1  }
0x2: {  	[smem:$0x3F9A] =	sst lr;
	_ =	strace $0xD0000000  }
0x3: {  	_ = 	snop  }
0x4: {  	_ = 	snop  }
0x5: {  	_ = 	snop  }
0x6: {  	_ = 	snop  }
0x7: {  	_ = 	snop  }
__scs_overlays_trampoline_lowered:
0x8: {  	[smem:$0x3FA9] =	sst s0  }
0x9: {  	[smem:$0x3FAA] =	sst s1  }
0xa: {  	[smem:$0x3FAB] =	sst s2  }
0xb: {  	[smem:$0x3FAC] =	sst s3  }
0xc: {  	[smem:$0x3FAD] =	sst s4  }
0xd: {  	[smem:$0x3FAE] =	sst s5  }
0xe: {  	[smem:$0x3FAF] =	sst s6  }
0xf: {  	[smem:$0x3FB0] =	sst s7  }
0x10: {  	[smem:$0x3FB1] =	sst s8  }
0x11: {  	[smem:$0x3FB2] =	sst s9;
	s0 =	simm.s32 @!p0 $0x0  }
0x12: {  	s1 =	sld [smem:$0x3F98];
	s0 =	simm.s32 @p0 $0x1  }
0x13: {  	[smem:$0x3FB3] =	sst s0;
	s0 =	simm.s32 @!p1 $0x0  }
0x14: {  	s2 =	sld [smem:$0x3F97];
	s0 =	simm.s32 @p1 $0x1  }
0x15: {  	[smem:$0x3FB4] =	sst s0;
	s0 =	simm.s32 @!p2 $0x0  }
0x16: {  	s3 =	sld [smem:$0x3FDB];
	s0 =	simm.s32 @p2 $0x1  }
0x17: {  	s4 =	simm.s32 $0x1BF5;
	[smem:$0x3FB6] =	sst s0  }
0x18: {  	s0 =	sld [smem:$0x3F99];
	_ =	swait.ge [sflag:s4], $0x0  }
0x19: {  	s7 =	sld [smem:$0x3F9A]  }
0x1a: {  	s8 =	sadd.s32 $0xFFFFE003, lr  }
0x1b: {  	s9 =	sadd.s32 $0xFFFFFEF7, lr;
	s5 =	simm.s32 $0xFFFFFFFF;
	p2 =	slt.u32 s8, $0xFFFFF086  }
0x1c: {  	p1 =	slt.u32 s9, $0xF7A;
	s5 =	simm.s32 @!p2 $0x0  }
0x1d: {  	s5 =	simm.s32 @p1 $0x1;
	p0 =	seq.s32 s7, s2  }
0x1e: {  	s7 =	smul.u32 @!p0 $0xF7A, s2;
	p2 =	seq.s32 @!p0 s5, $0x0  }
0x1f: {  	s9 =	smul.u32 $0xF7A, s1;
	s8 =	simm.s32 @!p0 $0x1BF5;
	p2 =	por !p2, p0  }
0x20: {  	[sflag:s8] =	ssyncset.s32 @!p0 $0xFFFFF086;
	s6 =	sadd.s32 @!p0 s3, s7;
	s7 =	simm.s32 @!p0 $0x108  }
0x21: {  	s3 =	sadd.s32 s3, s9;
	s6 =	sadd.s32 @!p0 $0x88, s6;
	s7 =	simm.s32 @p2 $0x1082  }
0x22: {  	[simem:s7], [sflag:s8] =	dma.local @!p0 [hbm:s6], $0xF7A  }
0x23: {  	s9 =	sor.u32 $0xD0000000, s2;
	s6 =	simm.s32 $0x108;
	_ =	swait.ge @!p0 [sflag:s8], $0x0  }
0x24: {  	s3 =	sadd.s32 $0x88, s3;
	s6 =	simm.s32 @!p1 $0x1082;
	[sflag:s4] =	ssyncset.s32 $0xFFFFF086  }
0x25: {  	[simem:s6], [sflag:s4] =	dma.local [hbm:s3], $0xF7A  }
0x26: {  	[smem:$0x3F9A] =	sst s1;
	(tag) =	ssettag s2;
	_ =	strace s9  }
0x27: {  	s1 =	sld [smem:$0x3FAA]  }
0x28: {  	s2 =	sld [smem:$0x3FAB]  }
0x29: {  	s4 =	sld [smem:$0x3FAD]  }
0x2a: {  	p0 =	seq.s32 s5, $0x0;
	s5 =	sld [smem:$0x3FAE]  }
0x2b: {  	s6 =	sld [smem:$0x3FAF]  }
0x2c: {  	s7 =	sld [smem:$0x3FB0]  }
0x2d: {  	s3 =	simm.s32 $0x108;
	s8 =	sld [smem:$0x3FB1]  }
0x2e: {  	s3 =	simm.s32 @!p0 $0x1082;
	s9 =	sld [smem:$0x3FB2]  }
0x2f: {  	lr =	sadd.s32 s0, s3;
	s0 =	sld [smem:$0x3FA9]  }
0x30: {  	s3 =	sld [smem:$0x3FAC]  }
0x31: {  	[smem:$0x3FB5] =	sst s10  }
0x32: {  	s10 =	sld [smem:$0x3FB3];
	_ =	sdelay $0x3  }
0x33: {  	p0 =	seq.s32 s10, $0x1;
	s10 =	sld [smem:$0x3FB5];
	_ =	sdelay $0x3  }
0x34: {  	[smem:$0x3FB5] =	sst s10  }
0x35: {  	s10 =	sld [smem:$0x3FB4];
	_ =	sdelay $0x3  }
0x36: {  	p1 =	seq.s32 s10, $0x1;
	s10 =	sld [smem:$0x3FB5];
	_ =	sdelay $0x3  }
0x37: {  	[smem:$0x3FB5] =	sst s10  }
0x38: {  	s10 =	sld [smem:$0x3FB6]  }
0x39: {  	_ = 	snop;
	(pc) =	sbr.ind lr, $3  }
0x3a: {  	_ = 	snop  }
0x3b: {  	_ = 	snop  }
0x3c: {  	p2 =	seq.s32 s10, $0x1;
	s10 =	sld [smem:$0x3FB5]  }
0x3d: {  	_ =	shalt  }
0x3e: {  	_ =	shalt  }
0x3f: {  	_ =	shalt  }
0x40: {  	_ =	shalt  }
0x41: {  	_ =	shalt  }
0x42: {  	_ =	shalt  }
0x43: {  	_ =	shalt  }
0x44: {  	_ =	shalt  }
0x45: {  	_ =	shalt  }
0x46: {  	_ =	shalt  }
0x47: {  	_ =	shalt  }
0x48: {  	_ =	shalt  }
0x49: {  	_ =	shalt  }
0x4a: {  	_ =	shalt  }
0x4b: {  	_ =	shalt  }
0x4c: {  	_ =	shalt  }
0x4d: {  	_ =	shalt  }
0x4e: {  	_ =	shalt  }
0x4f: {  	_ =	shalt  }
0x50: {  	_ =	shalt  }
0x51: {  	_ =	shalt  }
0x52: {  	_ =	shalt  }
0x53: {  	_ =	shalt  }
0x54: {  	_ =	shalt  }
0x55: {  	_ =	shalt  }
0x56: {  	_ =	shalt  }
0x57: {  	_ =	shalt  }
0x58: {  	_ =	shalt  }
0x59: {  	_ =	shalt  }
0x5a: {  	_ =	shalt  }
0x5b: {  	_ =	shalt  }
0x5c: {  	_ =	shalt  }
0x5d: {  	_ =	shalt  }
0x5e: {  	_ =	shalt  }
0x5f: {  	_ =	shalt  }
0x60: {  	_ =	shalt  }
0x61: {  	_ =	shalt  }
0x62: {  	_ =	shalt  }
0x63: {  	_ =	shalt  }
0x64: {  	_ =	shalt  }
0x65: {  	_ =	shalt  }
0x66: {  	_ =	shalt  }
0x67: {  	_ =	shalt  }
0x68: {  	_ =	shalt  }
0x69: {  	_ =	shalt  }
0x6a: {  	_ =	shalt  }
0x6b: {  	_ =	shalt  }
0x6c: {  	_ =	shalt  }
0x6d: {  	_ =	shalt  }
0x6e: {  	_ =	shalt  }
0x6f: {  	_ =	shalt  }
0x70: {  	_ =	shalt  }
0x71: {  	_ =	shalt  }
0x72: {  	_ =	shalt  }
0x73: {  	_ =	shalt  }
0x74: {  	_ =	shalt  }
0x75: {  	_ =	shalt  }
0x76: {  	_ =	shalt  }
0x77: {  	_ =	shalt  }
0x78: {  	_ =	shalt  }
0x79: {  	_ =	shalt  }
0x7a: {  	_ =	shalt  }
0x7b: {  	_ =	shalt  }
0x7c: {  	_ =	shalt  }
0x7d: {  	_ =	shalt  }
0x7e: {  	_ =	shalt  }
0x7f: {  	_ =	shalt  }
0x80: {  	_ =	shalt  }
0x81: {  	_ =	shalt  }
0x82: {  	_ =	shalt  }
0x83: {  	_ =	shalt  }
0x84: {  	_ =	shalt  }
0x85: {  	_ =	shalt  }
0x86: {  	_ =	shalt  }
0x87: {  	_ =	shalt  }
.Lfunc_end0:
.L_simem_size_0:
called_computation.1_lowered:
.L_overlay_start_0:
0x88: {  	s2 =	sld [smem:$0x3FD9]  }
0x89: {  	s3 =	sld [smem:$0x3FFE];
	_ =	sdelay $0x1  }
0x8a: {  	s1 =	srdreg.scid  }
0x8b: {  	s0 =	sand.u32 $0x1, s1  }
0x8c: {  	s17 =	sshll.u32 s0, $0xA;
	s2 =	sadd.s32 s3, s2  }
0x8d: {  	s2 =	sadd.s32 s2, s17  }
0x8e: {  	[smem:$0x3FC1] =	sst s2  }
0x8f: {  	_ = 	snop  }
0x90: {  	s2 =	sld [smem:$0x3FC4]  }
0x91: {  	s18 =	sld [smem:$0x3FD0];
	(tm) =	ssettm $0x1  }
0x92: {  	s4 =	sld [smem:$0x3FFB];
	_ =	sdelay $0x3  }
0x93: {  	_ =	strace s4  }
0x94: {  	s4 =	sld [smem:$0x3FFC];
	_ =	sdelay $0x3  }
0x95: {  	_ =	strace s4  }
0x96: {  	s4 =	sld [smem:$0x3FFD];
	_ =	sdelay $0x3  }
0x97: {  	_ =	strace s4  }
0x98: {  	_ =	strace $0x8FFFFFFF  }
0x99: {  	s19 =	sld [smem:$0x3FDB];
	_ =	sdelay $0x1  }
0x9a: {  	s5 =	simm.s32 $_scs_section_size  }
0x9b: {  	s6 =	simm.s32 $_size__tile_overlayer_lowered;
	s7 =	simm.s32 $_tile_overlayer_lowered  }
0x9c: {  	s22 =	simm.s32 $0x1BFF;
	s21 =	sshll.u32 s7, $0x1;
	s4 =	sadd.s32 s5, s19  }
0x9d: {  	s8 =	simm.s32 $0x0;
	s20 =	sshll.u32 s6, $0x1;
	s6 =	sadd.s32 s21, s4  }
0x9e: {  	[timem:s8], [sflag:s22] =	dma.local [hbm:s6], s20  }
0x9f: {  	_ =	swait.ge [sflag:s22], s20  }
0xa0: {  	s5 =	ssub.s32 $0x0, s20;
	[sflag:s22] =	ssyncset.done $0x0  }
0xa1: {  	[sflag:s22] =	ssyncadd.s32 s5;
	_ =	sdelay $0x1  }
0xa2: {  	s23 =	simm.s32 $0x1B8B  }
0xa3: {  	_ =	swait.ge [sflag:s23], $0x1  }
0xa4: {  	[sflag:s23] =	ssyncset.done $0x0  }
0xa5: {  	s25 =	simm.s32 $0x1B8E;
	s24 =	sld [smem:$0x3FFE];
	[sflag:s23] =	ssyncadd.s32 $0xFFFFFFFF  }
0xa6: {  	s26 =	simm.s32 $execute0_lowered;
	[smem:$0x3FD2] =	sst s25  }
0xa7: {  	s6 =	sshll.u32 s26, $0x1;
	_ =	strace $0x80000049;
	[dreg:$0x1] =	wrdreg $0xFFFFFFFF  }
0xa8: {  	s28 =	simm.s32 $_size_execute0_lowered;
	s4 =	sadd.s32 s4, s6;
	[dreg:$0x0] =	wrdreg $0x0  }
0xa9: {  	s6 =	sshll.u32 s28, $0x1;
	[dreg:$0x2] =	wrdreg s4  }
0xaa: {  	[dreg:$0x3] =	wrdreg s6  }
0xab: {  	[dreg:$0x4] =	wrdreg $0xC0  }
0xac: {  	_ =	task [dreg:s8], $0x5FFFF  }
0xad: {  	[dreg:$0x1] =	wrdreg $0xFFFFFFFF  }
0xae: {  	[dreg:$0x0] =	wrdreg $0x60  }
0xaf: {  	[dreg:$0x2] =	wrdreg s24  }
0xb0: {  	[dreg:$0x3] =	wrdreg s18  }
0xb1: {  	[dreg:$0x4] =	wrdreg s2  }
0xb2: {  	[dreg:$0x5] =	wrdreg $0xA5800  }
0xb3: {  	[dreg:$0x6] =	wrdreg $0x9  }
0xb4: {  	_ =	task.clear_ibuf [dreg:s8], $0x7FFFF;
	_ =	strace $0x90000049  }
0xb5: {  	s29 =	simm.s32 $0x9;
	_ =	strace $0x8000004B  }
0xb6: {  	_ =	swait.ge [sflag:s29], $0x1  }
0xb7: {  	[sflag:s29] =	ssyncadd.s32 $0xFFFFFFFF  }
0xb8: {  	_ =	strace $0x9000004B  }
0xb9: {  	_ =	sfence  }
0xba: {  	s30 =	sld [smem:$0x0];
	_ =	sdelay $0x2  }
0xbb: {  	s31 =	sshll.u32 s1, $0xD;
	s1 =	sshrl.u32 s1, $0x2  }
0xbc: {  	s3 =	sand.u32 $0x4000, s31;
	s1 =	sadd.s32 s1, s30  }
0xbd: {  	s0 =	sor.u32 s3, s0;
	s1 =	sshll.u32 s1, $0x11  }
0xbe: {  	s0 =	sor.u32 s1, s0  }
0xbf: {  	s0 =	sadd.s32 $0x8F2B, s0  }
0xc0: {  	[sflag:s0] =	ssyncadd.remote.s32 $0x1  }
0xc1: {  	_ =	sfence.sel $0xFFFF  }
0xc2: {  	[dreg:$0x0] =	wrdreg $0xFFFFFFFF;
	(pc) =	sbr.abs _section_cstart, $3  }
0xc3: {  	[dreg:$0x1] =	wrdreg $0xFFFFFFFF  }
0xc4: {  	_ =	task.clear_ibuf [dreg:s8], $0x2FFFF;
	_ =	strace $0x9FFFFFFF  }
0xc5: {  	(tm) =	ssettm $0x7FFFFFFF  }
tec
execute0_lowered:
.L_overlay_start_1:
0x0: {  	(tag) =	ssettag $0x1  }
0x1: {  	s0 =	rddreg [dreg:$0x0]  }
0x2: {  	s1 =	rddreg [dreg:$0x1]  }
0x3: {  	s3 =	rddreg [dreg:$0x3];
	s4 =	simm.s32 $0x0  }
0x4: {  	s2 =	srdreg.scid;
	s26 =	stileid.u32;
	s30 =	simm.s32 $0x1  }
0x5: {  	[smem:$0x7FF] =	sst s4;
	s6 =	sadd.s32 $0x28E00, s0;
	s12 =	sand.u32 $0x1, s2  }
0x6: {  	s7 =	sadd.s32 $0x200, s0;
	s11 =	smul.u32 $0x280, s26;
	s2 =	sadd.s32 $0x32C00, s0  }
0x7: {  	s8 =	sshll.u32 s26, $0x1;
	_ =	strace $0x8000004A;
	s5 =	ssub.s32 $0x2, s12  }
0x8: {  	s8 =	sor.u32 s12, s8;
	s12 =	smul.u32 $0x140000, s12;
	s15 =	sshrl.u32 s5, $0x1  }
0x9: {  	s9 =	sor.u32 $0x10, s11;
	s10 =	sor.u32 $0x20, s11;
	s13 =	sor.u32 $0x30, s11  }
0xa: {  	s14 =	sor.u32 $0x50, s11;
	s16 =	sor.u32 $0x60, s11;
	s17 =	sor.u32 $0x70, s11  }
0xb: {  	s18 =	sadd.s32 $0x80, s11;
	s19 =	sadd.s32 $0x90, s11;
	s20 =	sadd.s32 $0xB0, s11  }
0xc: {  	s21 =	sadd.s32 $0xC0, s11;
	s22 =	sadd.s32 $0xD0, s11;
	s23 =	sadd.s32 $0xE0, s11  }
0xd: {  	v39 =	vimm.s32 $0xFEDCBA9;
	s24 =	sadd.s32 $0x100, s11;
	s28 =	sadd.s32 $0x120, s11;
	s25 =	sadd.s32 $0x130, s11  }
0xe: {  	v0 =	vlaneseq.u32;
	v41 =	vimm.s32 $0x87654321;
	s29 =	sadd.s32 $0x170, s11;
	s31 =	sadd.s32 $0x180, s11;
	s8 =	smul.u32 $0x2710, s8  }
0xf: {  	v42 =	vor.u32 s11, v0;
	s0 =	ssub.s32 s5, s15;
	s15 =	sor.u32 $0x40, s11;
	s5 =	sadd.s32 $0xA0, s11;
	v1 =	vor.u32 s9, v0;
	v2 =	vor.u32 s10, v0  }
0x10: {  	s10 =	sadd.s32 $0xF0, s11;
	v3 =	vor.u32 s13, v0;
	v5 =	vor.u32 s16, v0;
	s16 =	sadd.s32 $0x110, s11;
	v7 =	vor.u32 s18, v0;
	s18 =	sadd.s32 $0x150, s11  }
0x11: {  	v6 =	vor.u32 s17, v0;
	v8 =	vor.u32 s19, v0;
	s19 =	sadd.s32 $0x160, s11;
	v10 =	vor.u32 s21, v0;
	s9 =	sadd.s32 $0x190, s11;
	s21 =	sadd.s32 $0x1A0, s11  }
0x12: {  	v11 =	vor.u32 s22, v0;
	v53 =	vor.u32 s23, v0;
	s22 =	sadd.s32 $0x1B0, s11;
	s23 =	sadd.s32 $0x1C0, s11;
	v57 =	vor.u32 s25, v0;
	s25 =	sadd.s32 $0x1D0, s11  }
0x13: {  	v9 =	vor.u32 s20, v0;
	v56 =	vor.u32 s28, v0;
	s13 =	sadd.s32 $0x1E0, s11;
	s28 =	sadd.s32 $0x1F0, s11;
	v60 =	vor.u32 s29, v0;
	s29 =	sadd.s32 $0x200, s11  }
0x14: {  	v54 =	vor.u32 s24, v0;
	v61 =	vor.u32 s31, v0;
	s31 =	sadd.s32 $0x210, s11;
	s24 =	sadd.s32 $0x220, s11;
	v45 =	vor.u32 s14, v0;
	s14 =	sshll.u32 s14, $0x7  }
0x15: {  	v4 =	vor.u32 s15, v0;
	s15 =	sadd.s32 $0x140, s11;
	v58 =	vor.u32 s18, v0;
	v12 =	vor.u32 s23, v0;
	s18 =	sadd.s32 $0x230, s11;
	s23 =	sadd.s32 $0x240, s11  }
0x16: {  	[tilespmem:$0x1FF60] =	vst v42;
	v42 =	vunpack.c.l.s4.s8 v39;
	v43 =	vor.u32 s25, v0;
	v44 =	vor.u32 s28, v0;
	s25 =	sadd.s32 $0x250, s11;
	s28 =	sadd.s32 $0x260, s11;
	s11 =	sadd.s32 $0x270, s11  }
0x17: {  	v55 =	vor.u32 s16, v0;
	v46 =	vor.u32 s29, v0;
	v47 =	vor.u32 s31, v0;
	s29 =	sshrl.u32 s8, $0x3;
	s31 =	smul.u32 $0x14000, s26;
	s14 =	sadd.s32 s12, s14  }
0x18: {  	v62 =	vor.u32 s21, v0;
	[tilespmem:$0x1FF90] =	vst v45;
	v48 =	vor.u32 s5, v0;
	v51 =	vor.u32 s10, v0;
	s5 =	sshll.u32 s5, $0x7;
	s10 =	sshll.u32 s10, $0x7;
	s21 =	smax.u32 s0, $0x1  }
0x19: {  	v59 =	vor.u32 s19, v0;
	v63 =	vor.u32 s22, v0;
	s0 =	simm.s32 $0x6;
	[tilespmem:$0x1FF70] =	vst v43;
	v50 =	vor.u32 s23, v0;
	s22 =	sadd.s32 s6, s29;
	s23 =	sadd.s32 s1, s29  }
0x1a: {  	v49 =	vor.u32 s24, v0;
	v35 =	vor.u32 s9, v0;
	v36 =	vor.u32 s13, v0;
	[tilespmem:$0x1FF80] =	vst v44;
	s19 =	sadd.s32 $0xA, s29;
	s14 =	sshrl.u32 s14, $0x3;
	s26 =	sshll.u32 s15, $0x7  }
0x1b: {  	v45 =	vimm.s32 $0x98765432;
	[tilespmem:$0x1FFA0] =	vst v46;
	v34 =	vor.u32 s15, v0;
	v37 =	vor.u32 s25, v0;
	s5 =	sadd.s32 s12, s5;
	s10 =	sadd.s32 s12, s10;
	[dreg:$0x5] =	wrdreg s22  }
0x1c: {  	[tilespmem:$0x1FFB0] =	vst v47;
	v38 =	vor.u32 s18, v0;
	v39 =	vor.u32 s28, v0;
	v40 =	vor.u32 s11, v0;
	s28 =	sshll.u32 s9, $0x7;
	s29 =	sshll.u32 s13, $0x7;
	[dreg:$0x6] =	wrdreg s23  }
0x1d: {  	[tilespmem:$0x1FFC0] =	vst v48;
	v43 =	vunpack.c.l.s4.s8 v41;
	v41 =	vimm.f32 $0.0e+00;
	v42 =	vunpack.c.0.s8.s32 v42;
	s20 =	sadd.s32 s31, s12;
	s24 =	sadd.s32 s6, s19;
	s19 =	sadd.s32 s1, s19  }
0x1e: {  	[tilespmem:$0x1FFD0] =	vst v49;
	v44 =	vimm.s32 $0x10FEDCBA;
	v45 =	vunpack.c.l.s4.s8 v45;
	v46 =	vimm.s32 $0x3210FEDC;
	s14 =	sadd.s32 s2, s14;
	s11 =	sadd.s32 s12, s26;
	s5 =	sshrl.u32 s5, $0x3  }
0x1f: {  	v47 =	vimm.s32 $0xFEDCBA98;
	v48 =	vimm.s32 $0xBA987654;
	v49 =	vimm.s32 $0x76543210;
	s10 =	sshrl.u32 s10, $0x3;
	s31 =	sshll.u32 s18, $0x7;
	s9 =	sadd.s32 s12, s29  }
0x20: {  	[tilespmem:$0x1FFF0] =	vst v51;
	v51 =	vor.u32 $0x60, v0;
	v44 =	vunpack.c.l.s4.s8 v44;
	v47 =	vunpack.c.l.s4.s8 v47;
	s22 =	simm.s32 $0x50;
	s23 =	simm.s32 $0x500;
	[dreg:$0x7] =	wrdreg s24  }
0x21: {  	v46 =	vunpack.c.l.s4.s8 v46;
	v48 =	vunpack.c.l.s4.s8 v48;
	v49 =	vunpack.c.l.s4.s8 v49;
	s26 =	simm.s32 $0x200;
	s25 =	sshrl.u32 s20, $0x3;
	[dreg:$0x8] =	wrdreg s19  }
0x22: {  	[dreg:$0xa] =	wrdreg s14;
	s11 =	sshrl.u32 s11, $0x3;
	v43 =	vunpack.c.0.s8.s32 v43;
	s5 =	sadd.s32 s2, s5;
	v45 =	vunpack.c.0.s8.s32 v45;
	v44 =	vunpack.c.0.s8.s32 v44  }
0x23: {  	s9 =	sshrl.u32 s9, $0x3;
	s24 =	simm.s32 $0x7;
	s16 =	sadd.s32 s2, s25;
	v47 =	vunpack.c.0.s8.s32 v47;
	v46 =	vunpack.c.0.s8.s32 v46;
	v48 =	vunpack.c.0.s8.s32 v48  }
0x24: {  	[tilespmem:$0x1FFE0] =	vst v50;
	v50 =	vor.u32 $0x50, v0;
	[dreg:$0xb] =	wrdreg s5;
	s17 =	sadd.s32 s2, s11;
	s5 =	sadd.s32 s12, s28;
	v49 =	vunpack.c.0.s8.s32 v49;
	v42 =	vcombine.low v43, v42  }
0x25: {  	[dreg:$0x9] =	wrdreg s16;
	s16 =	sadd.s32 s2, s10;
	s10 =	sadd.s32 s12, s31;
	v43 =	vcombine.low v45, v44;
	v52 =	vand.u32 $0xF, v47;
	v44 =	vcombine.low v48, v46  }
0x26: {  	s19 =	sadd.s32 s2, s9;
	s5 =	sshrl.u32 s5, $0x3;
	s10 =	sshrl.u32 s10, $0x3;
	v46 =	vor.u32 $0x10, v0;
	v47 =	vor.u32 $0x20, v0;
	v48 =	vor.u32 $0x30, v0  }
0x27: {  	[tilespmem:$0x1FF50] =	vst v12;
	s18 =	sadd.s32 s2, s5;
	s5 =	simm.s32 $0x0;
	s20 =	sadd.s32 s2, s10;
	v45 =	vcombine.low v52, v49;
	v49 =	vor.u32 $0x40, v0;
	v52 =	vor.u32 $0x70, v0  }
.LBB2_1:
0x28: {  	s2 =	simm.s32 $0x0;
	s9 =	simm.s32 $0x200  }
.LBB2_2:
0x29: {  	p0 =	sne.s32 s9, $0x9E00;
	[tilespmem:s2+$0x570] =	vst v41  }
0x2a: {  	[tilespmem:s2+$0x500] =	vst v41  }
0x2b: {  	[tilespmem:s2+$0x510] =	vst v41  }
.Ltmp0:
0x2c: {  	[tilespmem:s2+$0x520] =	vst v41;
	(pc) =	sbr.rel @p0 .LBB2_2-.Ltmp0, $4  }
0x2d: {  	[tilespmem:s2+$0x530] =	vst v41  }
0x2e: {  	[tilespmem:s2+$0x540] =	vst v41  }
0x2f: {  	[tilespmem:s2+$0x550] =	vst v41  }
0x30: {  	[tilespmem:s2+$0x560] =	vst v41;
	s2 =	sshra.s32 s9, $0x2;
	s9 =	sadd.s32 $0x200, s9  }
0x31: {  	[tilespmem:s2+$0x570] =	vst v41  }
0x32: {  	[tilespmem:s2+$0x500] =	vst v41  }
0x33: {  	[tilespmem:s2+$0x510] =	vst v41  }
0x34: {  	[tilespmem:s2+$0x520] =	vst v41  }
0x35: {  	[tilespmem:s2+$0x530] =	vst v41  }
0x36: {  	[tilespmem:s2+$0x540] =	vst v41  }
0x37: {  	[tilespmem:s2+$0x550] =	vst v41  }
0x38: {  	[tilespmem:s2+$0x560] =	vst v41;
	v12 =	vld [tilespmem:$0x1FF60]  }
0x39: {  	[tilespmem:$0x10] =	vst v1  }
0x3a: {  	[tilespmem:$0x20] =	vst v2  }
0x3b: {  	[tilespmem:$0x30] =	vst v3  }
0x3c: {  	[tilespmem:$0x40] =	vst v4  }
0x3d: {  	s2 =	simm.s32 $0x0;
	[tilespmem:$0x0] =	vst v12  }
0x3e: {  	[spmem:s3] =	stream.indirect.scatter [tilespmem:s23], [sflag:$0x7], $0x80, s2, s22, $0xb8;
	[tilespmem:$0x1E580] =	vst v63  }
0x3f: {  	_ =	swait.ge [sflag:s24], $0x2800  }
0x40: {  	[sflag:s24] =	ssyncset.done $0x0  }
0x41: {  	v12 =	vmov v1;
	v1 =	vld [tilespmem:$0x1FF90];
	[sflag:s24] =	ssyncadd.s32 $0xFFFFD800  }
0x42: {  	[tilespmem:$0x10] =	vst v5  }
0x43: {  	[tilespmem:$0x20] =	vst v6  }
0x44: {  	[tilespmem:$0x30] =	vst v7  }
0x45: {  	[tilespmem:$0x40] =	vst v8  }
0x46: {  	[tilespmem:$0x0] =	vst v1  }
0x47: {  	[spmem:s3] =	stream.indirect.scatter [tilespmem:s23], [sflag:$0x7], $0x80, s2, s22, $0xb8;
	[tilespmem:$0x1E580] =	vst v63  }
0x48: {  	_ =	swait.ge [sflag:s24], $0x2800  }
0x49: {  	[sflag:s24] =	ssyncset.done $0x0  }
0x4a: {  	v1 =	vld [tilespmem:$0x1FFC0];
	[sflag:s24] =	ssyncadd.s32 $0xFFFFD800  }
0x4b: {  	[tilespmem:$0x10] =	vst v9  }
0x4c: {  	[tilespmem:$0x20] =	vst v10  }
0x4d: {  	[tilespmem:$0x30] =	vst v11  }
0x4e: {  	[tilespmem:$0x40] =	vst v53  }
0x4f: {  	[tilespmem:$0x0] =	vst v1  }
0x50: {  	[spmem:s3] =	stream.indirect.scatter [tilespmem:s23], [sflag:$0x7], $0x80, s2, s22, $0xb8;
	[tilespmem:$0x1E580] =	vst v63  }
0x51: {  	_ =	swait.ge [sflag:s24], $0x2800  }
0x52: {  	[sflag:s24] =	ssyncset.done $0x0  }
0x53: {  	v1 =	vld [tilespmem:$0x1FFF0];
	[sflag:s24] =	ssyncadd.s32 $0xFFFFD800  }
0x54: {  	[tilespmem:$0x10] =	vst v54  }
0x55: {  	[tilespmem:$0x20] =	vst v55  }
0x56: {  	[tilespmem:$0x30] =	vst v56  }
0x57: {  	[tilespmem:$0x40] =	vst v57  }
0x58: {  	[tilespmem:$0x0] =	vst v1  }
0x59: {  	[spmem:s3] =	stream.indirect.scatter [tilespmem:s23], [sflag:$0x7], $0x80, s2, s22, $0xb8;
	[tilespmem:$0x1E580] =	vst v63  }
0x5a: {  	_ =	swait.ge [sflag:s24], $0x2800  }
0x5b: {  	[sflag:s24] =	ssyncset.done $0x0  }
0x5c: {  	[sflag:s24] =	ssyncadd.s32 $0xFFFFD800  }
0x5d: {  	[tilespmem:$0x0] =	vst v34  }
0x5e: {  	[tilespmem:$0x10] =	vst v58  }
0x5f: {  	[tilespmem:$0x20] =	vst v59  }
0x60: {  	[tilespmem:$0x30] =	vst v60  }
0x61: {  	[tilespmem:$0x40] =	vst v61  }
0x62: {  	[spmem:s3] =	stream.indirect.scatter [tilespmem:s23], [sflag:$0x7], $0x80, s2, s22, $0xb8;
	[tilespmem:$0x1E580] =	vst v63  }
0x63: {  	_ =	swait.ge [sflag:s24], $0x2800  }
0x64: {  	v1 =	vld [tilespmem:$0x1FF50];
	_ =	sdelay $0x2  }
0x65: {  	[sflag:s24] =	ssyncset.done $0x0  }
0x66: {  	[sflag:s24] =	ssyncadd.s32 $0xFFFFD800  }
0x67: {  	[tilespmem:$0x30] =	vst v1;
	v1 =	vld [tilespmem:$0x1FF70];
	_ =	sdelay $0x1  }
0x68: {  	[tilespmem:$0x0] =	vst v35  }
0x69: {  	[tilespmem:$0x10] =	vst v62  }
0x6a: {  	[tilespmem:$0x20] =	vst v63  }
0x6b: {  	[tilespmem:$0x40] =	vst v1  }
0x6c: {  	[spmem:s3] =	stream.indirect.scatter [tilespmem:s23], [sflag:$0x7], $0x80, s2, s22, $0xb8;
	[tilespmem:$0x1E580] =	vst v63  }
0x6d: {  	_ =	swait.ge [sflag:s24], $0x2800  }
0x6e: {  	v1 =	vld [tilespmem:$0x1FF80];
	_ =	sdelay $0x2  }
0x6f: {  	[sflag:s24] =	ssyncset.done $0x0  }
0x70: {  	[sflag:s24] =	ssyncadd.s32 $0xFFFFD800  }
0x71: {  	[tilespmem:$0x10] =	vst v1;
	v1 =	vld [tilespmem:$0x1FFA0];
	_ =	sdelay $0x4  }
0x72: {  	[tilespmem:$0x20] =	vst v1;
	v1 =	vld [tilespmem:$0x1FFB0];
	_ =	sdelay $0x4  }
0x73: {  	[tilespmem:$0x30] =	vst v1;
	v1 =	vld [tilespmem:$0x1FFD0];
	_ =	sdelay $0x3  }
0x74: {  	[tilespmem:$0x0] =	vst v36  }
0x75: {  	[tilespmem:$0x40] =	vst v1  }
0x76: {  	[spmem:s3] =	stream.indirect.scatter [tilespmem:s23], [sflag:$0x7], $0x80, s2, s22, $0xb8;
	[tilespmem:$0x1E580] =	vst v63  }
0x77: {  	_ =	swait.ge [sflag:s24], $0x2800  }
0x78: {  	[sflag:s24] =	ssyncset.done $0x0  }
0x79: {  	v1 =	vld [tilespmem:$0x1FFE0];
	[sflag:s24] =	ssyncadd.s32 $0xFFFFD800  }
0x7a: {  	[tilespmem:$0x0] =	vst v38  }
0x7b: {  	[tilespmem:$0x20] =	vst v37  }
0x7c: {  	[tilespmem:$0x30] =	vst v39  }
0x7d: {  	[tilespmem:$0x40] =	vst v40  }
0x7e: {  	[tilespmem:$0x10] =	vst v1  }
0x7f: {  	[spmem:s3] =	stream.indirect.scatter [tilespmem:s23], [sflag:$0x7], $0x80, s2, s22, $0xb8;
	[tilespmem:$0x1E580] =	vst v63  }
0x80: {  	_ =	swait.ge [sflag:s24], $0x2800  }
0x81: {  	[sflag:s24] =	ssyncset.done $0x0  }
0x82: {  	[sflag:s24] =	ssyncadd.s32 $0xFFFFD800  }
0x83: {  	s10 =	simm.s32 $0xA500;
	s9 =	rddreg [dreg:$0x2]  }
0x84: {  	[tilespmem:s10], [sflag:$0x7] =	stream.linear.gather [hbm4b:s9+s2], $0x80, $0x38;
	[tilespmem:$0x1E580] =	vst v63  }
0x85: {  	_ =	swait.ge [sflag:s24], $0x80  }
0x86: {  	[sflag:s24] =	ssyncset.done $0x0  }
0x87: {  	[sflag:s24] =	ssyncadd.s32 $0xFFFFFF80  }
0x88: {  	[bflag:$0x0] =	sbarrier.arrive $0xFFFF  }
0x89: {  	s13 =	rddreg [dreg:$0x5]  }
0x8a: {  	[tilespmem:s2], [sflag:$0x1] =	stream.linear.gather [hbm4b:s13+s2], $0x50, $0x38;
	[tilespmem:$0x1E580] =	vst v63  }
0x8b: {  	s14 =	rddreg [dreg:$0x6]  }
0x8c: {  	[tilespmem:s26], [sflag:$0x1] =	stream.linear.gather [hbm4b:s14+s2], $0x50, $0x38;
	[tilespmem:$0x1E580] =	vst v63  }
0x8d: {  	s25 =	simm.s32 $0x80;
	s15 =	rddreg [dreg:$0x7]  }
0x8e: {  	[tilespmem:s25], [sflag:$0x2] =	stream.linear.gather [hbm4b:s15+s2], $0x50, $0x38;
	[tilespmem:$0x1E580] =	vst v63  }
0x8f: {  	s29 =	simm.s32 $0x280;
	s28 =	rddreg [dreg:$0x8]  }
0x90: {  	[tilespmem:s29], [sflag:$0x2] =	stream.linear.gather [hbm4b:s28+s2], $0x50, $0x38;
	[tilespmem:$0x1E580] =	vst v63  }
0x91: {  	_ =	swait.ge [sflag:s30], $0x50  }
0x92: {  	[sflag:s30] =	ssyncset.done $0x0  }
0x93: {  	[sflag:s30] =	ssyncadd.s32 $0xFFFFFFB0  }
0x94: {  	_ =	swait.ge [sflag:s30], $0x50  }
0x95: {  	v13 =	vmov v2;
	[sflag:s30] =	ssyncset.done $0x0  }
0x96: {  	v14 =	vmovc v3;
	v15 =	vmovc v4;
	v16 =	vmov v5;
	v17 =	vmov v6;
	v18 =	vmov v7;
	[sflag:s30] =	ssyncadd.s32 $0xFFFFFFB0  }
0x97: {  	v19 =	vmovc v8;
	v20 =	vmovc v9;
	v21 =	vmov v10;
	v22 =	vmov v11;
	v23 =	vmov v53;
	[tilespmem:s23], [sflag:$0x4] =	stream.indirect.gather [hbm4b:s7+s22], $0x80, s2, s22, $0xb8;
	[tilespmem:$0x1E580] =	vst v63  }
0x98: {  	v24 =	vmovc v54;
	v25 =	vmovc v55;
	v26 =	vmov v56;
	v27 =	vmov v57;
	v28 =	vmov v58;
	s31 =	simm.s32 $0x5500;
	p0 =	por $0x0, $0x0;
	s25 =	simm.s32 $0x0  }
0x99: {  	v29 =	vmovc v59;
	v30 =	vmovc v60;
	v31 =	vmov v61;
	v32 =	vmov v62;
	v33 =	vmov v63;
	[tilespmem:s31], [sflag:$0x4] =	stream.indirect.gather [hbm4b:s7+s22], $0x80, s26, s22, $0xb8;
	[tilespmem:$0x1E580] =	vst v63  }
.LBB2_4:
0x9a: {  	s9 =	smov.u32 s25  }
0x9b: {  	s25 =	sadd.s32 $0x1, s25;
	p1 =	seq.s32 s9, $0x7C  }
0x9c: {  	s10 =	smul.u32 @!p1 $0xAB, s25;
	_ =	sdelay $0x1  }
0x9d: {  	s10 =	sshrl.u32 @!p1 s10, $0x9  }
0x9e: {  	s10 =	sand.u32 @!p1 $0x7F, s10  }
0x9f: {  	s10 =	smul.u32 @!p1 $0x3, s10;
	_ =	sdelay $0x1  }
0xa0: {  	s10 =	ssub.s32 @!p1 s25, s10  }
0xa1: {  	s10 =	sand.u32 @!p1 $0xFF, s10  }
0xa2: {  	s11 =	sadd.s32 @!p1 $0x1, s10  }
0xa3: {  	_ =	swait.ge @!p1 [sflag:s11], $0x50  }
0xa4: {  	[sflag:s11] =	ssyncset.done @!p1 $0x0  }
0xa5: {  	s12 =	sand.u32 @!p1 $0x1, s25;
	s14 =	simm.s32 @!p1 $0x50;
	[sflag:s11] =	ssyncadd.s32 @!p1 $0xFFFFFFB0  }
0xa6: {  	p2 =	sgt.u32 @!p1 s9, $0x7A;
	s13 =	smul.u32 @!p1 $0x2800, s12;
	_ =	swait.ge @!p1 [sflag:s11], $0x50  }
0xa7: {  	s12 =	sor.u32 @!p1 $0x4, s12;
	p2 =	por p2, p1;
	[sflag:s11] =	ssyncset.done @!p1 $0x0  }
0xa8: {  	s10 =	sshll.u32 @!p1 s10, $0x7;
	[sflag:s11] =	ssyncadd.s32 @!p1 $0xFFFFFFB0;
	s11 =	sor.u32 @!p1 $0x500, s13  }
0xa9: {  	[tilespmem:s11], [sflag:s12] =	stream.indirect.gather @!p1 [hbm4b:s7+s14], $0x80, s10, s14, $0xb8;
	[tilespmem:$0x1E580] =	vst v63  }
0xaa: {  	s11 =	sadd.s32 @!p2 $0x2, s9  }
0xab: {  	s13 =	sadd.s32 @!p1 $0x5500, s13;
	s10 =	sor.u32 @!p1 $0x200, s10;
	s28 =	smul.u32 @!p2 $0xAB, s11  }
0xac: {  	[tilespmem:s13], [sflag:s12] =	stream.indirect.gather @!p1 [hbm4b:s7+s14], $0x80, s10, s14, $0xb8;
	[tilespmem:$0x1E580] =	vst v63  }
0xad: {  	s10 =	sshrl.u32 @!p2 s28, $0x9  }
0xae: {  	s12 =	smul.u32 @!p2 $0x50, s11;
	s10 =	sand.u32 @!p2 $0x7F, s10  }
0xaf: {  	s10 =	smul.u32 @!p2 $0x3, s10;
	_ =	sdelay $0x1  }
0xb0: {  	s14 =	simm.s32 @!p2 $0x0;
	s10 =	ssub.s32 @!p2 s11, s10;
	s11 =	sadd.s32 @!p2 s8, s12  }
0xb1: {  	s28 =	sand.u32 $0x1, s9;
	s10 =	sand.u32 @!p2 $0xFF, s10;
	s11 =	sshrl.u32 @!p2 s11, $0x3  }
0xb2: {  	s12 =	sadd.s32 @!p2 $0x1, s10;
	s10 =	sshll.u32 @!p2 s10, $0x7;
	s13 =	sadd.s32 @!p2 s6, s11  }
0xb3: {  	[tilespmem:s10], [sflag:s12] =	stream.linear.gather @!p2 [hbm4b:s13+s14], $0x50, $0x38;
	[tilespmem:$0x1E580] =	vst v63  }
0xb4: {  	s11 =	sadd.s32 @!p2 s1, s11;
	s10 =	sor.u32 @!p2 $0x200, s10;
	s13 =	sor.u32 $0x4, s28  }
0xb5: {  	[tilespmem:s10], [sflag:s12] =	stream.linear.gather @!p2 [hbm4b:s11+s14], $0x50, $0x38;
	[tilespmem:$0x1E580] =	vst v63  }
0xb6: {  	s11 =	simm.s32 $0x1;
	_ =	swait.ge [sflag:s13], $0x2800  }
0xb7: {  	s11 =	simm.s32 @!p0 $0x0;
	[sflag:s13] =	ssyncset.done $0x0  }
0xb8: {  	s11 =	smul.u32 $0xA000, s11;
	[sflag:s13] =	ssyncadd.s32 $0xFFFFD800  }
0xb9: {  	_ =	swait.ge [sflag:s13], $0x2800  }
0xba: {  	s11 =	sshrl.u32 s11, $0x2;
	[sflag:s13] =	ssyncset.done $0x0  }
0xbb: {  	s29 =	sadd.s32 $0x5540, s11;
	[sflag:s13] =	ssyncadd.s32 $0xFFFFD800  }
0xbc: {  	v53 =	vld [tilespmem:s29+$0x0]  }
0xbd: {  	v54 =	vld [tilespmem:s29+$0x10]  }
0xbe: {  	v55 =	vld [tilespmem:s29+$0xFFFFFFD0]  }
0xbf: {  	s31 =	sor.u32 $0x540, s11;
	v56 =	vld [tilespmem:s29+$0xFFFFFFC0]  }
0xc0: {  	v57 =	vld [tilespmem:s31+$0xFFFFFFD0]  }
0xc1: {  	v58 =	vld [tilespmem:s31+$0xFFFFFFC0]  }
0xc2: {  	v59 =	vld [tilespmem:s29+$0xFFFFFFF0]  }
0xc3: {  	v60 =	vld [tilespmem:s29+$0xFFFFFFE0]  }
0xc4: {  	v61 =	vld [tilespmem:s31+$0xFFFFFFE0]  }
0xc5: {  	v62 =	vld [tilespmem:s31+$0x10]  }
0xc6: {  	v63 =	vld [tilespmem:s31+$0xFFFFFFF0];
	v56 =	vadd.f32 v56, v58;
	v55 =	vadd.f32 v55, v57  }
0xc7: {  	v1 =	vld [tilespmem:$0xA500]  }
0xc8: {  	v4 =	vld [tilespmem:$0xA510];
	v2 =	vmin.f32 v56, $0.0e+00;
	v3 =	vmin.f32 v55, $0.0e+00  }
0xc9: {  	v5 =	vld [tilespmem:s31+$0x0];
	v60 =	vadd.f32 v60, v61;
	v2 =	vmul.f32 $2.000000030e-01, v2;
	v3 =	vmul.f32 $2.000000030e-01, v3  }
0xca: {  	v6 =	vld [tilespmem:s29+$0x20];
	v54 =	vadd.f32 v54, v62;
	v56 =	vmax.f32 v56, $0.0e+00;
	v55 =	vmax.f32 v55, $0.0e+00  }
0xcb: {  	v8 =	vld [tilespmem:$0xA520];
	v7 =	vmin.f32 v60, $0.0e+00;
	v2 =	vadd.f32 v2, v56;
	v3 =	vadd.f32 v3, v55  }
0xcc: {  	v9 =	vld [tilespmem:s31+$0x30];
	v10 =	vmax.f32 v60, $0.0e+00;
	v7 =	vmul.f32 $2.000000030e-01, v7;
	v56 =	vadd.f32 v59, v63  }
0xcd: {  	v60 =	vmin.f32 v54, $0.0e+00;
	v3 =	vmul.f32 v3, v4;
	v1 =	vmul.f32 v2, v1;
	v2 =	vld [tilespmem:s31+$0x20]  }
0xce: {  	v55 =	vld [tilespmem:$0xA530];
	v4 =	vadd.f32 v7, v10;
	v7 =	vadd.f32 v53, v5;
	v11 =	vmin.f32 v56, $0.0e+00  }
0xcf: {  	v54 =	vmax.f32 v54, $0.0e+00;
	v59 =	vld [tilespmem:s29+$0x30];
	v53 =	vmul.f32 $2.000000030e-01, v11;
	v1 =	vadd.f32 $0.0e+00, v1  }
0xd0: {  	v10 =	vld [tilespmem:$0xA540];
	v56 =	vmax.f32 v56, $0.0e+00;
	v4 =	vmul.f32 v4, v8;
	v8 =	vmin.f32 v7, $0.0e+00  }
0xd1: {  	v11 =	vld [tilespmem:$0xA550];
	v8 =	vmul.f32 $2.000000030e-01, v8;
	v1 =	vadd.f32 v3, v1;
	v3 =	vadd.f32 v53, v56  }
0xd2: {  	v7 =	vmax.f32 v7, $0.0e+00;
	v56 =	vmul.f32 $2.000000030e-01, v60;
	v6 =	vadd.f32 v6, v2  }
0xd3: {  	v7 =	vadd.f32 v8, v7;
	v1 =	vadd.f32 v4, v1;
	v3 =	vmul.f32 v3, v55  }
0xd4: {  	v59 =	vadd.f32 v59, v9;
	v53 =	vld [tilespmem:$0xA560];
	v4 =	vadd.f32 v56, v54;
	v60 =	vmin.f32 v6, $0.0e+00  }
0xd5: {  	v7 =	vmul.f32 v7, v10;
	v1 =	vadd.f32 v3, v1;
	v3 =	vmul.f32 $2.000000030e-01, v60  }
0xd6: {  	v55 =	vld [tilespmem:$0xA570];
	v6 =	vmax.f32 v6, $0.0e+00;
	v4 =	vmul.f32 v4, v11;
	v60 =	vmin.f32 v59, $0.0e+00  }
0xd7: {  	v56 =	vmul.f32 $2.000000030e-01, v60;
	v1 =	vadd.f32 v7, v1;
	v3 =	vadd.f32 v3, v6  }
0xd8: {  	v59 =	vmax.f32 v59, $0.0e+00  }
0xd9: {  	v60 =	vadd.f32 v56, v59;
	v1 =	vadd.f32 v4, v1;
	v3 =	vmul.f32 v3, v53;
	_ =	sdelay $0x1  }
0xda: {  	v1 =	vadd.f32 v3, v1;
	v3 =	vmul.f32 v60, v55;
	_ =	sdelay $0x1  }
0xdb: {  	v1 =	vadd.f32 v3, v1;
	_ =	sdelay $0x1  }
0xdc: {  	v3 =	vperm.xlane v1, v42;
	_ =	sdelay $0x1  }
0xdd: {  	v1 =	vadd.f32 v1, v3;
	_ =	sdelay $0x1  }
0xde: {  	v3 =	vperm.xlane v1, v43;
	_ =	sdelay $0x1  }
0xdf: {  	v1 =	vadd.f32 v1, v3;
	_ =	sdelay $0x1  }
0xe0: {  	v3 =	vperm.xlane v1, v44;
	_ =	sdelay $0x1  }
0xe1: {  	v1 =	vadd.f32 v1, v3;
	_ =	sdelay $0x1  }
0xe2: {  	v3 =	vperm.xlane v1, v45;
	_ =	sdelay $0x1  }
0xe3: {  	v1 =	vadd.f32 v1, v3;
	_ =	sdelay $0x1  }
0xe4: {  	v1 =	vmul.f32 $1.442695020e+00, v1;
	_ =	sdelay $0x1  }
0xe5: {  	(erf) = vpow2.f32 v1;
	_ =	sdelay $0x4  }
0xe6: {  	s14 =	smul.u32 $0xAB, s9;
	_ =	sdelay $0x1  }
0xe7: {  	s10 =	sshrl.u32 s14, $0x9  }
0xe8: {  	s10 =	sand.u32 $0x7F, s10  }
0xe9: {  	s10 =	smul.u32 $0x3, s10;
	v60 =	vpop (erf)  }
0xea: {  	v1 =	vmul.f32 v60, v58  }
0xeb: {  	s9 =	ssub.s32 s9, s10;
	v3 =	vmul.f32 v60, v61  }
0xec: {  	s9 =	sand.u32 $0xFF, s9;
	[tilespmem:s31+$0xFFFFFFC0] =	vst v1;
	v1 =	vmul.f32 v60, v2  }
0xed: {  	s10 =	sshll.u32 s9, $0x7;
	v2 =	vmul.f32 v60, v63;
	[tilespmem:s31+$0xFFFFFFE0] =	vst v3  }
0xee: {  	s9 =	sadd.s32 $0x200, s10;
	v3 =	vmul.f32 v60, v9;
	[tilespmem:s31+$0x20] =	vst v1  }
0xef: {  	v53 =	vmov s9;
	v1 =	vmul.f32 v60, v57;
	[tilespmem:s31+$0xFFFFFFF0] =	vst v2  }
0xf0: {  	v2 =	vmul.f32 v60, v62;
	[tilespmem:s31+$0x30] =	vst v3  }
0xf1: {  	v3 =	vmul.f32 v60, v5;
	[tilespmem:s31+$0xFFFFFFD0] =	vst v1  }
0xf2: {  	[tilespmem:s31+$0x10] =	vst v2  }
0xf3: {  	s15 =	sand.u32 $0x70, s2;
	s14 =	simm.s32 $0x1;
	[tilespmem:s31+$0x0] =	vst v3  }
0xf4: {  	s11 =	smul.u32 $0x2800, s28;
	s13 =	simm.s32 $0x0;
	s12 =	smov.u32 s29;
	v54 =	vld.idx.msk [tilespmem:v53+s15+$0x0 ss:$0x1], $0xffff  }
.LBB2_5:
0xf5: {  	_ =	sdelay $0x1  }
0xf6: {  	p1 =	sne.s32 s14, $0x4F;
	s31 =	sadd.s32 $0x80, s31;
	s29 =	sadd.s32 $0x80, s29  }
0xf7: {  	s15 =	smov.u32 s14;
	s14 =	sadd.s32 $0x1, s14  }
0xf8: {  	v1 =	vshra.s32 v54, $0x1F  }
0xf9: {  	v1 =	vshrl.u32 v1, $0x19  }
0xfa: {  	v1 =	vadd.s32 v1, v54  }
0xfb: {  	v1 =	vand.u32 $0xFFFFFF80, v1  }
0xfc: {  	v2 =	vmov s13;
	s13 =	smov.u32 s15;
	v1 =	vsub.s32 v54, v1  }
0xfd: {  	v1 =	vperm.xlane v1, v2;
	_ =	sdelay $0x1  }
0xfe: {  	vm0 =	veq.s32 v1, v46;
	vm1 =	veq.s32 v1, v49;
	vm2 =	veq.s32 v1, v50  }
0xff: {  	v2 =	vnsel vm0, $0x0, v60;
	v3 =	vnsel vm1, $0x0, v60;
	v4 =	vnsel vm2, $0x0, v60  }
0x100: {  	vm0 =	veq.s32 v1, v0;
	vm1 =	veq.s32 v1, v47;
	vm2 =	veq.s32 v1, v51;
	[tilespmem:s12+$0x0] =	vst v3  }
0x101: {  	v3 =	vnsel vm0, $0x0, v60;
	vm0 =	veq.s32 v1, v48;
	[tilespmem:s12+$0x10] =	vst v4;
	v4 =	vnsel vm2, $0x0, v60  }
0x102: {  	v5 =	vnsel vm0, $0x0, v60;
	vm0 =	veq.s32 v1, v52;
	[tilespmem:s12+$0xFFFFFFD0] =	vst v2;
	v2 =	vnsel vm1, $0x0, v60  }
0x103: {  	v1 =	vnsel vm0, $0x0, v60;
	[tilespmem:s12+$0xFFFFFFC0] =	vst v3  }
0x104: {  	v3 =	vld [tilespmem:s29+$0x0];
	[tilespmem:s12+$0x20] =	vst v4  }
0x105: {  	v4 =	vld [tilespmem:s29+$0x10];
	[tilespmem:s12+$0xFFFFFFE0] =	vst v2  }
0x106: {  	v2 =	vld [tilespmem:s29+$0xFFFFFFD0];
	[tilespmem:s12+$0xFFFFFFF0] =	vst v5  }
0x107: {  	v5 =	vld [tilespmem:s29+$0xFFFFFFC0];
	[tilespmem:s12+$0x30] =	vst v1;
	s12 =	smov.u32 s29  }
0x108: {  	v1 =	vld [tilespmem:s29+$0x20]  }
0x109: {  	v6 =	vld [tilespmem:s29+$0xFFFFFFF0]  }
0x10a: {  	v55 =	vld [tilespmem:s31+$0xFFFFFFD0]  }
0x10b: {  	v56 =	vld [tilespmem:s31+$0xFFFFFFC0]  }
0x10c: {  	v7 =	vld [tilespmem:s29+$0xFFFFFFE0]  }
0x10d: {  	v57 =	vld [tilespmem:s31+$0xFFFFFFE0]  }
0x10e: {  	v54 =	vld [tilespmem:s31+$0x10]  }
0x10f: {  	v59 =	vld [tilespmem:s31+$0xFFFFFFF0]  }
0x110: {  	v2 =	vadd.f32 v2, v55;
	v5 =	vadd.f32 v5, v56;
	v8 =	vld [tilespmem:$0xA500]  }
0x111: {  	v58 =	vld [tilespmem:s31+$0x0]  }
0x112: {  	v10 =	vmin.f32 v2, $0.0e+00;
	v9 =	vmin.f32 v5, $0.0e+00;
	v11 =	vld [tilespmem:$0xA510];
	v7 =	vadd.f32 v7, v57  }
0x113: {  	v10 =	vmul.f32 $2.000000030e-01, v10;
	v9 =	vmul.f32 $2.000000030e-01, v9;
	v4 =	vadd.f32 v4, v54  }
0x114: {  	v2 =	vmax.f32 v2, $0.0e+00;
	v5 =	vmax.f32 v5, $0.0e+00;
	v60 =	vmin.f32 v7, $0.0e+00;
	v61 =	vld [tilespmem:$0xA520]  }
0x115: {  	v2 =	vadd.f32 v10, v2;
	v5 =	vadd.f32 v9, v5;
	v9 =	vmul.f32 $2.000000030e-01, v60  }
0x116: {  	v7 =	vmax.f32 v7, $0.0e+00;
	v6 =	vadd.f32 v6, v59;
	v10 =	vmin.f32 v4, $0.0e+00;
	v60 =	vld [tilespmem:s29+$0x30]  }
0x117: {  	v3 =	vadd.f32 v3, v58;
	v2 =	vmul.f32 v2, v11;
	v7 =	vadd.f32 v9, v7;
	v9 =	vld [tilespmem:$0xA540]  }
0x118: {  	v4 =	vmax.f32 v4, $0.0e+00;
	v5 =	vmul.f32 v5, v8;
	v8 =	vmul.f32 $2.000000030e-01, v10;
	v10 =	vld [tilespmem:s31+$0x20]  }
0x119: {  	v11 =	vmin.f32 v6, $0.0e+00;
	v62 =	vmin.f32 v3, $0.0e+00;
	v7 =	vmul.f32 v7, v61;
	v61 =	vld [tilespmem:$0xA530]  }
0x11a: {  	v11 =	vmul.f32 $2.000000030e-01, v11;
	v5 =	vadd.f32 $0.0e+00, v5;
	v4 =	vadd.f32 v8, v4;
	v8 =	vld [tilespmem:s31+$0x30]  }
0x11b: {  	v6 =	vmax.f32 v6, $0.0e+00;
	v62 =	vmul.f32 $2.000000030e-01, v62;
	v63 =	vld [tilespmem:$0xA550]  }
0x11c: {  	v3 =	vmax.f32 v3, $0.0e+00;
	v2 =	vadd.f32 v2, v5;
	v5 =	vadd.f32 v11, v6  }
0x11d: {  	v3 =	vadd.f32 v62, v3;
	v1 =	vadd.f32 v1, v10  }
0x11e: {  	v2 =	vadd.f32 v7, v2;
	v5 =	vmul.f32 v5, v61  }
0x11f: {  	v3 =	vmul.f32 v3, v9;
	v6 =	vmin.f32 v1, $0.0e+00;
	v7 =	vld [tilespmem:$0xA560];
	v9 =	vadd.f32 v60, v8  }
0x120: {  	v2 =	vadd.f32 v5, v2;
	v4 =	vmul.f32 v4, v63;
	v5 =	vmul.f32 $2.000000030e-01, v6  }
0x121: {  	v1 =	vmax.f32 v1, $0.0e+00;
	v6 =	vmax.f32 v9, $0.0e+00;
	v9 =	vmin.f32 v9, $0.0e+00;
	v11 =	vld [tilespmem:$0xA570]  }
0x122: {  	v2 =	vadd.f32 v3, v2;
	v1 =	vadd.f32 v5, v1;
	v3 =	vmul.f32 $2.000000030e-01, v9;
	_ =	sdelay $0x1  }
0x123: {  	v2 =	vadd.f32 v4, v2;
	v1 =	vmul.f32 v1, v7;
	v3 =	vadd.f32 v3, v6;
	_ =	sdelay $0x1  }
0x124: {  	v1 =	vadd.f32 v1, v2;
	v2 =	vmul.f32 v3, v11;
	_ =	sdelay $0x1  }
0x125: {  	v1 =	vadd.f32 v2, v1;
	_ =	sdelay $0x1  }
0x126: {  	v2 =	vperm.xlane v1, v42;
	_ =	sdelay $0x1  }
0x127: {  	v1 =	vadd.f32 v1, v2;
	_ =	sdelay $0x1  }
0x128: {  	v2 =	vperm.xlane v1, v43;
	_ =	sdelay $0x1  }
0x129: {  	v1 =	vadd.f32 v1, v2;
	_ =	sdelay $0x1  }
0x12a: {  	v2 =	vperm.xlane v1, v44;
	_ =	sdelay $0x1  }
0x12b: {  	v1 =	vadd.f32 v1, v2;
	_ =	sdelay $0x1  }
0x12c: {  	v2 =	vperm.xlane v1, v45;
	_ =	sdelay $0x1  }
0x12d: {  	v1 =	vadd.f32 v1, v2;
	_ =	sdelay $0x1  }
0x12e: {  	v1 =	vmul.f32 $1.442695020e+00, v1;
	_ =	sdelay $0x1  }
0x12f: {  	(erf) = vpow2.f32 v1;
	_ =	sdelay $0x8  }
0x130: {  	v60 =	vpop (erf)  }
0x131: {  	v1 =	vmul.f32 v60, v56;
	v2 =	vmul.f32 v60, v55  }
0x132: {  	v3 =	vmul.f32 v60, v57;
	v4 =	vmul.f32 v60, v59  }
0x133: {  	v5 =	vmul.f32 v60, v8;
	[tilespmem:s31+$0xFFFFFFC0] =	vst v1;
	v1 =	vmul.f32 v60, v10  }
0x134: {  	v6 =	vmul.f32 v60, v54;
	[tilespmem:s31+$0xFFFFFFE0] =	vst v3;
	v3 =	vmul.f32 v60, v58  }
0x135: {  	[tilespmem:s31+$0x20] =	vst v1  }
0x136: {  	[tilespmem:s31+$0xFFFFFFF0] =	vst v4  }
0x137: {  	[tilespmem:s31+$0x30] =	vst v5  }
.Ltmp1:
0x138: {  	[tilespmem:s31+$0xFFFFFFD0] =	vst v2;
	(pc) =	sbr.rel @p1 .LBB2_5-.Ltmp1, $3  }
0x139: {  	[tilespmem:s31+$0x10] =	vst v6;
	_ =	sdelay $0x1  }
0x13a: {  	s15 =	sand.u32 $0x70, s13;
	[tilespmem:s31+$0x0] =	vst v3  }
0x13b: {  	v54 =	vld.idx.msk [tilespmem:v53+s15+$0x0 ss:$0x1], $0xffff  }
0x13c: {  	_ =	sdelay $0x3  }
0x13d: {  	v1 =	vshra.s32 v54, $0x1F  }
0x13e: {  	v1 =	vshrl.u32 v1, $0x19  }
0x13f: {  	v1 =	vadd.s32 v1, v54  }
0x140: {  	v1 =	vand.u32 $0xFFFFFF80, v1  }
0x141: {  	v2 =	vmov s13;
	v1 =	vsub.s32 v54, v1  }
0x142: {  	v1 =	vperm.xlane v1, v2;
	_ =	sdelay $0x1  }
0x143: {  	vm0 =	veq.s32 v1, v49;
	vm1 =	veq.s32 v1, v50  }
0x144: {  	vm10 =	veq.s32 v1, v46;
	vm11 =	veq.s32 v1, v0;
	v2 =	vnsel vm0, $0x0, v60  }
0x145: {  	vm12 =	veq.s32 v1, v51;
	vm15 =	veq.s32 v1, v52;
	v3 =	vnsel vm1, $0x0, v60;
	[tilespmem:s12+$0x0] =	vst v2  }
0x146: {  	vm13 =	veq.s32 v1, v47;
	vm14 =	veq.s32 v1, v48;
	v1 =	vnsel vm15, $0x0, v60;
	[tilespmem:s12+$0x10] =	vst v3  }
0x147: {  	v2 =	vnsel vm10, $0x0, v60;
	[tilespmem:s12+$0x30] =	vst v1  }
0x148: {  	v3 =	vnsel vm11, $0x0, v60;
	[tilespmem:s12+$0xFFFFFFD0] =	vst v2  }
0x149: {  	v2 =	vnsel vm12, $0x0, v60;
	[tilespmem:s12+$0xFFFFFFC0] =	vst v3  }
0x14a: {  	v3 =	vnsel vm13, $0x0, v60;
	[tilespmem:s12+$0x20] =	vst v2  }
0x14b: {  	v2 =	vnsel vm14, $0x0, v60;
	[tilespmem:s12+$0xFFFFFFE0] =	vst v3  }
0x14c: {  	[tilespmem:s12+$0xFFFFFFF0] =	vst v2  }
0x14d: {  	v1 =	vld [tilespmem:s10+$0x200];
	_ =	sdelay $0x4  }
0x14e: {  	v2 =	vshra.s32 v1, $0x1F  }
0x14f: {  	v2 =	vshrl.u32 v2, $0x19  }
0x150: {  	v1 =	vadd.s32 v2, v1  }
0x151: {  	v1 =	vshra.s32 v1, $0x7  }
0x152: {  	s15 =	sshll.u32 s28, $0x7;
	v1 =	vadd.s32 $0x2710, v1  }
0x153: {  	[tilespmem:s15+$0x400] =	vst v1  }
0x154: {  	v1 =	vld [tilespmem:s10+$0x210];
	_ =	sdelay $0x4  }
0x155: {  	v2 =	vshra.s32 v1, $0x1F  }
0x156: {  	v2 =	vshrl.u32 v2, $0x19  }
0x157: {  	v1 =	vadd.s32 v2, v1  }
0x158: {  	v1 =	vshra.s32 v1, $0x7  }
0x159: {  	v1 =	vadd.s32 $0x2710, v1  }
0x15a: {  	[tilespmem:s15+$0x410] =	vst v1  }
0x15b: {  	v1 =	vld [tilespmem:s10+$0x220];
	_ =	sdelay $0x4  }
0x15c: {  	v2 =	vshra.s32 v1, $0x1F  }
0x15d: {  	v2 =	vshrl.u32 v2, $0x19  }
0x15e: {  	v1 =	vadd.s32 v2, v1  }
0x15f: {  	v1 =	vshra.s32 v1, $0x7  }
0x160: {  	v1 =	vadd.s32 $0x2710, v1  }
0x161: {  	[tilespmem:s15+$0x420] =	vst v1  }
0x162: {  	v1 =	vld [tilespmem:s10+$0x230];
	_ =	sdelay $0x4  }
0x163: {  	v2 =	vshra.s32 v1, $0x1F  }
0x164: {  	v2 =	vshrl.u32 v2, $0x19  }
0x165: {  	v1 =	vadd.s32 v2, v1  }
0x166: {  	v1 =	vshra.s32 v1, $0x7  }
0x167: {  	v1 =	vadd.s32 $0x2710, v1  }
0x168: {  	[tilespmem:s15+$0x430] =	vst v1  }
0x169: {  	v1 =	vld [tilespmem:s10+$0x240];
	_ =	sdelay $0x4  }
0x16a: {  	v2 =	vshra.s32 v1, $0x1F  }
0x16b: {  	v2 =	vshrl.u32 v2, $0x19  }
0x16c: {  	v1 =	vadd.s32 v2, v1  }
0x16d: {  	v1 =	vshra.s32 v1, $0x7  }
0x16e: {  	v1 =	vadd.s32 $0x2710, v1  }
0x16f: {  	s28 =	sadd.s32 $0x500, s11;
	[tilespmem:s15+$0x440] =	vst v1  }
0x170: {  	[spmem:s3] =	stream.indirect.scatter.add.f32 [tilespmem:s28], [sflag:$0x7], $0x80, s9, s22, $0xb8;
	[tilespmem:$0x1E580] =	vst v63  }
0x171: {  	_ =	swait.ge [sflag:s24], $0x2800  }
0x172: {  	s29 =	sadd.s32 $0x5500, s11;
	p1 =	sne.s32 s25, $0x7D;
	[sflag:s24] =	ssyncset.done $0x0  }
.Ltmp2:
0x173: {  	s31 =	sor.u32 $0x400, s15;
	[sflag:s24] =	ssyncadd.s32 $0xFFFFD800;
	(pc) =	sbr.rel @p1 .LBB2_4-.Ltmp2, $4  }
0x174: {  	[spmem:s3] =	stream.indirect.scatter.add.f32 [tilespmem:s29], [sflag:$0x7], $0x80, s31, s22, $0xb8;
	[tilespmem:$0x1E580] =	vst v63  }
0x175: {  	_ =	swait.ge [sflag:s24], $0x2800  }
0x176: {  	[sflag:s24] =	ssyncset.done $0x0  }
0x177: {  	p0 =	por !p0, !p0;
	[sflag:s24] =	ssyncadd.s32 $0xFFFFD800  }
0x178: {  	[bflag:$0x0] =	sbarrier.arrive $0xFFFF  }
0x179: {  	v1 =	vld [tilespmem:$0x1FF60]  }
0x17a: {  	[tilespmem:$0x10] =	vst v12  }
0x17b: {  	[tilespmem:$0x20] =	vst v13  }
0x17c: {  	[tilespmem:$0x30] =	vst v14  }
0x17d: {  	[tilespmem:$0x40] =	vst v15  }
0x17e: {  	[tilespmem:$0x0] =	vst v1  }
0x17f: {  	[tilespmem:s23], [sflag:$0x6] =	stream.indirect.gather [spmem:s3], $0x80, s4, s22, $0xb8;
	[tilespmem:$0x1E580] =	vst v63  }
0x180: {  	_ =	swait.ge [sflag:s0], $0x2800  }
0x181: {  	[sflag:s0] =	ssyncset.done $0x0  }
0x182: {  	s2 =	rddreg [dreg:$0x9];
	[sflag:s0] =	ssyncadd.s32 $0xFFFFD800  }
0x183: {  	[hbm4b:s2+s4] =	stream.linear.scatter [tilespmem:s23], [sflag:$0x7], $0x2800, $0x38;
	[tilespmem:$0x1E580] =	vst v63  }
0x184: {  	_ =	swait.ge [sflag:s24], $0x2800  }
0x185: {  	[sflag:s24] =	ssyncset.done $0x0  }
0x186: {  	v5 =	vld [tilespmem:$0x1FF90];
	[sflag:s24] =	ssyncadd.s32 $0xFFFFD800  }
0x187: {  	[tilespmem:$0x10] =	vst v16  }
0x188: {  	[tilespmem:$0x20] =	vst v17  }
0x189: {  	[tilespmem:$0x30] =	vst v18  }
0x18a: {  	[tilespmem:$0x40] =	vst v19  }
0x18b: {  	[tilespmem:$0x0] =	vst v5  }
0x18c: {  	[tilespmem:s23], [sflag:$0x6] =	stream.indirect.gather [spmem:s3], $0x80, s4, s22, $0xb8;
	[tilespmem:$0x1E580] =	vst v63  }
0x18d: {  	_ =	swait.ge [sflag:s0], $0x2800  }
0x18e: {  	[sflag:s0] =	ssyncset.done $0x0  }
0x18f: {  	s29 =	rddreg [dreg:$0xa];
	[sflag:s0] =	ssyncadd.s32 $0xFFFFD800  }
0x190: {  	[hbm4b:s29+s4] =	stream.linear.scatter [tilespmem:s23], [sflag:$0x7], $0x2800, $0x38;
	[tilespmem:$0x1E580] =	vst v63  }
0x191: {  	_ =	swait.ge [sflag:s24], $0x2800  }
0x192: {  	[sflag:s24] =	ssyncset.done $0x0  }
0x193: {  	v9 =	vld [tilespmem:$0x1FFC0];
	[sflag:s24] =	ssyncadd.s32 $0xFFFFD800  }
0x194: {  	[tilespmem:$0x10] =	vst v20  }
0x195: {  	[tilespmem:$0x20] =	vst v21  }
0x196: {  	[tilespmem:$0x30] =	vst v22  }
0x197: {  	[tilespmem:$0x40] =	vst v23  }
0x198: {  	[tilespmem:$0x0] =	vst v9  }
0x199: {  	[tilespmem:s23], [sflag:$0x6] =	stream.indirect.gather [spmem:s3], $0x80, s4, s22, $0xb8;
	[tilespmem:$0x1E580] =	vst v63  }
0x19a: {  	_ =	swait.ge [sflag:s0], $0x2800  }
0x19b: {  	[sflag:s0] =	ssyncset.done $0x0  }
0x19c: {  	s31 =	rddreg [dreg:$0xb];
	[sflag:s0] =	ssyncadd.s32 $0xFFFFD800  }
0x19d: {  	[hbm4b:s31+s4] =	stream.linear.scatter [tilespmem:s23], [sflag:$0x7], $0x2800, $0x38;
	[tilespmem:$0x1E580] =	vst v63  }
0x19e: {  	_ =	swait.ge [sflag:s24], $0x2800  }
0x19f: {  	[sflag:s24] =	ssyncset.done $0x0  }
0x1a0: {  	v53 =	vmov v23;
	v23 =	vld [tilespmem:$0x1FFF0];
	[sflag:s24] =	ssyncadd.s32 $0xFFFFD800  }
0x1a1: {  	[tilespmem:$0x10] =	vst v24  }
0x1a2: {  	[tilespmem:$0x20] =	vst v25  }
0x1a3: {  	[tilespmem:$0x30] =	vst v26  }
0x1a4: {  	[tilespmem:$0x40] =	vst v27  }
0x1a5: {  	[tilespmem:$0x0] =	vst v23  }
0x1a6: {  	[tilespmem:s23], [sflag:$0x6] =	stream.indirect.gather [spmem:s3], $0x80, s4, s22, $0xb8;
	[tilespmem:$0x1E580] =	vst v63  }
0x1a7: {  	_ =	swait.ge [sflag:s0], $0x2800  }
0x1a8: {  	[sflag:s0] =	ssyncset.done $0x0  }
0x1a9: {  	[sflag:s0] =	ssyncadd.s32 $0xFFFFD800  }
0x1aa: {  	[hbm4b:s16+s4] =	stream.linear.scatter [tilespmem:s23], [sflag:$0x7], $0x2800, $0x38;
	[tilespmem:$0x1E580] =	vst v63  }
0x1ab: {  	_ =	swait.ge [sflag:s24], $0x2800  }
0x1ac: {  	[sflag:s24] =	ssyncset.done $0x0  }
0x1ad: {  	[sflag:s24] =	ssyncadd.s32 $0xFFFFD800  }
0x1ae: {  	[tilespmem:$0x0] =	vst v34  }
0x1af: {  	[tilespmem:$0x10] =	vst v28  }
0x1b0: {  	[tilespmem:$0x20] =	vst v29  }
0x1b1: {  	[tilespmem:$0x30] =	vst v30  }
0x1b2: {  	[tilespmem:$0x40] =	vst v31  }
0x1b3: {  	[tilespmem:s23], [sflag:$0x6] =	stream.indirect.gather [spmem:s3], $0x80, s4, s22, $0xb8;
	[tilespmem:$0x1E580] =	vst v63  }
0x1b4: {  	_ =	swait.ge [sflag:s0], $0x2800  }
0x1b5: {  	[sflag:s0] =	ssyncset.done $0x0  }
0x1b6: {  	[sflag:s0] =	ssyncadd.s32 $0xFFFFD800  }
0x1b7: {  	[hbm4b:s17+s4] =	stream.linear.scatter [tilespmem:s23], [sflag:$0x7], $0x2800, $0x38;
	[tilespmem:$0x1E580] =	vst v63  }
0x1b8: {  	_ =	swait.ge [sflag:s24], $0x2800  }
0x1b9: {  	v57 =	vmov v27;
	[sflag:s24] =	ssyncset.done $0x0;
	v27 =	vld [tilespmem:$0x1FF50]  }
0x1ba: {  	v58 =	vmov v28;
	v28 =	vld [tilespmem:$0x1FF70];
	[sflag:s24] =	ssyncadd.s32 $0xFFFFD800  }
0x1bb: {  	[tilespmem:$0x0] =	vst v35  }
0x1bc: {  	[tilespmem:$0x10] =	vst v32  }
0x1bd: {  	[tilespmem:$0x20] =	vst v33  }
0x1be: {  	[tilespmem:$0x30] =	vst v27  }
0x1bf: {  	[tilespmem:$0x40] =	vst v28  }
0x1c0: {  	[tilespmem:s23], [sflag:$0x6] =	stream.indirect.gather [spmem:s3], $0x80, s4, s22, $0xb8;
	[tilespmem:$0x1E580] =	vst v63  }
0x1c1: {  	_ =	swait.ge [sflag:s0], $0x2800  }
0x1c2: {  	[sflag:s0] =	ssyncset.done $0x0  }
0x1c3: {  	[sflag:s0] =	ssyncadd.s32 $0xFFFFD800  }
0x1c4: {  	[hbm4b:s18+s4] =	stream.linear.scatter [tilespmem:s23], [sflag:$0x7], $0x2800, $0x38;
	[tilespmem:$0x1E580] =	vst v63  }
0x1c5: {  	_ =	swait.ge [sflag:s24], $0x2800  }
0x1c6: {  	v59 =	vmov v29;
	v29 =	vld [tilespmem:$0x1FF80]  }
0x1c7: {  	v60 =	vmov v30;
	v30 =	vld [tilespmem:$0x1FFA0]  }
0x1c8: {  	v61 =	vmov v31;
	[sflag:s24] =	ssyncset.done $0x0;
	v31 =	vld [tilespmem:$0x1FFB0]  }
0x1c9: {  	v62 =	vmov v32;
	v32 =	vld [tilespmem:$0x1FFD0];
	[sflag:s24] =	ssyncadd.s32 $0xFFFFD800  }
0x1ca: {  	[tilespmem:$0x0] =	vst v36  }
0x1cb: {  	[tilespmem:$0x10] =	vst v29  }
0x1cc: {  	[tilespmem:$0x20] =	vst v30  }
0x1cd: {  	[tilespmem:$0x30] =	vst v31  }
0x1ce: {  	[tilespmem:$0x40] =	vst v32  }
0x1cf: {  	[tilespmem:s23], [sflag:$0x6] =	stream.indirect.gather [spmem:s3], $0x80, s4, s22, $0xb8;
	[tilespmem:$0x1E580] =	vst v63  }
0x1d0: {  	_ =	swait.ge [sflag:s0], $0x2800  }
0x1d1: {  	[sflag:s0] =	ssyncset.done $0x0  }
0x1d2: {  	[sflag:s0] =	ssyncadd.s32 $0xFFFFD800  }
0x1d3: {  	[hbm4b:s19+s4] =	stream.linear.scatter [tilespmem:s23], [sflag:$0x7], $0x2800, $0x38;
	[tilespmem:$0x1E580] =	vst v63  }
0x1d4: {  	_ =	swait.ge [sflag:s24], $0x2800  }
0x1d5: {  	[sflag:s24] =	ssyncset.done $0x0  }
0x1d6: {  	v63 =	vmov v33;
	v33 =	vld [tilespmem:$0x1FFE0];
	[sflag:s24] =	ssyncadd.s32 $0xFFFFD800  }
0x1d7: {  	[tilespmem:$0x0] =	vst v38  }
0x1d8: {  	[tilespmem:$0x20] =	vst v37  }
0x1d9: {  	[tilespmem:$0x30] =	vst v39  }
0x1da: {  	[tilespmem:$0x40] =	vst v40  }
0x1db: {  	[tilespmem:$0x10] =	vst v33  }
0x1dc: {  	[tilespmem:s23], [sflag:$0x6] =	stream.indirect.gather [spmem:s3], $0x80, s4, s22, $0xb8;
	[tilespmem:$0x1E580] =	vst v63  }
0x1dd: {  	s5 =	sadd.s32 $0x1, s5;
	_ =	swait.ge [sflag:s0], $0x2800  }
0x1de: {  	p0 =	sne.s32 s5, s21;
	[sflag:s0] =	ssyncset.done $0x0  }
.Ltmp3:
0x1df: {  	[sflag:s0] =	ssyncadd.s32 $0xFFFFD800;
	(pc) =	sbr.rel @p0 .LBB2_1-.Ltmp3, $4  }
0x1e0: {  	[hbm4b:s20+s4] =	stream.linear.scatter [tilespmem:s23], [sflag:$0x7], $0x2800, $0x38;
	[tilespmem:$0x1E580] =	vst v63  }
0x1e1: {  	v2 =	vmovc v13;
	v3 =	vmov v14;
	v4 =	vmov v15;
	v6 =	vmov v17;
	_ =	swait.ge [sflag:s24], $0x2800  }
0x1e2: {  	v7 =	vmovc v18;
	v8 =	vmovc v19;
	v10 =	vmov v21;
	v11 =	vmov v22;
	v54 =	vmov v24;
	[sflag:s24] =	ssyncset.done $0x0  }
0x1e3: {  	v55 =	vmovc v25;
	v56 =	vmovc v26;
	v1 =	vmov v12;
	v5 =	vmov v16;
	v9 =	vmov v20;
	[sflag:s24] =	ssyncadd.s32 $0xFFFFD800  }
0x1e4: {  	_ =	sfence.sel $0x180000  }
0x1e5: {  	[bflag:$0x0] =	sbarrier.arrive $0xFFFF  }
0x1e6: {  	_ =	strace $0x9000004A  }
0x1e7: {  	s0 =	stileid.u32;
	[bflag:$0x2] =	sbarrier.arrive $0xFFFF  }
0x1e8: {  	p0 =	sne.s32 s0, $0x0;
	s0 =	rddreg [dreg:$0x4]  }
0x1e9: {  	s0 =	sadd.s32 @!p0 $0x100000, s0  }
0x1ea: {  	[sflag:s0] =	ssyncadd.tile.s32 @!p0 $0x1;
	_ =	shalt  }
.Lfunc_end2:
_tile_overlayer_lowered:
.L_overlay_start_2:
0x1eb: {  	(tag) =	ssettag $0x2  }
0x1ec: {  	s0 =	rddreg [dreg:$0x0];
	s2 =	stileid.u32  }
0x1ed: {  	s1 =	rddreg [dreg:$0x1];
	p0 =	sne.s32 s2, $0x0  }
0x1ee: {  	s3 =	rddreg [dreg:$0x2];
	[bflag:$0x3] =	sbarrier.arrive $0xFFFF;
	s2 =	simm.s32 @!p0 $0x1C07  }
0x1ef: {  	[timem:s3], [sflag:s2] =	dma.local @!p0 [hbm:s0], s1  }
0x1f0: {  	s0 =	simm.s32 @!p0 $0x7  }
0x1f1: {  	_ =	swait.ge @!p0 [sflag:s0], s1  }
0x1f2: {  	s1 =	ssub.s32 @!p0 $0x0, s1;
	[sflag:s0] =	ssyncset.done @!p0 $0x0  }
0x1f3: {  	[sflag:s0] =	ssyncadd.s32 @!p0 s1  }
0x1f4: {  	[bflag:$0x3] =	sbarrier.arrive $0xFFFF  }
0x1f5: {  	_ =	shalt  }

</sc_bundles>
